<compile_context>
chip_gen: v7x
topology: tpu7x:2x2x1
jax: 0.10.2.dev20260603
libtpu: 0.0.44.dev20260713+nightly
codegen_flags: <defaults>
</compile_context>

<pallas_src>
import functools

import jax
import jax.numpy as jnp
from jax import lax
from jax.experimental import pallas as pl
from jax.experimental.pallas import tpu as pltpu
from jax.experimental.pallas import tpu_sc as plsc

B, C, N = 8, 6, 16384
H = 256
NKEY = 256

MBLK = 4096
NB = N // MBLK

_R = B * C
_DPAD = 128
_IMIN = -2147483648

_ST = 16
_SLICE = N // _ST
_NCH = _SLICE // 16
_LCAP = N + _ST * 16
_OPAD = NKEY + 16


def _mlp_keys_body(x_ref, w1_ref, b1_ref, w2_ref, b2_ref, w3_ref,
                   keys_ref, t_ref, tbl_ref, scores_ref):
    pid = pl.program_id(0)
    w1 = w1_ref[...]
    b1 = b1_ref[...]
    w2 = w2_ref[...]
    b2 = b2_ref[...]
    w3 = w3_ref[...]
    acc = jnp.zeros((1, MBLK), jnp.float32)
    for b in range(B):
        x = x_ref[b]
        h = jax.lax.dot_general(w1, x, (((0,), (0,)), ((), ())),
                                preferred_element_type=jnp.float32)
        h = jnp.maximum(h + b1, 0.0)
        f = jax.lax.dot_general(w2, h, (((0,), (0,)), ((), ())),
                                preferred_element_type=jnp.float32)
        f = jnp.maximum(f + b2, 0.0)
        s = jax.lax.dot_general(w3, f, (((0,), (0,)), ((), ())),
                                preferred_element_type=jnp.float32)
        acc = acc + s

    xall = x_ref[...].reshape(_R, MBLK)
    t = jnp.transpose(xall, (1, 0))
    tbl_ref[...] = jnp.concatenate(
        [t, jnp.zeros((MBLK, _DPAD - _R), jnp.float32)], axis=1)

    scores_ref[pl.ds(pid, 1), :] = acc

    @pl.when(pid == NB - 1)
    def _():
        a = scores_ref[...]
        bk = jax.lax.bitcast_convert_type(a, jnp.int32)
        keys = jnp.where(bk >= 0, bk, bk ^ jnp.int32(0x7FFFFFFF))
        keys_ref[...] = keys

        cnt0 = jnp.sum(jnp.where(keys >= 0, 1.0, 0.0))
        tinit = jnp.where(cnt0 >= float(NKEY), jnp.int32(0), jnp.int32(_IMIN))

        def sbody(k, t0):
            cand = t0 + (jnp.int32(1) << (30 - k))
            cnt = jnp.sum(jnp.where(keys >= cand, 1.0, 0.0))
            return jnp.where(cnt >= float(NKEY), cand, t0)

        thr = lax.fori_loop(0, 31, sbody, tinit)
        t_ref[...] = jnp.full((1, 128), thr, jnp.int32)


def _mlp_keys(src_pts, W1, b1, W2, b2, W3):
    b1c = b1[:, None]
    b2c = b2[:, None]
    return pl.pallas_call(
        _mlp_keys_body,
        grid=(NB,),
        in_specs=[
            pl.BlockSpec((B, C, MBLK), lambda i: (0, 0, i)),
            pl.BlockSpec((C, H), lambda i: (0, 0)),
            pl.BlockSpec((H, 1), lambda i: (0, 0)),
            pl.BlockSpec((H, H), lambda i: (0, 0)),
            pl.BlockSpec((H, 1), lambda i: (0, 0)),
            pl.BlockSpec((H, 1), lambda i: (0, 0)),
        ],
        out_specs=[
            pl.BlockSpec((NB, MBLK), lambda i: (0, 0)),
            pl.BlockSpec((1, 128), lambda i: (0, 0)),
            pl.BlockSpec((MBLK, _DPAD), lambda i: (i, 0)),
        ],
        out_shape=[
            jax.ShapeDtypeStruct((NB, MBLK), jnp.int32),
            jax.ShapeDtypeStruct((1, 128), jnp.int32),
            jax.ShapeDtypeStruct((N, _DPAD), jnp.float32),
        ],
        scratch_shapes=[pltpu.VMEM((NB, MBLK), jnp.float32)],
    )(src_pts, W1, b1c, W2, b2c, W3)


def _sc_body(tbl_hbm, keys_hbm, t_hbm, out_hbm,
             kv, tv, bufk, bufi, bufp, cntb, lk, li, callv, idxt, post,
             shk, shi, cnts_sh, rows_v, sem):
    wid = lax.axis_index("s")
    base = wid * _SLICE
    iota16 = lax.iota(jnp.int32, 16)
    zero16 = jnp.zeros((16,), jnp.int32)

    pltpu.sync_copy(keys_hbm.at[pl.ds(base, _SLICE)], kv)
    pltpu.sync_copy(t_hbm.at[pl.ds(0, 16)], tv)
    thr = tv[...]

    def ibody(j, _):
        bufk[pl.ds(j * 16, 16)] = zero16 + _IMIN
        bufi[pl.ds(j * 16, 16)] = zero16
        bufp[pl.ds(j * 16, 16)] = zero16 + NKEY
        return 0
    lax.fori_loop(0, _NCH, ibody, 0)

    def cbody(j, cnt):
        k16 = kv[pl.ds(j * 16, 16)]
        m = k16 >= thr
        mi = jnp.where(m, 1, 0)
        pos = cnt + plsc.cumsum(mi) - 1
        g16 = base + j * 16 + iota16
        plsc.store_scatter(bufk, [pos], k16, mask=m)
        plsc.store_scatter(bufi, [pos], g16, mask=m)
        return cnt + jnp.sum(mi)
    cnt = lax.fori_loop(0, _NCH, cbody, jnp.int32(0))

    cntb[...] = zero16 + cnt
    pltpu.sync_copy(cntb, cnts_sh.at[pl.ds(wid * 16, 16)])
    pltpu.sync_copy(bufk, shk.at[pl.ds(wid * _SLICE, _SLICE)])
    pltpu.sync_copy(bufi, shi.at[pl.ds(wid * _SLICE, _SLICE)])
    plsc.subcore_barrier()
    pltpu.sync_copy(cnts_sh, callv)

    totch = jnp.int32(0)
    for t in range(_ST):
        cnt_t = jnp.max(callv[pl.ds(t * 16, 16)])

        def cstage(c2, off2, t=t):
            src = t * _SLICE + c2 * 16
            pltpu.sync_copy(shk.at[pl.ds(src, 16)], lk.at[pl.ds(off2 * 16, 16)])
            pltpu.sync_copy(shi.at[pl.ds(src, 16)], li.at[pl.ds(off2 * 16, 16)])
            return off2 + 1
        totch = lax.fori_loop(0, (cnt_t + 15) // 16, cstage, totch)

    def rbody(c, _):
        ch = c // 16
        ln = c % 16
        onel = iota16 == ln
        kc = jnp.sum(jnp.where(onel, bufk[pl.ds(ch * 16, 16)], 0))
        gc = jnp.sum(jnp.where(onel, bufi[pl.ds(ch * 16, 16)], 0))

        def sscan(j, accv):
            ko = lk[pl.ds(j * 16, 16)]
            go = li[pl.ds(j * 16, 16)]
            beat = (ko > kc) | ((ko == kc) & (go < gc))
            return accv + jnp.where(beat, 1, 0)
        accv = lax.fori_loop(0, totch, sscan, zero16)
        pos = jnp.minimum(jnp.sum(accv), NKEY)
        plsc.store_scatter(bufp, [zero16 + c], zero16 + pos, mask=onel)
        return 0
    lax.fori_loop(0, cnt, rbody, 0)

    def dbody(j, _):
        idxt[...] = bufi[pl.ds(j * 16, 16)]
        post[...] = bufp[pl.ds(j * 16, 16)]
        pltpu.async_copy(tbl_hbm.at[idxt], rows_v, sem).wait()
        pltpu.async_copy(rows_v, out_hbm.at[post], sem).wait()
        return 0
    lax.fori_loop(0, (cnt + 15) // 16, dbody, 0)


@functools.cache
def _sc_topk_gather():
    return pl.kernel(
        _sc_body,
        mesh=plsc.VectorSubcoreMesh(core_axis_name="c", subcore_axis_name="s",
                                    num_cores=1),
        out_type=jax.ShapeDtypeStruct((_OPAD, _DPAD), jnp.float32),
        scratch_types=[
            pltpu.VMEM((_SLICE,), jnp.int32),
            pltpu.VMEM((16,), jnp.int32),
            pltpu.VMEM((_SLICE,), jnp.int32),
            pltpu.VMEM((_SLICE,), jnp.int32),
            pltpu.VMEM((_SLICE,), jnp.int32),
            pltpu.VMEM((16,), jnp.int32),
            pltpu.VMEM((_LCAP,), jnp.int32),
            pltpu.VMEM((_LCAP,), jnp.int32),
            pltpu.VMEM((_ST * 16,), jnp.int32),
            pltpu.VMEM((16,), jnp.int32),
            pltpu.VMEM((16,), jnp.int32),
            pltpu.VMEM_SHARED((_ST * _SLICE,), jnp.int32),
            pltpu.VMEM_SHARED((_ST * _SLICE,), jnp.int32),
            pltpu.VMEM_SHARED((_ST * 16,), jnp.int32),
            pltpu.VMEM((16, _DPAD), jnp.float32),
            pltpu.SemaphoreType.DMA,
        ],
        compiler_params=pltpu.CompilerParams(needs_layout_passes=False),
    )


def kernel(src_pts, tgt_pts, W1, b1, W2, b2, W3, b3):
    keys2d, thr2d, tbl = _mlp_keys(src_pts, W1, b1, W2, b2, W3)
    keys = keys2d.reshape(N)
    thr = thr2d.reshape(128)
    out = _sc_topk_gather()(tbl, keys, thr)
    g = out[:NKEY, :_R]
    return jnp.transpose(g.reshape(NKEY, B, C), (1, 0, 2))

# --- scband reference (transcript-rebuilt; emitter-appended) ---
"""Pipeline reference for scband-deep-vcp-24257975288100 (READ-ONLY COPY).

The authoritative reference and input builder live on the scoring server;
editing this copy changes nothing except your own understanding.
"""

import jax, jax.numpy as jnp
import numpy as np

B, C, N = 8, 6, 16384
H = 256
NKEY = 256


def fps(xyz, npoint):
    # xyz: [B, K, 3] -> idx [B, npoint]
    b, k, _ = xyz.shape
    dist = jnp.full((b, k), 1e10, dtype=jnp.float32)
    farthest = jnp.zeros((b,), dtype=jnp.int32)
    idxs = jnp.zeros((b, npoint), dtype=jnp.int32)

    def body(i, carry):
        dist, farthest, idxs = carry
        idxs = idxs.at[:, i].set(farthest)
        centroid = jnp.take_along_axis(xyz, farthest[:, None, None].astype(jnp.int32), axis=1)
        d = jnp.sum((xyz - centroid) ** 2, axis=-1)
        dist = jnp.minimum(dist, d)
        farthest = jnp.argmax(dist, axis=-1).astype(jnp.int32)
        return dist, farthest, idxs

    dist, farthest, idxs = jax.lax.fori_loop(0, npoint, body, (dist, farthest, idxs))
    return idxs


def sample_and_group(npoint, radius, nsample, xyz, points):
    # xyz: [B, K, 3], points: [B, K, D]
    b, k, _ = xyz.shape
    fps_idx = fps(xyz, npoint)  # [B, npoint]
    new_xyz = jax.vmap(lambda p, i: p[i])(xyz, fps_idx)  # [B, npoint, 3]
    sqd = jnp.sum((new_xyz[:, :, None, :] - xyz[:, None, :, :]) ** 2, axis=-1)  # [B, npoint, K]
    group_idx = jnp.broadcast_to(jnp.arange(k, dtype=jnp.int32), (b, npoint, k))
    group_idx = jnp.where(sqd > radius ** 2, k, group_idx)
    group_idx = jnp.sort(group_idx, axis=-1)[:, :, :nsample]
    first = group_idx[:, :, :1]
    group_idx = jnp.where(group_idx == k, jnp.broadcast_to(first, group_idx.shape), group_idx)
    group_idx = jnp.where(group_idx == k, 0, group_idx).astype(jnp.int32)
    grouped_xyz = jax.vmap(lambda p, i: p[i])(xyz, group_idx)  # [B, npoint, nsample, 3]
    grouped_xyz_norm = grouped_xyz - new_xyz[:, :, None, :]
    grouped_points = jax.vmap(lambda p, i: p[i])(points, group_idx)  # [B, npoint, nsample, D]
    new_points = jnp.concatenate([grouped_xyz_norm, grouped_points], axis=-1)
    return new_xyz, new_points


def setup_inputs(seed: int = 0):
    key = jax.random.key(seed)
    ks = jax.random.split(key, 8)
    src_pts = jax.random.normal(ks[0], (B, C, N), dtype=jnp.float32)
    tgt_pts = jax.random.normal(ks[1], (B, C, N), dtype=jnp.float32)
    W1 = jax.random.normal(ks[2], (C, H), dtype=jnp.float32) * 0.1
    b1 = jnp.zeros((H,), dtype=jnp.float32)
    W2 = jax.random.normal(ks[3], (H, H), dtype=jnp.float32) * 0.05
    b2 = jnp.zeros((H,), dtype=jnp.float32)
    W3 = jax.random.normal(ks[4], (H, 1), dtype=jnp.float32) * 0.1
    b3 = jnp.zeros((1,), dtype=jnp.float32)
    return {"src_pts": src_pts, "tgt_pts": tgt_pts, "W1": W1, "b1": b1, "W2": W2, "b2": b2, "W3": W3, "b3": b3}


def reference(src_pts, tgt_pts, W1, b1, W2, b2, W3, b3):
    # feature extraction layer: per-point MLP on [B, N, C]
    pts = jnp.transpose(src_pts, (0, 2, 1))
    h = jax.nn.relu(pts @ W1 + b1)
    feat = jax.nn.relu(h @ W2 + b2)  # [B, N, H]
    # weighting layer: per-point saliency score -> shared top-k keypoint indices
    scores = (feat @ W3 + b3)[..., 0]  # [B, N]
    mean_scores = jnp.mean(scores, axis=0)  # [N]
    _, src_keypts_idx = jax.lax.top_k(mean_scores, NKEY)
    src_keypts = src_pts[:, :, src_keypts_idx]  # [B, C, NKEY]
    src_keypts = jnp.transpose(src_keypts, (0, 2, 1))  # [B, NKEY, C]
    # sample_and_group (computed as in original forward; output unused)
    _gxyz, _gpts = sample_and_group(64, 1.0, 32, src_keypts[:, :, :3], src_keypts[:, :, 3:])
    return src_keypts

if __name__ == "__main__":
    import jax
    _d = setup_inputs()
    print(jax.jit(kernel)(*tuple(_d.values())))

</pallas_src>

<mosaic_0001>
#map = affine_map<(d0, d1) -> (0, 0)>
#map1 = affine_map<(d0, d1) -> (0)>
module attributes {stable_mosaic.version = 14 : i64} {
  func.func @_sc_body(%arg0: i32, %arg1: i32, %arg2: memref<16384x128xf32, #tpu.memory_space<hbm>>, %arg3: memref<16384xi32, #tpu.memory_space<hbm>>, %arg4: memref<128xi32, #tpu.memory_space<hbm>>, %arg5: memref<272x128xf32, #tpu.memory_space<hbm>>, %arg6: memref<1024xi32, #tpu.memory_space<vmem>>, %arg7: memref<16xi32, #tpu.memory_space<vmem>>, %arg8: memref<1024xi32, #tpu.memory_space<vmem>>, %arg9: memref<1024xi32, #tpu.memory_space<vmem>>, %arg10: memref<1024xi32, #tpu.memory_space<vmem>>, %arg11: memref<16xi32, #tpu.memory_space<vmem>>, %arg12: memref<16640xi32, #tpu.memory_space<vmem>>, %arg13: memref<16640xi32, #tpu.memory_space<vmem>>, %arg14: memref<256xi32, #tpu.memory_space<vmem>>, %arg15: memref<16xi32, #tpu.memory_space<vmem>>, %arg16: memref<16xi32, #tpu.memory_space<vmem>>, %arg17: memref<16384xi32, #tpu.memory_space<vmem_shared>>, %arg18: memref<16384xi32, #tpu.memory_space<vmem_shared>>, %arg19: memref<256xi32, #tpu.memory_space<vmem_shared>>, %arg20: memref<16x128xf32, #tpu.memory_space<vmem>>, %arg21: memref<!tpu.dma_semaphore, #tpu.memory_space<semaphore_mem>>) attributes {dimension_semantics = [#tpu.dimension_semantics<core_parallel>, #tpu.dimension_semantics<subcore_parallel>], iteration_bounds = array<i64: 1, 16>, scalar_prefetch = 0 : i64, scratch_operands = 16 : i64, tpu.core_type = #tpu.core_type<sc_vector_subcore>, window_params = [{transform_indices = #map}, {transform_indices = #map1}, {transform_indices = #map1}, {transform_indices = #map}]} {
    %mul3A = arith.constant 1024 : i32
    %mul3A_0 = arith.muli %arg1, %mul3A : i32
    %iota3A = tpu.iota {dimensions = array<i32: 0>} : vector<16xi32>
    %broadcast_in_dim3A = arith.constant 0 : i32
    %broadcast_in_dim3A_1 = vector.broadcast %broadcast_in_dim3A : i32 to vector<16xi32>
    "tpu.region"() ({
      %run_scoped3A = tpu.sem_alloc : memref<!tpu.dma_semaphore, #tpu.memory_space<semaphore_mem>>
      %dma_start3A = tpu.memref_slice %arg3[%mul3A_0] : memref<16384xi32, #tpu.memory_space<hbm>> -> memref<1024xi32, #tpu.memory_space<hbm>>
      %dma_start3A_817 = tpu.memref_slice %arg3[%mul3A_0] : memref<16384xi32, #tpu.memory_space<hbm>> -> memref<1024xi32, #tpu.memory_space<hbm>>
      tpu.enqueue_dma source(%dma_start3A_817 : memref<1024xi32, #tpu.memory_space<hbm>>) target(%arg6 : memref<1024xi32, #tpu.memory_space<vmem>>) target_semaphore(%run_scoped3A : memref<!tpu.dma_semaphore, #tpu.memory_space<semaphore_mem>>)
      %dma_wait3A = tpu.memref_slice %arg3[%mul3A_0] : memref<16384xi32, #tpu.memory_space<hbm>> -> memref<1024xi32, #tpu.memory_space<hbm>>
      %dma_wait3A_818 = tpu.memref_slice %arg3[%mul3A_0] : memref<16384xi32, #tpu.memory_space<hbm>> -> memref<1024xi32, #tpu.memory_space<hbm>>
      tpu.wait_dma2 semaphore(%run_scoped3A : memref<!tpu.dma_semaphore, #tpu.memory_space<semaphore_mem>>) src(%dma_wait3A_818 : memref<1024xi32, #tpu.memory_space<hbm>>) dst(%arg6 : memref<1024xi32, #tpu.memory_space<vmem>>)
      tpu.yield
    }) : () -> ()
    "tpu.region"() ({
      %run_scoped3A = tpu.sem_alloc : memref<!tpu.dma_semaphore, #tpu.memory_space<semaphore_mem>>
      %dma_start3A = arith.constant 0 : i32
      %dma_start3A_817 = tpu.memref_slice %arg4[%dma_start3A] : memref<128xi32, #tpu.memory_space<hbm>> -> memref<16xi32, #tpu.memory_space<hbm>>
      %dma_start3A_818 = arith.constant 0 : i32
      %dma_start3A_819 = tpu.memref_slice %arg4[%dma_start3A_818] : memref<128xi32, #tpu.memory_space<hbm>> -> memref<16xi32, #tpu.memory_space<hbm>>
      tpu.enqueue_dma source(%dma_start3A_819 : memref<16xi32, #tpu.memory_space<hbm>>) target(%arg7 : memref<16xi32, #tpu.memory_space<vmem>>) target_semaphore(%run_scoped3A : memref<!tpu.dma_semaphore, #tpu.memory_space<semaphore_mem>>)
      %dma_wait3A = arith.constant 0 : i32
      %dma_wait3A_820 = tpu.memref_slice %arg4[%dma_wait3A] : memref<128xi32, #tpu.memory_space<hbm>> -> memref<16xi32, #tpu.memory_space<hbm>>
      %dma_wait3A_821 = arith.constant 0 : i32
      %dma_wait3A_822 = tpu.memref_slice %arg4[%dma_wait3A_821] : memref<128xi32, #tpu.memory_space<hbm>> -> memref<16xi32, #tpu.memory_space<hbm>>
      tpu.wait_dma2 semaphore(%run_scoped3A : memref<!tpu.dma_semaphore, #tpu.memory_space<semaphore_mem>>) src(%dma_wait3A_822 : memref<16xi32, #tpu.memory_space<hbm>>) dst(%arg7 : memref<16xi32, #tpu.memory_space<vmem>>)
      tpu.yield
    }) : () -> ()
    %get3A = arith.constant 0 : index
    %get3A_2 = tpu.vector_load %arg7[%get3A] {strides = array<i32>} : memref<16xi32, #tpu.memory_space<vmem>>, vector<16xi32>,
    %scan3A = arith.constant 0 : i32
    %scan3A_3 = arith.constant 0 : i32
    %scan3A_4 = arith.constant 64 : i32
    %scan3A_5 = arith.addi %scan3A_3, %scan3A_4 : i32
    %scan3A_6 = arith.constant 1 : i32
    %scan3A_7 = scf.for %scan3A_817 = %scan3A_3 to %scan3A_5 step %scan3A_6 iter_args(%scan3A_818 = %scan3A) -> (i32)  : i32 {
      %add3A_819 = arith.constant -2147483648 : i32
      %add3A_820 = vector.broadcast %add3A_819 : i32 to vector<16xi32>
      %add3A_821 = arith.addi %broadcast_in_dim3A_1, %add3A_820 : vector<16xi32>
      %mul3A_822 = arith.constant 16 : i32
      %mul3A_823 = arith.muli %scan3A_817, %mul3A_822 : i32
      %swap3A_824 = arith.index_cast %mul3A_823 : i32 to index
      %swap3A_825 = tpu.vector_load %arg8[%swap3A_824] {strides = array<i32>} : memref<1024xi32, #tpu.memory_space<vmem>>, vector<16xi32>,
      tpu.vector_store %arg8[%swap3A_824], %add3A_821 {strides = array<i32>} : memref<1024xi32, #tpu.memory_space<vmem>>, vector<16xi32>,
      %mul3A_826 = arith.constant 16 : i32
      %mul3A_827 = arith.muli %scan3A_817, %mul3A_826 : i32
      %swap3A_828 = arith.index_cast %mul3A_827 : i32 to index
      %swap3A_829 = tpu.vector_load %arg9[%swap3A_828] {strides = array<i32>} : memref<1024xi32, #tpu.memory_space<vmem>>, vector<16xi32>,
      tpu.vector_store %arg9[%swap3A_828], %broadcast_in_dim3A_1 {strides = array<i32>} : memref<1024xi32, #tpu.memory_space<vmem>>, vector<16xi32>,
      %add3A_830 = arith.constant 256 : i32
      %add3A_831 = vector.broadcast %add3A_830 : i32 to vector<16xi32>
      %add3A_832 = arith.addi %broadcast_in_dim3A_1, %add3A_831 : vector<16xi32>
      %mul3A_833 = arith.constant 16 : i32
      %mul3A_834 = arith.muli %scan3A_817, %mul3A_833 : i32
      %swap3A_835 = arith.index_cast %mul3A_834 : i32 to index
      %swap3A_836 = tpu.vector_load %arg10[%swap3A_835] {strides = array<i32>} : memref<1024xi32, #tpu.memory_space<vmem>>, vector<16xi32>,
      tpu.vector_store %arg10[%swap3A_835], %add3A_832 {strides = array<i32>} : memref<1024xi32, #tpu.memory_space<vmem>>, vector<16xi32>,
      %scan3A_837 = arith.constant 0 : i32
      scf.yield %scan3A_837 : i32
    }
    %scan3A_8 = arith.constant 64 : i32
    %scan3A_9 = arith.constant 0 : i32
    %scan3A_10 = arith.constant 0 : i32
    %scan3A_11 = arith.constant 64 : i32
    %scan3A_12 = arith.addi %scan3A_10, %scan3A_11 : i32
    %scan3A_13 = arith.constant 1 : i32
    %scan3A_14 = scf.for %scan3A_817 = %scan3A_10 to %scan3A_12 step %scan3A_13 iter_args(%scan3A_818 = %scan3A_9) -> (i32)  : i32 {
      %mul3A_819 = arith.constant 16 : i32
      %mul3A_820 = arith.muli %scan3A_817, %mul3A_819 : i32
      %get3A_821 = arith.index_cast %mul3A_820 : i32 to index
      %get3A_822 = tpu.vector_load %arg6[%get3A_821] {strides = array<i32>} : memref<1024xi32, #tpu.memory_space<vmem>>, vector<16xi32>,
      %ge3A = arith.cmpi sge, %get3A_822, %get3A_2 : vector<16xi32>
      %jit3A_823 = arith.constant 1 : i32
      %jit3A_824 = arith.constant 0 : i32
      %broadcast_in_dim3A_825 = vector.broadcast %jit3A_823 : i32 to vector<16xi32>
      %broadcast_in_dim3A_826 = vector.broadcast %jit3A_824 : i32 to vector<16xi32>
      %select_n3A_827 = arith.select %ge3A, %broadcast_in_dim3A_825, %broadcast_in_dim3A_826 : vector<16xi1>, vector<16xi32>
      %broadcast_in_dim3A_828 = arith.constant true
      %broadcast_in_dim3A_829 = vector.broadcast %broadcast_in_dim3A_828 : i1 to vector<16xi1>
      %masked_cumsum3A = tpu.scan <sum>, %select_n3A_827 masked %broadcast_in_dim3A_829 : vector<16xi32>, vector<16xi1> -> vector<16xi32>
      %add3A_830 = vector.broadcast %scan3A_818 : i32 to vector<16xi32>
      %add3A_831 = arith.addi %add3A_830, %masked_cumsum3A : vector<16xi32>
      %sub3A_832 = arith.constant 1 : i32
      %sub3A_833 = vector.broadcast %sub3A_832 : i32 to vector<16xi32>
      %sub3A_834 = arith.subi %add3A_831, %sub3A_833 : vector<16xi32>
      %mul3A_835 = arith.constant 16 : i32
      %mul3A_836 = arith.muli %scan3A_817, %mul3A_835 : i32
      %add3A_837 = arith.addi %mul3A_0, %mul3A_836 : i32
      %add3A_838 = vector.broadcast %add3A_837 : i32 to vector<16xi32>
      %add3A_839 = arith.addi %add3A_838, %iota3A : vector<16xi32>
      tpu.vector_store_idx %arg8[%sub3A_834], %get3A_822 masked %ge3A : memref<1024xi32, #tpu.memory_space<vmem>>[vector<16xi32>], vector<16xi32>, vector<16xi1>
      tpu.vector_store_idx %arg9[%sub3A_834], %add3A_839 masked %ge3A : memref<1024xi32, #tpu.memory_space<vmem>>[vector<16xi32>], vector<16xi32>, vector<16xi1>
      %reduce_sum3A = arith.constant true
      %reduce_sum3A_840 = vector.broadcast %reduce_sum3A : i1 to vector<16xi1>
      %reduce_sum3A_841 = tpu.scan <sum>, %select_n3A_827 masked %reduce_sum3A_840 : vector<16xi32>, vector<16xi1> -> vector<16xi32>
      %reduce_sum3A_842 = vector.extract %reduce_sum3A_841[15] : i32 from vector<16xi32>
      %add3A_843 = arith.addi %scan3A_818, %reduce_sum3A_842 : i32
      scf.yield %add3A_843 : i32
    }
    %scan3A_15 = arith.constant 64 : i32
    %add3A = vector.broadcast %scan3A_14 : i32 to vector<16xi32>
    %add3A_16 = arith.addi %broadcast_in_dim3A_1, %add3A : vector<16xi32>
    %swap3A = arith.constant 0 : index
    %swap3A_17 = tpu.vector_load %arg11[%swap3A] {strides = array<i32>} : memref<16xi32, #tpu.memory_space<vmem>>, vector<16xi32>,
    tpu.vector_store %arg11[%swap3A], %add3A_16 {strides = array<i32>} : memref<16xi32, #tpu.memory_space<vmem>>, vector<16xi32>,
    %mul3A_18 = arith.constant 16 : i32
    %mul3A_19 = arith.muli %arg1, %mul3A_18 : i32
    "tpu.region"() ({
      %run_scoped3A = tpu.sem_alloc : memref<!tpu.dma_semaphore, #tpu.memory_space<semaphore_mem>>
      %dma_start3A = tpu.memref_slice %arg19[%mul3A_19] : memref<256xi32, #tpu.memory_space<vmem_shared>> -> memref<16xi32, #tpu.memory_space<vmem_shared>>
      %dma_start3A_817 = tpu.memref_slice %arg19[%mul3A_19] : memref<256xi32, #tpu.memory_space<vmem_shared>> -> memref<16xi32, #tpu.memory_space<vmem_shared>>
      tpu.enqueue_dma source(%arg11 : memref<16xi32, #tpu.memory_space<vmem>>) target(%dma_start3A_817 : memref<16xi32, #tpu.memory_space<vmem_shared>>) target_semaphore(%run_scoped3A : memref<!tpu.dma_semaphore, #tpu.memory_space<semaphore_mem>>)
      %dma_wait3A = tpu.memref_slice %arg19[%mul3A_19] : memref<256xi32, #tpu.memory_space<vmem_shared>> -> memref<16xi32, #tpu.memory_space<vmem_shared>>
      %dma_wait3A_818 = tpu.memref_slice %arg19[%mul3A_19] : memref<256xi32, #tpu.memory_space<vmem_shared>> -> memref<16xi32, #tpu.memory_space<vmem_shared>>
      tpu.wait_dma2 semaphore(%run_scoped3A : memref<!tpu.dma_semaphore, #tpu.memory_space<semaphore_mem>>) src(%arg11 : memref<16xi32, #tpu.memory_space<vmem>>) dst(%dma_wait3A_818 : memref<16xi32, #tpu.memory_space<vmem_shared>>)
      tpu.yield
    }) : () -> ()
    %mul3A_20 = arith.constant 1024 : i32
    %mul3A_21 = arith.muli %arg1, %mul3A_20 : i32
    "tpu.region"() ({
      %run_scoped3A = tpu.sem_alloc : memref<!tpu.dma_semaphore, #tpu.memory_space<semaphore_mem>>
      %dma_start3A = tpu.memref_slice %arg17[%mul3A_21] : memref<16384xi32, #tpu.memory_space<vmem_shared>> -> memref<1024xi32, #tpu.memory_space<vmem_shared>>
      %dma_start3A_817 = tpu.memref_slice %arg17[%mul3A_21] : memref<16384xi32, #tpu.memory_space<vmem_shared>> -> memref<1024xi32, #tpu.memory_space<vmem_shared>>
      tpu.enqueue_dma source(%arg8 : memref<1024xi32, #tpu.memory_space<vmem>>) target(%dma_start3A_817 : memref<1024xi32, #tpu.memory_space<vmem_shared>>) target_semaphore(%run_scoped3A : memref<!tpu.dma_semaphore, #tpu.memory_space<semaphore_mem>>)
      %dma_wait3A = tpu.memref_slice %arg17[%mul3A_21] : memref<16384xi32, #tpu.memory_space<vmem_shared>> -> memref<1024xi32, #tpu.memory_space<vmem_shared>>
      %dma_wait3A_818 = tpu.memref_slice %arg17[%mul3A_21] : memref<16384xi32, #tpu.memory_space<vmem_shared>> -> memref<1024xi32, #tpu.memory_space<vmem_shared>>
      tpu.wait_dma2 semaphore(%run_scoped3A : memref<!tpu.dma_semaphore, #tpu.memory_space<semaphore_mem>>) src(%arg8 : memref<1024xi32, #tpu.memory_space<vmem>>) dst(%dma_wait3A_818 : memref<1024xi32, #tpu.memory_space<vmem_shared>>)
      tpu.yield
    }) : () -> ()
    %mul3A_22 = arith.constant 1024 : i32
    %mul3A_23 = arith.muli %arg1, %mul3A_22 : i32
    "tpu.region"() ({
      %run_scoped3A = tpu.sem_alloc : memref<!tpu.dma_semaphore, #tpu.memory_space<semaphore_mem>>
      %dma_start3A = tpu.memref_slice %arg18[%mul3A_23] : memref<16384xi32, #tpu.memory_space<vmem_shared>> -> memref<1024xi32, #tpu.memory_space<vmem_shared>>
      %dma_start3A_817 = tpu.memref_slice %arg18[%mul3A_23] : memref<16384xi32, #tpu.memory_space<vmem_shared>> -> memref<1024xi32, #tpu.memory_space<vmem_shared>>
      tpu.enqueue_dma source(%arg9 : memref<1024xi32, #tpu.memory_space<vmem>>) target(%dma_start3A_817 : memref<1024xi32, #tpu.memory_space<vmem_shared>>) target_semaphore(%run_scoped3A : memref<!tpu.dma_semaphore, #tpu.memory_space<semaphore_mem>>)
      %dma_wait3A = tpu.memref_slice %arg18[%mul3A_23] : memref<16384xi32, #tpu.memory_space<vmem_shared>> -> memref<1024xi32, #tpu.memory_space<vmem_shared>>
      %dma_wait3A_818 = tpu.memref_slice %arg18[%mul3A_23] : memref<16384xi32, #tpu.memory_space<vmem_shared>> -> memref<1024xi32, #tpu.memory_space<vmem_shared>>
      tpu.wait_dma2 semaphore(%run_scoped3A : memref<!tpu.dma_semaphore, #tpu.memory_space<semaphore_mem>>) src(%arg9 : memref<1024xi32, #tpu.memory_space<vmem>>) dst(%dma_wait3A_818 : memref<1024xi32, #tpu.memory_space<vmem_shared>>)
      tpu.yield
    }) : () -> ()
    %barrier3A = arith.constant 0 : index
    tpu.barrier barrier_id(%barrier3A)
    "tpu.region"() ({
      %run_scoped3A = tpu.sem_alloc : memref<!tpu.dma_semaphore, #tpu.memory_space<semaphore_mem>>
      tpu.enqueue_dma source(%arg19 : memref<256xi32, #tpu.memory_space<vmem_shared>>) target(%arg14 : memref<256xi32, #tpu.memory_space<vmem>>) target_semaphore(%run_scoped3A : memref<!tpu.dma_semaphore, #tpu.memory_space<semaphore_mem>>)
      tpu.wait_dma2 semaphore(%run_scoped3A : memref<!tpu.dma_semaphore, #tpu.memory_space<semaphore_mem>>) src(%arg19 : memref<256xi32, #tpu.memory_space<vmem_shared>>) dst(%arg14 : memref<256xi32, #tpu.memory_space<vmem>>)
      tpu.yield
    }) : () -> ()
    %get3A_24 = arith.constant 0 : index
    %get3A_25 = tpu.vector_load %arg14[%get3A_24] {strides = array<i32>} : memref<256xi32, #tpu.memory_space<vmem>>, vector<16xi32>,
    %reduce_max3A = arith.constant true
    %reduce_max3A_26 = vector.broadcast %reduce_max3A : i1 to vector<16xi1>
    %reduce_max3A_27 = arith.constant -2147483648 : i32
    %reduce_max3A_28 = vector.broadcast %reduce_max3A_27 : i32 to vector<16xi32>
    %reduce_max3A_29 = arith.xori %get3A_25, %reduce_max3A_28 : vector<16xi32>
    %reduce_max3A_30 = tpu.scan <max>, %reduce_max3A_29 masked %reduce_max3A_26 : vector<16xi32>, vector<16xi1> -> vector<16xi32>
    %reduce_max3A_31 = arith.xori %reduce_max3A_30, %reduce_max3A_28 : vector<16xi32>
    %reduce_max3A_32 = vector.extract %reduce_max3A_31[15] : i32 from vector<16xi32>
    %add3A_33 = arith.constant 15 : i32
    %add3A_34 = arith.addi %reduce_max3A_32, %add3A_33 : i32
    %jit3A = arith.constant 16 : i32
    %div3A = arith.divsi %add3A_34, %jit3A : i32
    %sign3A = arith.constant 0 : i32
    %sign3A_35 = arith.cmpi sgt, %add3A_34, %sign3A : i32
    %sign3A_36 = arith.extui %sign3A_35 : i1 to i32
    %sign3A_37 = arith.constant 0 : i32
    %sign3A_38 = arith.cmpi slt, %add3A_34, %sign3A_37 : i32
    %sign3A_39 = arith.extui %sign3A_38 : i1 to i32
    %sign3A_40 = arith.subi %sign3A_36, %sign3A_39 : i32
    %sign3A_41 = arith.constant 0 : i32
    %sign3A_42 = arith.cmpi sgt, %jit3A, %sign3A_41 : i32
    %sign3A_43 = arith.extui %sign3A_42 : i1 to i32
    %sign3A_44 = arith.constant 0 : i32
    %sign3A_45 = arith.cmpi slt, %jit3A, %sign3A_44 : i32
    %sign3A_46 = arith.extui %sign3A_45 : i1 to i32
    %sign3A_47 = arith.subi %sign3A_43, %sign3A_46 : i32
    %ne3A = arith.cmpi ne, %sign3A_40, %sign3A_47 : i32
    %rem3A = arith.remsi %add3A_34, %jit3A : i32
    %ne3A_48 = arith.constant 0 : i32
    %ne3A_49 = arith.cmpi ne, %rem3A, %ne3A_48 : i32
    %and3A = arith.andi %ne3A, %ne3A_49 : i1
    %sub3A = arith.constant 1 : i32
    %sub3A_50 = arith.subi %div3A, %sub3A : i32
    %select_n3A = arith.select %and3A, %sub3A_50, %div3A : i32
    %while3A = arith.constant 0 : i32
    %while3A_51 = arith.constant 0 : i32
    %while3A_52 = arith.subi %select_n3A, %while3A : i32
    %while3A_53 = arith.addi %while3A, %while3A_52 : i32
    %while3A_54 = arith.constant 1 : i32
    %while3A_55 = arith.divsi %while3A_52, %while3A_54 : i32
    %while3A_56 = arith.muli %while3A_55, %while3A_54 : i32
    %while3A_57 = arith.addi %while3A, %while3A_56 : i32
    %while3A_58 = arith.constant 1 : i32
    %while3A_59 = scf.for %while3A_817 = %while3A to %while3A_57 step %while3A_58 iter_args(%while3A_818 = %while3A_51) -> (i32)  : i32 {
      %mul3A_819 = arith.constant 16 : i32
      %mul3A_820 = arith.muli %while3A_817, %mul3A_819 : i32
      %add3A_821 = arith.constant 0 : i32
      %add3A_822 = arith.addi %add3A_821, %mul3A_820 : i32
      %mul3A_823 = arith.constant 16 : i32
      %mul3A_824 = arith.muli %while3A_818, %mul3A_823 : i32
      "tpu.region"() ({
        %run_scoped3A = tpu.sem_alloc : memref<!tpu.dma_semaphore, #tpu.memory_space<semaphore_mem>>
        %dma_start3A = tpu.memref_slice %arg12[%mul3A_824] : memref<16640xi32, #tpu.memory_space<vmem>> -> memref<16xi32, #tpu.memory_space<vmem>>
        %dma_start3A_829 = tpu.memref_slice %arg17[%add3A_822] : memref<16384xi32, #tpu.memory_space<vmem_shared>> -> memref<16xi32, #tpu.memory_space<vmem_shared>>
        %dma_start3A_830 = tpu.memref_slice %arg12[%mul3A_824] : memref<16640xi32, #tpu.memory_space<vmem>> -> memref<16xi32, #tpu.memory_space<vmem>>
        %dma_start3A_831 = tpu.memref_slice %arg17[%add3A_822] : memref<16384xi32, #tpu.memory_space<vmem_shared>> -> memref<16xi32, #tpu.memory_space<vmem_shared>>
        tpu.enqueue_dma source(%dma_start3A_831 : memref<16xi32, #tpu.memory_space<vmem_shared>>) target(%dma_start3A_830 : memref<16xi32, #tpu.memory_space<vmem>>) target_semaphore(%run_scoped3A : memref<!tpu.dma_semaphore, #tpu.memory_space<semaphore_mem>>)
        %dma_wait3A = tpu.memref_slice %arg12[%mul3A_824] : memref<16640xi32, #tpu.memory_space<vmem>> -> memref<16xi32, #tpu.memory_space<vmem>>
        %dma_wait3A_832 = tpu.memref_slice %arg17[%add3A_822] : memref<16384xi32, #tpu.memory_space<vmem_shared>> -> memref<16xi32, #tpu.memory_space<vmem_shared>>
        %dma_wait3A_833 = tpu.memref_slice %arg12[%mul3A_824] : memref<16640xi32, #tpu.memory_space<vmem>> -> memref<16xi32, #tpu.memory_space<vmem>>
        %dma_wait3A_834 = tpu.memref_slice %arg17[%add3A_822] : memref<16384xi32, #tpu.memory_space<vmem_shared>> -> memref<16xi32, #tpu.memory_space<vmem_shared>>
        tpu.wait_dma2 semaphore(%run_scoped3A : memref<!tpu.dma_semaphore, #tpu.memory_space<semaphore_mem>>) src(%dma_wait3A_834 : memref<16xi32, #tpu.memory_space<vmem_shared>>) dst(%dma_wait3A_833 : memref<16xi32, #tpu.memory_space<vmem>>)
        tpu.yield
      }) : () -> ()
      %mul3A_825 = arith.constant 16 : i32
      %mul3A_826 = arith.muli %while3A_818, %mul3A_825 : i32
      "tpu.region"() ({
        %run_scoped3A = tpu.sem_alloc : memref<!tpu.dma_semaphore, #tpu.memory_space<semaphore_mem>>
        %dma_start3A = tpu.memref_slice %arg13[%mul3A_826] : memref<16640xi32, #tpu.memory_space<vmem>> -> memref<16xi32, #tpu.memory_space<vmem>>
        %dma_start3A_829 = tpu.memref_slice %arg18[%add3A_822] : memref<16384xi32, #tpu.memory_space<vmem_shared>> -> memref<16xi32, #tpu.memory_space<vmem_shared>>
        %dma_start3A_830 = tpu.memref_slice %arg13[%mul3A_826] : memref<16640xi32, #tpu.memory_space<vmem>> -> memref<16xi32, #tpu.memory_space<vmem>>
        %dma_start3A_831 = tpu.memref_slice %arg18[%add3A_822] : memref<16384xi32, #tpu.memory_space<vmem_shared>> -> memref<16xi32, #tpu.memory_space<vmem_shared>>
        tpu.enqueue_dma source(%dma_start3A_831 : memref<16xi32, #tpu.memory_space<vmem_shared>>) target(%dma_start3A_830 : memref<16xi32, #tpu.memory_space<vmem>>) target_semaphore(%run_scoped3A : memref<!tpu.dma_semaphore, #tpu.memory_space<semaphore_mem>>)
        %dma_wait3A = tpu.memref_slice %arg13[%mul3A_826] : memref<16640xi32, #tpu.memory_space<vmem>> -> memref<16xi32, #tpu.memory_space<vmem>>
        %dma_wait3A_832 = tpu.memref_slice %arg18[%add3A_822] : memref<16384xi32, #tpu.memory_space<vmem_shared>> -> memref<16xi32, #tpu.memory_space<vmem_shared>>
        %dma_wait3A_833 = tpu.memref_slice %arg13[%mul3A_826] : memref<16640xi32, #tpu.memory_space<vmem>> -> memref<16xi32, #tpu.memory_space<vmem>>
        %dma_wait3A_834 = tpu.memref_slice %arg18[%add3A_822] : memref<16384xi32, #tpu.memory_space<vmem_shared>> -> memref<16xi32, #tpu.memory_space<vmem_shared>>
        tpu.wait_dma2 semaphore(%run_scoped3A : memref<!tpu.dma_semaphore, #tpu.memory_space<semaphore_mem>>) src(%dma_wait3A_834 : memref<16xi32, #tpu.memory_space<vmem_shared>>) dst(%dma_wait3A_833 : memref<16xi32, #tpu.memory_space<vmem>>)
        tpu.yield
      }) : () -> ()
      %add3A_827 = arith.constant 1 : i32
      %add3A_828 = arith.addi %while3A_818, %add3A_827 : i32
      scf.yield %add3A_828 : i32
    }
    %while3A_60 = arith.constant 1 : i32
    %while3A_61 = scf.for %while3A_817 = %while3A_57 to %while3A_53 step %while3A_60 iter_args(%while3A_818 = %while3A_59) -> (i32)  : i32 {
      %mul3A_819 = arith.constant 16 : i32
      %mul3A_820 = arith.muli %while3A_817, %mul3A_819 : i32
      %add3A_821 = arith.constant 0 : i32
      %add3A_822 = arith.addi %add3A_821, %mul3A_820 : i32
      %mul3A_823 = arith.constant 16 : i32
      %mul3A_824 = arith.muli %while3A_818, %mul3A_823 : i32
      "tpu.region"() ({
        %run_scoped3A = tpu.sem_alloc : memref<!tpu.dma_semaphore, #tpu.memory_space<semaphore_mem>>
        %dma_start3A = tpu.memref_slice %arg12[%mul3A_824] : memref<16640xi32, #tpu.memory_space<vmem>> -> memref<16xi32, #tpu.memory_space<vmem>>
        %dma_start3A_829 = tpu.memref_slice %arg17[%add3A_822] : memref<16384xi32, #tpu.memory_space<vmem_shared>> -> memref<16xi32, #tpu.memory_space<vmem_shared>>
        %dma_start3A_830 = tpu.memref_slice %arg12[%mul3A_824] : memref<16640xi32, #tpu.memory_space<vmem>> -> memref<16xi32, #tpu.memory_space<vmem>>
        %dma_start3A_831 = tpu.memref_slice %arg17[%add3A_822] : memref<16384xi32, #tpu.memory_space<vmem_shared>> -> memref<16xi32, #tpu.memory_space<vmem_shared>>
        tpu.enqueue_dma source(%dma_start3A_831 : memref<16xi32, #tpu.memory_space<vmem_shared>>) target(%dma_start3A_830 : memref<16xi32, #tpu.memory_space<vmem>>) target_semaphore(%run_scoped3A : memref<!tpu.dma_semaphore, #tpu.memory_space<semaphore_mem>>)
        %dma_wait3A = tpu.memref_slice %arg12[%mul3A_824] : memref<16640xi32, #tpu.memory_space<vmem>> -> memref<16xi32, #tpu.memory_space<vmem>>
        %dma_wait3A_832 = tpu.memref_slice %arg17[%add3A_822] : memref<16384xi32, #tpu.memory_space<vmem_shared>> -> memref<16xi32, #tpu.memory_space<vmem_shared>>
        %dma_wait3A_833 = tpu.memref_slice %arg12[%mul3A_824] : memref<16640xi32, #tpu.memory_space<vmem>> -> memref<16xi32, #tpu.memory_space<vmem>>
        %dma_wait3A_834 = tpu.memref_slice %arg17[%add3A_822] : memref<16384xi32, #tpu.memory_space<vmem_shared>> -> memref<16xi32, #tpu.memory_space<vmem_shared>>
        tpu.wait_dma2 semaphore(%run_scoped3A : memref<!tpu.dma_semaphore, #tpu.memory_space<semaphore_mem>>) src(%dma_wait3A_834 : memref<16xi32, #tpu.memory_space<vmem_shared>>) dst(%dma_wait3A_833 : memref<16xi32, #tpu.memory_space<vmem>>)
        tpu.yield
      }) : () -> ()
      %mul3A_825 = arith.constant 16 : i32
      %mul3A_826 = arith.muli %while3A_818, %mul3A_825 : i32
      "tpu.region"() ({
        %run_scoped3A = tpu.sem_alloc : memref<!tpu.dma_semaphore, #tpu.memory_space<semaphore_mem>>
        %dma_start3A = tpu.memref_slice %arg13[%mul3A_826] : memref<16640xi32, #tpu.memory_space<vmem>> -> memref<16xi32, #tpu.memory_space<vmem>>
        %dma_start3A_829 = tpu.memref_slice %arg18[%add3A_822] : memref<16384xi32, #tpu.memory_space<vmem_shared>> -> memref<16xi32, #tpu.memory_space<vmem_shared>>
        %dma_start3A_830 = tpu.memref_slice %arg13[%mul3A_826] : memref<16640xi32, #tpu.memory_space<vmem>> -> memref<16xi32, #tpu.memory_space<vmem>>
        %dma_start3A_831 = tpu.memref_slice %arg18[%add3A_822] : memref<16384xi32, #tpu.memory_space<vmem_shared>> -> memref<16xi32, #tpu.memory_space<vmem_shared>>
        tpu.enqueue_dma source(%dma_start3A_831 : memref<16xi32, #tpu.memory_space<vmem_shared>>) target(%dma_start3A_830 : memref<16xi32, #tpu.memory_space<vmem>>) target_semaphore(%run_scoped3A : memref<!tpu.dma_semaphore, #tpu.memory_space<semaphore_mem>>)
        %dma_wait3A = tpu.memref_slice %arg13[%mul3A_826] : memref<16640xi32, #tpu.memory_space<vmem>> -> memref<16xi32, #tpu.memory_space<vmem>>
        %dma_wait3A_832 = tpu.memref_slice %arg18[%add3A_822] : memref<16384xi32, #tpu.memory_space<vmem_shared>> -> memref<16xi32, #tpu.memory_space<vmem_shared>>
        %dma_wait3A_833 = tpu.memref_slice %arg13[%mul3A_826] : memref<16640xi32, #tpu.memory_space<vmem>> -> memref<16xi32, #tpu.memory_space<vmem>>
        %dma_wait3A_834 = tpu.memref_slice %arg18[%add3A_822] : memref<16384xi32, #tpu.memory_space<vmem_shared>> -> memref<16xi32, #tpu.memory_space<vmem_shared>>
        tpu.wait_dma2 semaphore(%run_scoped3A : memref<!tpu.dma_semaphore, #tpu.memory_space<semaphore_mem>>) src(%dma_wait3A_834 : memref<16xi32, #tpu.memory_space<vmem_shared>>) dst(%dma_wait3A_833 : memref<16xi32, #tpu.memory_space<vmem>>)
        tpu.yield
      }) : () -> ()
      %add3A_827 = arith.constant 1 : i32
      %add3A_828 = arith.addi %while3A_818, %add3A_827 : i32
      scf.yield %add3A_828 : i32
    }
    %get3A_62 = arith.constant 16 : index
    %get3A_63 = tpu.vector_load %arg14[%get3A_62] {strides = array<i32>} : memref<256xi32, #tpu.memory_space<vmem>>, vector<16xi32>,
    %reduce_max3A_64 = arith.constant true
    %reduce_max3A_65 = vector.broadcast %reduce_max3A_64 : i1 to vector<16xi1>
    %reduce_max3A_66 = arith.constant -2147483648 : i32
    %reduce_max3A_67 = vector.broadcast %reduce_max3A_66 : i32 to vector<16xi32>
    %reduce_max3A_68 = arith.xori %get3A_63, %reduce_max3A_67 : vector<16xi32>
    %reduce_max3A_69 = tpu.scan <max>, %reduce_max3A_68 masked %reduce_max3A_65 : vector<16xi32>, vector<16xi1> -> vector<16xi32>
    %reduce_max3A_70 = arith.xori %reduce_max3A_69, %reduce_max3A_67 : vector<16xi32>
    %reduce_max3A_71 = vector.extract %reduce_max3A_70[15] : i32 from vector<16xi32>
    %add3A_72 = arith.constant 15 : i32
    %add3A_73 = arith.addi %reduce_max3A_71, %add3A_72 : i32
    %jit3A_74 = arith.constant 16 : i32
    %div3A_75 = arith.divsi %add3A_73, %jit3A_74 : i32
    %sign3A_76 = arith.constant 0 : i32
    %sign3A_77 = arith.cmpi sgt, %add3A_73, %sign3A_76 : i32
    %sign3A_78 = arith.extui %sign3A_77 : i1 to i32
    %sign3A_79 = arith.constant 0 : i32
    %sign3A_80 = arith.cmpi slt, %add3A_73, %sign3A_79 : i32
    %sign3A_81 = arith.extui %sign3A_80 : i1 to i32
    %sign3A_82 = arith.subi %sign3A_78, %sign3A_81 : i32
    %sign3A_83 = arith.constant 0 : i32
    %sign3A_84 = arith.cmpi sgt, %jit3A_74, %sign3A_83 : i32
    %sign3A_85 = arith.extui %sign3A_84 : i1 to i32
    %sign3A_86 = arith.constant 0 : i32
    %sign3A_87 = arith.cmpi slt, %jit3A_74, %sign3A_86 : i32
    %sign3A_88 = arith.extui %sign3A_87 : i1 to i32
    %sign3A_89 = arith.subi %sign3A_85, %sign3A_88 : i32
    %ne3A_90 = arith.cmpi ne, %sign3A_82, %sign3A_89 : i32
    %rem3A_91 = arith.remsi %add3A_73, %jit3A_74 : i32
    %ne3A_92 = arith.constant 0 : i32
    %ne3A_93 = arith.cmpi ne, %rem3A_91, %ne3A_92 : i32
    %and3A_94 = arith.andi %ne3A_90, %ne3A_93 : i1
    %sub3A_95 = arith.constant 1 : i32
    %sub3A_96 = arith.subi %div3A_75, %sub3A_95 : i32
    %select_n3A_97 = arith.select %and3A_94, %sub3A_96, %div3A_75 : i32
    %while3A_98 = arith.constant 0 : i32
    %while3A_99 = arith.subi %select_n3A_97, %while3A_98 : i32
    %while3A_100 = arith.addi %while3A_98, %while3A_99 : i32
    %while3A_101 = arith.constant 1 : i32
    %while3A_102 = arith.divsi %while3A_99, %while3A_101 : i32
    %while3A_103 = arith.muli %while3A_102, %while3A_101 : i32
    %while3A_104 = arith.addi %while3A_98, %while3A_103 : i32
    %while3A_105 = arith.constant 1 : i32
    %while3A_106 = scf.for %while3A_817 = %while3A_98 to %while3A_104 step %while3A_105 iter_args(%while3A_818 = %while3A_61) -> (i32)  : i32 {
      %mul3A_819 = arith.constant 16 : i32
      %mul3A_820 = arith.muli %while3A_817, %mul3A_819 : i32
      %add3A_821 = arith.constant 1024 : i32
      %add3A_822 = arith.addi %add3A_821, %mul3A_820 : i32
      %mul3A_823 = arith.constant 16 : i32
      %mul3A_824 = arith.muli %while3A_818, %mul3A_823 : i32
      "tpu.region"() ({
        %run_scoped3A = tpu.sem_alloc : memref<!tpu.dma_semaphore, #tpu.memory_space<semaphore_mem>>
        %dma_start3A = tpu.memref_slice %arg12[%mul3A_824] : memref<16640xi32, #tpu.memory_space<vmem>> -> memref<16xi32, #tpu.memory_space<vmem>>
        %dma_start3A_829 = tpu.memref_slice %arg17[%add3A_822] : memref<16384xi32, #tpu.memory_space<vmem_shared>> -> memref<16xi32, #tpu.memory_space<vmem_shared>>
        %dma_start3A_830 = tpu.memref_slice %arg12[%mul3A_824] : memref<16640xi32, #tpu.memory_space<vmem>> -> memref<16xi32, #tpu.memory_space<vmem>>
        %dma_start3A_831 = tpu.memref_slice %arg17[%add3A_822] : memref<16384xi32, #tpu.memory_space<vmem_shared>> -> memref<16xi32, #tpu.memory_space<vmem_shared>>
        tpu.enqueue_dma source(%dma_start3A_831 : memref<16xi32, #tpu.memory_space<vmem_shared>>) target(%dma_start3A_830 : memref<16xi32, #tpu.memory_space<vmem>>) target_semaphore(%run_scoped3A : memref<!tpu.dma_semaphore, #tpu.memory_space<semaphore_mem>>)
        %dma_wait3A = tpu.memref_slice %arg12[%mul3A_824] : memref<16640xi32, #tpu.memory_space<vmem>> -> memref<16xi32, #tpu.memory_space<vmem>>
        %dma_wait3A_832 = tpu.memref_slice %arg17[%add3A_822] : memref<16384xi32, #tpu.memory_space<vmem_shared>> -> memref<16xi32, #tpu.memory_space<vmem_shared>>
        %dma_wait3A_833 = tpu.memref_slice %arg12[%mul3A_824] : memref<16640xi32, #tpu.memory_space<vmem>> -> memref<16xi32, #tpu.memory_space<vmem>>
        %dma_wait3A_834 = tpu.memref_slice %arg17[%add3A_822] : memref<16384xi32, #tpu.memory_space<vmem_shared>> -> memref<16xi32, #tpu.memory_space<vmem_shared>>
        tpu.wait_dma2 semaphore(%run_scoped3A : memref<!tpu.dma_semaphore, #tpu.memory_space<semaphore_mem>>) src(%dma_wait3A_834 : memref<16xi32, #tpu.memory_space<vmem_shared>>) dst(%dma_wait3A_833 : memref<16xi32, #tpu.memory_space<vmem>>)
        tpu.yield
      }) : () -> ()
      %mul3A_825 = arith.constant 16 : i32
      %mul3A_826 = arith.muli %while3A_818, %mul3A_825 : i32
      "tpu.region"() ({
        %run_scoped3A = tpu.sem_alloc : memref<!tpu.dma_semaphore, #tpu.memory_space<semaphore_mem>>
        %dma_start3A = tpu.memref_slice %arg13[%mul3A_826] : memref<16640xi32, #tpu.memory_space<vmem>> -> memref<16xi32, #tpu.memory_space<vmem>>
        %dma_start3A_829 = tpu.memref_slice %arg18[%add3A_822] : memref<16384xi32, #tpu.memory_space<vmem_shared>> -> memref<16xi32, #tpu.memory_space<vmem_shared>>
        %dma_start3A_830 = tpu.memref_slice %arg13[%mul3A_826] : memref<16640xi32, #tpu.memory_space<vmem>> -> memref<16xi32, #tpu.memory_space<vmem>>
        %dma_start3A_831 = tpu.memref_slice %arg18[%add3A_822] : memref<16384xi32, #tpu.memory_space<vmem_shared>> -> memref<16xi32, #tpu.memory_space<vmem_shared>>
        tpu.enqueue_dma source(%dma_start3A_831 : memref<16xi32, #tpu.memory_space<vmem_shared>>) target(%dma_start3A_830 : memref<16xi32, #tpu.memory_space<vmem>>) target_semaphore(%run_scoped3A : memref<!tpu.dma_semaphore, #tpu.memory_space<semaphore_mem>>)
        %dma_wait3A = tpu.memref_slice %arg13[%mul3A_826] : memref<16640xi32, #tpu.memory_space<vmem>> -> memref<16xi32, #tpu.memory_space<vmem>>
        %dma_wait3A_832 = tpu.memref_slice %arg18[%add3A_822] : memref<16384xi32, #tpu.memory_space<vmem_shared>> -> memref<16xi32, #tpu.memory_space<vmem_shared>>
        %dma_wait3A_833 = tpu.memref_slice %arg13[%mul3A_826] : memref<16640xi32, #tpu.memory_space<vmem>> -> memref<16xi32, #tpu.memory_space<vmem>>
        %dma_wait3A_834 = tpu.memref_slice %arg18[%add3A_822] : memref<16384xi32, #tpu.memory_space<vmem_shared>> -> memref<16xi32, #tpu.memory_space<vmem_shared>>
        tpu.wait_dma2 semaphore(%run_scoped3A : memref<!tpu.dma_semaphore, #tpu.memory_space<semaphore_mem>>) src(%dma_wait3A_834 : memref<16xi32, #tpu.memory_space<vmem_shared>>) dst(%dma_wait3A_833 : memref<16xi32, #tpu.memory_space<vmem>>)
        tpu.yield
      }) : () -> ()
      %add3A_827 = arith.constant 1 : i32
      %add3A_828 = arith.addi %while3A_818, %add3A_827 : i32
      scf.yield %add3A_828 : i32
    }
    %while3A_107 = arith.constant 1 : i32
    %while3A_108 = scf.for %while3A_817 = %while3A_104 to %while3A_100 step %while3A_107 iter_args(%while3A_818 = %while3A_106) -> (i32)  : i32 {
      %mul3A_819 = arith.constant 16 : i32
      %mul3A_820 = arith.muli %while3A_817, %mul3A_819 : i32
      %add3A_821 = arith.constant 1024 : i32
      %add3A_822 = arith.addi %add3A_821, %mul3A_820 : i32
      %mul3A_823 = arith.constant 16 : i32
      %mul3A_824 = arith.muli %while3A_818, %mul3A_823 : i32
      "tpu.region"() ({
        %run_scoped3A = tpu.sem_alloc : memref<!tpu.dma_semaphore, #tpu.memory_space<semaphore_mem>>
        %dma_start3A = tpu.memref_slice %arg12[%mul3A_824] : memref<16640xi32, #tpu.memory_space<vmem>> -> memref<16xi32, #tpu.memory_space<vmem>>
        %dma_start3A_829 = tpu.memref_slice %arg17[%add3A_822] : memref<16384xi32, #tpu.memory_space<vmem_shared>> -> memref<16xi32, #tpu.memory_space<vmem_shared>>
        %dma_start3A_830 = tpu.memref_slice %arg12[%mul3A_824] : memref<16640xi32, #tpu.memory_space<vmem>> -> memref<16xi32, #tpu.memory_space<vmem>>
        %dma_start3A_831 = tpu.memref_slice %arg17[%add3A_822] : memref<16384xi32, #tpu.memory_space<vmem_shared>> -> memref<16xi32, #tpu.memory_space<vmem_shared>>
        tpu.enqueue_dma source(%dma_start3A_831 : memref<16xi32, #tpu.memory_space<vmem_shared>>) target(%dma_start3A_830 : memref<16xi32, #tpu.memory_space<vmem>>) target_semaphore(%run_scoped3A : memref<!tpu.dma_semaphore, #tpu.memory_space<semaphore_mem>>)
        %dma_wait3A = tpu.memref_slice %arg12[%mul3A_824] : memref<16640xi32, #tpu.memory_space<vmem>> -> memref<16xi32, #tpu.memory_space<vmem>>
        %dma_wait3A_832 = tpu.memref_slice %arg17[%add3A_822] : memref<16384xi32, #tpu.memory_space<vmem_shared>> -> memref<16xi32, #tpu.memory_space<vmem_shared>>
        %dma_wait3A_833 = tpu.memref_slice %arg12[%mul3A_824] : memref<16640xi32, #tpu.memory_space<vmem>> -> memref<16xi32, #tpu.memory_space<vmem>>
        %dma_wait3A_834 = tpu.memref_slice %arg17[%add3A_822] : memref<16384xi32, #tpu.memory_space<vmem_shared>> -> memref<16xi32, #tpu.memory_space<vmem_shared>>
        tpu.wait_dma2 semaphore(%run_scoped3A : memref<!tpu.dma_semaphore, #tpu.memory_space<semaphore_mem>>) src(%dma_wait3A_834 : memref<16xi32, #tpu.memory_space<vmem_shared>>) dst(%dma_wait3A_833 : memref<16xi32, #tpu.memory_space<vmem>>)
        tpu.yield
      }) : () -> ()
      %mul3A_825 = arith.constant 16 : i32
      %mul3A_826 = arith.muli %while3A_818, %mul3A_825 : i32
      "tpu.region"() ({
        %run_scoped3A = tpu.sem_alloc : memref<!tpu.dma_semaphore, #tpu.memory_space<semaphore_mem>>
        %dma_start3A = tpu.memref_slice %arg13[%mul3A_826] : memref<16640xi32, #tpu.memory_space<vmem>> -> memref<16xi32, #tpu.memory_space<vmem>>
        %dma_start3A_829 = tpu.memref_slice %arg18[%add3A_822] : memref<16384xi32, #tpu.memory_space<vmem_shared>> -> memref<16xi32, #tpu.memory_space<vmem_shared>>
        %dma_start3A_830 = tpu.memref_slice %arg13[%mul3A_826] : memref<16640xi32, #tpu.memory_space<vmem>> -> memref<16xi32, #tpu.memory_space<vmem>>
        %dma_start3A_831 = tpu.memref_slice %arg18[%add3A_822] : memref<16384xi32, #tpu.memory_space<vmem_shared>> -> memref<16xi32, #tpu.memory_space<vmem_shared>>
        tpu.enqueue_dma source(%dma_start3A_831 : memref<16xi32, #tpu.memory_space<vmem_shared>>) target(%dma_start3A_830 : memref<16xi32, #tpu.memory_space<vmem>>) target_semaphore(%run_scoped3A : memref<!tpu.dma_semaphore, #tpu.memory_space<semaphore_mem>>)
        %dma_wait3A = tpu.memref_slice %arg13[%mul3A_826] : memref<16640xi32, #tpu.memory_space<vmem>> -> memref<16xi32, #tpu.memory_space<vmem>>
        %dma_wait3A_832 = tpu.memref_slice %arg18[%add3A_822] : memref<16384xi32, #tpu.memory_space<vmem_shared>> -> memref<16xi32, #tpu.memory_space<vmem_shared>>
        %dma_wait3A_833 = tpu.memref_slice %arg13[%mul3A_826] : memref<16640xi32, #tpu.memory_space<vmem>> -> memref<16xi32, #tpu.memory_space<vmem>>
        %dma_wait3A_834 = tpu.memref_slice %arg18[%add3A_822] : memref<16384xi32, #tpu.memory_space<vmem_shared>> -> memref<16xi32, #tpu.memory_space<vmem_shared>>
        tpu.wait_dma2 semaphore(%run_scoped3A : memref<!tpu.dma_semaphore, #tpu.memory_space<semaphore_mem>>) src(%dma_wait3A_834 : memref<16xi32, #tpu.memory_space<vmem_shared>>) dst(%dma_wait3A_833 : memref<16xi32, #tpu.memory_space<vmem>>)
        tpu.yield
      }) : () -> ()
      %add3A_827 = arith.constant 1 : i32
      %add3A_828 = arith.addi %while3A_818, %add3A_827 : i32
      scf.yield %add3A_828 : i32
    }
    %get3A_109 = arith.constant 32 : index
    %get3A_110 = tpu.vector_load %arg14[%get3A_109] {strides = array<i32>} : memref<256xi32, #tpu.memory_space<vmem>>, vector<16xi32>,
    %reduce_max3A_111 = arith.constant true
    %reduce_max3A_112 = vector.broadcast %reduce_max3A_111 : i1 to vector<16xi1>
    %reduce_max3A_113 = arith.constant -2147483648 : i32
    %reduce_max3A_114 = vector.broadcast %reduce_max3A_113 : i32 to vector<16xi32>
    %reduce_max3A_115 = arith.xori %get3A_110, %reduce_max3A_114 : vector<16xi32>
    %reduce_max3A_116 = tpu.scan <max>, %reduce_max3A_115 masked %reduce_max3A_112 : vector<16xi32>, vector<16xi1> -> vector<16xi32>
    %reduce_max3A_117 = arith.xori %reduce_max3A_116, %reduce_max3A_114 : vector<16xi32>
    %reduce_max3A_118 = vector.extract %reduce_max3A_117[15] : i32 from vector<16xi32>
    %add3A_119 = arith.constant 15 : i32
    %add3A_120 = arith.addi %reduce_max3A_118, %add3A_119 : i32
    %jit3A_121 = arith.constant 16 : i32
    %div3A_122 = arith.divsi %add3A_120, %jit3A_121 : i32
    %sign3A_123 = arith.constant 0 : i32
    %sign3A_124 = arith.cmpi sgt, %add3A_120, %sign3A_123 : i32
    %sign3A_125 = arith.extui %sign3A_124 : i1 to i32
    %sign3A_126 = arith.constant 0 : i32
    %sign3A_127 = arith.cmpi slt, %add3A_120, %sign3A_126 : i32
    %sign3A_128 = arith.extui %sign3A_127 : i1 to i32
    %sign3A_129 = arith.subi %sign3A_125, %sign3A_128 : i32
    %sign3A_130 = arith.constant 0 : i32
    %sign3A_131 = arith.cmpi sgt, %jit3A_121, %sign3A_130 : i32
    %sign3A_132 = arith.extui %sign3A_131 : i1 to i32
    %sign3A_133 = arith.constant 0 : i32
    %sign3A_134 = arith.cmpi slt, %jit3A_121, %sign3A_133 : i32
    %sign3A_135 = arith.extui %sign3A_134 : i1 to i32
    %sign3A_136 = arith.subi %sign3A_132, %sign3A_135 : i32
    %ne3A_137 = arith.cmpi ne, %sign3A_129, %sign3A_136 : i32
    %rem3A_138 = arith.remsi %add3A_120, %jit3A_121 : i32
    %ne3A_139 = arith.constant 0 : i32
    %ne3A_140 = arith.cmpi ne, %rem3A_138, %ne3A_139 : i32
    %and3A_141 = arith.andi %ne3A_137, %ne3A_140 : i1
    %sub3A_142 = arith.constant 1 : i32
    %sub3A_143 = arith.subi %div3A_122, %sub3A_142 : i32
    %select_n3A_144 = arith.select %and3A_141, %sub3A_143, %div3A_122 : i32
    %while3A_145 = arith.constant 0 : i32
    %while3A_146 = arith.subi %select_n3A_144, %while3A_145 : i32
    %while3A_147 = arith.addi %while3A_145, %while3A_146 : i32
    %while3A_148 = arith.constant 1 : i32
    %while3A_149 = arith.divsi %while3A_146, %while3A_148 : i32
    %while3A_150 = arith.muli %while3A_149, %while3A_148 : i32
    %while3A_151 = arith.addi %while3A_145, %while3A_150 : i32
    %while3A_152 = arith.constant 1 : i32
    %while3A_153 = scf.for %while3A_817 = %while3A_145 to %while3A_151 step %while3A_152 iter_args(%while3A_818 = %while3A_108) -> (i32)  : i32 {
      %mul3A_819 = arith.constant 16 : i32
      %mul3A_820 = arith.muli %while3A_817, %mul3A_819 : i32
      %add3A_821 = arith.constant 2048 : i32
      %add3A_822 = arith.addi %add3A_821, %mul3A_820 : i32
      %mul3A_823 = arith.constant 16 : i32
      %mul3A_824 = arith.muli %while3A_818, %mul3A_823 : i32
      "tpu.region"() ({
        %run_scoped3A = tpu.sem_alloc : memref<!tpu.dma_semaphore, #tpu.memory_space<semaphore_mem>>
        %dma_start3A = tpu.memref_slice %arg12[%mul3A_824] : memref<16640xi32, #tpu.memory_space<vmem>> -> memref<16xi32, #tpu.memory_space<vmem>>
        %dma_start3A_829 = tpu.memref_slice %arg17[%add3A_822] : memref<16384xi32, #tpu.memory_space<vmem_shared>> -> memref<16xi32, #tpu.memory_space<vmem_shared>>
        %dma_start3A_830 = tpu.memref_slice %arg12[%mul3A_824] : memref<16640xi32, #tpu.memory_space<vmem>> -> memref<16xi32, #tpu.memory_space<vmem>>
        %dma_start3A_831 = tpu.memref_slice %arg17[%add3A_822] : memref<16384xi32, #tpu.memory_space<vmem_shared>> -> memref<16xi32, #tpu.memory_space<vmem_shared>>
        tpu.enqueue_dma source(%dma_start3A_831 : memref<16xi32, #tpu.memory_space<vmem_shared>>) target(%dma_start3A_830 : memref<16xi32, #tpu.memory_space<vmem>>) target_semaphore(%run_scoped3A : memref<!tpu.dma_semaphore, #tpu.memory_space<semaphore_mem>>)
        %dma_wait3A = tpu.memref_slice %arg12[%mul3A_824] : memref<16640xi32, #tpu.memory_space<vmem>> -> memref<16xi32, #tpu.memory_space<vmem>>
        %dma_wait3A_832 = tpu.memref_slice %arg17[%add3A_822] : memref<16384xi32, #tpu.memory_space<vmem_shared>> -> memref<16xi32, #tpu.memory_space<vmem_shared>>
        %dma_wait3A_833 = tpu.memref_slice %arg12[%mul3A_824] : memref<16640xi32, #tpu.memory_space<vmem>> -> memref<16xi32, #tpu.memory_space<vmem>>
        %dma_wait3A_834 = tpu.memref_slice %arg17[%add3A_822] : memref<16384xi32, #tpu.memory_space<vmem_shared>> -> memref<16xi32, #tpu.memory_space<vmem_shared>>
        tpu.wait_dma2 semaphore(%run_scoped3A : memref<!tpu.dma_semaphore, #tpu.memory_space<semaphore_mem>>) src(%dma_wait3A_834 : memref<16xi32, #tpu.memory_space<vmem_shared>>) dst(%dma_wait3A_833 : memref<16xi32, #tpu.memory_space<vmem>>)
        tpu.yield
      }) : () -> ()
      %mul3A_825 = arith.constant 16 : i32
      %mul3A_826 = arith.muli %while3A_818, %mul3A_825 : i32
      "tpu.region"() ({
        %run_scoped3A = tpu.sem_alloc : memref<!tpu.dma_semaphore, #tpu.memory_space<semaphore_mem>>
        %dma_start3A = tpu.memref_slice %arg13[%mul3A_826] : memref<16640xi32, #tpu.memory_space<vmem>> -> memref<16xi32, #tpu.memory_space<vmem>>
        %dma_start3A_829 = tpu.memref_slice %arg18[%add3A_822] : memref<16384xi32, #tpu.memory_space<vmem_shared>> -> memref<16xi32, #tpu.memory_space<vmem_shared>>
        %dma_start3A_830 = tpu.memref_slice %arg13[%mul3A_826] : memref<16640xi32, #tpu.memory_space<vmem>> -> memref<16xi32, #tpu.memory_space<vmem>>
        %dma_start3A_831 = tpu.memref_slice %arg18[%add3A_822] : memref<16384xi32, #tpu.memory_space<vmem_shared>> -> memref<16xi32, #tpu.memory_space<vmem_shared>>
        tpu.enqueue_dma source(%dma_start3A_831 : memref<16xi32, #tpu.memory_space<vmem_shared>>) target(%dma_start3A_830 : memref<16xi32, #tpu.memory_space<vmem>>) target_semaphore(%run_scoped3A : memref<!tpu.dma_semaphore, #tpu.memory_space<semaphore_mem>>)
        %dma_wait3A = tpu.memref_slice %arg13[%mul3A_826] : memref<16640xi32, #tpu.memory_space<vmem>> -> memref<16xi32, #tpu.memory_space<vmem>>
        %dma_wait3A_832 = tpu.memref_slice %arg18[%add3A_822] : memref<16384xi32, #tpu.memory_space<vmem_shared>> -> memref<16xi32, #tpu.memory_space<vmem_shared>>
        %dma_wait3A_833 = tpu.memref_slice %arg13[%mul3A_826] : memref<16640xi32, #tpu.memory_space<vmem>> -> memref<16xi32, #tpu.memory_space<vmem>>
        %dma_wait3A_834 = tpu.memref_slice %arg18[%add3A_822] : memref<16384xi32, #tpu.memory_space<vmem_shared>> -> memref<16xi32, #tpu.memory_space<vmem_shared>>
        tpu.wait_dma2 semaphore(%run_scoped3A : memref<!tpu.dma_semaphore, #tpu.memory_space<semaphore_mem>>) src(%dma_wait3A_834 : memref<16xi32, #tpu.memory_space<vmem_shared>>) dst(%dma_wait3A_833 : memref<16xi32, #tpu.memory_space<vmem>>)
        tpu.yield
      }) : () -> ()
      %add3A_827 = arith.constant 1 : i32
      %add3A_828 = arith.addi %while3A_818, %add3A_827 : i32
      scf.yield %add3A_828 : i32
    }
    %while3A_154 = arith.constant 1 : i32
    %while3A_155 = scf.for %while3A_817 = %while3A_151 to %while3A_147 step %while3A_154 iter_args(%while3A_818 = %while3A_153) -> (i32)  : i32 {
      %mul3A_819 = arith.constant 16 : i32
      %mul3A_820 = arith.muli %while3A_817, %mul3A_819 : i32
      %add3A_821 = arith.constant 2048 : i32
      %add3A_822 = arith.addi %add3A_821, %mul3A_820 : i32
      %mul3A_823 = arith.constant 16 : i32
      %mul3A_824 = arith.muli %while3A_818, %mul3A_823 : i32
      "tpu.region"() ({
        %run_scoped3A = tpu.sem_alloc : memref<!tpu.dma_semaphore, #tpu.memory_space<semaphore_mem>>
        %dma_start3A = tpu.memref_slice %arg12[%mul3A_824] : memref<16640xi32, #tpu.memory_space<vmem>> -> memref<16xi32, #tpu.memory_space<vmem>>
        %dma_start3A_829 = tpu.memref_slice %arg17[%add3A_822] : memref<16384xi32, #tpu.memory_space<vmem_shared>> -> memref<16xi32, #tpu.memory_space<vmem_shared>>
        %dma_start3A_830 = tpu.memref_slice %arg12[%mul3A_824] : memref<16640xi32, #tpu.memory_space<vmem>> -> memref<16xi32, #tpu.memory_space<vmem>>
        %dma_start3A_831 = tpu.memref_slice %arg17[%add3A_822] : memref<16384xi32, #tpu.memory_space<vmem_shared>> -> memref<16xi32, #tpu.memory_space<vmem_shared>>
        tpu.enqueue_dma source(%dma_start3A_831 : memref<16xi32, #tpu.memory_space<vmem_shared>>) target(%dma_start3A_830 : memref<16xi32, #tpu.memory_space<vmem>>) target_semaphore(%run_scoped3A : memref<!tpu.dma_semaphore, #tpu.memory_space<semaphore_mem>>)
        %dma_wait3A = tpu.memref_slice %arg12[%mul3A_824] : memref<16640xi32, #tpu.memory_space<vmem>> -> memref<16xi32, #tpu.memory_space<vmem>>
        %dma_wait3A_832 = tpu.memref_slice %arg17[%add3A_822] : memref<16384xi32, #tpu.memory_space<vmem_shared>> -> memref<16xi32, #tpu.memory_space<vmem_shared>>
        %dma_wait3A_833 = tpu.memref_slice %arg12[%mul3A_824] : memref<16640xi32, #tpu.memory_space<vmem>> -> memref<16xi32, #tpu.memory_space<vmem>>
        %dma_wait3A_834 = tpu.memref_slice %arg17[%add3A_822] : memref<16384xi32, #tpu.memory_space<vmem_shared>> -> memref<16xi32, #tpu.memory_space<vmem_shared>>
        tpu.wait_dma2 semaphore(%run_scoped3A : memref<!tpu.dma_semaphore, #tpu.memory_space<semaphore_mem>>) src(%dma_wait3A_834 : memref<16xi32, #tpu.memory_space<vmem_shared>>) dst(%dma_wait3A_833 : memref<16xi32, #tpu.memory_space<vmem>>)
        tpu.yield
      }) : () -> ()
      %mul3A_825 = arith.constant 16 : i32
      %mul3A_826 = arith.muli %while3A_818, %mul3A_825 : i32
      "tpu.region"() ({
        %run_scoped3A = tpu.sem_alloc : memref<!tpu.dma_semaphore, #tpu.memory_space<semaphore_mem>>
        %dma_start3A = tpu.memref_slice %arg13[%mul3A_826] : memref<16640xi32, #tpu.memory_space<vmem>> -> memref<16xi32, #tpu.memory_space<vmem>>
        %dma_start3A_829 = tpu.memref_slice %arg18[%add3A_822] : memref<16384xi32, #tpu.memory_space<vmem_shared>> -> memref<16xi32, #tpu.memory_space<vmem_shared>>
        %dma_start3A_830 = tpu.memref_slice %arg13[%mul3A_826] : memref<16640xi32, #tpu.memory_space<vmem>> -> memref<16xi32, #tpu.memory_space<vmem>>
        %dma_start3A_831 = tpu.memref_slice %arg18[%add3A_822] : memref<16384xi32, #tpu.memory_space<vmem_shared>> -> memref<16xi32, #tpu.memory_space<vmem_shared>>
        tpu.enqueue_dma source(%dma_start3A_831 : memref<16xi32, #tpu.memory_space<vmem_shared>>) target(%dma_start3A_830 : memref<16xi32, #tpu.memory_space<vmem>>) target_semaphore(%run_scoped3A : memref<!tpu.dma_semaphore, #tpu.memory_space<semaphore_mem>>)
        %dma_wait3A = tpu.memref_slice %arg13[%mul3A_826] : memref<16640xi32, #tpu.memory_space<vmem>> -> memref<16xi32, #tpu.memory_space<vmem>>
        %dma_wait3A_832 = tpu.memref_slice %arg18[%add3A_822] : memref<16384xi32, #tpu.memory_space<vmem_shared>> -> memref<16xi32, #tpu.memory_space<vmem_shared>>
        %dma_wait3A_833 = tpu.memref_slice %arg13[%mul3A_826] : memref<16640xi32, #tpu.memory_space<vmem>> -> memref<16xi32, #tpu.memory_space<vmem>>
        %dma_wait3A_834 = tpu.memref_slice %arg18[%add3A_822] : memref<16384xi32, #tpu.memory_space<vmem_shared>> -> memref<16xi32, #tpu.memory_space<vmem_shared>>
        tpu.wait_dma2 semaphore(%run_scoped3A : memref<!tpu.dma_semaphore, #tpu.memory_space<semaphore_mem>>) src(%dma_wait3A_834 : memref<16xi32, #tpu.memory_space<vmem_shared>>) dst(%dma_wait3A_833 : memref<16xi32, #tpu.memory_space<vmem>>)
        tpu.yield
      }) : () -> ()
      %add3A_827 = arith.constant 1 : i32
      %add3A_828 = arith.addi %while3A_818, %add3A_827 : i32
      scf.yield %add3A_828 : i32
    }
    %get3A_156 = arith.constant 48 : index
    %get3A_157 = tpu.vector_load %arg14[%get3A_156] {strides = array<i32>} : memref<256xi32, #tpu.memory_space<vmem>>, vector<16xi32>,
    %reduce_max3A_158 = arith.constant true
    %reduce_max3A_159 = vector.broadcast %reduce_max3A_158 : i1 to vector<16xi1>
    %reduce_max3A_160 = arith.constant -2147483648 : i32
    %reduce_max3A_161 = vector.broadcast %reduce_max3A_160 : i32 to vector<16xi32>
    %reduce_max3A_162 = arith.xori %get3A_157, %reduce_max3A_161 : vector<16xi32>
    %reduce_max3A_163 = tpu.scan <max>, %reduce_max3A_162 masked %reduce_max3A_159 : vector<16xi32>, vector<16xi1> -> vector<16xi32>
    %reduce_max3A_164 = arith.xori %reduce_max3A_163, %reduce_max3A_161 : vector<16xi32>
    %reduce_max3A_165 = vector.extract %reduce_max3A_164[15] : i32 from vector<16xi32>
    %add3A_166 = arith.constant 15 : i32
    %add3A_167 = arith.addi %reduce_max3A_165, %add3A_166 : i32
    %jit3A_168 = arith.constant 16 : i32
    %div3A_169 = arith.divsi %add3A_167, %jit3A_168 : i32
    %sign3A_170 = arith.constant 0 : i32
    %sign3A_171 = arith.cmpi sgt, %add3A_167, %sign3A_170 : i32
    %sign3A_172 = arith.extui %sign3A_171 : i1 to i32
    %sign3A_173 = arith.constant 0 : i32
    %sign3A_174 = arith.cmpi slt, %add3A_167, %sign3A_173 : i32
    %sign3A_175 = arith.extui %sign3A_174 : i1 to i32
    %sign3A_176 = arith.subi %sign3A_172, %sign3A_175 : i32
    %sign3A_177 = arith.constant 0 : i32
    %sign3A_178 = arith.cmpi sgt, %jit3A_168, %sign3A_177 : i32
    %sign3A_179 = arith.extui %sign3A_178 : i1 to i32
    %sign3A_180 = arith.constant 0 : i32
    %sign3A_181 = arith.cmpi slt, %jit3A_168, %sign3A_180 : i32
    %sign3A_182 = arith.extui %sign3A_181 : i1 to i32
    %sign3A_183 = arith.subi %sign3A_179, %sign3A_182 : i32
    %ne3A_184 = arith.cmpi ne, %sign3A_176, %sign3A_183 : i32
    %rem3A_185 = arith.remsi %add3A_167, %jit3A_168 : i32
    %ne3A_186 = arith.constant 0 : i32
    %ne3A_187 = arith.cmpi ne, %rem3A_185, %ne3A_186 : i32
    %and3A_188 = arith.andi %ne3A_184, %ne3A_187 : i1
    %sub3A_189 = arith.constant 1 : i32
    %sub3A_190 = arith.subi %div3A_169, %sub3A_189 : i32
    %select_n3A_191 = arith.select %and3A_188, %sub3A_190, %div3A_169 : i32
    %while3A_192 = arith.constant 0 : i32
    %while3A_193 = arith.subi %select_n3A_191, %while3A_192 : i32
    %while3A_194 = arith.addi %while3A_192, %while3A_193 : i32
    %while3A_195 = arith.constant 1 : i32
    %while3A_196 = arith.divsi %while3A_193, %while3A_195 : i32
    %while3A_197 = arith.muli %while3A_196, %while3A_195 : i32
    %while3A_198 = arith.addi %while3A_192, %while3A_197 : i32
    %while3A_199 = arith.constant 1 : i32
    %while3A_200 = scf.for %while3A_817 = %while3A_192 to %while3A_198 step %while3A_199 iter_args(%while3A_818 = %while3A_155) -> (i32)  : i32 {
      %mul3A_819 = arith.constant 16 : i32
      %mul3A_820 = arith.muli %while3A_817, %mul3A_819 : i32
      %add3A_821 = arith.constant 3072 : i32
      %add3A_822 = arith.addi %add3A_821, %mul3A_820 : i32
      %mul3A_823 = arith.constant 16 : i32
      %mul3A_824 = arith.muli %while3A_818, %mul3A_823 : i32
      "tpu.region"() ({
        %run_scoped3A = tpu.sem_alloc : memref<!tpu.dma_semaphore, #tpu.memory_space<semaphore_mem>>
        %dma_start3A = tpu.memref_slice %arg12[%mul3A_824] : memref<16640xi32, #tpu.memory_space<vmem>> -> memref<16xi32, #tpu.memory_space<vmem>>
        %dma_start3A_829 = tpu.memref_slice %arg17[%add3A_822] : memref<16384xi32, #tpu.memory_space<vmem_shared>> -> memref<16xi32, #tpu.memory_space<vmem_shared>>
        %dma_start3A_830 = tpu.memref_slice %arg12[%mul3A_824] : memref<16640xi32, #tpu.memory_space<vmem>> -> memref<16xi32, #tpu.memory_space<vmem>>
        %dma_start3A_831 = tpu.memref_slice %arg17[%add3A_822] : memref<16384xi32, #tpu.memory_space<vmem_shared>> -> memref<16xi32, #tpu.memory_space<vmem_shared>>
        tpu.enqueue_dma source(%dma_start3A_831 : memref<16xi32, #tpu.memory_space<vmem_shared>>) target(%dma_start3A_830 : memref<16xi32, #tpu.memory_space<vmem>>) target_semaphore(%run_scoped3A : memref<!tpu.dma_semaphore, #tpu.memory_space<semaphore_mem>>)
        %dma_wait3A = tpu.memref_slice %arg12[%mul3A_824] : memref<16640xi32, #tpu.memory_space<vmem>> -> memref<16xi32, #tpu.memory_space<vmem>>
        %dma_wait3A_832 = tpu.memref_slice %arg17[%add3A_822] : memref<16384xi32, #tpu.memory_space<vmem_shared>> -> memref<16xi32, #tpu.memory_space<vmem_shared>>
        %dma_wait3A_833 = tpu.memref_slice %arg12[%mul3A_824] : memref<16640xi32, #tpu.memory_space<vmem>> -> memref<16xi32, #tpu.memory_space<vmem>>
        %dma_wait3A_834 = tpu.memref_slice %arg17[%add3A_822] : memref<16384xi32, #tpu.memory_space<vmem_shared>> -> memref<16xi32, #tpu.memory_space<vmem_shared>>
        tpu.wait_dma2 semaphore(%run_scoped3A : memref<!tpu.dma_semaphore, #tpu.memory_space<semaphore_mem>>) src(%dma_wait3A_834 : memref<16xi32, #tpu.memory_space<vmem_shared>>) dst(%dma_wait3A_833 : memref<16xi32, #tpu.memory_space<vmem>>)
        tpu.yield
      }) : () -> ()
      %mul3A_825 = arith.constant 16 : i32
      %mul3A_826 = arith.muli %while3A_818, %mul3A_825 : i32
      "tpu.region"() ({
        %run_scoped3A = tpu.sem_alloc : memref<!tpu.dma_semaphore, #tpu.memory_space<semaphore_mem>>
        %dma_start3A = tpu.memref_slice %arg13[%mul3A_826] : memref<16640xi32, #tpu.memory_space<vmem>> -> memref<16xi32, #tpu.memory_space<vmem>>
        %dma_start3A_829 = tpu.memref_slice %arg18[%add3A_822] : memref<16384xi32, #tpu.memory_space<vmem_shared>> -> memref<16xi32, #tpu.memory_space<vmem_shared>>
        %dma_start3A_830 = tpu.memref_slice %arg13[%mul3A_826] : memref<16640xi32, #tpu.memory_space<vmem>> -> memref<16xi32, #tpu.memory_space<vmem>>
        %dma_start3A_831 = tpu.memref_slice %arg18[%add3A_822] : memref<16384xi32, #tpu.memory_space<vmem_shared>> -> memref<16xi32, #tpu.memory_space<vmem_shared>>
        tpu.enqueue_dma source(%dma_start3A_831 : memref<16xi32, #tpu.memory_space<vmem_shared>>) target(%dma_start3A_830 : memref<16xi32, #tpu.memory_space<vmem>>) target_semaphore(%run_scoped3A : memref<!tpu.dma_semaphore, #tpu.memory_space<semaphore_mem>>)
        %dma_wait3A = tpu.memref_slice %arg13[%mul3A_826] : memref<16640xi32, #tpu.memory_space<vmem>> -> memref<16xi32, #tpu.memory_space<vmem>>
        %dma_wait3A_832 = tpu.memref_slice %arg18[%add3A_822] : memref<16384xi32, #tpu.memory_space<vmem_shared>> -> memref<16xi32, #tpu.memory_space<vmem_shared>>
        %dma_wait3A_833 = tpu.memref_slice %arg13[%mul3A_826] : memref<16640xi32, #tpu.memory_space<vmem>> -> memref<16xi32, #tpu.memory_space<vmem>>
        %dma_wait3A_834 = tpu.memref_slice %arg18[%add3A_822] : memref<16384xi32, #tpu.memory_space<vmem_shared>> -> memref<16xi32, #tpu.memory_space<vmem_shared>>
        tpu.wait_dma2 semaphore(%run_scoped3A : memref<!tpu.dma_semaphore, #tpu.memory_space<semaphore_mem>>) src(%dma_wait3A_834 : memref<16xi32, #tpu.memory_space<vmem_shared>>) dst(%dma_wait3A_833 : memref<16xi32, #tpu.memory_space<vmem>>)
        tpu.yield
      }) : () -> ()
      %add3A_827 = arith.constant 1 : i32
      %add3A_828 = arith.addi %while3A_818, %add3A_827 : i32
      scf.yield %add3A_828 : i32
    }
    %while3A_201 = arith.constant 1 : i32
    %while3A_202 = scf.for %while3A_817 = %while3A_198 to %while3A_194 step %while3A_201 iter_args(%while3A_818 = %while3A_200) -> (i32)  : i32 {
      %mul3A_819 = arith.constant 16 : i32
      %mul3A_820 = arith.muli %while3A_817, %mul3A_819 : i32
      %add3A_821 = arith.constant 3072 : i32
      %add3A_822 = arith.addi %add3A_821, %mul3A_820 : i32
      %mul3A_823 = arith.constant 16 : i32
      %mul3A_824 = arith.muli %while3A_818, %mul3A_823 : i32
      "tpu.region"() ({
        %run_scoped3A = tpu.sem_alloc : memref<!tpu.dma_semaphore, #tpu.memory_space<semaphore_mem>>
        %dma_start3A = tpu.memref_slice %arg12[%mul3A_824] : memref<16640xi32, #tpu.memory_space<vmem>> -> memref<16xi32, #tpu.memory_space<vmem>>
        %dma_start3A_829 = tpu.memref_slice %arg17[%add3A_822] : memref<16384xi32, #tpu.memory_space<vmem_shared>> -> memref<16xi32, #tpu.memory_space<vmem_shared>>
        %dma_start3A_830 = tpu.memref_slice %arg12[%mul3A_824] : memref<16640xi32, #tpu.memory_space<vmem>> -> memref<16xi32, #tpu.memory_space<vmem>>
        %dma_start3A_831 = tpu.memref_slice %arg17[%add3A_822] : memref<16384xi32, #tpu.memory_space<vmem_shared>> -> memref<16xi32, #tpu.memory_space<vmem_shared>>
        tpu.enqueue_dma source(%dma_start3A_831 : memref<16xi32, #tpu.memory_space<vmem_shared>>) target(%dma_start3A_830 : memref<16xi32, #tpu.memory_space<vmem>>) target_semaphore(%run_scoped3A : memref<!tpu.dma_semaphore, #tpu.memory_space<semaphore_mem>>)
        %dma_wait3A = tpu.memref_slice %arg12[%mul3A_824] : memref<16640xi32, #tpu.memory_space<vmem>> -> memref<16xi32, #tpu.memory_space<vmem>>
        %dma_wait3A_832 = tpu.memref_slice %arg17[%add3A_822] : memref<16384xi32, #tpu.memory_space<vmem_shared>> -> memref<16xi32, #tpu.memory_space<vmem_shared>>
        %dma_wait3A_833 = tpu.memref_slice %arg12[%mul3A_824] : memref<16640xi32, #tpu.memory_space<vmem>> -> memref<16xi32, #tpu.memory_space<vmem>>
        %dma_wait3A_834 = tpu.memref_slice %arg17[%add3A_822] : memref<16384xi32, #tpu.memory_space<vmem_shared>> -> memref<16xi32, #tpu.memory_space<vmem_shared>>
        tpu.wait_dma2 semaphore(%run_scoped3A : memref<!tpu.dma_semaphore, #tpu.memory_space<semaphore_mem>>) src(%dma_wait3A_834 : memref<16xi32, #tpu.memory_space<vmem_shared>>) dst(%dma_wait3A_833 : memref<16xi32, #tpu.memory_space<vmem>>)
        tpu.yield
      }) : () -> ()
      %mul3A_825 = arith.constant 16 : i32
      %mul3A_826 = arith.muli %while3A_818, %mul3A_825 : i32
      "tpu.region"() ({
        %run_scoped3A = tpu.sem_alloc : memref<!tpu.dma_semaphore, #tpu.memory_space<semaphore_mem>>
        %dma_start3A = tpu.memref_slice %arg13[%mul3A_826] : memref<16640xi32, #tpu.memory_space<vmem>> -> memref<16xi32, #tpu.memory_space<vmem>>
        %dma_start3A_829 = tpu.memref_slice %arg18[%add3A_822] : memref<16384xi32, #tpu.memory_space<vmem_shared>> -> memref<16xi32, #tpu.memory_space<vmem_shared>>
        %dma_start3A_830 = tpu.memref_slice %arg13[%mul3A_826] : memref<16640xi32, #tpu.memory_space<vmem>> -> memref<16xi32, #tpu.memory_space<vmem>>
        %dma_start3A_831 = tpu.memref_slice %arg18[%add3A_822] : memref<16384xi32, #tpu.memory_space<vmem_shared>> -> memref<16xi32, #tpu.memory_space<vmem_shared>>
        tpu.enqueue_dma source(%dma_start3A_831 : memref<16xi32, #tpu.memory_space<vmem_shared>>) target(%dma_start3A_830 : memref<16xi32, #tpu.memory_space<vmem>>) target_semaphore(%run_scoped3A : memref<!tpu.dma_semaphore, #tpu.memory_space<semaphore_mem>>)
        %dma_wait3A = tpu.memref_slice %arg13[%mul3A_826] : memref<16640xi32, #tpu.memory_space<vmem>> -> memref<16xi32, #tpu.memory_space<vmem>>
        %dma_wait3A_832 = tpu.memref_slice %arg18[%add3A_822] : memref<16384xi32, #tpu.memory_space<vmem_shared>> -> memref<16xi32, #tpu.memory_space<vmem_shared>>
        %dma_wait3A_833 = tpu.memref_slice %arg13[%mul3A_826] : memref<16640xi32, #tpu.memory_space<vmem>> -> memref<16xi32, #tpu.memory_space<vmem>>
        %dma_wait3A_834 = tpu.memref_slice %arg18[%add3A_822] : memref<16384xi32, #tpu.memory_space<vmem_shared>> -> memref<16xi32, #tpu.memory_space<vmem_shared>>
        tpu.wait_dma2 semaphore(%run_scoped3A : memref<!tpu.dma_semaphore, #tpu.memory_space<semaphore_mem>>) src(%dma_wait3A_834 : memref<16xi32, #tpu.memory_space<vmem_shared>>) dst(%dma_wait3A_833 : memref<16xi32, #tpu.memory_space<vmem>>)
        tpu.yield
      }) : () -> ()
      %add3A_827 = arith.constant 1 : i32
      %add3A_828 = arith.addi %while3A_818, %add3A_827 : i32
      scf.yield %add3A_828 : i32
    }
    %get3A_203 = arith.constant 64 : index
    %get3A_204 = tpu.vector_load %arg14[%get3A_203] {strides = array<i32>} : memref<256xi32, #tpu.memory_space<vmem>>, vector<16xi32>,
    %reduce_max3A_205 = arith.constant true
    %reduce_max3A_206 = vector.broadcast %reduce_max3A_205 : i1 to vector<16xi1>
    %reduce_max3A_207 = arith.constant -2147483648 : i32
    %reduce_max3A_208 = vector.broadcast %reduce_max3A_207 : i32 to vector<16xi32>
    %reduce_max3A_209 = arith.xori %get3A_204, %reduce_max3A_208 : vector<16xi32>
    %reduce_max3A_210 = tpu.scan <max>, %reduce_max3A_209 masked %reduce_max3A_206 : vector<16xi32>, vector<16xi1> -> vector<16xi32>
    %reduce_max3A_211 = arith.xori %reduce_max3A_210, %reduce_max3A_208 : vector<16xi32>
    %reduce_max3A_212 = vector.extract %reduce_max3A_211[15] : i32 from vector<16xi32>
    %add3A_213 = arith.constant 15 : i32
    %add3A_214 = arith.addi %reduce_max3A_212, %add3A_213 : i32
    %jit3A_215 = arith.constant 16 : i32
    %div3A_216 = arith.divsi %add3A_214, %jit3A_215 : i32
    %sign3A_217 = arith.constant 0 : i32
    %sign3A_218 = arith.cmpi sgt, %add3A_214, %sign3A_217 : i32
    %sign3A_219 = arith.extui %sign3A_218 : i1 to i32
    %sign3A_220 = arith.constant 0 : i32
    %sign3A_221 = arith.cmpi slt, %add3A_214, %sign3A_220 : i32
    %sign3A_222 = arith.extui %sign3A_221 : i1 to i32
    %sign3A_223 = arith.subi %sign3A_219, %sign3A_222 : i32
    %sign3A_224 = arith.constant 0 : i32
    %sign3A_225 = arith.cmpi sgt, %jit3A_215, %sign3A_224 : i32
    %sign3A_226 = arith.extui %sign3A_225 : i1 to i32
    %sign3A_227 = arith.constant 0 : i32
    %sign3A_228 = arith.cmpi slt, %jit3A_215, %sign3A_227 : i32
    %sign3A_229 = arith.extui %sign3A_228 : i1 to i32
    %sign3A_230 = arith.subi %sign3A_226, %sign3A_229 : i32
    %ne3A_231 = arith.cmpi ne, %sign3A_223, %sign3A_230 : i32
    %rem3A_232 = arith.remsi %add3A_214, %jit3A_215 : i32
    %ne3A_233 = arith.constant 0 : i32
    %ne3A_234 = arith.cmpi ne, %rem3A_232, %ne3A_233 : i32
    %and3A_235 = arith.andi %ne3A_231, %ne3A_234 : i1
    %sub3A_236 = arith.constant 1 : i32
    %sub3A_237 = arith.subi %div3A_216, %sub3A_236 : i32
    %select_n3A_238 = arith.select %and3A_235, %sub3A_237, %div3A_216 : i32
    %while3A_239 = arith.constant 0 : i32
    %while3A_240 = arith.subi %select_n3A_238, %while3A_239 : i32
    %while3A_241 = arith.addi %while3A_239, %while3A_240 : i32
    %while3A_242 = arith.constant 1 : i32
    %while3A_243 = arith.divsi %while3A_240, %while3A_242 : i32
    %while3A_244 = arith.muli %while3A_243, %while3A_242 : i32
    %while3A_245 = arith.addi %while3A_239, %while3A_244 : i32
    %while3A_246 = arith.constant 1 : i32
    %while3A_247 = scf.for %while3A_817 = %while3A_239 to %while3A_245 step %while3A_246 iter_args(%while3A_818 = %while3A_202) -> (i32)  : i32 {
      %mul3A_819 = arith.constant 16 : i32
      %mul3A_820 = arith.muli %while3A_817, %mul3A_819 : i32
      %add3A_821 = arith.constant 4096 : i32
      %add3A_822 = arith.addi %add3A_821, %mul3A_820 : i32
      %mul3A_823 = arith.constant 16 : i32
      %mul3A_824 = arith.muli %while3A_818, %mul3A_823 : i32
      "tpu.region"() ({
        %run_scoped3A = tpu.sem_alloc : memref<!tpu.dma_semaphore, #tpu.memory_space<semaphore_mem>>
        %dma_start3A = tpu.memref_slice %arg12[%mul3A_824] : memref<16640xi32, #tpu.memory_space<vmem>> -> memref<16xi32, #tpu.memory_space<vmem>>
        %dma_start3A_829 = tpu.memref_slice %arg17[%add3A_822] : memref<16384xi32, #tpu.memory_space<vmem_shared>> -> memref<16xi32, #tpu.memory_space<vmem_shared>>
        %dma_start3A_830 = tpu.memref_slice %arg12[%mul3A_824] : memref<16640xi32, #tpu.memory_space<vmem>> -> memref<16xi32, #tpu.memory_space<vmem>>
        %dma_start3A_831 = tpu.memref_slice %arg17[%add3A_822] : memref<16384xi32, #tpu.memory_space<vmem_shared>> -> memref<16xi32, #tpu.memory_space<vmem_shared>>
        tpu.enqueue_dma source(%dma_start3A_831 : memref<16xi32, #tpu.memory_space<vmem_shared>>) target(%dma_start3A_830 : memref<16xi32, #tpu.memory_space<vmem>>) target_semaphore(%run_scoped3A : memref<!tpu.dma_semaphore, #tpu.memory_space<semaphore_mem>>)
        %dma_wait3A = tpu.memref_slice %arg12[%mul3A_824] : memref<16640xi32, #tpu.memory_space<vmem>> -> memref<16xi32, #tpu.memory_space<vmem>>
        %dma_wait3A_832 = tpu.memref_slice %arg17[%add3A_822] : memref<16384xi32, #tpu.memory_space<vmem_shared>> -> memref<16xi32, #tpu.memory_space<vmem_shared>>
        %dma_wait3A_833 = tpu.memref_slice %arg12[%mul3A_824] : memref<16640xi32, #tpu.memory_space<vmem>> -> memref<16xi32, #tpu.memory_space<vmem>>
        %dma_wait3A_834 = tpu.memref_slice %arg17[%add3A_822] : memref<16384xi32, #tpu.memory_space<vmem_shared>> -> memref<16xi32, #tpu.memory_space<vmem_shared>>
        tpu.wait_dma2 semaphore(%run_scoped3A : memref<!tpu.dma_semaphore, #tpu.memory_space<semaphore_mem>>) src(%dma_wait3A_834 : memref<16xi32, #tpu.memory_space<vmem_shared>>) dst(%dma_wait3A_833 : memref<16xi32, #tpu.memory_space<vmem>>)
        tpu.yield
      }) : () -> ()
      %mul3A_825 = arith.constant 16 : i32
      %mul3A_826 = arith.muli %while3A_818, %mul3A_825 : i32
      "tpu.region"() ({
        %run_scoped3A = tpu.sem_alloc : memref<!tpu.dma_semaphore, #tpu.memory_space<semaphore_mem>>
        %dma_start3A = tpu.memref_slice %arg13[%mul3A_826] : memref<16640xi32, #tpu.memory_space<vmem>> -> memref<16xi32, #tpu.memory_space<vmem>>
        %dma_start3A_829 = tpu.memref_slice %arg18[%add3A_822] : memref<16384xi32, #tpu.memory_space<vmem_shared>> -> memref<16xi32, #tpu.memory_space<vmem_shared>>
        %dma_start3A_830 = tpu.memref_slice %arg13[%mul3A_826] : memref<16640xi32, #tpu.memory_space<vmem>> -> memref<16xi32, #tpu.memory_space<vmem>>
        %dma_start3A_831 = tpu.memref_slice %arg18[%add3A_822] : memref<16384xi32, #tpu.memory_space<vmem_shared>> -> memref<16xi32, #tpu.memory_space<vmem_shared>>
        tpu.enqueue_dma source(%dma_start3A_831 : memref<16xi32, #tpu.memory_space<vmem_shared>>) target(%dma_start3A_830 : memref<16xi32, #tpu.memory_space<vmem>>) target_semaphore(%run_scoped3A : memref<!tpu.dma_semaphore, #tpu.memory_space<semaphore_mem>>)
        %dma_wait3A = tpu.memref_slice %arg13[%mul3A_826] : memref<16640xi32, #tpu.memory_space<vmem>> -> memref<16xi32, #tpu.memory_space<vmem>>
        %dma_wait3A_832 = tpu.memref_slice %arg18[%add3A_822] : memref<16384xi32, #tpu.memory_space<vmem_shared>> -> memref<16xi32, #tpu.memory_space<vmem_shared>>
        %dma_wait3A_833 = tpu.memref_slice %arg13[%mul3A_826] : memref<16640xi32, #tpu.memory_space<vmem>> -> memref<16xi32, #tpu.memory_space<vmem>>
        %dma_wait3A_834 = tpu.memref_slice %arg18[%add3A_822] : memref<16384xi32, #tpu.memory_space<vmem_shared>> -> memref<16xi32, #tpu.memory_space<vmem_shared>>
        tpu.wait_dma2 semaphore(%run_scoped3A : memref<!tpu.dma_semaphore, #tpu.memory_space<semaphore_mem>>) src(%dma_wait3A_834 : memref<16xi32, #tpu.memory_space<vmem_shared>>) dst(%dma_wait3A_833 : memref<16xi32, #tpu.memory_space<vmem>>)
        tpu.yield
      }) : () -> ()
      %add3A_827 = arith.constant 1 : i32
      %add3A_828 = arith.addi %while3A_818, %add3A_827 : i32
      scf.yield %add3A_828 : i32
    }
    %while3A_248 = arith.constant 1 : i32
    %while3A_249 = scf.for %while3A_817 = %while3A_245 to %while3A_241 step %while3A_248 iter_args(%while3A_818 = %while3A_247) -> (i32)  : i32 {
      %mul3A_819 = arith.constant 16 : i32
      %mul3A_820 = arith.muli %while3A_817, %mul3A_819 : i32
      %add3A_821 = arith.constant 4096 : i32
      %add3A_822 = arith.addi %add3A_821, %mul3A_820 : i32
      %mul3A_823 = arith.constant 16 : i32
      %mul3A_824 = arith.muli %while3A_818, %mul3A_823 : i32
      "tpu.region"() ({
        %run_scoped3A = tpu.sem_alloc : memref<!tpu.dma_semaphore, #tpu.memory_space<semaphore_mem>>
        %dma_start3A = tpu.memref_slice %arg12[%mul3A_824] : memref<16640xi32, #tpu.memory_space<vmem>> -> memref<16xi32, #tpu.memory_space<vmem>>
        %dma_start3A_829 = tpu.memref_slice %arg17[%add3A_822] : memref<16384xi32, #tpu.memory_space<vmem_shared>> -> memref<16xi32, #tpu.memory_space<vmem_shared>>
        %dma_start3A_830 = tpu.memref_slice %arg12[%mul3A_824] : memref<16640xi32, #tpu.memory_space<vmem>> -> memref<16xi32, #tpu.memory_space<vmem>>
        %dma_start3A_831 = tpu.memref_slice %arg17[%add3A_822] : memref<16384xi32, #tpu.memory_space<vmem_shared>> -> memref<16xi32, #tpu.memory_space<vmem_shared>>
        tpu.enqueue_dma source(%dma_start3A_831 : memref<16xi32, #tpu.memory_space<vmem_shared>>) target(%dma_start3A_830 : memref<16xi32, #tpu.memory_space<vmem>>) target_semaphore(%run_scoped3A : memref<!tpu.dma_semaphore, #tpu.memory_space<semaphore_mem>>)
        %dma_wait3A = tpu.memref_slice %arg12[%mul3A_824] : memref<16640xi32, #tpu.memory_space<vmem>> -> memref<16xi32, #tpu.memory_space<vmem>>
        %dma_wait3A_832 = tpu.memref_slice %arg17[%add3A_822] : memref<16384xi32, #tpu.memory_space<vmem_shared>> -> memref<16xi32, #tpu.memory_space<vmem_shared>>
        %dma_wait3A_833 = tpu.memref_slice %arg12[%mul3A_824] : memref<16640xi32, #tpu.memory_space<vmem>> -> memref<16xi32, #tpu.memory_space<vmem>>
        %dma_wait3A_834 = tpu.memref_slice %arg17[%add3A_822] : memref<16384xi32, #tpu.memory_space<vmem_shared>> -> memref<16xi32, #tpu.memory_space<vmem_shared>>
        tpu.wait_dma2 semaphore(%run_scoped3A : memref<!tpu.dma_semaphore, #tpu.memory_space<semaphore_mem>>) src(%dma_wait3A_834 : memref<16xi32, #tpu.memory_space<vmem_shared>>) dst(%dma_wait3A_833 : memref<16xi32, #tpu.memory_space<vmem>>)
        tpu.yield
      }) : () -> ()
      %mul3A_825 = arith.constant 16 : i32
      %mul3A_826 = arith.muli %while3A_818, %mul3A_825 : i32
      "tpu.region"() ({
        %run_scoped3A = tpu.sem_alloc : memref<!tpu.dma_semaphore, #tpu.memory_space<semaphore_mem>>
        %dma_start3A = tpu.memref_slice %arg13[%mul3A_826] : memref<16640xi32, #tpu.memory_space<vmem>> -> memref<16xi32, #tpu.memory_space<vmem>>
        %dma_start3A_829 = tpu.memref_slice %arg18[%add3A_822] : memref<16384xi32, #tpu.memory_space<vmem_shared>> -> memref<16xi32, #tpu.memory_space<vmem_shared>>
        %dma_start3A_830 = tpu.memref_slice %arg13[%mul3A_826] : memref<16640xi32, #tpu.memory_space<vmem>> -> memref<16xi32, #tpu.memory_space<vmem>>
        %dma_start3A_831 = tpu.memref_slice %arg18[%add3A_822] : memref<16384xi32, #tpu.memory_space<vmem_shared>> -> memref<16xi32, #tpu.memory_space<vmem_shared>>
        tpu.enqueue_dma source(%dma_start3A_831 : memref<16xi32, #tpu.memory_space<vmem_shared>>) target(%dma_start3A_830 : memref<16xi32, #tpu.memory_space<vmem>>) target_semaphore(%run_scoped3A : memref<!tpu.dma_semaphore, #tpu.memory_space<semaphore_mem>>)
        %dma_wait3A = tpu.memref_slice %arg13[%mul3A_826] : memref<16640xi32, #tpu.memory_space<vmem>> -> memref<16xi32, #tpu.memory_space<vmem>>
        %dma_wait3A_832 = tpu.memref_slice %arg18[%add3A_822] : memref<16384xi32, #tpu.memory_space<vmem_shared>> -> memref<16xi32, #tpu.memory_space<vmem_shared>>
        %dma_wait3A_833 = tpu.memref_slice %arg13[%mul3A_826] : memref<16640xi32, #tpu.memory_space<vmem>> -> memref<16xi32, #tpu.memory_space<vmem>>
        %dma_wait3A_834 = tpu.memref_slice %arg18[%add3A_822] : memref<16384xi32, #tpu.memory_space<vmem_shared>> -> memref<16xi32, #tpu.memory_space<vmem_shared>>
        tpu.wait_dma2 semaphore(%run_scoped3A : memref<!tpu.dma_semaphore, #tpu.memory_space<semaphore_mem>>) src(%dma_wait3A_834 : memref<16xi32, #tpu.memory_space<vmem_shared>>) dst(%dma_wait3A_833 : memref<16xi32, #tpu.memory_space<vmem>>)
        tpu.yield
      }) : () -> ()
      %add3A_827 = arith.constant 1 : i32
      %add3A_828 = arith.addi %while3A_818, %add3A_827 : i32
      scf.yield %add3A_828 : i32
    }
    %get3A_250 = arith.constant 80 : index
    %get3A_251 = tpu.vector_load %arg14[%get3A_250] {strides = array<i32>} : memref<256xi32, #tpu.memory_space<vmem>>, vector<16xi32>,
    %reduce_max3A_252 = arith.constant true
    %reduce_max3A_253 = vector.broadcast %reduce_max3A_252 : i1 to vector<16xi1>
    %reduce_max3A_254 = arith.constant -2147483648 : i32
    %reduce_max3A_255 = vector.broadcast %reduce_max3A_254 : i32 to vector<16xi32>
    %reduce_max3A_256 = arith.xori %get3A_251, %reduce_max3A_255 : vector<16xi32>
    %reduce_max3A_257 = tpu.scan <max>, %reduce_max3A_256 masked %reduce_max3A_253 : vector<16xi32>, vector<16xi1> -> vector<16xi32>
    %reduce_max3A_258 = arith.xori %reduce_max3A_257, %reduce_max3A_255 : vector<16xi32>
    %reduce_max3A_259 = vector.extract %reduce_max3A_258[15] : i32 from vector<16xi32>
    %add3A_260 = arith.constant 15 : i32
    %add3A_261 = arith.addi %reduce_max3A_259, %add3A_260 : i32
    %jit3A_262 = arith.constant 16 : i32
    %div3A_263 = arith.divsi %add3A_261, %jit3A_262 : i32
    %sign3A_264 = arith.constant 0 : i32
    %sign3A_265 = arith.cmpi sgt, %add3A_261, %sign3A_264 : i32
    %sign3A_266 = arith.extui %sign3A_265 : i1 to i32
    %sign3A_267 = arith.constant 0 : i32
    %sign3A_268 = arith.cmpi slt, %add3A_261, %sign3A_267 : i32
    %sign3A_269 = arith.extui %sign3A_268 : i1 to i32
    %sign3A_270 = arith.subi %sign3A_266, %sign3A_269 : i32
    %sign3A_271 = arith.constant 0 : i32
    %sign3A_272 = arith.cmpi sgt, %jit3A_262, %sign3A_271 : i32
    %sign3A_273 = arith.extui %sign3A_272 : i1 to i32
    %sign3A_274 = arith.constant 0 : i32
    %sign3A_275 = arith.cmpi slt, %jit3A_262, %sign3A_274 : i32
    %sign3A_276 = arith.extui %sign3A_275 : i1 to i32
    %sign3A_277 = arith.subi %sign3A_273, %sign3A_276 : i32
    %ne3A_278 = arith.cmpi ne, %sign3A_270, %sign3A_277 : i32
    %rem3A_279 = arith.remsi %add3A_261, %jit3A_262 : i32
    %ne3A_280 = arith.constant 0 : i32
    %ne3A_281 = arith.cmpi ne, %rem3A_279, %ne3A_280 : i32
    %and3A_282 = arith.andi %ne3A_278, %ne3A_281 : i1
    %sub3A_283 = arith.constant 1 : i32
    %sub3A_284 = arith.subi %div3A_263, %sub3A_283 : i32
    %select_n3A_285 = arith.select %and3A_282, %sub3A_284, %div3A_263 : i32
    %while3A_286 = arith.constant 0 : i32
    %while3A_287 = arith.subi %select_n3A_285, %while3A_286 : i32
    %while3A_288 = arith.addi %while3A_286, %while3A_287 : i32
    %while3A_289 = arith.constant 1 : i32
    %while3A_290 = arith.divsi %while3A_287, %while3A_289 : i32
    %while3A_291 = arith.muli %while3A_290, %while3A_289 : i32
    %while3A_292 = arith.addi %while3A_286, %while3A_291 : i32
    %while3A_293 = arith.constant 1 : i32
    %while3A_294 = scf.for %while3A_817 = %while3A_286 to %while3A_292 step %while3A_293 iter_args(%while3A_818 = %while3A_249) -> (i32)  : i32 {
      %mul3A_819 = arith.constant 16 : i32
      %mul3A_820 = arith.muli %while3A_817, %mul3A_819 : i32
      %add3A_821 = arith.constant 5120 : i32
      %add3A_822 = arith.addi %add3A_821, %mul3A_820 : i32
      %mul3A_823 = arith.constant 16 : i32
      %mul3A_824 = arith.muli %while3A_818, %mul3A_823 : i32
      "tpu.region"() ({
        %run_scoped3A = tpu.sem_alloc : memref<!tpu.dma_semaphore, #tpu.memory_space<semaphore_mem>>
        %dma_start3A = tpu.memref_slice %arg12[%mul3A_824] : memref<16640xi32, #tpu.memory_space<vmem>> -> memref<16xi32, #tpu.memory_space<vmem>>
        %dma_start3A_829 = tpu.memref_slice %arg17[%add3A_822] : memref<16384xi32, #tpu.memory_space<vmem_shared>> -> memref<16xi32, #tpu.memory_space<vmem_shared>>
        %dma_start3A_830 = tpu.memref_slice %arg12[%mul3A_824] : memref<16640xi32, #tpu.memory_space<vmem>> -> memref<16xi32, #tpu.memory_space<vmem>>
        %dma_start3A_831 = tpu.memref_slice %arg17[%add3A_822] : memref<16384xi32, #tpu.memory_space<vmem_shared>> -> memref<16xi32, #tpu.memory_space<vmem_shared>>
        tpu.enqueue_dma source(%dma_start3A_831 : memref<16xi32, #tpu.memory_space<vmem_shared>>) target(%dma_start3A_830 : memref<16xi32, #tpu.memory_space<vmem>>) target_semaphore(%run_scoped3A : memref<!tpu.dma_semaphore, #tpu.memory_space<semaphore_mem>>)
        %dma_wait3A = tpu.memref_slice %arg12[%mul3A_824] : memref<16640xi32, #tpu.memory_space<vmem>> -> memref<16xi32, #tpu.memory_space<vmem>>
        %dma_wait3A_832 = tpu.memref_slice %arg17[%add3A_822] : memref<16384xi32, #tpu.memory_space<vmem_shared>> -> memref<16xi32, #tpu.memory_space<vmem_shared>>
        %dma_wait3A_833 = tpu.memref_slice %arg12[%mul3A_824] : memref<16640xi32, #tpu.memory_space<vmem>> -> memref<16xi32, #tpu.memory_space<vmem>>
        %dma_wait3A_834 = tpu.memref_slice %arg17[%add3A_822] : memref<16384xi32, #tpu.memory_space<vmem_shared>> -> memref<16xi32, #tpu.memory_space<vmem_shared>>
        tpu.wait_dma2 semaphore(%run_scoped3A : memref<!tpu.dma_semaphore, #tpu.memory_space<semaphore_mem>>) src(%dma_wait3A_834 : memref<16xi32, #tpu.memory_space<vmem_shared>>) dst(%dma_wait3A_833 : memref<16xi32, #tpu.memory_space<vmem>>)
        tpu.yield
      }) : () -> ()
      %mul3A_825 = arith.constant 16 : i32
      %mul3A_826 = arith.muli %while3A_818, %mul3A_825 : i32
      "tpu.region"() ({
        %run_scoped3A = tpu.sem_alloc : memref<!tpu.dma_semaphore, #tpu.memory_space<semaphore_mem>>
        %dma_start3A = tpu.memref_slice %arg13[%mul3A_826] : memref<16640xi32, #tpu.memory_space<vmem>> -> memref<16xi32, #tpu.memory_space<vmem>>
        %dma_start3A_829 = tpu.memref_slice %arg18[%add3A_822] : memref<16384xi32, #tpu.memory_space<vmem_shared>> -> memref<16xi32, #tpu.memory_space<vmem_shared>>
        %dma_start3A_830 = tpu.memref_slice %arg13[%mul3A_826] : memref<16640xi32, #tpu.memory_space<vmem>> -> memref<16xi32, #tpu.memory_space<vmem>>
        %dma_start3A_831 = tpu.memref_slice %arg18[%add3A_822] : memref<16384xi32, #tpu.memory_space<vmem_shared>> -> memref<16xi32, #tpu.memory_space<vmem_shared>>
        tpu.enqueue_dma source(%dma_start3A_831 : memref<16xi32, #tpu.memory_space<vmem_shared>>) target(%dma_start3A_830 : memref<16xi32, #tpu.memory_space<vmem>>) target_semaphore(%run_scoped3A : memref<!tpu.dma_semaphore, #tpu.memory_space<semaphore_mem>>)
        %dma_wait3A = tpu.memref_slice %arg13[%mul3A_826] : memref<16640xi32, #tpu.memory_space<vmem>> -> memref<16xi32, #tpu.memory_space<vmem>>
        %dma_wait3A_832 = tpu.memref_slice %arg18[%add3A_822] : memref<16384xi32, #tpu.memory_space<vmem_shared>> -> memref<16xi32, #tpu.memory_space<vmem_shared>>
        %dma_wait3A_833 = tpu.memref_slice %arg13[%mul3A_826] : memref<16640xi32, #tpu.memory_space<vmem>> -> memref<16xi32, #tpu.memory_space<vmem>>
        %dma_wait3A_834 = tpu.memref_slice %arg18[%add3A_822] : memref<16384xi32, #tpu.memory_space<vmem_shared>> -> memref<16xi32, #tpu.memory_space<vmem_shared>>
        tpu.wait_dma2 semaphore(%run_scoped3A : memref<!tpu.dma_semaphore, #tpu.memory_space<semaphore_mem>>) src(%dma_wait3A_834 : memref<16xi32, #tpu.memory_space<vmem_shared>>) dst(%dma_wait3A_833 : memref<16xi32, #tpu.memory_space<vmem>>)
        tpu.yield
      }) : () -> ()
      %add3A_827 = arith.constant 1 : i32
      %add3A_828 = arith.addi %while3A_818, %add3A_827 : i32
      scf.yield %add3A_828 : i32
    }
    %while3A_295 = arith.constant 1 : i32
    %while3A_296 = scf.for %while3A_817 = %while3A_292 to %while3A_288 step %while3A_295 iter_args(%while3A_818 = %while3A_294) -> (i32)  : i32 {
      %mul3A_819 = arith.constant 16 : i32
      %mul3A_820 = arith.muli %while3A_817, %mul3A_819 : i32
      %add3A_821 = arith.constant 5120 : i32
      %add3A_822 = arith.addi %add3A_821, %mul3A_820 : i32
      %mul3A_823 = arith.constant 16 : i32
      %mul3A_824 = arith.muli %while3A_818, %mul3A_823 : i32
      "tpu.region"() ({
        %run_scoped3A = tpu.sem_alloc : memref<!tpu.dma_semaphore, #tpu.memory_space<semaphore_mem>>
        %dma_start3A = tpu.memref_slice %arg12[%mul3A_824] : memref<16640xi32, #tpu.memory_space<vmem>> -> memref<16xi32, #tpu.memory_space<vmem>>
        %dma_start3A_829 = tpu.memref_slice %arg17[%add3A_822] : memref<16384xi32, #tpu.memory_space<vmem_shared>> -> memref<16xi32, #tpu.memory_space<vmem_shared>>
        %dma_start3A_830 = tpu.memref_slice %arg12[%mul3A_824] : memref<16640xi32, #tpu.memory_space<vmem>> -> memref<16xi32, #tpu.memory_space<vmem>>
        %dma_start3A_831 = tpu.memref_slice %arg17[%add3A_822] : memref<16384xi32, #tpu.memory_space<vmem_shared>> -> memref<16xi32, #tpu.memory_space<vmem_shared>>
        tpu.enqueue_dma source(%dma_start3A_831 : memref<16xi32, #tpu.memory_space<vmem_shared>>) target(%dma_start3A_830 : memref<16xi32, #tpu.memory_space<vmem>>) target_semaphore(%run_scoped3A : memref<!tpu.dma_semaphore, #tpu.memory_space<semaphore_mem>>)
        %dma_wait3A = tpu.memref_slice %arg12[%mul3A_824] : memref<16640xi32, #tpu.memory_space<vmem>> -> memref<16xi32, #tpu.memory_space<vmem>>
        %dma_wait3A_832 = tpu.memref_slice %arg17[%add3A_822] : memref<16384xi32, #tpu.memory_space<vmem_shared>> -> memref<16xi32, #tpu.memory_space<vmem_shared>>
        %dma_wait3A_833 = tpu.memref_slice %arg12[%mul3A_824] : memref<16640xi32, #tpu.memory_space<vmem>> -> memref<16xi32, #tpu.memory_space<vmem>>
        %dma_wait3A_834 = tpu.memref_slice %arg17[%add3A_822] : memref<16384xi32, #tpu.memory_space<vmem_shared>> -> memref<16xi32, #tpu.memory_space<vmem_shared>>
        tpu.wait_dma2 semaphore(%run_scoped3A : memref<!tpu.dma_semaphore, #tpu.memory_space<semaphore_mem>>) src(%dma_wait3A_834 : memref<16xi32, #tpu.memory_space<vmem_shared>>) dst(%dma_wait3A_833 : memref<16xi32, #tpu.memory_space<vmem>>)
        tpu.yield
      }) : () -> ()
      %mul3A_825 = arith.constant 16 : i32
      %mul3A_826 = arith.muli %while3A_818, %mul3A_825 : i32
      "tpu.region"() ({
        %run_scoped3A = tpu.sem_alloc : memref<!tpu.dma_semaphore, #tpu.memory_space<semaphore_mem>>
        %dma_start3A = tpu.memref_slice %arg13[%mul3A_826] : memref<16640xi32, #tpu.memory_space<vmem>> -> memref<16xi32, #tpu.memory_space<vmem>>
        %dma_start3A_829 = tpu.memref_slice %arg18[%add3A_822] : memref<16384xi32, #tpu.memory_space<vmem_shared>> -> memref<16xi32, #tpu.memory_space<vmem_shared>>
        %dma_start3A_830 = tpu.memref_slice %arg13[%mul3A_826] : memref<16640xi32, #tpu.memory_space<vmem>> -> memref<16xi32, #tpu.memory_space<vmem>>
        %dma_start3A_831 = tpu.memref_slice %arg18[%add3A_822] : memref<16384xi32, #tpu.memory_space<vmem_shared>> -> memref<16xi32, #tpu.memory_space<vmem_shared>>
        tpu.enqueue_dma source(%dma_start3A_831 : memref<16xi32, #tpu.memory_space<vmem_shared>>) target(%dma_start3A_830 : memref<16xi32, #tpu.memory_space<vmem>>) target_semaphore(%run_scoped3A : memref<!tpu.dma_semaphore, #tpu.memory_space<semaphore_mem>>)
        %dma_wait3A = tpu.memref_slice %arg13[%mul3A_826] : memref<16640xi32, #tpu.memory_space<vmem>> -> memref<16xi32, #tpu.memory_space<vmem>>
        %dma_wait3A_832 = tpu.memref_slice %arg18[%add3A_822] : memref<16384xi32, #tpu.memory_space<vmem_shared>> -> memref<16xi32, #tpu.memory_space<vmem_shared>>
        %dma_wait3A_833 = tpu.memref_slice %arg13[%mul3A_826] : memref<16640xi32, #tpu.memory_space<vmem>> -> memref<16xi32, #tpu.memory_space<vmem>>
        %dma_wait3A_834 = tpu.memref_slice %arg18[%add3A_822] : memref<16384xi32, #tpu.memory_space<vmem_shared>> -> memref<16xi32, #tpu.memory_space<vmem_shared>>
        tpu.wait_dma2 semaphore(%run_scoped3A : memref<!tpu.dma_semaphore, #tpu.memory_space<semaphore_mem>>) src(%dma_wait3A_834 : memref<16xi32, #tpu.memory_space<vmem_shared>>) dst(%dma_wait3A_833 : memref<16xi32, #tpu.memory_space<vmem>>)
        tpu.yield
      }) : () -> ()
      %add3A_827 = arith.constant 1 : i32
      %add3A_828 = arith.addi %while3A_818, %add3A_827 : i32
      scf.yield %add3A_828 : i32
    }
    %get3A_297 = arith.constant 96 : index
    %get3A_298 = tpu.vector_load %arg14[%get3A_297] {strides = array<i32>} : memref<256xi32, #tpu.memory_space<vmem>>, vector<16xi32>,
    %reduce_max3A_299 = arith.constant true
    %reduce_max3A_300 = vector.broadcast %reduce_max3A_299 : i1 to vector<16xi1>
    %reduce_max3A_301 = arith.constant -2147483648 : i32
    %reduce_max3A_302 = vector.broadcast %reduce_max3A_301 : i32 to vector<16xi32>
    %reduce_max3A_303 = arith.xori %get3A_298, %reduce_max3A_302 : vector<16xi32>
    %reduce_max3A_304 = tpu.scan <max>, %reduce_max3A_303 masked %reduce_max3A_300 : vector<16xi32>, vector<16xi1> -> vector<16xi32>
    %reduce_max3A_305 = arith.xori %reduce_max3A_304, %reduce_max3A_302 : vector<16xi32>
    %reduce_max3A_306 = vector.extract %reduce_max3A_305[15] : i32 from vector<16xi32>
    %add3A_307 = arith.constant 15 : i32
    %add3A_308 = arith.addi %reduce_max3A_306, %add3A_307 : i32
    %jit3A_309 = arith.constant 16 : i32
    %div3A_310 = arith.divsi %add3A_308, %jit3A_309 : i32
    %sign3A_311 = arith.constant 0 : i32
    %sign3A_312 = arith.cmpi sgt, %add3A_308, %sign3A_311 : i32
    %sign3A_313 = arith.extui %sign3A_312 : i1 to i32
    %sign3A_314 = arith.constant 0 : i32
    %sign3A_315 = arith.cmpi slt, %add3A_308, %sign3A_314 : i32
    %sign3A_316 = arith.extui %sign3A_315 : i1 to i32
    %sign3A_317 = arith.subi %sign3A_313, %sign3A_316 : i32
    %sign3A_318 = arith.constant 0 : i32
    %sign3A_319 = arith.cmpi sgt, %jit3A_309, %sign3A_318 : i32
    %sign3A_320 = arith.extui %sign3A_319 : i1 to i32
    %sign3A_321 = arith.constant 0 : i32
    %sign3A_322 = arith.cmpi slt, %jit3A_309, %sign3A_321 : i32
    %sign3A_323 = arith.extui %sign3A_322 : i1 to i32
    %sign3A_324 = arith.subi %sign3A_320, %sign3A_323 : i32
    %ne3A_325 = arith.cmpi ne, %sign3A_317, %sign3A_324 : i32
    %rem3A_326 = arith.remsi %add3A_308, %jit3A_309 : i32
    %ne3A_327 = arith.constant 0 : i32
    %ne3A_328 = arith.cmpi ne, %rem3A_326, %ne3A_327 : i32
    %and3A_329 = arith.andi %ne3A_325, %ne3A_328 : i1
    %sub3A_330 = arith.constant 1 : i32
    %sub3A_331 = arith.subi %div3A_310, %sub3A_330 : i32
    %select_n3A_332 = arith.select %and3A_329, %sub3A_331, %div3A_310 : i32
    %while3A_333 = arith.constant 0 : i32
    %while3A_334 = arith.subi %select_n3A_332, %while3A_333 : i32
    %while3A_335 = arith.addi %while3A_333, %while3A_334 : i32
    %while3A_336 = arith.constant 1 : i32
    %while3A_337 = arith.divsi %while3A_334, %while3A_336 : i32
    %while3A_338 = arith.muli %while3A_337, %while3A_336 : i32
    %while3A_339 = arith.addi %while3A_333, %while3A_338 : i32
    %while3A_340 = arith.constant 1 : i32
    %while3A_341 = scf.for %while3A_817 = %while3A_333 to %while3A_339 step %while3A_340 iter_args(%while3A_818 = %while3A_296) -> (i32)  : i32 {
      %mul3A_819 = arith.constant 16 : i32
      %mul3A_820 = arith.muli %while3A_817, %mul3A_819 : i32
      %add3A_821 = arith.constant 6144 : i32
      %add3A_822 = arith.addi %add3A_821, %mul3A_820 : i32
      %mul3A_823 = arith.constant 16 : i32
      %mul3A_824 = arith.muli %while3A_818, %mul3A_823 : i32
      "tpu.region"() ({
        %run_scoped3A = tpu.sem_alloc : memref<!tpu.dma_semaphore, #tpu.memory_space<semaphore_mem>>
        %dma_start3A = tpu.memref_slice %arg12[%mul3A_824] : memref<16640xi32, #tpu.memory_space<vmem>> -> memref<16xi32, #tpu.memory_space<vmem>>
        %dma_start3A_829 = tpu.memref_slice %arg17[%add3A_822] : memref<16384xi32, #tpu.memory_space<vmem_shared>> -> memref<16xi32, #tpu.memory_space<vmem_shared>>
        %dma_start3A_830 = tpu.memref_slice %arg12[%mul3A_824] : memref<16640xi32, #tpu.memory_space<vmem>> -> memref<16xi32, #tpu.memory_space<vmem>>
        %dma_start3A_831 = tpu.memref_slice %arg17[%add3A_822] : memref<16384xi32, #tpu.memory_space<vmem_shared>> -> memref<16xi32, #tpu.memory_space<vmem_shared>>
        tpu.enqueue_dma source(%dma_start3A_831 : memref<16xi32, #tpu.memory_space<vmem_shared>>) target(%dma_start3A_830 : memref<16xi32, #tpu.memory_space<vmem>>) target_semaphore(%run_scoped3A : memref<!tpu.dma_semaphore, #tpu.memory_space<semaphore_mem>>)
        %dma_wait3A = tpu.memref_slice %arg12[%mul3A_824] : memref<16640xi32, #tpu.memory_space<vmem>> -> memref<16xi32, #tpu.memory_space<vmem>>
        %dma_wait3A_832 = tpu.memref_slice %arg17[%add3A_822] : memref<16384xi32, #tpu.memory_space<vmem_shared>> -> memref<16xi32, #tpu.memory_space<vmem_shared>>
        %dma_wait3A_833 = tpu.memref_slice %arg12[%mul3A_824] : memref<16640xi32, #tpu.memory_space<vmem>> -> memref<16xi32, #tpu.memory_space<vmem>>
        %dma_wait3A_834 = tpu.memref_slice %arg17[%add3A_822] : memref<16384xi32, #tpu.memory_space<vmem_shared>> -> memref<16xi32, #tpu.memory_space<vmem_shared>>
        tpu.wait_dma2 semaphore(%run_scoped3A : memref<!tpu.dma_semaphore, #tpu.memory_space<semaphore_mem>>) src(%dma_wait3A_834 : memref<16xi32, #tpu.memory_space<vmem_shared>>) dst(%dma_wait3A_833 : memref<16xi32, #tpu.memory_space<vmem>>)
        tpu.yield
      }) : () -> ()
      %mul3A_825 = arith.constant 16 : i32
      %mul3A_826 = arith.muli %while3A_818, %mul3A_825 : i32
      "tpu.region"() ({
        %run_scoped3A = tpu.sem_alloc : memref<!tpu.dma_semaphore, #tpu.memory_space<semaphore_mem>>
        %dma_start3A = tpu.memref_slice %arg13[%mul3A_826] : memref<16640xi32, #tpu.memory_space<vmem>> -> memref<16xi32, #tpu.memory_space<vmem>>
        %dma_start3A_829 = tpu.memref_slice %arg18[%add3A_822] : memref<16384xi32, #tpu.memory_space<vmem_shared>> -> memref<16xi32, #tpu.memory_space<vmem_shared>>
        %dma_start3A_830 = tpu.memref_slice %arg13[%mul3A_826] : memref<16640xi32, #tpu.memory_space<vmem>> -> memref<16xi32, #tpu.memory_space<vmem>>
        %dma_start3A_831 = tpu.memref_slice %arg18[%add3A_822] : memref<16384xi32, #tpu.memory_space<vmem_shared>> -> memref<16xi32, #tpu.memory_space<vmem_shared>>
        tpu.enqueue_dma source(%dma_start3A_831 : memref<16xi32, #tpu.memory_space<vmem_shared>>) target(%dma_start3A_830 : memref<16xi32, #tpu.memory_space<vmem>>) target_semaphore(%run_scoped3A : memref<!tpu.dma_semaphore, #tpu.memory_space<semaphore_mem>>)
        %dma_wait3A = tpu.memref_slice %arg13[%mul3A_826] : memref<16640xi32, #tpu.memory_space<vmem>> -> memref<16xi32, #tpu.memory_space<vmem>>
        %dma_wait3A_832 = tpu.memref_slice %arg18[%add3A_822] : memref<16384xi32, #tpu.memory_space<vmem_shared>> -> memref<16xi32, #tpu.memory_space<vmem_shared>>
        %dma_wait3A_833 = tpu.memref_slice %arg13[%mul3A_826] : memref<16640xi32, #tpu.memory_space<vmem>> -> memref<16xi32, #tpu.memory_space<vmem>>
        %dma_wait3A_834 = tpu.memref_slice %arg18[%add3A_822] : memref<16384xi32, #tpu.memory_space<vmem_shared>> -> memref<16xi32, #tpu.memory_space<vmem_shared>>
        tpu.wait_dma2 semaphore(%run_scoped3A : memref<!tpu.dma_semaphore, #tpu.memory_space<semaphore_mem>>) src(%dma_wait3A_834 : memref<16xi32, #tpu.memory_space<vmem_shared>>) dst(%dma_wait3A_833 : memref<16xi32, #tpu.memory_space<vmem>>)
        tpu.yield
      }) : () -> ()
      %add3A_827 = arith.constant 1 : i32
      %add3A_828 = arith.addi %while3A_818, %add3A_827 : i32
      scf.yield %add3A_828 : i32
    }
    %while3A_342 = arith.constant 1 : i32
    %while3A_343 = scf.for %while3A_817 = %while3A_339 to %while3A_335 step %while3A_342 iter_args(%while3A_818 = %while3A_341) -> (i32)  : i32 {
      %mul3A_819 = arith.constant 16 : i32
      %mul3A_820 = arith.muli %while3A_817, %mul3A_819 : i32
      %add3A_821 = arith.constant 6144 : i32
      %add3A_822 = arith.addi %add3A_821, %mul3A_820 : i32
      %mul3A_823 = arith.constant 16 : i32
      %mul3A_824 = arith.muli %while3A_818, %mul3A_823 : i32
      "tpu.region"() ({
        %run_scoped3A = tpu.sem_alloc : memref<!tpu.dma_semaphore, #tpu.memory_space<semaphore_mem>>
        %dma_start3A = tpu.memref_slice %arg12[%mul3A_824] : memref<16640xi32, #tpu.memory_space<vmem>> -> memref<16xi32, #tpu.memory_space<vmem>>
        %dma_start3A_829 = tpu.memref_slice %arg17[%add3A_822] : memref<16384xi32, #tpu.memory_space<vmem_shared>> -> memref<16xi32, #tpu.memory_space<vmem_shared>>
        %dma_start3A_830 = tpu.memref_slice %arg12[%mul3A_824] : memref<16640xi32, #tpu.memory_space<vmem>> -> memref<16xi32, #tpu.memory_space<vmem>>
        %dma_start3A_831 = tpu.memref_slice %arg17[%add3A_822] : memref<16384xi32, #tpu.memory_space<vmem_shared>> -> memref<16xi32, #tpu.memory_space<vmem_shared>>
        tpu.enqueue_dma source(%dma_start3A_831 : memref<16xi32, #tpu.memory_space<vmem_shared>>) target(%dma_start3A_830 : memref<16xi32, #tpu.memory_space<vmem>>) target_semaphore(%run_scoped3A : memref<!tpu.dma_semaphore, #tpu.memory_space<semaphore_mem>>)
        %dma_wait3A = tpu.memref_slice %arg12[%mul3A_824] : memref<16640xi32, #tpu.memory_space<vmem>> -> memref<16xi32, #tpu.memory_space<vmem>>
        %dma_wait3A_832 = tpu.memref_slice %arg17[%add3A_822] : memref<16384xi32, #tpu.memory_space<vmem_shared>> -> memref<16xi32, #tpu.memory_space<vmem_shared>>
        %dma_wait3A_833 = tpu.memref_slice %arg12[%mul3A_824] : memref<16640xi32, #tpu.memory_space<vmem>> -> memref<16xi32, #tpu.memory_space<vmem>>
        %dma_wait3A_834 = tpu.memref_slice %arg17[%add3A_822] : memref<16384xi32, #tpu.memory_space<vmem_shared>> -> memref<16xi32, #tpu.memory_space<vmem_shared>>
        tpu.wait_dma2 semaphore(%run_scoped3A : memref<!tpu.dma_semaphore, #tpu.memory_space<semaphore_mem>>) src(%dma_wait3A_834 : memref<16xi32, #tpu.memory_space<vmem_shared>>) dst(%dma_wait3A_833 : memref<16xi32, #tpu.memory_space<vmem>>)
        tpu.yield
      }) : () -> ()
      %mul3A_825 = arith.constant 16 : i32
      %mul3A_826 = arith.muli %while3A_818, %mul3A_825 : i32
      "tpu.region"() ({
        %run_scoped3A = tpu.sem_alloc : memref<!tpu.dma_semaphore, #tpu.memory_space<semaphore_mem>>
        %dma_start3A = tpu.memref_slice %arg13[%mul3A_826] : memref<16640xi32, #tpu.memory_space<vmem>> -> memref<16xi32, #tpu.memory_space<vmem>>
        %dma_start3A_829 = tpu.memref_slice %arg18[%add3A_822] : memref<16384xi32, #tpu.memory_space<vmem_shared>> -> memref<16xi32, #tpu.memory_space<vmem_shared>>
        %dma_start3A_830 = tpu.memref_slice %arg13[%mul3A_826] : memref<16640xi32, #tpu.memory_space<vmem>> -> memref<16xi32, #tpu.memory_space<vmem>>
        %dma_start3A_831 = tpu.memref_slice %arg18[%add3A_822] : memref<16384xi32, #tpu.memory_space<vmem_shared>> -> memref<16xi32, #tpu.memory_space<vmem_shared>>
        tpu.enqueue_dma source(%dma_start3A_831 : memref<16xi32, #tpu.memory_space<vmem_shared>>) target(%dma_start3A_830 : memref<16xi32, #tpu.memory_space<vmem>>) target_semaphore(%run_scoped3A : memref<!tpu.dma_semaphore, #tpu.memory_space<semaphore_mem>>)
        %dma_wait3A = tpu.memref_slice %arg13[%mul3A_826] : memref<16640xi32, #tpu.memory_space<vmem>> -> memref<16xi32, #tpu.memory_space<vmem>>
        %dma_wait3A_832 = tpu.memref_slice %arg18[%add3A_822] : memref<16384xi32, #tpu.memory_space<vmem_shared>> -> memref<16xi32, #tpu.memory_space<vmem_shared>>
        %dma_wait3A_833 = tpu.memref_slice %arg13[%mul3A_826] : memref<16640xi32, #tpu.memory_space<vmem>> -> memref<16xi32, #tpu.memory_space<vmem>>
        %dma_wait3A_834 = tpu.memref_slice %arg18[%add3A_822] : memref<16384xi32, #tpu.memory_space<vmem_shared>> -> memref<16xi32, #tpu.memory_space<vmem_shared>>
        tpu.wait_dma2 semaphore(%run_scoped3A : memref<!tpu.dma_semaphore, #tpu.memory_space<semaphore_mem>>) src(%dma_wait3A_834 : memref<16xi32, #tpu.memory_space<vmem_shared>>) dst(%dma_wait3A_833 : memref<16xi32, #tpu.memory_space<vmem>>)
        tpu.yield
      }) : () -> ()
      %add3A_827 = arith.constant 1 : i32
      %add3A_828 = arith.addi %while3A_818, %add3A_827 : i32
      scf.yield %add3A_828 : i32
    }
    %get3A_344 = arith.constant 112 : index
    %get3A_345 = tpu.vector_load %arg14[%get3A_344] {strides = array<i32>} : memref<256xi32, #tpu.memory_space<vmem>>, vector<16xi32>,
    %reduce_max3A_346 = arith.constant true
    %reduce_max3A_347 = vector.broadcast %reduce_max3A_346 : i1 to vector<16xi1>
    %reduce_max3A_348 = arith.constant -2147483648 : i32
    %reduce_max3A_349 = vector.broadcast %reduce_max3A_348 : i32 to vector<16xi32>
    %reduce_max3A_350 = arith.xori %get3A_345, %reduce_max3A_349 : vector<16xi32>
    %reduce_max3A_351 = tpu.scan <max>, %reduce_max3A_350 masked %reduce_max3A_347 : vector<16xi32>, vector<16xi1> -> vector<16xi32>
    %reduce_max3A_352 = arith.xori %reduce_max3A_351, %reduce_max3A_349 : vector<16xi32>
    %reduce_max3A_353 = vector.extract %reduce_max3A_352[15] : i32 from vector<16xi32>
    %add3A_354 = arith.constant 15 : i32
    %add3A_355 = arith.addi %reduce_max3A_353, %add3A_354 : i32
    %jit3A_356 = arith.constant 16 : i32
    %div3A_357 = arith.divsi %add3A_355, %jit3A_356 : i32
    %sign3A_358 = arith.constant 0 : i32
    %sign3A_359 = arith.cmpi sgt, %add3A_355, %sign3A_358 : i32
    %sign3A_360 = arith.extui %sign3A_359 : i1 to i32
    %sign3A_361 = arith.constant 0 : i32
    %sign3A_362 = arith.cmpi slt, %add3A_355, %sign3A_361 : i32
    %sign3A_363 = arith.extui %sign3A_362 : i1 to i32
    %sign3A_364 = arith.subi %sign3A_360, %sign3A_363 : i32
    %sign3A_365 = arith.constant 0 : i32
    %sign3A_366 = arith.cmpi sgt, %jit3A_356, %sign3A_365 : i32
    %sign3A_367 = arith.extui %sign3A_366 : i1 to i32
    %sign3A_368 = arith.constant 0 : i32
    %sign3A_369 = arith.cmpi slt, %jit3A_356, %sign3A_368 : i32
    %sign3A_370 = arith.extui %sign3A_369 : i1 to i32
    %sign3A_371 = arith.subi %sign3A_367, %sign3A_370 : i32
    %ne3A_372 = arith.cmpi ne, %sign3A_364, %sign3A_371 : i32
    %rem3A_373 = arith.remsi %add3A_355, %jit3A_356 : i32
    %ne3A_374 = arith.constant 0 : i32
    %ne3A_375 = arith.cmpi ne, %rem3A_373, %ne3A_374 : i32
    %and3A_376 = arith.andi %ne3A_372, %ne3A_375 : i1
    %sub3A_377 = arith.constant 1 : i32
    %sub3A_378 = arith.subi %div3A_357, %sub3A_377 : i32
    %select_n3A_379 = arith.select %and3A_376, %sub3A_378, %div3A_357 : i32
    %while3A_380 = arith.constant 0 : i32
    %while3A_381 = arith.subi %select_n3A_379, %while3A_380 : i32
    %while3A_382 = arith.addi %while3A_380, %while3A_381 : i32
    %while3A_383 = arith.constant 1 : i32
    %while3A_384 = arith.divsi %while3A_381, %while3A_383 : i32
    %while3A_385 = arith.muli %while3A_384, %while3A_383 : i32
    %while3A_386 = arith.addi %while3A_380, %while3A_385 : i32
    %while3A_387 = arith.constant 1 : i32
    %while3A_388 = scf.for %while3A_817 = %while3A_380 to %while3A_386 step %while3A_387 iter_args(%while3A_818 = %while3A_343) -> (i32)  : i32 {
      %mul3A_819 = arith.constant 16 : i32
      %mul3A_820 = arith.muli %while3A_817, %mul3A_819 : i32
      %add3A_821 = arith.constant 7168 : i32
      %add3A_822 = arith.addi %add3A_821, %mul3A_820 : i32
      %mul3A_823 = arith.constant 16 : i32
      %mul3A_824 = arith.muli %while3A_818, %mul3A_823 : i32
      "tpu.region"() ({
        %run_scoped3A = tpu.sem_alloc : memref<!tpu.dma_semaphore, #tpu.memory_space<semaphore_mem>>
        %dma_start3A = tpu.memref_slice %arg12[%mul3A_824] : memref<16640xi32, #tpu.memory_space<vmem>> -> memref<16xi32, #tpu.memory_space<vmem>>
        %dma_start3A_829 = tpu.memref_slice %arg17[%add3A_822] : memref<16384xi32, #tpu.memory_space<vmem_shared>> -> memref<16xi32, #tpu.memory_space<vmem_shared>>
        %dma_start3A_830 = tpu.memref_slice %arg12[%mul3A_824] : memref<16640xi32, #tpu.memory_space<vmem>> -> memref<16xi32, #tpu.memory_space<vmem>>
        %dma_start3A_831 = tpu.memref_slice %arg17[%add3A_822] : memref<16384xi32, #tpu.memory_space<vmem_shared>> -> memref<16xi32, #tpu.memory_space<vmem_shared>>
        tpu.enqueue_dma source(%dma_start3A_831 : memref<16xi32, #tpu.memory_space<vmem_shared>>) target(%dma_start3A_830 : memref<16xi32, #tpu.memory_space<vmem>>) target_semaphore(%run_scoped3A : memref<!tpu.dma_semaphore, #tpu.memory_space<semaphore_mem>>)
        %dma_wait3A = tpu.memref_slice %arg12[%mul3A_824] : memref<16640xi32, #tpu.memory_space<vmem>> -> memref<16xi32, #tpu.memory_space<vmem>>
        %dma_wait3A_832 = tpu.memref_slice %arg17[%add3A_822] : memref<16384xi32, #tpu.memory_space<vmem_shared>> -> memref<16xi32, #tpu.memory_space<vmem_shared>>
        %dma_wait3A_833 = tpu.memref_slice %arg12[%mul3A_824] : memref<16640xi32, #tpu.memory_space<vmem>> -> memref<16xi32, #tpu.memory_space<vmem>>
        %dma_wait3A_834 = tpu.memref_slice %arg17[%add3A_822] : memref<16384xi32, #tpu.memory_space<vmem_shared>> -> memref<16xi32, #tpu.memory_space<vmem_shared>>
        tpu.wait_dma2 semaphore(%run_scoped3A : memref<!tpu.dma_semaphore, #tpu.memory_space<semaphore_mem>>) src(%dma_wait3A_834 : memref<16xi32, #tpu.memory_space<vmem_shared>>) dst(%dma_wait3A_833 : memref<16xi32, #tpu.memory_space<vmem>>)
        tpu.yield
      }) : () -> ()
      %mul3A_825 = arith.constant 16 : i32
      %mul3A_826 = arith.muli %while3A_818, %mul3A_825 : i32
      "tpu.region"() ({
        %run_scoped3A = tpu.sem_alloc : memref<!tpu.dma_semaphore, #tpu.memory_space<semaphore_mem>>
        %dma_start3A = tpu.memref_slice %arg13[%mul3A_826] : memref<16640xi32, #tpu.memory_space<vmem>> -> memref<16xi32, #tpu.memory_space<vmem>>
        %dma_start3A_829 = tpu.memref_slice %arg18[%add3A_822] : memref<16384xi32, #tpu.memory_space<vmem_shared>> -> memref<16xi32, #tpu.memory_space<vmem_shared>>
        %dma_start3A_830 = tpu.memref_slice %arg13[%mul3A_826] : memref<16640xi32, #tpu.memory_space<vmem>> -> memref<16xi32, #tpu.memory_space<vmem>>
        %dma_start3A_831 = tpu.memref_slice %arg18[%add3A_822] : memref<16384xi32, #tpu.memory_space<vmem_shared>> -> memref<16xi32, #tpu.memory_space<vmem_shared>>
        tpu.enqueue_dma source(%dma_start3A_831 : memref<16xi32, #tpu.memory_space<vmem_shared>>) target(%dma_start3A_830 : memref<16xi32, #tpu.memory_space<vmem>>) target_semaphore(%run_scoped3A : memref<!tpu.dma_semaphore, #tpu.memory_space<semaphore_mem>>)
        %dma_wait3A = tpu.memref_slice %arg13[%mul3A_826] : memref<16640xi32, #tpu.memory_space<vmem>> -> memref<16xi32, #tpu.memory_space<vmem>>
        %dma_wait3A_832 = tpu.memref_slice %arg18[%add3A_822] : memref<16384xi32, #tpu.memory_space<vmem_shared>> -> memref<16xi32, #tpu.memory_space<vmem_shared>>
        %dma_wait3A_833 = tpu.memref_slice %arg13[%mul3A_826] : memref<16640xi32, #tpu.memory_space<vmem>> -> memref<16xi32, #tpu.memory_space<vmem>>
        %dma_wait3A_834 = tpu.memref_slice %arg18[%add3A_822] : memref<16384xi32, #tpu.memory_space<vmem_shared>> -> memref<16xi32, #tpu.memory_space<vmem_shared>>
        tpu.wait_dma2 semaphore(%run_scoped3A : memref<!tpu.dma_semaphore, #tpu.memory_space<semaphore_mem>>) src(%dma_wait3A_834 : memref<16xi32, #tpu.memory_space<vmem_shared>>) dst(%dma_wait3A_833 : memref<16xi32, #tpu.memory_space<vmem>>)
        tpu.yield
      }) : () -> ()
      %add3A_827 = arith.constant 1 : i32
      %add3A_828 = arith.addi %while3A_818, %add3A_827 : i32
      scf.yield %add3A_828 : i32
    }
    %while3A_389 = arith.constant 1 : i32
    %while3A_390 = scf.for %while3A_817 = %while3A_386 to %while3A_382 step %while3A_389 iter_args(%while3A_818 = %while3A_388) -> (i32)  : i32 {
      %mul3A_819 = arith.constant 16 : i32
      %mul3A_820 = arith.muli %while3A_817, %mul3A_819 : i32
      %add3A_821 = arith.constant 7168 : i32
      %add3A_822 = arith.addi %add3A_821, %mul3A_820 : i32
      %mul3A_823 = arith.constant 16 : i32
      %mul3A_824 = arith.muli %while3A_818, %mul3A_823 : i32
      "tpu.region"() ({
        %run_scoped3A = tpu.sem_alloc : memref<!tpu.dma_semaphore, #tpu.memory_space<semaphore_mem>>
        %dma_start3A = tpu.memref_slice %arg12[%mul3A_824] : memref<16640xi32, #tpu.memory_space<vmem>> -> memref<16xi32, #tpu.memory_space<vmem>>
        %dma_start3A_829 = tpu.memref_slice %arg17[%add3A_822] : memref<16384xi32, #tpu.memory_space<vmem_shared>> -> memref<16xi32, #tpu.memory_space<vmem_shared>>
        %dma_start3A_830 = tpu.memref_slice %arg12[%mul3A_824] : memref<16640xi32, #tpu.memory_space<vmem>> -> memref<16xi32, #tpu.memory_space<vmem>>
        %dma_start3A_831 = tpu.memref_slice %arg17[%add3A_822] : memref<16384xi32, #tpu.memory_space<vmem_shared>> -> memref<16xi32, #tpu.memory_space<vmem_shared>>
        tpu.enqueue_dma source(%dma_start3A_831 : memref<16xi32, #tpu.memory_space<vmem_shared>>) target(%dma_start3A_830 : memref<16xi32, #tpu.memory_space<vmem>>) target_semaphore(%run_scoped3A : memref<!tpu.dma_semaphore, #tpu.memory_space<semaphore_mem>>)
        %dma_wait3A = tpu.memref_slice %arg12[%mul3A_824] : memref<16640xi32, #tpu.memory_space<vmem>> -> memref<16xi32, #tpu.memory_space<vmem>>
        %dma_wait3A_832 = tpu.memref_slice %arg17[%add3A_822] : memref<16384xi32, #tpu.memory_space<vmem_shared>> -> memref<16xi32, #tpu.memory_space<vmem_shared>>
        %dma_wait3A_833 = tpu.memref_slice %arg12[%mul3A_824] : memref<16640xi32, #tpu.memory_space<vmem>> -> memref<16xi32, #tpu.memory_space<vmem>>
        %dma_wait3A_834 = tpu.memref_slice %arg17[%add3A_822] : memref<16384xi32, #tpu.memory_space<vmem_shared>> -> memref<16xi32, #tpu.memory_space<vmem_shared>>
        tpu.wait_dma2 semaphore(%run_scoped3A : memref<!tpu.dma_semaphore, #tpu.memory_space<semaphore_mem>>) src(%dma_wait3A_834 : memref<16xi32, #tpu.memory_space<vmem_shared>>) dst(%dma_wait3A_833 : memref<16xi32, #tpu.memory_space<vmem>>)
        tpu.yield
      }) : () -> ()
      %mul3A_825 = arith.constant 16 : i32
      %mul3A_826 = arith.muli %while3A_818, %mul3A_825 : i32
      "tpu.region"() ({
        %run_scoped3A = tpu.sem_alloc : memref<!tpu.dma_semaphore, #tpu.memory_space<semaphore_mem>>
        %dma_start3A = tpu.memref_slice %arg13[%mul3A_826] : memref<16640xi32, #tpu.memory_space<vmem>> -> memref<16xi32, #tpu.memory_space<vmem>>
        %dma_start3A_829 = tpu.memref_slice %arg18[%add3A_822] : memref<16384xi32, #tpu.memory_space<vmem_shared>> -> memref<16xi32, #tpu.memory_space<vmem_shared>>
        %dma_start3A_830 = tpu.memref_slice %arg13[%mul3A_826] : memref<16640xi32, #tpu.memory_space<vmem>> -> memref<16xi32, #tpu.memory_space<vmem>>
        %dma_start3A_831 = tpu.memref_slice %arg18[%add3A_822] : memref<16384xi32, #tpu.memory_space<vmem_shared>> -> memref<16xi32, #tpu.memory_space<vmem_shared>>
        tpu.enqueue_dma source(%dma_start3A_831 : memref<16xi32, #tpu.memory_space<vmem_shared>>) target(%dma_start3A_830 : memref<16xi32, #tpu.memory_space<vmem>>) target_semaphore(%run_scoped3A : memref<!tpu.dma_semaphore, #tpu.memory_space<semaphore_mem>>)
        %dma_wait3A = tpu.memref_slice %arg13[%mul3A_826] : memref<16640xi32, #tpu.memory_space<vmem>> -> memref<16xi32, #tpu.memory_space<vmem>>
        %dma_wait3A_832 = tpu.memref_slice %arg18[%add3A_822] : memref<16384xi32, #tpu.memory_space<vmem_shared>> -> memref<16xi32, #tpu.memory_space<vmem_shared>>
        %dma_wait3A_833 = tpu.memref_slice %arg13[%mul3A_826] : memref<16640xi32, #tpu.memory_space<vmem>> -> memref<16xi32, #tpu.memory_space<vmem>>
        %dma_wait3A_834 = tpu.memref_slice %arg18[%add3A_822] : memref<16384xi32, #tpu.memory_space<vmem_shared>> -> memref<16xi32, #tpu.memory_space<vmem_shared>>
        tpu.wait_dma2 semaphore(%run_scoped3A : memref<!tpu.dma_semaphore, #tpu.memory_space<semaphore_mem>>) src(%dma_wait3A_834 : memref<16xi32, #tpu.memory_space<vmem_shared>>) dst(%dma_wait3A_833 : memref<16xi32, #tpu.memory_space<vmem>>)
        tpu.yield
      }) : () -> ()
      %add3A_827 = arith.constant 1 : i32
      %add3A_828 = arith.addi %while3A_818, %add3A_827 : i32
      scf.yield %add3A_828 : i32
    }
    %get3A_391 = arith.constant 128 : index
    %get3A_392 = tpu.vector_load %arg14[%get3A_391] {strides = array<i32>} : memref<256xi32, #tpu.memory_space<vmem>>, vector<16xi32>,
    %reduce_max3A_393 = arith.constant true
    %reduce_max3A_394 = vector.broadcast %reduce_max3A_393 : i1 to vector<16xi1>
    %reduce_max3A_395 = arith.constant -2147483648 : i32
    %reduce_max3A_396 = vector.broadcast %reduce_max3A_395 : i32 to vector<16xi32>
    %reduce_max3A_397 = arith.xori %get3A_392, %reduce_max3A_396 : vector<16xi32>
    %reduce_max3A_398 = tpu.scan <max>, %reduce_max3A_397 masked %reduce_max3A_394 : vector<16xi32>, vector<16xi1> -> vector<16xi32>
    %reduce_max3A_399 = arith.xori %reduce_max3A_398, %reduce_max3A_396 : vector<16xi32>
    %reduce_max3A_400 = vector.extract %reduce_max3A_399[15] : i32 from vector<16xi32>
    %add3A_401 = arith.constant 15 : i32
    %add3A_402 = arith.addi %reduce_max3A_400, %add3A_401 : i32
    %jit3A_403 = arith.constant 16 : i32
    %div3A_404 = arith.divsi %add3A_402, %jit3A_403 : i32
    %sign3A_405 = arith.constant 0 : i32
    %sign3A_406 = arith.cmpi sgt, %add3A_402, %sign3A_405 : i32
    %sign3A_407 = arith.extui %sign3A_406 : i1 to i32
    %sign3A_408 = arith.constant 0 : i32
    %sign3A_409 = arith.cmpi slt, %add3A_402, %sign3A_408 : i32
    %sign3A_410 = arith.extui %sign3A_409 : i1 to i32
    %sign3A_411 = arith.subi %sign3A_407, %sign3A_410 : i32
    %sign3A_412 = arith.constant 0 : i32
    %sign3A_413 = arith.cmpi sgt, %jit3A_403, %sign3A_412 : i32
    %sign3A_414 = arith.extui %sign3A_413 : i1 to i32
    %sign3A_415 = arith.constant 0 : i32
    %sign3A_416 = arith.cmpi slt, %jit3A_403, %sign3A_415 : i32
    %sign3A_417 = arith.extui %sign3A_416 : i1 to i32
    %sign3A_418 = arith.subi %sign3A_414, %sign3A_417 : i32
    %ne3A_419 = arith.cmpi ne, %sign3A_411, %sign3A_418 : i32
    %rem3A_420 = arith.remsi %add3A_402, %jit3A_403 : i32
    %ne3A_421 = arith.constant 0 : i32
    %ne3A_422 = arith.cmpi ne, %rem3A_420, %ne3A_421 : i32
    %and3A_423 = arith.andi %ne3A_419, %ne3A_422 : i1
    %sub3A_424 = arith.constant 1 : i32
    %sub3A_425 = arith.subi %div3A_404, %sub3A_424 : i32
    %select_n3A_426 = arith.select %and3A_423, %sub3A_425, %div3A_404 : i32
    %while3A_427 = arith.constant 0 : i32
    %while3A_428 = arith.subi %select_n3A_426, %while3A_427 : i32
    %while3A_429 = arith.addi %while3A_427, %while3A_428 : i32
    %while3A_430 = arith.constant 1 : i32
    %while3A_431 = arith.divsi %while3A_428, %while3A_430 : i32
    %while3A_432 = arith.muli %while3A_431, %while3A_430 : i32
    %while3A_433 = arith.addi %while3A_427, %while3A_432 : i32
    %while3A_434 = arith.constant 1 : i32
    %while3A_435 = scf.for %while3A_817 = %while3A_427 to %while3A_433 step %while3A_434 iter_args(%while3A_818 = %while3A_390) -> (i32)  : i32 {
      %mul3A_819 = arith.constant 16 : i32
      %mul3A_820 = arith.muli %while3A_817, %mul3A_819 : i32
      %add3A_821 = arith.constant 8192 : i32
      %add3A_822 = arith.addi %add3A_821, %mul3A_820 : i32
      %mul3A_823 = arith.constant 16 : i32
      %mul3A_824 = arith.muli %while3A_818, %mul3A_823 : i32
      "tpu.region"() ({
        %run_scoped3A = tpu.sem_alloc : memref<!tpu.dma_semaphore, #tpu.memory_space<semaphore_mem>>
        %dma_start3A = tpu.memref_slice %arg12[%mul3A_824] : memref<16640xi32, #tpu.memory_space<vmem>> -> memref<16xi32, #tpu.memory_space<vmem>>
        %dma_start3A_829 = tpu.memref_slice %arg17[%add3A_822] : memref<16384xi32, #tpu.memory_space<vmem_shared>> -> memref<16xi32, #tpu.memory_space<vmem_shared>>
        %dma_start3A_830 = tpu.memref_slice %arg12[%mul3A_824] : memref<16640xi32, #tpu.memory_space<vmem>> -> memref<16xi32, #tpu.memory_space<vmem>>
        %dma_start3A_831 = tpu.memref_slice %arg17[%add3A_822] : memref<16384xi32, #tpu.memory_space<vmem_shared>> -> memref<16xi32, #tpu.memory_space<vmem_shared>>
        tpu.enqueue_dma source(%dma_start3A_831 : memref<16xi32, #tpu.memory_space<vmem_shared>>) target(%dma_start3A_830 : memref<16xi32, #tpu.memory_space<vmem>>) target_semaphore(%run_scoped3A : memref<!tpu.dma_semaphore, #tpu.memory_space<semaphore_mem>>)
        %dma_wait3A = tpu.memref_slice %arg12[%mul3A_824] : memref<16640xi32, #tpu.memory_space<vmem>> -> memref<16xi32, #tpu.memory_space<vmem>>
        %dma_wait3A_832 = tpu.memref_slice %arg17[%add3A_822] : memref<16384xi32, #tpu.memory_space<vmem_shared>> -> memref<16xi32, #tpu.memory_space<vmem_shared>>
        %dma_wait3A_833 = tpu.memref_slice %arg12[%mul3A_824] : memref<16640xi32, #tpu.memory_space<vmem>> -> memref<16xi32, #tpu.memory_space<vmem>>
        %dma_wait3A_834 = tpu.memref_slice %arg17[%add3A_822] : memref<16384xi32, #tpu.memory_space<vmem_shared>> -> memref<16xi32, #tpu.memory_space<vmem_shared>>
        tpu.wait_dma2 semaphore(%run_scoped3A : memref<!tpu.dma_semaphore, #tpu.memory_space<semaphore_mem>>) src(%dma_wait3A_834 : memref<16xi32, #tpu.memory_space<vmem_shared>>) dst(%dma_wait3A_833 : memref<16xi32, #tpu.memory_space<vmem>>)
        tpu.yield
      }) : () -> ()
      %mul3A_825 = arith.constant 16 : i32
      %mul3A_826 = arith.muli %while3A_818, %mul3A_825 : i32
      "tpu.region"() ({
        %run_scoped3A = tpu.sem_alloc : memref<!tpu.dma_semaphore, #tpu.memory_space<semaphore_mem>>
        %dma_start3A = tpu.memref_slice %arg13[%mul3A_826] : memref<16640xi32, #tpu.memory_space<vmem>> -> memref<16xi32, #tpu.memory_space<vmem>>
        %dma_start3A_829 = tpu.memref_slice %arg18[%add3A_822] : memref<16384xi32, #tpu.memory_space<vmem_shared>> -> memref<16xi32, #tpu.memory_space<vmem_shared>>
        %dma_start3A_830 = tpu.memref_slice %arg13[%mul3A_826] : memref<16640xi32, #tpu.memory_space<vmem>> -> memref<16xi32, #tpu.memory_space<vmem>>
        %dma_start3A_831 = tpu.memref_slice %arg18[%add3A_822] : memref<16384xi32, #tpu.memory_space<vmem_shared>> -> memref<16xi32, #tpu.memory_space<vmem_shared>>
        tpu.enqueue_dma source(%dma_start3A_831 : memref<16xi32, #tpu.memory_space<vmem_shared>>) target(%dma_start3A_830 : memref<16xi32, #tpu.memory_space<vmem>>) target_semaphore(%run_scoped3A : memref<!tpu.dma_semaphore, #tpu.memory_space<semaphore_mem>>)
        %dma_wait3A = tpu.memref_slice %arg13[%mul3A_826] : memref<16640xi32, #tpu.memory_space<vmem>> -> memref<16xi32, #tpu.memory_space<vmem>>
        %dma_wait3A_832 = tpu.memref_slice %arg18[%add3A_822] : memref<16384xi32, #tpu.memory_space<vmem_shared>> -> memref<16xi32, #tpu.memory_space<vmem_shared>>
        %dma_wait3A_833 = tpu.memref_slice %arg13[%mul3A_826] : memref<16640xi32, #tpu.memory_space<vmem>> -> memref<16xi32, #tpu.memory_space<vmem>>
        %dma_wait3A_834 = tpu.memref_slice %arg18[%add3A_822] : memref<16384xi32, #tpu.memory_space<vmem_shared>> -> memref<16xi32, #tpu.memory_space<vmem_shared>>
        tpu.wait_dma2 semaphore(%run_scoped3A : memref<!tpu.dma_semaphore, #tpu.memory_space<semaphore_mem>>) src(%dma_wait3A_834 : memref<16xi32, #tpu.memory_space<vmem_shared>>) dst(%dma_wait3A_833 : memref<16xi32, #tpu.memory_space<vmem>>)
        tpu.yield
      }) : () -> ()
      %add3A_827 = arith.constant 1 : i32
      %add3A_828 = arith.addi %while3A_818, %add3A_827 : i32
      scf.yield %add3A_828 : i32
    }
    %while3A_436 = arith.constant 1 : i32
    %while3A_437 = scf.for %while3A_817 = %while3A_433 to %while3A_429 step %while3A_436 iter_args(%while3A_818 = %while3A_435) -> (i32)  : i32 {
      %mul3A_819 = arith.constant 16 : i32
      %mul3A_820 = arith.muli %while3A_817, %mul3A_819 : i32
      %add3A_821 = arith.constant 8192 : i32
      %add3A_822 = arith.addi %add3A_821, %mul3A_820 : i32
      %mul3A_823 = arith.constant 16 : i32
      %mul3A_824 = arith.muli %while3A_818, %mul3A_823 : i32
      "tpu.region"() ({
        %run_scoped3A = tpu.sem_alloc : memref<!tpu.dma_semaphore, #tpu.memory_space<semaphore_mem>>
        %dma_start3A = tpu.memref_slice %arg12[%mul3A_824] : memref<16640xi32, #tpu.memory_space<vmem>> -> memref<16xi32, #tpu.memory_space<vmem>>
        %dma_start3A_829 = tpu.memref_slice %arg17[%add3A_822] : memref<16384xi32, #tpu.memory_space<vmem_shared>> -> memref<16xi32, #tpu.memory_space<vmem_shared>>
        %dma_start3A_830 = tpu.memref_slice %arg12[%mul3A_824] : memref<16640xi32, #tpu.memory_space<vmem>> -> memref<16xi32, #tpu.memory_space<vmem>>
        %dma_start3A_831 = tpu.memref_slice %arg17[%add3A_822] : memref<16384xi32, #tpu.memory_space<vmem_shared>> -> memref<16xi32, #tpu.memory_space<vmem_shared>>
        tpu.enqueue_dma source(%dma_start3A_831 : memref<16xi32, #tpu.memory_space<vmem_shared>>) target(%dma_start3A_830 : memref<16xi32, #tpu.memory_space<vmem>>) target_semaphore(%run_scoped3A : memref<!tpu.dma_semaphore, #tpu.memory_space<semaphore_mem>>)
        %dma_wait3A = tpu.memref_slice %arg12[%mul3A_824] : memref<16640xi32, #tpu.memory_space<vmem>> -> memref<16xi32, #tpu.memory_space<vmem>>
        %dma_wait3A_832 = tpu.memref_slice %arg17[%add3A_822] : memref<16384xi32, #tpu.memory_space<vmem_shared>> -> memref<16xi32, #tpu.memory_space<vmem_shared>>
        %dma_wait3A_833 = tpu.memref_slice %arg12[%mul3A_824] : memref<16640xi32, #tpu.memory_space<vmem>> -> memref<16xi32, #tpu.memory_space<vmem>>
        %dma_wait3A_834 = tpu.memref_slice %arg17[%add3A_822] : memref<16384xi32, #tpu.memory_space<vmem_shared>> -> memref<16xi32, #tpu.memory_space<vmem_shared>>
        tpu.wait_dma2 semaphore(%run_scoped3A : memref<!tpu.dma_semaphore, #tpu.memory_space<semaphore_mem>>) src(%dma_wait3A_834 : memref<16xi32, #tpu.memory_space<vmem_shared>>) dst(%dma_wait3A_833 : memref<16xi32, #tpu.memory_space<vmem>>)
        tpu.yield
      }) : () -> ()
      %mul3A_825 = arith.constant 16 : i32
      %mul3A_826 = arith.muli %while3A_818, %mul3A_825 : i32
      "tpu.region"() ({
        %run_scoped3A = tpu.sem_alloc : memref<!tpu.dma_semaphore, #tpu.memory_space<semaphore_mem>>
        %dma_start3A = tpu.memref_slice %arg13[%mul3A_826] : memref<16640xi32, #tpu.memory_space<vmem>> -> memref<16xi32, #tpu.memory_space<vmem>>
        %dma_start3A_829 = tpu.memref_slice %arg18[%add3A_822] : memref<16384xi32, #tpu.memory_space<vmem_shared>> -> memref<16xi32, #tpu.memory_space<vmem_shared>>
        %dma_start3A_830 = tpu.memref_slice %arg13[%mul3A_826] : memref<16640xi32, #tpu.memory_space<vmem>> -> memref<16xi32, #tpu.memory_space<vmem>>
        %dma_start3A_831 = tpu.memref_slice %arg18[%add3A_822] : memref<16384xi32, #tpu.memory_space<vmem_shared>> -> memref<16xi32, #tpu.memory_space<vmem_shared>>
        tpu.enqueue_dma source(%dma_start3A_831 : memref<16xi32, #tpu.memory_space<vmem_shared>>) target(%dma_start3A_830 : memref<16xi32, #tpu.memory_space<vmem>>) target_semaphore(%run_scoped3A : memref<!tpu.dma_semaphore, #tpu.memory_space<semaphore_mem>>)
        %dma_wait3A = tpu.memref_slice %arg13[%mul3A_826] : memref<16640xi32, #tpu.memory_space<vmem>> -> memref<16xi32, #tpu.memory_space<vmem>>
        %dma_wait3A_832 = tpu.memref_slice %arg18[%add3A_822] : memref<16384xi32, #tpu.memory_space<vmem_shared>> -> memref<16xi32, #tpu.memory_space<vmem_shared>>
        %dma_wait3A_833 = tpu.memref_slice %arg13[%mul3A_826] : memref<16640xi32, #tpu.memory_space<vmem>> -> memref<16xi32, #tpu.memory_space<vmem>>
        %dma_wait3A_834 = tpu.memref_slice %arg18[%add3A_822] : memref<16384xi32, #tpu.memory_space<vmem_shared>> -> memref<16xi32, #tpu.memory_space<vmem_shared>>
        tpu.wait_dma2 semaphore(%run_scoped3A : memref<!tpu.dma_semaphore, #tpu.memory_space<semaphore_mem>>) src(%dma_wait3A_834 : memref<16xi32, #tpu.memory_space<vmem_shared>>) dst(%dma_wait3A_833 : memref<16xi32, #tpu.memory_space<vmem>>)
        tpu.yield
      }) : () -> ()
      %add3A_827 = arith.constant 1 : i32
      %add3A_828 = arith.addi %while3A_818, %add3A_827 : i32
      scf.yield %add3A_828 : i32
    }
    %get3A_438 = arith.constant 144 : index
    %get3A_439 = tpu.vector_load %arg14[%get3A_438] {strides = array<i32>} : memref<256xi32, #tpu.memory_space<vmem>>, vector<16xi32>,
    %reduce_max3A_440 = arith.constant true
    %reduce_max3A_441 = vector.broadcast %reduce_max3A_440 : i1 to vector<16xi1>
    %reduce_max3A_442 = arith.constant -2147483648 : i32
    %reduce_max3A_443 = vector.broadcast %reduce_max3A_442 : i32 to vector<16xi32>
    %reduce_max3A_444 = arith.xori %get3A_439, %reduce_max3A_443 : vector<16xi32>
    %reduce_max3A_445 = tpu.scan <max>, %reduce_max3A_444 masked %reduce_max3A_441 : vector<16xi32>, vector<16xi1> -> vector<16xi32>
    %reduce_max3A_446 = arith.xori %reduce_max3A_445, %reduce_max3A_443 : vector<16xi32>
    %reduce_max3A_447 = vector.extract %reduce_max3A_446[15] : i32 from vector<16xi32>
    %add3A_448 = arith.constant 15 : i32
    %add3A_449 = arith.addi %reduce_max3A_447, %add3A_448 : i32
    %jit3A_450 = arith.constant 16 : i32
    %div3A_451 = arith.divsi %add3A_449, %jit3A_450 : i32
    %sign3A_452 = arith.constant 0 : i32
    %sign3A_453 = arith.cmpi sgt, %add3A_449, %sign3A_452 : i32
    %sign3A_454 = arith.extui %sign3A_453 : i1 to i32
    %sign3A_455 = arith.constant 0 : i32
    %sign3A_456 = arith.cmpi slt, %add3A_449, %sign3A_455 : i32
    %sign3A_457 = arith.extui %sign3A_456 : i1 to i32
    %sign3A_458 = arith.subi %sign3A_454, %sign3A_457 : i32
    %sign3A_459 = arith.constant 0 : i32
    %sign3A_460 = arith.cmpi sgt, %jit3A_450, %sign3A_459 : i32
    %sign3A_461 = arith.extui %sign3A_460 : i1 to i32
    %sign3A_462 = arith.constant 0 : i32
    %sign3A_463 = arith.cmpi slt, %jit3A_450, %sign3A_462 : i32
    %sign3A_464 = arith.extui %sign3A_463 : i1 to i32
    %sign3A_465 = arith.subi %sign3A_461, %sign3A_464 : i32
    %ne3A_466 = arith.cmpi ne, %sign3A_458, %sign3A_465 : i32
    %rem3A_467 = arith.remsi %add3A_449, %jit3A_450 : i32
    %ne3A_468 = arith.constant 0 : i32
    %ne3A_469 = arith.cmpi ne, %rem3A_467, %ne3A_468 : i32
    %and3A_470 = arith.andi %ne3A_466, %ne3A_469 : i1
    %sub3A_471 = arith.constant 1 : i32
    %sub3A_472 = arith.subi %div3A_451, %sub3A_471 : i32
    %select_n3A_473 = arith.select %and3A_470, %sub3A_472, %div3A_451 : i32
    %while3A_474 = arith.constant 0 : i32
    %while3A_475 = arith.subi %select_n3A_473, %while3A_474 : i32
    %while3A_476 = arith.addi %while3A_474, %while3A_475 : i32
    %while3A_477 = arith.constant 1 : i32
    %while3A_478 = arith.divsi %while3A_475, %while3A_477 : i32
    %while3A_479 = arith.muli %while3A_478, %while3A_477 : i32
    %while3A_480 = arith.addi %while3A_474, %while3A_479 : i32
    %while3A_481 = arith.constant 1 : i32
    %while3A_482 = scf.for %while3A_817 = %while3A_474 to %while3A_480 step %while3A_481 iter_args(%while3A_818 = %while3A_437) -> (i32)  : i32 {
      %mul3A_819 = arith.constant 16 : i32
      %mul3A_820 = arith.muli %while3A_817, %mul3A_819 : i32
      %add3A_821 = arith.constant 9216 : i32
      %add3A_822 = arith.addi %add3A_821, %mul3A_820 : i32
      %mul3A_823 = arith.constant 16 : i32
      %mul3A_824 = arith.muli %while3A_818, %mul3A_823 : i32
      "tpu.region"() ({
        %run_scoped3A = tpu.sem_alloc : memref<!tpu.dma_semaphore, #tpu.memory_space<semaphore_mem>>
        %dma_start3A = tpu.memref_slice %arg12[%mul3A_824] : memref<16640xi32, #tpu.memory_space<vmem>> -> memref<16xi32, #tpu.memory_space<vmem>>
        %dma_start3A_829 = tpu.memref_slice %arg17[%add3A_822] : memref<16384xi32, #tpu.memory_space<vmem_shared>> -> memref<16xi32, #tpu.memory_space<vmem_shared>>
        %dma_start3A_830 = tpu.memref_slice %arg12[%mul3A_824] : memref<16640xi32, #tpu.memory_space<vmem>> -> memref<16xi32, #tpu.memory_space<vmem>>
        %dma_start3A_831 = tpu.memref_slice %arg17[%add3A_822] : memref<16384xi32, #tpu.memory_space<vmem_shared>> -> memref<16xi32, #tpu.memory_space<vmem_shared>>
        tpu.enqueue_dma source(%dma_start3A_831 : memref<16xi32, #tpu.memory_space<vmem_shared>>) target(%dma_start3A_830 : memref<16xi32, #tpu.memory_space<vmem>>) target_semaphore(%run_scoped3A : memref<!tpu.dma_semaphore, #tpu.memory_space<semaphore_mem>>)
        %dma_wait3A = tpu.memref_slice %arg12[%mul3A_824] : memref<16640xi32, #tpu.memory_space<vmem>> -> memref<16xi32, #tpu.memory_space<vmem>>
        %dma_wait3A_832 = tpu.memref_slice %arg17[%add3A_822] : memref<16384xi32, #tpu.memory_space<vmem_shared>> -> memref<16xi32, #tpu.memory_space<vmem_shared>>
        %dma_wait3A_833 = tpu.memref_slice %arg12[%mul3A_824] : memref<16640xi32, #tpu.memory_space<vmem>> -> memref<16xi32, #tpu.memory_space<vmem>>
        %dma_wait3A_834 = tpu.memref_slice %arg17[%add3A_822] : memref<16384xi32, #tpu.memory_space<vmem_shared>> -> memref<16xi32, #tpu.memory_space<vmem_shared>>
        tpu.wait_dma2 semaphore(%run_scoped3A : memref<!tpu.dma_semaphore, #tpu.memory_space<semaphore_mem>>) src(%dma_wait3A_834 : memref<16xi32, #tpu.memory_space<vmem_shared>>) dst(%dma_wait3A_833 : memref<16xi32, #tpu.memory_space<vmem>>)
        tpu.yield
      }) : () -> ()
      %mul3A_825 = arith.constant 16 : i32
      %mul3A_826 = arith.muli %while3A_818, %mul3A_825 : i32
      "tpu.region"() ({
        %run_scoped3A = tpu.sem_alloc : memref<!tpu.dma_semaphore, #tpu.memory_space<semaphore_mem>>
        %dma_start3A = tpu.memref_slice %arg13[%mul3A_826] : memref<16640xi32, #tpu.memory_space<vmem>> -> memref<16xi32, #tpu.memory_space<vmem>>
        %dma_start3A_829 = tpu.memref_slice %arg18[%add3A_822] : memref<16384xi32, #tpu.memory_space<vmem_shared>> -> memref<16xi32, #tpu.memory_space<vmem_shared>>
        %dma_start3A_830 = tpu.memref_slice %arg13[%mul3A_826] : memref<16640xi32, #tpu.memory_space<vmem>> -> memref<16xi32, #tpu.memory_space<vmem>>
        %dma_start3A_831 = tpu.memref_slice %arg18[%add3A_822] : memref<16384xi32, #tpu.memory_space<vmem_shared>> -> memref<16xi32, #tpu.memory_space<vmem_shared>>
        tpu.enqueue_dma source(%dma_start3A_831 : memref<16xi32, #tpu.memory_space<vmem_shared>>) target(%dma_start3A_830 : memref<16xi32, #tpu.memory_space<vmem>>) target_semaphore(%run_scoped3A : memref<!tpu.dma_semaphore, #tpu.memory_space<semaphore_mem>>)
        %dma_wait3A = tpu.memref_slice %arg13[%mul3A_826] : memref<16640xi32, #tpu.memory_space<vmem>> -> memref<16xi32, #tpu.memory_space<vmem>>
        %dma_wait3A_832 = tpu.memref_slice %arg18[%add3A_822] : memref<16384xi32, #tpu.memory_space<vmem_shared>> -> memref<16xi32, #tpu.memory_space<vmem_shared>>
        %dma_wait3A_833 = tpu.memref_slice %arg13[%mul3A_826] : memref<16640xi32, #tpu.memory_space<vmem>> -> memref<16xi32, #tpu.memory_space<vmem>>
        %dma_wait3A_834 = tpu.memref_slice %arg18[%add3A_822] : memref<16384xi32, #tpu.memory_space<vmem_shared>> -> memref<16xi32, #tpu.memory_space<vmem_shared>>
        tpu.wait_dma2 semaphore(%run_scoped3A : memref<!tpu.dma_semaphore, #tpu.memory_space<semaphore_mem>>) src(%dma_wait3A_834 : memref<16xi32, #tpu.memory_space<vmem_shared>>) dst(%dma_wait3A_833 : memref<16xi32, #tpu.memory_space<vmem>>)
        tpu.yield
      }) : () -> ()
      %add3A_827 = arith.constant 1 : i32
      %add3A_828 = arith.addi %while3A_818, %add3A_827 : i32
      scf.yield %add3A_828 : i32
    }
    %while3A_483 = arith.constant 1 : i32
    %while3A_484 = scf.for %while3A_817 = %while3A_480 to %while3A_476 step %while3A_483 iter_args(%while3A_818 = %while3A_482) -> (i32)  : i32 {
      %mul3A_819 = arith.constant 16 : i32
      %mul3A_820 = arith.muli %while3A_817, %mul3A_819 : i32
      %add3A_821 = arith.constant 9216 : i32
      %add3A_822 = arith.addi %add3A_821, %mul3A_820 : i32
      %mul3A_823 = arith.constant 16 : i32
      %mul3A_824 = arith.muli %while3A_818, %mul3A_823 : i32
      "tpu.region"() ({
        %run_scoped3A = tpu.sem_alloc : memref<!tpu.dma_semaphore, #tpu.memory_space<semaphore_mem>>
        %dma_start3A = tpu.memref_slice %arg12[%mul3A_824] : memref<16640xi32, #tpu.memory_space<vmem>> -> memref<16xi32, #tpu.memory_space<vmem>>
        %dma_start3A_829 = tpu.memref_slice %arg17[%add3A_822] : memref<16384xi32, #tpu.memory_space<vmem_shared>> -> memref<16xi32, #tpu.memory_space<vmem_shared>>
        %dma_start3A_830 = tpu.memref_slice %arg12[%mul3A_824] : memref<16640xi32, #tpu.memory_space<vmem>> -> memref<16xi32, #tpu.memory_space<vmem>>
        %dma_start3A_831 = tpu.memref_slice %arg17[%add3A_822] : memref<16384xi32, #tpu.memory_space<vmem_shared>> -> memref<16xi32, #tpu.memory_space<vmem_shared>>
        tpu.enqueue_dma source(%dma_start3A_831 : memref<16xi32, #tpu.memory_space<vmem_shared>>) target(%dma_start3A_830 : memref<16xi32, #tpu.memory_space<vmem>>) target_semaphore(%run_scoped3A : memref<!tpu.dma_semaphore, #tpu.memory_space<semaphore_mem>>)
        %dma_wait3A = tpu.memref_slice %arg12[%mul3A_824] : memref<16640xi32, #tpu.memory_space<vmem>> -> memref<16xi32, #tpu.memory_space<vmem>>
        %dma_wait3A_832 = tpu.memref_slice %arg17[%add3A_822] : memref<16384xi32, #tpu.memory_space<vmem_shared>> -> memref<16xi32, #tpu.memory_space<vmem_shared>>
        %dma_wait3A_833 = tpu.memref_slice %arg12[%mul3A_824] : memref<16640xi32, #tpu.memory_space<vmem>> -> memref<16xi32, #tpu.memory_space<vmem>>
        %dma_wait3A_834 = tpu.memref_slice %arg17[%add3A_822] : memref<16384xi32, #tpu.memory_space<vmem_shared>> -> memref<16xi32, #tpu.memory_space<vmem_shared>>
        tpu.wait_dma2 semaphore(%run_scoped3A : memref<!tpu.dma_semaphore, #tpu.memory_space<semaphore_mem>>) src(%dma_wait3A_834 : memref<16xi32, #tpu.memory_space<vmem_shared>>) dst(%dma_wait3A_833 : memref<16xi32, #tpu.memory_space<vmem>>)
        tpu.yield
      }) : () -> ()
      %mul3A_825 = arith.constant 16 : i32
      %mul3A_826 = arith.muli %while3A_818, %mul3A_825 : i32
      "tpu.region"() ({
        %run_scoped3A = tpu.sem_alloc : memref<!tpu.dma_semaphore, #tpu.memory_space<semaphore_mem>>
        %dma_start3A = tpu.memref_slice %arg13[%mul3A_826] : memref<16640xi32, #tpu.memory_space<vmem>> -> memref<16xi32, #tpu.memory_space<vmem>>
        %dma_start3A_829 = tpu.memref_slice %arg18[%add3A_822] : memref<16384xi32, #tpu.memory_space<vmem_shared>> -> memref<16xi32, #tpu.memory_space<vmem_shared>>
        %dma_start3A_830 = tpu.memref_slice %arg13[%mul3A_826] : memref<16640xi32, #tpu.memory_space<vmem>> -> memref<16xi32, #tpu.memory_space<vmem>>
        %dma_start3A_831 = tpu.memref_slice %arg18[%add3A_822] : memref<16384xi32, #tpu.memory_space<vmem_shared>> -> memref<16xi32, #tpu.memory_space<vmem_shared>>
        tpu.enqueue_dma source(%dma_start3A_831 : memref<16xi32, #tpu.memory_space<vmem_shared>>) target(%dma_start3A_830 : memref<16xi32, #tpu.memory_space<vmem>>) target_semaphore(%run_scoped3A : memref<!tpu.dma_semaphore, #tpu.memory_space<semaphore_mem>>)
        %dma_wait3A = tpu.memref_slice %arg13[%mul3A_826] : memref<16640xi32, #tpu.memory_space<vmem>> -> memref<16xi32, #tpu.memory_space<vmem>>
        %dma_wait3A_832 = tpu.memref_slice %arg18[%add3A_822] : memref<16384xi32, #tpu.memory_space<vmem_shared>> -> memref<16xi32, #tpu.memory_space<vmem_shared>>
        %dma_wait3A_833 = tpu.memref_slice %arg13[%mul3A_826] : memref<16640xi32, #tpu.memory_space<vmem>> -> memref<16xi32, #tpu.memory_space<vmem>>
        %dma_wait3A_834 = tpu.memref_slice %arg18[%add3A_822] : memref<16384xi32, #tpu.memory_space<vmem_shared>> -> memref<16xi32, #tpu.memory_space<vmem_shared>>
        tpu.wait_dma2 semaphore(%run_scoped3A : memref<!tpu.dma_semaphore, #tpu.memory_space<semaphore_mem>>) src(%dma_wait3A_834 : memref<16xi32, #tpu.memory_space<vmem_shared>>) dst(%dma_wait3A_833 : memref<16xi32, #tpu.memory_space<vmem>>)
        tpu.yield
      }) : () -> ()
      %add3A_827 = arith.constant 1 : i32
      %add3A_828 = arith.addi %while3A_818, %add3A_827 : i32
      scf.yield %add3A_828 : i32
    }
    %get3A_485 = arith.constant 160 : index
    %get3A_486 = tpu.vector_load %arg14[%get3A_485] {strides = array<i32>} : memref<256xi32, #tpu.memory_space<vmem>>, vector<16xi32>,
    %reduce_max3A_487 = arith.constant true
    %reduce_max3A_488 = vector.broadcast %reduce_max3A_487 : i1 to vector<16xi1>
    %reduce_max3A_489 = arith.constant -2147483648 : i32
    %reduce_max3A_490 = vector.broadcast %reduce_max3A_489 : i32 to vector<16xi32>
    %reduce_max3A_491 = arith.xori %get3A_486, %reduce_max3A_490 : vector<16xi32>
    %reduce_max3A_492 = tpu.scan <max>, %reduce_max3A_491 masked %reduce_max3A_488 : vector<16xi32>, vector<16xi1> -> vector<16xi32>
    %reduce_max3A_493 = arith.xori %reduce_max3A_492, %reduce_max3A_490 : vector<16xi32>
    %reduce_max3A_494 = vector.extract %reduce_max3A_493[15] : i32 from vector<16xi32>
    %add3A_495 = arith.constant 15 : i32
    %add3A_496 = arith.addi %reduce_max3A_494, %add3A_495 : i32
    %jit3A_497 = arith.constant 16 : i32
    %div3A_498 = arith.divsi %add3A_496, %jit3A_497 : i32
    %sign3A_499 = arith.constant 0 : i32
    %sign3A_500 = arith.cmpi sgt, %add3A_496, %sign3A_499 : i32
    %sign3A_501 = arith.extui %sign3A_500 : i1 to i32
    %sign3A_502 = arith.constant 0 : i32
    %sign3A_503 = arith.cmpi slt, %add3A_496, %sign3A_502 : i32
    %sign3A_504 = arith.extui %sign3A_503 : i1 to i32
    %sign3A_505 = arith.subi %sign3A_501, %sign3A_504 : i32
    %sign3A_506 = arith.constant 0 : i32
    %sign3A_507 = arith.cmpi sgt, %jit3A_497, %sign3A_506 : i32
    %sign3A_508 = arith.extui %sign3A_507 : i1 to i32
    %sign3A_509 = arith.constant 0 : i32
    %sign3A_510 = arith.cmpi slt, %jit3A_497, %sign3A_509 : i32
    %sign3A_511 = arith.extui %sign3A_510 : i1 to i32
    %sign3A_512 = arith.subi %sign3A_508, %sign3A_511 : i32
    %ne3A_513 = arith.cmpi ne, %sign3A_505, %sign3A_512 : i32
    %rem3A_514 = arith.remsi %add3A_496, %jit3A_497 : i32
    %ne3A_515 = arith.constant 0 : i32
    %ne3A_516 = arith.cmpi ne, %rem3A_514, %ne3A_515 : i32
    %and3A_517 = arith.andi %ne3A_513, %ne3A_516 : i1
    %sub3A_518 = arith.constant 1 : i32
    %sub3A_519 = arith.subi %div3A_498, %sub3A_518 : i32
    %select_n3A_520 = arith.select %and3A_517, %sub3A_519, %div3A_498 : i32
    %while3A_521 = arith.constant 0 : i32
    %while3A_522 = arith.subi %select_n3A_520, %while3A_521 : i32
    %while3A_523 = arith.addi %while3A_521, %while3A_522 : i32
    %while3A_524 = arith.constant 1 : i32
    %while3A_525 = arith.divsi %while3A_522, %while3A_524 : i32
    %while3A_526 = arith.muli %while3A_525, %while3A_524 : i32
    %while3A_527 = arith.addi %while3A_521, %while3A_526 : i32
    %while3A_528 = arith.constant 1 : i32
    %while3A_529 = scf.for %while3A_817 = %while3A_521 to %while3A_527 step %while3A_528 iter_args(%while3A_818 = %while3A_484) -> (i32)  : i32 {
      %mul3A_819 = arith.constant 16 : i32
      %mul3A_820 = arith.muli %while3A_817, %mul3A_819 : i32
      %add3A_821 = arith.constant 10240 : i32
      %add3A_822 = arith.addi %add3A_821, %mul3A_820 : i32
      %mul3A_823 = arith.constant 16 : i32
      %mul3A_824 = arith.muli %while3A_818, %mul3A_823 : i32
      "tpu.region"() ({
        %run_scoped3A = tpu.sem_alloc : memref<!tpu.dma_semaphore, #tpu.memory_space<semaphore_mem>>
        %dma_start3A = tpu.memref_slice %arg12[%mul3A_824] : memref<16640xi32, #tpu.memory_space<vmem>> -> memref<16xi32, #tpu.memory_space<vmem>>
        %dma_start3A_829 = tpu.memref_slice %arg17[%add3A_822] : memref<16384xi32, #tpu.memory_space<vmem_shared>> -> memref<16xi32, #tpu.memory_space<vmem_shared>>
        %dma_start3A_830 = tpu.memref_slice %arg12[%mul3A_824] : memref<16640xi32, #tpu.memory_space<vmem>> -> memref<16xi32, #tpu.memory_space<vmem>>
        %dma_start3A_831 = tpu.memref_slice %arg17[%add3A_822] : memref<16384xi32, #tpu.memory_space<vmem_shared>> -> memref<16xi32, #tpu.memory_space<vmem_shared>>
        tpu.enqueue_dma source(%dma_start3A_831 : memref<16xi32, #tpu.memory_space<vmem_shared>>) target(%dma_start3A_830 : memref<16xi32, #tpu.memory_space<vmem>>) target_semaphore(%run_scoped3A : memref<!tpu.dma_semaphore, #tpu.memory_space<semaphore_mem>>)
        %dma_wait3A = tpu.memref_slice %arg12[%mul3A_824] : memref<16640xi32, #tpu.memory_space<vmem>> -> memref<16xi32, #tpu.memory_space<vmem>>
        %dma_wait3A_832 = tpu.memref_slice %arg17[%add3A_822] : memref<16384xi32, #tpu.memory_space<vmem_shared>> -> memref<16xi32, #tpu.memory_space<vmem_shared>>
        %dma_wait3A_833 = tpu.memref_slice %arg12[%mul3A_824] : memref<16640xi32, #tpu.memory_space<vmem>> -> memref<16xi32, #tpu.memory_space<vmem>>
        %dma_wait3A_834 = tpu.memref_slice %arg17[%add3A_822] : memref<16384xi32, #tpu.memory_space<vmem_shared>> -> memref<16xi32, #tpu.memory_space<vmem_shared>>
        tpu.wait_dma2 semaphore(%run_scoped3A : memref<!tpu.dma_semaphore, #tpu.memory_space<semaphore_mem>>) src(%dma_wait3A_834 : memref<16xi32, #tpu.memory_space<vmem_shared>>) dst(%dma_wait3A_833 : memref<16xi32, #tpu.memory_space<vmem>>)
        tpu.yield
      }) : () -> ()
      %mul3A_825 = arith.constant 16 : i32
      %mul3A_826 = arith.muli %while3A_818, %mul3A_825 : i32
      "tpu.region"() ({
        %run_scoped3A = tpu.sem_alloc : memref<!tpu.dma_semaphore, #tpu.memory_space<semaphore_mem>>
        %dma_start3A = tpu.memref_slice %arg13[%mul3A_826] : memref<16640xi32, #tpu.memory_space<vmem>> -> memref<16xi32, #tpu.memory_space<vmem>>
        %dma_start3A_829 = tpu.memref_slice %arg18[%add3A_822] : memref<16384xi32, #tpu.memory_space<vmem_shared>> -> memref<16xi32, #tpu.memory_space<vmem_shared>>
        %dma_start3A_830 = tpu.memref_slice %arg13[%mul3A_826] : memref<16640xi32, #tpu.memory_space<vmem>> -> memref<16xi32, #tpu.memory_space<vmem>>
        %dma_start3A_831 = tpu.memref_slice %arg18[%add3A_822] : memref<16384xi32, #tpu.memory_space<vmem_shared>> -> memref<16xi32, #tpu.memory_space<vmem_shared>>
        tpu.enqueue_dma source(%dma_start3A_831 : memref<16xi32, #tpu.memory_space<vmem_shared>>) target(%dma_start3A_830 : memref<16xi32, #tpu.memory_space<vmem>>) target_semaphore(%run_scoped3A : memref<!tpu.dma_semaphore, #tpu.memory_space<semaphore_mem>>)
        %dma_wait3A = tpu.memref_slice %arg13[%mul3A_826] : memref<16640xi32, #tpu.memory_space<vmem>> -> memref<16xi32, #tpu.memory_space<vmem>>
        %dma_wait3A_832 = tpu.memref_slice %arg18[%add3A_822] : memref<16384xi32, #tpu.memory_space<vmem_shared>> -> memref<16xi32, #tpu.memory_space<vmem_shared>>
        %dma_wait3A_833 = tpu.memref_slice %arg13[%mul3A_826] : memref<16640xi32, #tpu.memory_space<vmem>> -> memref<16xi32, #tpu.memory_space<vmem>>
        %dma_wait3A_834 = tpu.memref_slice %arg18[%add3A_822] : memref<16384xi32, #tpu.memory_space<vmem_shared>> -> memref<16xi32, #tpu.memory_space<vmem_shared>>
        tpu.wait_dma2 semaphore(%run_scoped3A : memref<!tpu.dma_semaphore, #tpu.memory_space<semaphore_mem>>) src(%dma_wait3A_834 : memref<16xi32, #tpu.memory_space<vmem_shared>>) dst(%dma_wait3A_833 : memref<16xi32, #tpu.memory_space<vmem>>)
        tpu.yield
      }) : () -> ()
      %add3A_827 = arith.constant 1 : i32
      %add3A_828 = arith.addi %while3A_818, %add3A_827 : i32
      scf.yield %add3A_828 : i32
    }
    %while3A_530 = arith.constant 1 : i32
    %while3A_531 = scf.for %while3A_817 = %while3A_527 to %while3A_523 step %while3A_530 iter_args(%while3A_818 = %while3A_529) -> (i32)  : i32 {
      %mul3A_819 = arith.constant 16 : i32
      %mul3A_820 = arith.muli %while3A_817, %mul3A_819 : i32
      %add3A_821 = arith.constant 10240 : i32
      %add3A_822 = arith.addi %add3A_821, %mul3A_820 : i32
      %mul3A_823 = arith.constant 16 : i32
      %mul3A_824 = arith.muli %while3A_818, %mul3A_823 : i32
      "tpu.region"() ({
        %run_scoped3A = tpu.sem_alloc : memref<!tpu.dma_semaphore, #tpu.memory_space<semaphore_mem>>
        %dma_start3A = tpu.memref_slice %arg12[%mul3A_824] : memref<16640xi32, #tpu.memory_space<vmem>> -> memref<16xi32, #tpu.memory_space<vmem>>
        %dma_start3A_829 = tpu.memref_slice %arg17[%add3A_822] : memref<16384xi32, #tpu.memory_space<vmem_shared>> -> memref<16xi32, #tpu.memory_space<vmem_shared>>
        %dma_start3A_830 = tpu.memref_slice %arg12[%mul3A_824] : memref<16640xi32, #tpu.memory_space<vmem>> -> memref<16xi32, #tpu.memory_space<vmem>>
        %dma_start3A_831 = tpu.memref_slice %arg17[%add3A_822] : memref<16384xi32, #tpu.memory_space<vmem_shared>> -> memref<16xi32, #tpu.memory_space<vmem_shared>>
        tpu.enqueue_dma source(%dma_start3A_831 : memref<16xi32, #tpu.memory_space<vmem_shared>>) target(%dma_start3A_830 : memref<16xi32, #tpu.memory_space<vmem>>) target_semaphore(%run_scoped3A : memref<!tpu.dma_semaphore, #tpu.memory_space<semaphore_mem>>)
        %dma_wait3A = tpu.memref_slice %arg12[%mul3A_824] : memref<16640xi32, #tpu.memory_space<vmem>> -> memref<16xi32, #tpu.memory_space<vmem>>
        %dma_wait3A_832 = tpu.memref_slice %arg17[%add3A_822] : memref<16384xi32, #tpu.memory_space<vmem_shared>> -> memref<16xi32, #tpu.memory_space<vmem_shared>>
        %dma_wait3A_833 = tpu.memref_slice %arg12[%mul3A_824] : memref<16640xi32, #tpu.memory_space<vmem>> -> memref<16xi32, #tpu.memory_space<vmem>>
        %dma_wait3A_834 = tpu.memref_slice %arg17[%add3A_822] : memref<16384xi32, #tpu.memory_space<vmem_shared>> -> memref<16xi32, #tpu.memory_space<vmem_shared>>
        tpu.wait_dma2 semaphore(%run_scoped3A : memref<!tpu.dma_semaphore, #tpu.memory_space<semaphore_mem>>) src(%dma_wait3A_834 : memref<16xi32, #tpu.memory_space<vmem_shared>>) dst(%dma_wait3A_833 : memref<16xi32, #tpu.memory_space<vmem>>)
        tpu.yield
      }) : () -> ()
      %mul3A_825 = arith.constant 16 : i32
      %mul3A_826 = arith.muli %while3A_818, %mul3A_825 : i32
      "tpu.region"() ({
        %run_scoped3A = tpu.sem_alloc : memref<!tpu.dma_semaphore, #tpu.memory_space<semaphore_mem>>
        %dma_start3A = tpu.memref_slice %arg13[%mul3A_826] : memref<16640xi32, #tpu.memory_space<vmem>> -> memref<16xi32, #tpu.memory_space<vmem>>
        %dma_start3A_829 = tpu.memref_slice %arg18[%add3A_822] : memref<16384xi32, #tpu.memory_space<vmem_shared>> -> memref<16xi32, #tpu.memory_space<vmem_shared>>
        %dma_start3A_830 = tpu.memref_slice %arg13[%mul3A_826] : memref<16640xi32, #tpu.memory_space<vmem>> -> memref<16xi32, #tpu.memory_space<vmem>>
        %dma_start3A_831 = tpu.memref_slice %arg18[%add3A_822] : memref<16384xi32, #tpu.memory_space<vmem_shared>> -> memref<16xi32, #tpu.memory_space<vmem_shared>>
        tpu.enqueue_dma source(%dma_start3A_831 : memref<16xi32, #tpu.memory_space<vmem_shared>>) target(%dma_start3A_830 : memref<16xi32, #tpu.memory_space<vmem>>) target_semaphore(%run_scoped3A : memref<!tpu.dma_semaphore, #tpu.memory_space<semaphore_mem>>)
        %dma_wait3A = tpu.memref_slice %arg13[%mul3A_826] : memref<16640xi32, #tpu.memory_space<vmem>> -> memref<16xi32, #tpu.memory_space<vmem>>
        %dma_wait3A_832 = tpu.memref_slice %arg18[%add3A_822] : memref<16384xi32, #tpu.memory_space<vmem_shared>> -> memref<16xi32, #tpu.memory_space<vmem_shared>>
        %dma_wait3A_833 = tpu.memref_slice %arg13[%mul3A_826] : memref<16640xi32, #tpu.memory_space<vmem>> -> memref<16xi32, #tpu.memory_space<vmem>>
        %dma_wait3A_834 = tpu.memref_slice %arg18[%add3A_822] : memref<16384xi32, #tpu.memory_space<vmem_shared>> -> memref<16xi32, #tpu.memory_space<vmem_shared>>
        tpu.wait_dma2 semaphore(%run_scoped3A : memref<!tpu.dma_semaphore, #tpu.memory_space<semaphore_mem>>) src(%dma_wait3A_834 : memref<16xi32, #tpu.memory_space<vmem_shared>>) dst(%dma_wait3A_833 : memref<16xi32, #tpu.memory_space<vmem>>)
        tpu.yield
      }) : () -> ()
      %add3A_827 = arith.constant 1 : i32
      %add3A_828 = arith.addi %while3A_818, %add3A_827 : i32
      scf.yield %add3A_828 : i32
    }
    %get3A_532 = arith.constant 176 : index
    %get3A_533 = tpu.vector_load %arg14[%get3A_532] {strides = array<i32>} : memref<256xi32, #tpu.memory_space<vmem>>, vector<16xi32>,
    %reduce_max3A_534 = arith.constant true
    %reduce_max3A_535 = vector.broadcast %reduce_max3A_534 : i1 to vector<16xi1>
    %reduce_max3A_536 = arith.constant -2147483648 : i32
    %reduce_max3A_537 = vector.broadcast %reduce_max3A_536 : i32 to vector<16xi32>
    %reduce_max3A_538 = arith.xori %get3A_533, %reduce_max3A_537 : vector<16xi32>
    %reduce_max3A_539 = tpu.scan <max>, %reduce_max3A_538 masked %reduce_max3A_535 : vector<16xi32>, vector<16xi1> -> vector<16xi32>
    %reduce_max3A_540 = arith.xori %reduce_max3A_539, %reduce_max3A_537 : vector<16xi32>
    %reduce_max3A_541 = vector.extract %reduce_max3A_540[15] : i32 from vector<16xi32>
    %add3A_542 = arith.constant 15 : i32
    %add3A_543 = arith.addi %reduce_max3A_541, %add3A_542 : i32
    %jit3A_544 = arith.constant 16 : i32
    %div3A_545 = arith.divsi %add3A_543, %jit3A_544 : i32
    %sign3A_546 = arith.constant 0 : i32
    %sign3A_547 = arith.cmpi sgt, %add3A_543, %sign3A_546 : i32
    %sign3A_548 = arith.extui %sign3A_547 : i1 to i32
    %sign3A_549 = arith.constant 0 : i32
    %sign3A_550 = arith.cmpi slt, %add3A_543, %sign3A_549 : i32
    %sign3A_551 = arith.extui %sign3A_550 : i1 to i32
    %sign3A_552 = arith.subi %sign3A_548, %sign3A_551 : i32
    %sign3A_553 = arith.constant 0 : i32
    %sign3A_554 = arith.cmpi sgt, %jit3A_544, %sign3A_553 : i32
    %sign3A_555 = arith.extui %sign3A_554 : i1 to i32
    %sign3A_556 = arith.constant 0 : i32
    %sign3A_557 = arith.cmpi slt, %jit3A_544, %sign3A_556 : i32
    %sign3A_558 = arith.extui %sign3A_557 : i1 to i32
    %sign3A_559 = arith.subi %sign3A_555, %sign3A_558 : i32
    %ne3A_560 = arith.cmpi ne, %sign3A_552, %sign3A_559 : i32
    %rem3A_561 = arith.remsi %add3A_543, %jit3A_544 : i32
    %ne3A_562 = arith.constant 0 : i32
    %ne3A_563 = arith.cmpi ne, %rem3A_561, %ne3A_562 : i32
    %and3A_564 = arith.andi %ne3A_560, %ne3A_563 : i1
    %sub3A_565 = arith.constant 1 : i32
    %sub3A_566 = arith.subi %div3A_545, %sub3A_565 : i32
    %select_n3A_567 = arith.select %and3A_564, %sub3A_566, %div3A_545 : i32
    %while3A_568 = arith.constant 0 : i32
    %while3A_569 = arith.subi %select_n3A_567, %while3A_568 : i32
    %while3A_570 = arith.addi %while3A_568, %while3A_569 : i32
    %while3A_571 = arith.constant 1 : i32
    %while3A_572 = arith.divsi %while3A_569, %while3A_571 : i32
    %while3A_573 = arith.muli %while3A_572, %while3A_571 : i32
    %while3A_574 = arith.addi %while3A_568, %while3A_573 : i32
    %while3A_575 = arith.constant 1 : i32
    %while3A_576 = scf.for %while3A_817 = %while3A_568 to %while3A_574 step %while3A_575 iter_args(%while3A_818 = %while3A_531) -> (i32)  : i32 {
      %mul3A_819 = arith.constant 16 : i32
      %mul3A_820 = arith.muli %while3A_817, %mul3A_819 : i32
      %add3A_821 = arith.constant 11264 : i32
      %add3A_822 = arith.addi %add3A_821, %mul3A_820 : i32
      %mul3A_823 = arith.constant 16 : i32
      %mul3A_824 = arith.muli %while3A_818, %mul3A_823 : i32
      "tpu.region"() ({
        %run_scoped3A = tpu.sem_alloc : memref<!tpu.dma_semaphore, #tpu.memory_space<semaphore_mem>>
        %dma_start3A = tpu.memref_slice %arg12[%mul3A_824] : memref<16640xi32, #tpu.memory_space<vmem>> -> memref<16xi32, #tpu.memory_space<vmem>>
        %dma_start3A_829 = tpu.memref_slice %arg17[%add3A_822] : memref<16384xi32, #tpu.memory_space<vmem_shared>> -> memref<16xi32, #tpu.memory_space<vmem_shared>>
        %dma_start3A_830 = tpu.memref_slice %arg12[%mul3A_824] : memref<16640xi32, #tpu.memory_space<vmem>> -> memref<16xi32, #tpu.memory_space<vmem>>
        %dma_start3A_831 = tpu.memref_slice %arg17[%add3A_822] : memref<16384xi32, #tpu.memory_space<vmem_shared>> -> memref<16xi32, #tpu.memory_space<vmem_shared>>
        tpu.enqueue_dma source(%dma_start3A_831 : memref<16xi32, #tpu.memory_space<vmem_shared>>) target(%dma_start3A_830 : memref<16xi32, #tpu.memory_space<vmem>>) target_semaphore(%run_scoped3A : memref<!tpu.dma_semaphore, #tpu.memory_space<semaphore_mem>>)
        %dma_wait3A = tpu.memref_slice %arg12[%mul3A_824] : memref<16640xi32, #tpu.memory_space<vmem>> -> memref<16xi32, #tpu.memory_space<vmem>>
        %dma_wait3A_832 = tpu.memref_slice %arg17[%add3A_822] : memref<16384xi32, #tpu.memory_space<vmem_shared>> -> memref<16xi32, #tpu.memory_space<vmem_shared>>
        %dma_wait3A_833 = tpu.memref_slice %arg12[%mul3A_824] : memref<16640xi32, #tpu.memory_space<vmem>> -> memref<16xi32, #tpu.memory_space<vmem>>
        %dma_wait3A_834 = tpu.memref_slice %arg17[%add3A_822] : memref<16384xi32, #tpu.memory_space<vmem_shared>> -> memref<16xi32, #tpu.memory_space<vmem_shared>>
        tpu.wait_dma2 semaphore(%run_scoped3A : memref<!tpu.dma_semaphore, #tpu.memory_space<semaphore_mem>>) src(%dma_wait3A_834 : memref<16xi32, #tpu.memory_space<vmem_shared>>) dst(%dma_wait3A_833 : memref<16xi32, #tpu.memory_space<vmem>>)
        tpu.yield
      }) : () -> ()
      %mul3A_825 = arith.constant 16 : i32
      %mul3A_826 = arith.muli %while3A_818, %mul3A_825 : i32
      "tpu.region"() ({
        %run_scoped3A = tpu.sem_alloc : memref<!tpu.dma_semaphore, #tpu.memory_space<semaphore_mem>>
        %dma_start3A = tpu.memref_slice %arg13[%mul3A_826] : memref<16640xi32, #tpu.memory_space<vmem>> -> memref<16xi32, #tpu.memory_space<vmem>>
        %dma_start3A_829 = tpu.memref_slice %arg18[%add3A_822] : memref<16384xi32, #tpu.memory_space<vmem_shared>> -> memref<16xi32, #tpu.memory_space<vmem_shared>>
        %dma_start3A_830 = tpu.memref_slice %arg13[%mul3A_826] : memref<16640xi32, #tpu.memory_space<vmem>> -> memref<16xi32, #tpu.memory_space<vmem>>
        %dma_start3A_831 = tpu.memref_slice %arg18[%add3A_822] : memref<16384xi32, #tpu.memory_space<vmem_shared>> -> memref<16xi32, #tpu.memory_space<vmem_shared>>
        tpu.enqueue_dma source(%dma_start3A_831 : memref<16xi32, #tpu.memory_space<vmem_shared>>) target(%dma_start3A_830 : memref<16xi32, #tpu.memory_space<vmem>>) target_semaphore(%run_scoped3A : memref<!tpu.dma_semaphore, #tpu.memory_space<semaphore_mem>>)
        %dma_wait3A = tpu.memref_slice %arg13[%mul3A_826] : memref<16640xi32, #tpu.memory_space<vmem>> -> memref<16xi32, #tpu.memory_space<vmem>>
        %dma_wait3A_832 = tpu.memref_slice %arg18[%add3A_822] : memref<16384xi32, #tpu.memory_space<vmem_shared>> -> memref<16xi32, #tpu.memory_space<vmem_shared>>
        %dma_wait3A_833 = tpu.memref_slice %arg13[%mul3A_826] : memref<16640xi32, #tpu.memory_space<vmem>> -> memref<16xi32, #tpu.memory_space<vmem>>
        %dma_wait3A_834 = tpu.memref_slice %arg18[%add3A_822] : memref<16384xi32, #tpu.memory_space<vmem_shared>> -> memref<16xi32, #tpu.memory_space<vmem_shared>>
        tpu.wait_dma2 semaphore(%run_scoped3A : memref<!tpu.dma_semaphore, #tpu.memory_space<semaphore_mem>>) src(%dma_wait3A_834 : memref<16xi32, #tpu.memory_space<vmem_shared>>) dst(%dma_wait3A_833 : memref<16xi32, #tpu.memory_space<vmem>>)
        tpu.yield
      }) : () -> ()
      %add3A_827 = arith.constant 1 : i32
      %add3A_828 = arith.addi %while3A_818, %add3A_827 : i32
      scf.yield %add3A_828 : i32
    }
    %while3A_577 = arith.constant 1 : i32
    %while3A_578 = scf.for %while3A_817 = %while3A_574 to %while3A_570 step %while3A_577 iter_args(%while3A_818 = %while3A_576) -> (i32)  : i32 {
      %mul3A_819 = arith.constant 16 : i32
      %mul3A_820 = arith.muli %while3A_817, %mul3A_819 : i32
      %add3A_821 = arith.constant 11264 : i32
      %add3A_822 = arith.addi %add3A_821, %mul3A_820 : i32
      %mul3A_823 = arith.constant 16 : i32
      %mul3A_824 = arith.muli %while3A_818, %mul3A_823 : i32
      "tpu.region"() ({
        %run_scoped3A = tpu.sem_alloc : memref<!tpu.dma_semaphore, #tpu.memory_space<semaphore_mem>>
        %dma_start3A = tpu.memref_slice %arg12[%mul3A_824] : memref<16640xi32, #tpu.memory_space<vmem>> -> memref<16xi32, #tpu.memory_space<vmem>>
        %dma_start3A_829 = tpu.memref_slice %arg17[%add3A_822] : memref<16384xi32, #tpu.memory_space<vmem_shared>> -> memref<16xi32, #tpu.memory_space<vmem_shared>>
        %dma_start3A_830 = tpu.memref_slice %arg12[%mul3A_824] : memref<16640xi32, #tpu.memory_space<vmem>> -> memref<16xi32, #tpu.memory_space<vmem>>
        %dma_start3A_831 = tpu.memref_slice %arg17[%add3A_822] : memref<16384xi32, #tpu.memory_space<vmem_shared>> -> memref<16xi32, #tpu.memory_space<vmem_shared>>
        tpu.enqueue_dma source(%dma_start3A_831 : memref<16xi32, #tpu.memory_space<vmem_shared>>) target(%dma_start3A_830 : memref<16xi32, #tpu.memory_space<vmem>>) target_semaphore(%run_scoped3A : memref<!tpu.dma_semaphore, #tpu.memory_space<semaphore_mem>>)
        %dma_wait3A = tpu.memref_slice %arg12[%mul3A_824] : memref<16640xi32, #tpu.memory_space<vmem>> -> memref<16xi32, #tpu.memory_space<vmem>>
        %dma_wait3A_832 = tpu.memref_slice %arg17[%add3A_822] : memref<16384xi32, #tpu.memory_space<vmem_shared>> -> memref<16xi32, #tpu.memory_space<vmem_shared>>
        %dma_wait3A_833 = tpu.memref_slice %arg12[%mul3A_824] : memref<16640xi32, #tpu.memory_space<vmem>> -> memref<16xi32, #tpu.memory_space<vmem>>
        %dma_wait3A_834 = tpu.memref_slice %arg17[%add3A_822] : memref<16384xi32, #tpu.memory_space<vmem_shared>> -> memref<16xi32, #tpu.memory_space<vmem_shared>>
        tpu.wait_dma2 semaphore(%run_scoped3A : memref<!tpu.dma_semaphore, #tpu.memory_space<semaphore_mem>>) src(%dma_wait3A_834 : memref<16xi32, #tpu.memory_space<vmem_shared>>) dst(%dma_wait3A_833 : memref<16xi32, #tpu.memory_space<vmem>>)
        tpu.yield
      }) : () -> ()
      %mul3A_825 = arith.constant 16 : i32
      %mul3A_826 = arith.muli %while3A_818, %mul3A_825 : i32
      "tpu.region"() ({
        %run_scoped3A = tpu.sem_alloc : memref<!tpu.dma_semaphore, #tpu.memory_space<semaphore_mem>>
        %dma_start3A = tpu.memref_slice %arg13[%mul3A_826] : memref<16640xi32, #tpu.memory_space<vmem>> -> memref<16xi32, #tpu.memory_space<vmem>>
        %dma_start3A_829 = tpu.memref_slice %arg18[%add3A_822] : memref<16384xi32, #tpu.memory_space<vmem_shared>> -> memref<16xi32, #tpu.memory_space<vmem_shared>>
        %dma_start3A_830 = tpu.memref_slice %arg13[%mul3A_826] : memref<16640xi32, #tpu.memory_space<vmem>> -> memref<16xi32, #tpu.memory_space<vmem>>
        %dma_start3A_831 = tpu.memref_slice %arg18[%add3A_822] : memref<16384xi32, #tpu.memory_space<vmem_shared>> -> memref<16xi32, #tpu.memory_space<vmem_shared>>
        tpu.enqueue_dma source(%dma_start3A_831 : memref<16xi32, #tpu.memory_space<vmem_shared>>) target(%dma_start3A_830 : memref<16xi32, #tpu.memory_space<vmem>>) target_semaphore(%run_scoped3A : memref<!tpu.dma_semaphore, #tpu.memory_space<semaphore_mem>>)
        %dma_wait3A = tpu.memref_slice %arg13[%mul3A_826] : memref<16640xi32, #tpu.memory_space<vmem>> -> memref<16xi32, #tpu.memory_space<vmem>>
        %dma_wait3A_832 = tpu.memref_slice %arg18[%add3A_822] : memref<16384xi32, #tpu.memory_space<vmem_shared>> -> memref<16xi32, #tpu.memory_space<vmem_shared>>
        %dma_wait3A_833 = tpu.memref_slice %arg13[%mul3A_826] : memref<16640xi32, #tpu.memory_space<vmem>> -> memref<16xi32, #tpu.memory_space<vmem>>
        %dma_wait3A_834 = tpu.memref_slice %arg18[%add3A_822] : memref<16384xi32, #tpu.memory_space<vmem_shared>> -> memref<16xi32, #tpu.memory_space<vmem_shared>>
        tpu.wait_dma2 semaphore(%run_scoped3A : memref<!tpu.dma_semaphore, #tpu.memory_space<semaphore_mem>>) src(%dma_wait3A_834 : memref<16xi32, #tpu.memory_space<vmem_shared>>) dst(%dma_wait3A_833 : memref<16xi32, #tpu.memory_space<vmem>>)
        tpu.yield
      }) : () -> ()
      %add3A_827 = arith.constant 1 : i32
      %add3A_828 = arith.addi %while3A_818, %add3A_827 : i32
      scf.yield %add3A_828 : i32
    }
    %get3A_579 = arith.constant 192 : index
    %get3A_580 = tpu.vector_load %arg14[%get3A_579] {strides = array<i32>} : memref<256xi32, #tpu.memory_space<vmem>>, vector<16xi32>,
    %reduce_max3A_581 = arith.constant true
    %reduce_max3A_582 = vector.broadcast %reduce_max3A_581 : i1 to vector<16xi1>
    %reduce_max3A_583 = arith.constant -2147483648 : i32
    %reduce_max3A_584 = vector.broadcast %reduce_max3A_583 : i32 to vector<16xi32>
    %reduce_max3A_585 = arith.xori %get3A_580, %reduce_max3A_584 : vector<16xi32>
    %reduce_max3A_586 = tpu.scan <max>, %reduce_max3A_585 masked %reduce_max3A_582 : vector<16xi32>, vector<16xi1> -> vector<16xi32>
    %reduce_max3A_587 = arith.xori %reduce_max3A_586, %reduce_max3A_584 : vector<16xi32>
    %reduce_max3A_588 = vector.extract %reduce_max3A_587[15] : i32 from vector<16xi32>
    %add3A_589 = arith.constant 15 : i32
    %add3A_590 = arith.addi %reduce_max3A_588, %add3A_589 : i32
    %jit3A_591 = arith.constant 16 : i32
    %div3A_592 = arith.divsi %add3A_590, %jit3A_591 : i32
    %sign3A_593 = arith.constant 0 : i32
    %sign3A_594 = arith.cmpi sgt, %add3A_590, %sign3A_593 : i32
    %sign3A_595 = arith.extui %sign3A_594 : i1 to i32
    %sign3A_596 = arith.constant 0 : i32
    %sign3A_597 = arith.cmpi slt, %add3A_590, %sign3A_596 : i32
    %sign3A_598 = arith.extui %sign3A_597 : i1 to i32
    %sign3A_599 = arith.subi %sign3A_595, %sign3A_598 : i32
    %sign3A_600 = arith.constant 0 : i32
    %sign3A_601 = arith.cmpi sgt, %jit3A_591, %sign3A_600 : i32
    %sign3A_602 = arith.extui %sign3A_601 : i1 to i32
    %sign3A_603 = arith.constant 0 : i32
    %sign3A_604 = arith.cmpi slt, %jit3A_591, %sign3A_603 : i32
    %sign3A_605 = arith.extui %sign3A_604 : i1 to i32
    %sign3A_606 = arith.subi %sign3A_602, %sign3A_605 : i32
    %ne3A_607 = arith.cmpi ne, %sign3A_599, %sign3A_606 : i32
    %rem3A_608 = arith.remsi %add3A_590, %jit3A_591 : i32
    %ne3A_609 = arith.constant 0 : i32
    %ne3A_610 = arith.cmpi ne, %rem3A_608, %ne3A_609 : i32
    %and3A_611 = arith.andi %ne3A_607, %ne3A_610 : i1
    %sub3A_612 = arith.constant 1 : i32
    %sub3A_613 = arith.subi %div3A_592, %sub3A_612 : i32
    %select_n3A_614 = arith.select %and3A_611, %sub3A_613, %div3A_592 : i32
    %while3A_615 = arith.constant 0 : i32
    %while3A_616 = arith.subi %select_n3A_614, %while3A_615 : i32
    %while3A_617 = arith.addi %while3A_615, %while3A_616 : i32
    %while3A_618 = arith.constant 1 : i32
    %while3A_619 = arith.divsi %while3A_616, %while3A_618 : i32
    %while3A_620 = arith.muli %while3A_619, %while3A_618 : i32
    %while3A_621 = arith.addi %while3A_615, %while3A_620 : i32
    %while3A_622 = arith.constant 1 : i32
    %while3A_623 = scf.for %while3A_817 = %while3A_615 to %while3A_621 step %while3A_622 iter_args(%while3A_818 = %while3A_578) -> (i32)  : i32 {
      %mul3A_819 = arith.constant 16 : i32
      %mul3A_820 = arith.muli %while3A_817, %mul3A_819 : i32
      %add3A_821 = arith.constant 12288 : i32
      %add3A_822 = arith.addi %add3A_821, %mul3A_820 : i32
      %mul3A_823 = arith.constant 16 : i32
      %mul3A_824 = arith.muli %while3A_818, %mul3A_823 : i32
      "tpu.region"() ({
        %run_scoped3A = tpu.sem_alloc : memref<!tpu.dma_semaphore, #tpu.memory_space<semaphore_mem>>
        %dma_start3A = tpu.memref_slice %arg12[%mul3A_824] : memref<16640xi32, #tpu.memory_space<vmem>> -> memref<16xi32, #tpu.memory_space<vmem>>
        %dma_start3A_829 = tpu.memref_slice %arg17[%add3A_822] : memref<16384xi32, #tpu.memory_space<vmem_shared>> -> memref<16xi32, #tpu.memory_space<vmem_shared>>
        %dma_start3A_830 = tpu.memref_slice %arg12[%mul3A_824] : memref<16640xi32, #tpu.memory_space<vmem>> -> memref<16xi32, #tpu.memory_space<vmem>>
        %dma_start3A_831 = tpu.memref_slice %arg17[%add3A_822] : memref<16384xi32, #tpu.memory_space<vmem_shared>> -> memref<16xi32, #tpu.memory_space<vmem_shared>>
        tpu.enqueue_dma source(%dma_start3A_831 : memref<16xi32, #tpu.memory_space<vmem_shared>>) target(%dma_start3A_830 : memref<16xi32, #tpu.memory_space<vmem>>) target_semaphore(%run_scoped3A : memref<!tpu.dma_semaphore, #tpu.memory_space<semaphore_mem>>)
        %dma_wait3A = tpu.memref_slice %arg12[%mul3A_824] : memref<16640xi32, #tpu.memory_space<vmem>> -> memref<16xi32, #tpu.memory_space<vmem>>
        %dma_wait3A_832 = tpu.memref_slice %arg17[%add3A_822] : memref<16384xi32, #tpu.memory_space<vmem_shared>> -> memref<16xi32, #tpu.memory_space<vmem_shared>>
        %dma_wait3A_833 = tpu.memref_slice %arg12[%mul3A_824] : memref<16640xi32, #tpu.memory_space<vmem>> -> memref<16xi32, #tpu.memory_space<vmem>>
        %dma_wait3A_834 = tpu.memref_slice %arg17[%add3A_822] : memref<16384xi32, #tpu.memory_space<vmem_shared>> -> memref<16xi32, #tpu.memory_space<vmem_shared>>
        tpu.wait_dma2 semaphore(%run_scoped3A : memref<!tpu.dma_semaphore, #tpu.memory_space<semaphore_mem>>) src(%dma_wait3A_834 : memref<16xi32, #tpu.memory_space<vmem_shared>>) dst(%dma_wait3A_833 : memref<16xi32, #tpu.memory_space<vmem>>)
        tpu.yield
      }) : () -> ()
      %mul3A_825 = arith.constant 16 : i32
      %mul3A_826 = arith.muli %while3A_818, %mul3A_825 : i32
      "tpu.region"() ({
        %run_scoped3A = tpu.sem_alloc : memref<!tpu.dma_semaphore, #tpu.memory_space<semaphore_mem>>
        %dma_start3A = tpu.memref_slice %arg13[%mul3A_826] : memref<16640xi32, #tpu.memory_space<vmem>> -> memref<16xi32, #tpu.memory_space<vmem>>
        %dma_start3A_829 = tpu.memref_slice %arg18[%add3A_822] : memref<16384xi32, #tpu.memory_space<vmem_shared>> -> memref<16xi32, #tpu.memory_space<vmem_shared>>
        %dma_start3A_830 = tpu.memref_slice %arg13[%mul3A_826] : memref<16640xi32, #tpu.memory_space<vmem>> -> memref<16xi32, #tpu.memory_space<vmem>>
        %dma_start3A_831 = tpu.memref_slice %arg18[%add3A_822] : memref<16384xi32, #tpu.memory_space<vmem_shared>> -> memref<16xi32, #tpu.memory_space<vmem_shared>>
        tpu.enqueue_dma source(%dma_start3A_831 : memref<16xi32, #tpu.memory_space<vmem_shared>>) target(%dma_start3A_830 : memref<16xi32, #tpu.memory_space<vmem>>) target_semaphore(%run_scoped3A : memref<!tpu.dma_semaphore, #tpu.memory_space<semaphore_mem>>)
        %dma_wait3A = tpu.memref_slice %arg13[%mul3A_826] : memref<16640xi32, #tpu.memory_space<vmem>> -> memref<16xi32, #tpu.memory_space<vmem>>
        %dma_wait3A_832 = tpu.memref_slice %arg18[%add3A_822] : memref<16384xi32, #tpu.memory_space<vmem_shared>> -> memref<16xi32, #tpu.memory_space<vmem_shared>>
        %dma_wait3A_833 = tpu.memref_slice %arg13[%mul3A_826] : memref<16640xi32, #tpu.memory_space<vmem>> -> memref<16xi32, #tpu.memory_space<vmem>>
        %dma_wait3A_834 = tpu.memref_slice %arg18[%add3A_822] : memref<16384xi32, #tpu.memory_space<vmem_shared>> -> memref<16xi32, #tpu.memory_space<vmem_shared>>
        tpu.wait_dma2 semaphore(%run_scoped3A : memref<!tpu.dma_semaphore, #tpu.memory_space<semaphore_mem>>) src(%dma_wait3A_834 : memref<16xi32, #tpu.memory_space<vmem_shared>>) dst(%dma_wait3A_833 : memref<16xi32, #tpu.memory_space<vmem>>)
        tpu.yield
      }) : () -> ()
      %add3A_827 = arith.constant 1 : i32
      %add3A_828 = arith.addi %while3A_818, %add3A_827 : i32
      scf.yield %add3A_828 : i32
    }
    %while3A_624 = arith.constant 1 : i32
    %while3A_625 = scf.for %while3A_817 = %while3A_621 to %while3A_617 step %while3A_624 iter_args(%while3A_818 = %while3A_623) -> (i32)  : i32 {
      %mul3A_819 = arith.constant 16 : i32
      %mul3A_820 = arith.muli %while3A_817, %mul3A_819 : i32
      %add3A_821 = arith.constant 12288 : i32
      %add3A_822 = arith.addi %add3A_821, %mul3A_820 : i32
      %mul3A_823 = arith.constant 16 : i32
      %mul3A_824 = arith.muli %while3A_818, %mul3A_823 : i32
      "tpu.region"() ({
        %run_scoped3A = tpu.sem_alloc : memref<!tpu.dma_semaphore, #tpu.memory_space<semaphore_mem>>
        %dma_start3A = tpu.memref_slice %arg12[%mul3A_824] : memref<16640xi32, #tpu.memory_space<vmem>> -> memref<16xi32, #tpu.memory_space<vmem>>
        %dma_start3A_829 = tpu.memref_slice %arg17[%add3A_822] : memref<16384xi32, #tpu.memory_space<vmem_shared>> -> memref<16xi32, #tpu.memory_space<vmem_shared>>
        %dma_start3A_830 = tpu.memref_slice %arg12[%mul3A_824] : memref<16640xi32, #tpu.memory_space<vmem>> -> memref<16xi32, #tpu.memory_space<vmem>>
        %dma_start3A_831 = tpu.memref_slice %arg17[%add3A_822] : memref<16384xi32, #tpu.memory_space<vmem_shared>> -> memref<16xi32, #tpu.memory_space<vmem_shared>>
        tpu.enqueue_dma source(%dma_start3A_831 : memref<16xi32, #tpu.memory_space<vmem_shared>>) target(%dma_start3A_830 : memref<16xi32, #tpu.memory_space<vmem>>) target_semaphore(%run_scoped3A : memref<!tpu.dma_semaphore, #tpu.memory_space<semaphore_mem>>)
        %dma_wait3A = tpu.memref_slice %arg12[%mul3A_824] : memref<16640xi32, #tpu.memory_space<vmem>> -> memref<16xi32, #tpu.memory_space<vmem>>
        %dma_wait3A_832 = tpu.memref_slice %arg17[%add3A_822] : memref<16384xi32, #tpu.memory_space<vmem_shared>> -> memref<16xi32, #tpu.memory_space<vmem_shared>>
        %dma_wait3A_833 = tpu.memref_slice %arg12[%mul3A_824] : memref<16640xi32, #tpu.memory_space<vmem>> -> memref<16xi32, #tpu.memory_space<vmem>>
        %dma_wait3A_834 = tpu.memref_slice %arg17[%add3A_822] : memref<16384xi32, #tpu.memory_space<vmem_shared>> -> memref<16xi32, #tpu.memory_space<vmem_shared>>
        tpu.wait_dma2 semaphore(%run_scoped3A : memref<!tpu.dma_semaphore, #tpu.memory_space<semaphore_mem>>) src(%dma_wait3A_834 : memref<16xi32, #tpu.memory_space<vmem_shared>>) dst(%dma_wait3A_833 : memref<16xi32, #tpu.memory_space<vmem>>)
        tpu.yield
      }) : () -> ()
      %mul3A_825 = arith.constant 16 : i32
      %mul3A_826 = arith.muli %while3A_818, %mul3A_825 : i32
      "tpu.region"() ({
        %run_scoped3A = tpu.sem_alloc : memref<!tpu.dma_semaphore, #tpu.memory_space<semaphore_mem>>
        %dma_start3A = tpu.memref_slice %arg13[%mul3A_826] : memref<16640xi32, #tpu.memory_space<vmem>> -> memref<16xi32, #tpu.memory_space<vmem>>
        %dma_start3A_829 = tpu.memref_slice %arg18[%add3A_822] : memref<16384xi32, #tpu.memory_space<vmem_shared>> -> memref<16xi32, #tpu.memory_space<vmem_shared>>
        %dma_start3A_830 = tpu.memref_slice %arg13[%mul3A_826] : memref<16640xi32, #tpu.memory_space<vmem>> -> memref<16xi32, #tpu.memory_space<vmem>>
        %dma_start3A_831 = tpu.memref_slice %arg18[%add3A_822] : memref<16384xi32, #tpu.memory_space<vmem_shared>> -> memref<16xi32, #tpu.memory_space<vmem_shared>>
        tpu.enqueue_dma source(%dma_start3A_831 : memref<16xi32, #tpu.memory_space<vmem_shared>>) target(%dma_start3A_830 : memref<16xi32, #tpu.memory_space<vmem>>) target_semaphore(%run_scoped3A : memref<!tpu.dma_semaphore, #tpu.memory_space<semaphore_mem>>)
        %dma_wait3A = tpu.memref_slice %arg13[%mul3A_826] : memref<16640xi32, #tpu.memory_space<vmem>> -> memref<16xi32, #tpu.memory_space<vmem>>
        %dma_wait3A_832 = tpu.memref_slice %arg18[%add3A_822] : memref<16384xi32, #tpu.memory_space<vmem_shared>> -> memref<16xi32, #tpu.memory_space<vmem_shared>>
        %dma_wait3A_833 = tpu.memref_slice %arg13[%mul3A_826] : memref<16640xi32, #tpu.memory_space<vmem>> -> memref<16xi32, #tpu.memory_space<vmem>>
        %dma_wait3A_834 = tpu.memref_slice %arg18[%add3A_822] : memref<16384xi32, #tpu.memory_space<vmem_shared>> -> memref<16xi32, #tpu.memory_space<vmem_shared>>
        tpu.wait_dma2 semaphore(%run_scoped3A : memref<!tpu.dma_semaphore, #tpu.memory_space<semaphore_mem>>) src(%dma_wait3A_834 : memref<16xi32, #tpu.memory_space<vmem_shared>>) dst(%dma_wait3A_833 : memref<16xi32, #tpu.memory_space<vmem>>)
        tpu.yield
      }) : () -> ()
      %add3A_827 = arith.constant 1 : i32
      %add3A_828 = arith.addi %while3A_818, %add3A_827 : i32
      scf.yield %add3A_828 : i32
    }
    %get3A_626 = arith.constant 208 : index
    %get3A_627 = tpu.vector_load %arg14[%get3A_626] {strides = array<i32>} : memref<256xi32, #tpu.memory_space<vmem>>, vector<16xi32>,
    %reduce_max3A_628 = arith.constant true
    %reduce_max3A_629 = vector.broadcast %reduce_max3A_628 : i1 to vector<16xi1>
    %reduce_max3A_630 = arith.constant -2147483648 : i32
    %reduce_max3A_631 = vector.broadcast %reduce_max3A_630 : i32 to vector<16xi32>
    %reduce_max3A_632 = arith.xori %get3A_627, %reduce_max3A_631 : vector<16xi32>
    %reduce_max3A_633 = tpu.scan <max>, %reduce_max3A_632 masked %reduce_max3A_629 : vector<16xi32>, vector<16xi1> -> vector<16xi32>
    %reduce_max3A_634 = arith.xori %reduce_max3A_633, %reduce_max3A_631 : vector<16xi32>
    %reduce_max3A_635 = vector.extract %reduce_max3A_634[15] : i32 from vector<16xi32>
    %add3A_636 = arith.constant 15 : i32
    %add3A_637 = arith.addi %reduce_max3A_635, %add3A_636 : i32
    %jit3A_638 = arith.constant 16 : i32
    %div3A_639 = arith.divsi %add3A_637, %jit3A_638 : i32
    %sign3A_640 = arith.constant 0 : i32
    %sign3A_641 = arith.cmpi sgt, %add3A_637, %sign3A_640 : i32
    %sign3A_642 = arith.extui %sign3A_641 : i1 to i32
    %sign3A_643 = arith.constant 0 : i32
    %sign3A_644 = arith.cmpi slt, %add3A_637, %sign3A_643 : i32
    %sign3A_645 = arith.extui %sign3A_644 : i1 to i32
    %sign3A_646 = arith.subi %sign3A_642, %sign3A_645 : i32
    %sign3A_647 = arith.constant 0 : i32
    %sign3A_648 = arith.cmpi sgt, %jit3A_638, %sign3A_647 : i32
    %sign3A_649 = arith.extui %sign3A_648 : i1 to i32
    %sign3A_650 = arith.constant 0 : i32
    %sign3A_651 = arith.cmpi slt, %jit3A_638, %sign3A_650 : i32
    %sign3A_652 = arith.extui %sign3A_651 : i1 to i32
    %sign3A_653 = arith.subi %sign3A_649, %sign3A_652 : i32
    %ne3A_654 = arith.cmpi ne, %sign3A_646, %sign3A_653 : i32
    %rem3A_655 = arith.remsi %add3A_637, %jit3A_638 : i32
    %ne3A_656 = arith.constant 0 : i32
    %ne3A_657 = arith.cmpi ne, %rem3A_655, %ne3A_656 : i32
    %and3A_658 = arith.andi %ne3A_654, %ne3A_657 : i1
    %sub3A_659 = arith.constant 1 : i32
    %sub3A_660 = arith.subi %div3A_639, %sub3A_659 : i32
    %select_n3A_661 = arith.select %and3A_658, %sub3A_660, %div3A_639 : i32
    %while3A_662 = arith.constant 0 : i32
    %while3A_663 = arith.subi %select_n3A_661, %while3A_662 : i32
    %while3A_664 = arith.addi %while3A_662, %while3A_663 : i32
    %while3A_665 = arith.constant 1 : i32
    %while3A_666 = arith.divsi %while3A_663, %while3A_665 : i32
    %while3A_667 = arith.muli %while3A_666, %while3A_665 : i32
    %while3A_668 = arith.addi %while3A_662, %while3A_667 : i32
    %while3A_669 = arith.constant 1 : i32
    %while3A_670 = scf.for %while3A_817 = %while3A_662 to %while3A_668 step %while3A_669 iter_args(%while3A_818 = %while3A_625) -> (i32)  : i32 {
      %mul3A_819 = arith.constant 16 : i32
      %mul3A_820 = arith.muli %while3A_817, %mul3A_819 : i32
      %add3A_821 = arith.constant 13312 : i32
      %add3A_822 = arith.addi %add3A_821, %mul3A_820 : i32
      %mul3A_823 = arith.constant 16 : i32
      %mul3A_824 = arith.muli %while3A_818, %mul3A_823 : i32
      "tpu.region"() ({
        %run_scoped3A = tpu.sem_alloc : memref<!tpu.dma_semaphore, #tpu.memory_space<semaphore_mem>>
        %dma_start3A = tpu.memref_slice %arg12[%mul3A_824] : memref<16640xi32, #tpu.memory_space<vmem>> -> memref<16xi32, #tpu.memory_space<vmem>>
        %dma_start3A_829 = tpu.memref_slice %arg17[%add3A_822] : memref<16384xi32, #tpu.memory_space<vmem_shared>> -> memref<16xi32, #tpu.memory_space<vmem_shared>>
        %dma_start3A_830 = tpu.memref_slice %arg12[%mul3A_824] : memref<16640xi32, #tpu.memory_space<vmem>> -> memref<16xi32, #tpu.memory_space<vmem>>
        %dma_start3A_831 = tpu.memref_slice %arg17[%add3A_822] : memref<16384xi32, #tpu.memory_space<vmem_shared>> -> memref<16xi32, #tpu.memory_space<vmem_shared>>
        tpu.enqueue_dma source(%dma_start3A_831 : memref<16xi32, #tpu.memory_space<vmem_shared>>) target(%dma_start3A_830 : memref<16xi32, #tpu.memory_space<vmem>>) target_semaphore(%run_scoped3A : memref<!tpu.dma_semaphore, #tpu.memory_space<semaphore_mem>>)
        %dma_wait3A = tpu.memref_slice %arg12[%mul3A_824] : memref<16640xi32, #tpu.memory_space<vmem>> -> memref<16xi32, #tpu.memory_space<vmem>>
        %dma_wait3A_832 = tpu.memref_slice %arg17[%add3A_822] : memref<16384xi32, #tpu.memory_space<vmem_shared>> -> memref<16xi32, #tpu.memory_space<vmem_shared>>
        %dma_wait3A_833 = tpu.memref_slice %arg12[%mul3A_824] : memref<16640xi32, #tpu.memory_space<vmem>> -> memref<16xi32, #tpu.memory_space<vmem>>
        %dma_wait3A_834 = tpu.memref_slice %arg17[%add3A_822] : memref<16384xi32, #tpu.memory_space<vmem_shared>> -> memref<16xi32, #tpu.memory_space<vmem_shared>>
        tpu.wait_dma2 semaphore(%run_scoped3A : memref<!tpu.dma_semaphore, #tpu.memory_space<semaphore_mem>>) src(%dma_wait3A_834 : memref<16xi32, #tpu.memory_space<vmem_shared>>) dst(%dma_wait3A_833 : memref<16xi32, #tpu.memory_space<vmem>>)
        tpu.yield
      }) : () -> ()
      %mul3A_825 = arith.constant 16 : i32
      %mul3A_826 = arith.muli %while3A_818, %mul3A_825 : i32
      "tpu.region"() ({
        %run_scoped3A = tpu.sem_alloc : memref<!tpu.dma_semaphore, #tpu.memory_space<semaphore_mem>>
        %dma_start3A = tpu.memref_slice %arg13[%mul3A_826] : memref<16640xi32, #tpu.memory_space<vmem>> -> memref<16xi32, #tpu.memory_space<vmem>>
        %dma_start3A_829 = tpu.memref_slice %arg18[%add3A_822] : memref<16384xi32, #tpu.memory_space<vmem_shared>> -> memref<16xi32, #tpu.memory_space<vmem_shared>>
        %dma_start3A_830 = tpu.memref_slice %arg13[%mul3A_826] : memref<16640xi32, #tpu.memory_space<vmem>> -> memref<16xi32, #tpu.memory_space<vmem>>
        %dma_start3A_831 = tpu.memref_slice %arg18[%add3A_822] : memref<16384xi32, #tpu.memory_space<vmem_shared>> -> memref<16xi32, #tpu.memory_space<vmem_shared>>
        tpu.enqueue_dma source(%dma_start3A_831 : memref<16xi32, #tpu.memory_space<vmem_shared>>) target(%dma_start3A_830 : memref<16xi32, #tpu.memory_space<vmem>>) target_semaphore(%run_scoped3A : memref<!tpu.dma_semaphore, #tpu.memory_space<semaphore_mem>>)
        %dma_wait3A = tpu.memref_slice %arg13[%mul3A_826] : memref<16640xi32, #tpu.memory_space<vmem>> -> memref<16xi32, #tpu.memory_space<vmem>>
        %dma_wait3A_832 = tpu.memref_slice %arg18[%add3A_822] : memref<16384xi32, #tpu.memory_space<vmem_shared>> -> memref<16xi32, #tpu.memory_space<vmem_shared>>
        %dma_wait3A_833 = tpu.memref_slice %arg13[%mul3A_826] : memref<16640xi32, #tpu.memory_space<vmem>> -> memref<16xi32, #tpu.memory_space<vmem>>
        %dma_wait3A_834 = tpu.memref_slice %arg18[%add3A_822] : memref<16384xi32, #tpu.memory_space<vmem_shared>> -> memref<16xi32, #tpu.memory_space<vmem_shared>>
        tpu.wait_dma2 semaphore(%run_scoped3A : memref<!tpu.dma_semaphore, #tpu.memory_space<semaphore_mem>>) src(%dma_wait3A_834 : memref<16xi32, #tpu.memory_space<vmem_shared>>) dst(%dma_wait3A_833 : memref<16xi32, #tpu.memory_space<vmem>>)
        tpu.yield
      }) : () -> ()
      %add3A_827 = arith.constant 1 : i32
      %add3A_828 = arith.addi %while3A_818, %add3A_827 : i32
      scf.yield %add3A_828 : i32
    }
    %while3A_671 = arith.constant 1 : i32
    %while3A_672 = scf.for %while3A_817 = %while3A_668 to %while3A_664 step %while3A_671 iter_args(%while3A_818 = %while3A_670) -> (i32)  : i32 {
      %mul3A_819 = arith.constant 16 : i32
      %mul3A_820 = arith.muli %while3A_817, %mul3A_819 : i32
      %add3A_821 = arith.constant 13312 : i32
      %add3A_822 = arith.addi %add3A_821, %mul3A_820 : i32
      %mul3A_823 = arith.constant 16 : i32
      %mul3A_824 = arith.muli %while3A_818, %mul3A_823 : i32
      "tpu.region"() ({
        %run_scoped3A = tpu.sem_alloc : memref<!tpu.dma_semaphore, #tpu.memory_space<semaphore_mem>>
        %dma_start3A = tpu.memref_slice %arg12[%mul3A_824] : memref<16640xi32, #tpu.memory_space<vmem>> -> memref<16xi32, #tpu.memory_space<vmem>>
        %dma_start3A_829 = tpu.memref_slice %arg17[%add3A_822] : memref<16384xi32, #tpu.memory_space<vmem_shared>> -> memref<16xi32, #tpu.memory_space<vmem_shared>>
        %dma_start3A_830 = tpu.memref_slice %arg12[%mul3A_824] : memref<16640xi32, #tpu.memory_space<vmem>> -> memref<16xi32, #tpu.memory_space<vmem>>
        %dma_start3A_831 = tpu.memref_slice %arg17[%add3A_822] : memref<16384xi32, #tpu.memory_space<vmem_shared>> -> memref<16xi32, #tpu.memory_space<vmem_shared>>
        tpu.enqueue_dma source(%dma_start3A_831 : memref<16xi32, #tpu.memory_space<vmem_shared>>) target(%dma_start3A_830 : memref<16xi32, #tpu.memory_space<vmem>>) target_semaphore(%run_scoped3A : memref<!tpu.dma_semaphore, #tpu.memory_space<semaphore_mem>>)
        %dma_wait3A = tpu.memref_slice %arg12[%mul3A_824] : memref<16640xi32, #tpu.memory_space<vmem>> -> memref<16xi32, #tpu.memory_space<vmem>>
        %dma_wait3A_832 = tpu.memref_slice %arg17[%add3A_822] : memref<16384xi32, #tpu.memory_space<vmem_shared>> -> memref<16xi32, #tpu.memory_space<vmem_shared>>
        %dma_wait3A_833 = tpu.memref_slice %arg12[%mul3A_824] : memref<16640xi32, #tpu.memory_space<vmem>> -> memref<16xi32, #tpu.memory_space<vmem>>
        %dma_wait3A_834 = tpu.memref_slice %arg17[%add3A_822] : memref<16384xi32, #tpu.memory_space<vmem_shared>> -> memref<16xi32, #tpu.memory_space<vmem_shared>>
        tpu.wait_dma2 semaphore(%run_scoped3A : memref<!tpu.dma_semaphore, #tpu.memory_space<semaphore_mem>>) src(%dma_wait3A_834 : memref<16xi32, #tpu.memory_space<vmem_shared>>) dst(%dma_wait3A_833 : memref<16xi32, #tpu.memory_space<vmem>>)
        tpu.yield
      }) : () -> ()
      %mul3A_825 = arith.constant 16 : i32
      %mul3A_826 = arith.muli %while3A_818, %mul3A_825 : i32
      "tpu.region"() ({
        %run_scoped3A = tpu.sem_alloc : memref<!tpu.dma_semaphore, #tpu.memory_space<semaphore_mem>>
        %dma_start3A = tpu.memref_slice %arg13[%mul3A_826] : memref<16640xi32, #tpu.memory_space<vmem>> -> memref<16xi32, #tpu.memory_space<vmem>>
        %dma_start3A_829 = tpu.memref_slice %arg18[%add3A_822] : memref<16384xi32, #tpu.memory_space<vmem_shared>> -> memref<16xi32, #tpu.memory_space<vmem_shared>>
        %dma_start3A_830 = tpu.memref_slice %arg13[%mul3A_826] : memref<16640xi32, #tpu.memory_space<vmem>> -> memref<16xi32, #tpu.memory_space<vmem>>
        %dma_start3A_831 = tpu.memref_slice %arg18[%add3A_822] : memref<16384xi32, #tpu.memory_space<vmem_shared>> -> memref<16xi32, #tpu.memory_space<vmem_shared>>
        tpu.enqueue_dma source(%dma_start3A_831 : memref<16xi32, #tpu.memory_space<vmem_shared>>) target(%dma_start3A_830 : memref<16xi32, #tpu.memory_space<vmem>>) target_semaphore(%run_scoped3A : memref<!tpu.dma_semaphore, #tpu.memory_space<semaphore_mem>>)
        %dma_wait3A = tpu.memref_slice %arg13[%mul3A_826] : memref<16640xi32, #tpu.memory_space<vmem>> -> memref<16xi32, #tpu.memory_space<vmem>>
        %dma_wait3A_832 = tpu.memref_slice %arg18[%add3A_822] : memref<16384xi32, #tpu.memory_space<vmem_shared>> -> memref<16xi32, #tpu.memory_space<vmem_shared>>
        %dma_wait3A_833 = tpu.memref_slice %arg13[%mul3A_826] : memref<16640xi32, #tpu.memory_space<vmem>> -> memref<16xi32, #tpu.memory_space<vmem>>
        %dma_wait3A_834 = tpu.memref_slice %arg18[%add3A_822] : memref<16384xi32, #tpu.memory_space<vmem_shared>> -> memref<16xi32, #tpu.memory_space<vmem_shared>>
        tpu.wait_dma2 semaphore(%run_scoped3A : memref<!tpu.dma_semaphore, #tpu.memory_space<semaphore_mem>>) src(%dma_wait3A_834 : memref<16xi32, #tpu.memory_space<vmem_shared>>) dst(%dma_wait3A_833 : memref<16xi32, #tpu.memory_space<vmem>>)
        tpu.yield
      }) : () -> ()
      %add3A_827 = arith.constant 1 : i32
      %add3A_828 = arith.addi %while3A_818, %add3A_827 : i32
      scf.yield %add3A_828 : i32
    }
    %get3A_673 = arith.constant 224 : index
    %get3A_674 = tpu.vector_load %arg14[%get3A_673] {strides = array<i32>} : memref<256xi32, #tpu.memory_space<vmem>>, vector<16xi32>,
    %reduce_max3A_675 = arith.constant true
    %reduce_max3A_676 = vector.broadcast %reduce_max3A_675 : i1 to vector<16xi1>
    %reduce_max3A_677 = arith.constant -2147483648 : i32
    %reduce_max3A_678 = vector.broadcast %reduce_max3A_677 : i32 to vector<16xi32>
    %reduce_max3A_679 = arith.xori %get3A_674, %reduce_max3A_678 : vector<16xi32>
    %reduce_max3A_680 = tpu.scan <max>, %reduce_max3A_679 masked %reduce_max3A_676 : vector<16xi32>, vector<16xi1> -> vector<16xi32>
    %reduce_max3A_681 = arith.xori %reduce_max3A_680, %reduce_max3A_678 : vector<16xi32>
    %reduce_max3A_682 = vector.extract %reduce_max3A_681[15] : i32 from vector<16xi32>
    %add3A_683 = arith.constant 15 : i32
    %add3A_684 = arith.addi %reduce_max3A_682, %add3A_683 : i32
    %jit3A_685 = arith.constant 16 : i32
    %div3A_686 = arith.divsi %add3A_684, %jit3A_685 : i32
    %sign3A_687 = arith.constant 0 : i32
    %sign3A_688 = arith.cmpi sgt, %add3A_684, %sign3A_687 : i32
    %sign3A_689 = arith.extui %sign3A_688 : i1 to i32
    %sign3A_690 = arith.constant 0 : i32
    %sign3A_691 = arith.cmpi slt, %add3A_684, %sign3A_690 : i32
    %sign3A_692 = arith.extui %sign3A_691 : i1 to i32
    %sign3A_693 = arith.subi %sign3A_689, %sign3A_692 : i32
    %sign3A_694 = arith.constant 0 : i32
    %sign3A_695 = arith.cmpi sgt, %jit3A_685, %sign3A_694 : i32
    %sign3A_696 = arith.extui %sign3A_695 : i1 to i32
    %sign3A_697 = arith.constant 0 : i32
    %sign3A_698 = arith.cmpi slt, %jit3A_685, %sign3A_697 : i32
    %sign3A_699 = arith.extui %sign3A_698 : i1 to i32
    %sign3A_700 = arith.subi %sign3A_696, %sign3A_699 : i32
    %ne3A_701 = arith.cmpi ne, %sign3A_693, %sign3A_700 : i32
    %rem3A_702 = arith.remsi %add3A_684, %jit3A_685 : i32
    %ne3A_703 = arith.constant 0 : i32
    %ne3A_704 = arith.cmpi ne, %rem3A_702, %ne3A_703 : i32
    %and3A_705 = arith.andi %ne3A_701, %ne3A_704 : i1
    %sub3A_706 = arith.constant 1 : i32
    %sub3A_707 = arith.subi %div3A_686, %sub3A_706 : i32
    %select_n3A_708 = arith.select %and3A_705, %sub3A_707, %div3A_686 : i32
    %while3A_709 = arith.constant 0 : i32
    %while3A_710 = arith.subi %select_n3A_708, %while3A_709 : i32
    %while3A_711 = arith.addi %while3A_709, %while3A_710 : i32
    %while3A_712 = arith.constant 1 : i32
    %while3A_713 = arith.divsi %while3A_710, %while3A_712 : i32
    %while3A_714 = arith.muli %while3A_713, %while3A_712 : i32
    %while3A_715 = arith.addi %while3A_709, %while3A_714 : i32
    %while3A_716 = arith.constant 1 : i32
    %while3A_717 = scf.for %while3A_817 = %while3A_709 to %while3A_715 step %while3A_716 iter_args(%while3A_818 = %while3A_672) -> (i32)  : i32 {
      %mul3A_819 = arith.constant 16 : i32
      %mul3A_820 = arith.muli %while3A_817, %mul3A_819 : i32
      %add3A_821 = arith.constant 14336 : i32
      %add3A_822 = arith.addi %add3A_821, %mul3A_820 : i32
      %mul3A_823 = arith.constant 16 : i32
      %mul3A_824 = arith.muli %while3A_818, %mul3A_823 : i32
      "tpu.region"() ({
        %run_scoped3A = tpu.sem_alloc : memref<!tpu.dma_semaphore, #tpu.memory_space<semaphore_mem>>
        %dma_start3A = tpu.memref_slice %arg12[%mul3A_824] : memref<16640xi32, #tpu.memory_space<vmem>> -> memref<16xi32, #tpu.memory_space<vmem>>
        %dma_start3A_829 = tpu.memref_slice %arg17[%add3A_822] : memref<16384xi32, #tpu.memory_space<vmem_shared>> -> memref<16xi32, #tpu.memory_space<vmem_shared>>
        %dma_start3A_830 = tpu.memref_slice %arg12[%mul3A_824] : memref<16640xi32, #tpu.memory_space<vmem>> -> memref<16xi32, #tpu.memory_space<vmem>>
        %dma_start3A_831 = tpu.memref_slice %arg17[%add3A_822] : memref<16384xi32, #tpu.memory_space<vmem_shared>> -> memref<16xi32, #tpu.memory_space<vmem_shared>>
        tpu.enqueue_dma source(%dma_start3A_831 : memref<16xi32, #tpu.memory_space<vmem_shared>>) target(%dma_start3A_830 : memref<16xi32, #tpu.memory_space<vmem>>) target_semaphore(%run_scoped3A : memref<!tpu.dma_semaphore, #tpu.memory_space<semaphore_mem>>)
        %dma_wait3A = tpu.memref_slice %arg12[%mul3A_824] : memref<16640xi32, #tpu.memory_space<vmem>> -> memref<16xi32, #tpu.memory_space<vmem>>
        %dma_wait3A_832 = tpu.memref_slice %arg17[%add3A_822] : memref<16384xi32, #tpu.memory_space<vmem_shared>> -> memref<16xi32, #tpu.memory_space<vmem_shared>>
        %dma_wait3A_833 = tpu.memref_slice %arg12[%mul3A_824] : memref<16640xi32, #tpu.memory_space<vmem>> -> memref<16xi32, #tpu.memory_space<vmem>>
        %dma_wait3A_834 = tpu.memref_slice %arg17[%add3A_822] : memref<16384xi32, #tpu.memory_space<vmem_shared>> -> memref<16xi32, #tpu.memory_space<vmem_shared>>
        tpu.wait_dma2 semaphore(%run_scoped3A : memref<!tpu.dma_semaphore, #tpu.memory_space<semaphore_mem>>) src(%dma_wait3A_834 : memref<16xi32, #tpu.memory_space<vmem_shared>>) dst(%dma_wait3A_833 : memref<16xi32, #tpu.memory_space<vmem>>)
        tpu.yield
      }) : () -> ()
      %mul3A_825 = arith.constant 16 : i32
      %mul3A_826 = arith.muli %while3A_818, %mul3A_825 : i32
      "tpu.region"() ({
        %run_scoped3A = tpu.sem_alloc : memref<!tpu.dma_semaphore, #tpu.memory_space<semaphore_mem>>
        %dma_start3A = tpu.memref_slice %arg13[%mul3A_826] : memref<16640xi32, #tpu.memory_space<vmem>> -> memref<16xi32, #tpu.memory_space<vmem>>
        %dma_start3A_829 = tpu.memref_slice %arg18[%add3A_822] : memref<16384xi32, #tpu.memory_space<vmem_shared>> -> memref<16xi32, #tpu.memory_space<vmem_shared>>
        %dma_start3A_830 = tpu.memref_slice %arg13[%mul3A_826] : memref<16640xi32, #tpu.memory_space<vmem>> -> memref<16xi32, #tpu.memory_space<vmem>>
        %dma_start3A_831 = tpu.memref_slice %arg18[%add3A_822] : memref<16384xi32, #tpu.memory_space<vmem_shared>> -> memref<16xi32, #tpu.memory_space<vmem_shared>>
        tpu.enqueue_dma source(%dma_start3A_831 : memref<16xi32, #tpu.memory_space<vmem_shared>>) target(%dma_start3A_830 : memref<16xi32, #tpu.memory_space<vmem>>) target_semaphore(%run_scoped3A : memref<!tpu.dma_semaphore, #tpu.memory_space<semaphore_mem>>)
        %dma_wait3A = tpu.memref_slice %arg13[%mul3A_826] : memref<16640xi32, #tpu.memory_space<vmem>> -> memref<16xi32, #tpu.memory_space<vmem>>
        %dma_wait3A_832 = tpu.memref_slice %arg18[%add3A_822] : memref<16384xi32, #tpu.memory_space<vmem_shared>> -> memref<16xi32, #tpu.memory_space<vmem_shared>>
        %dma_wait3A_833 = tpu.memref_slice %arg13[%mul3A_826] : memref<16640xi32, #tpu.memory_space<vmem>> -> memref<16xi32, #tpu.memory_space<vmem>>
        %dma_wait3A_834 = tpu.memref_slice %arg18[%add3A_822] : memref<16384xi32, #tpu.memory_space<vmem_shared>> -> memref<16xi32, #tpu.memory_space<vmem_shared>>
        tpu.wait_dma2 semaphore(%run_scoped3A : memref<!tpu.dma_semaphore, #tpu.memory_space<semaphore_mem>>) src(%dma_wait3A_834 : memref<16xi32, #tpu.memory_space<vmem_shared>>) dst(%dma_wait3A_833 : memref<16xi32, #tpu.memory_space<vmem>>)
        tpu.yield
      }) : () -> ()
      %add3A_827 = arith.constant 1 : i32
      %add3A_828 = arith.addi %while3A_818, %add3A_827 : i32
      scf.yield %add3A_828 : i32
    }
    %while3A_718 = arith.constant 1 : i32
    %while3A_719 = scf.for %while3A_817 = %while3A_715 to %while3A_711 step %while3A_718 iter_args(%while3A_818 = %while3A_717) -> (i32)  : i32 {
      %mul3A_819 = arith.constant 16 : i32
      %mul3A_820 = arith.muli %while3A_817, %mul3A_819 : i32
      %add3A_821 = arith.constant 14336 : i32
      %add3A_822 = arith.addi %add3A_821, %mul3A_820 : i32
      %mul3A_823 = arith.constant 16 : i32
      %mul3A_824 = arith.muli %while3A_818, %mul3A_823 : i32
      "tpu.region"() ({
        %run_scoped3A = tpu.sem_alloc : memref<!tpu.dma_semaphore, #tpu.memory_space<semaphore_mem>>
        %dma_start3A = tpu.memref_slice %arg12[%mul3A_824] : memref<16640xi32, #tpu.memory_space<vmem>> -> memref<16xi32, #tpu.memory_space<vmem>>
        %dma_start3A_829 = tpu.memref_slice %arg17[%add3A_822] : memref<16384xi32, #tpu.memory_space<vmem_shared>> -> memref<16xi32, #tpu.memory_space<vmem_shared>>
        %dma_start3A_830 = tpu.memref_slice %arg12[%mul3A_824] : memref<16640xi32, #tpu.memory_space<vmem>> -> memref<16xi32, #tpu.memory_space<vmem>>
        %dma_start3A_831 = tpu.memref_slice %arg17[%add3A_822] : memref<16384xi32, #tpu.memory_space<vmem_shared>> -> memref<16xi32, #tpu.memory_space<vmem_shared>>
        tpu.enqueue_dma source(%dma_start3A_831 : memref<16xi32, #tpu.memory_space<vmem_shared>>) target(%dma_start3A_830 : memref<16xi32, #tpu.memory_space<vmem>>) target_semaphore(%run_scoped3A : memref<!tpu.dma_semaphore, #tpu.memory_space<semaphore_mem>>)
        %dma_wait3A = tpu.memref_slice %arg12[%mul3A_824] : memref<16640xi32, #tpu.memory_space<vmem>> -> memref<16xi32, #tpu.memory_space<vmem>>
        %dma_wait3A_832 = tpu.memref_slice %arg17[%add3A_822] : memref<16384xi32, #tpu.memory_space<vmem_shared>> -> memref<16xi32, #tpu.memory_space<vmem_shared>>
        %dma_wait3A_833 = tpu.memref_slice %arg12[%mul3A_824] : memref<16640xi32, #tpu.memory_space<vmem>> -> memref<16xi32, #tpu.memory_space<vmem>>
        %dma_wait3A_834 = tpu.memref_slice %arg17[%add3A_822] : memref<16384xi32, #tpu.memory_space<vmem_shared>> -> memref<16xi32, #tpu.memory_space<vmem_shared>>
        tpu.wait_dma2 semaphore(%run_scoped3A : memref<!tpu.dma_semaphore, #tpu.memory_space<semaphore_mem>>) src(%dma_wait3A_834 : memref<16xi32, #tpu.memory_space<vmem_shared>>) dst(%dma_wait3A_833 : memref<16xi32, #tpu.memory_space<vmem>>)
        tpu.yield
      }) : () -> ()
      %mul3A_825 = arith.constant 16 : i32
      %mul3A_826 = arith.muli %while3A_818, %mul3A_825 : i32
      "tpu.region"() ({
        %run_scoped3A = tpu.sem_alloc : memref<!tpu.dma_semaphore, #tpu.memory_space<semaphore_mem>>
        %dma_start3A = tpu.memref_slice %arg13[%mul3A_826] : memref<16640xi32, #tpu.memory_space<vmem>> -> memref<16xi32, #tpu.memory_space<vmem>>
        %dma_start3A_829 = tpu.memref_slice %arg18[%add3A_822] : memref<16384xi32, #tpu.memory_space<vmem_shared>> -> memref<16xi32, #tpu.memory_space<vmem_shared>>
        %dma_start3A_830 = tpu.memref_slice %arg13[%mul3A_826] : memref<16640xi32, #tpu.memory_space<vmem>> -> memref<16xi32, #tpu.memory_space<vmem>>
        %dma_start3A_831 = tpu.memref_slice %arg18[%add3A_822] : memref<16384xi32, #tpu.memory_space<vmem_shared>> -> memref<16xi32, #tpu.memory_space<vmem_shared>>
        tpu.enqueue_dma source(%dma_start3A_831 : memref<16xi32, #tpu.memory_space<vmem_shared>>) target(%dma_start3A_830 : memref<16xi32, #tpu.memory_space<vmem>>) target_semaphore(%run_scoped3A : memref<!tpu.dma_semaphore, #tpu.memory_space<semaphore_mem>>)
        %dma_wait3A = tpu.memref_slice %arg13[%mul3A_826] : memref<16640xi32, #tpu.memory_space<vmem>> -> memref<16xi32, #tpu.memory_space<vmem>>
        %dma_wait3A_832 = tpu.memref_slice %arg18[%add3A_822] : memref<16384xi32, #tpu.memory_space<vmem_shared>> -> memref<16xi32, #tpu.memory_space<vmem_shared>>
        %dma_wait3A_833 = tpu.memref_slice %arg13[%mul3A_826] : memref<16640xi32, #tpu.memory_space<vmem>> -> memref<16xi32, #tpu.memory_space<vmem>>
        %dma_wait3A_834 = tpu.memref_slice %arg18[%add3A_822] : memref<16384xi32, #tpu.memory_space<vmem_shared>> -> memref<16xi32, #tpu.memory_space<vmem_shared>>
        tpu.wait_dma2 semaphore(%run_scoped3A : memref<!tpu.dma_semaphore, #tpu.memory_space<semaphore_mem>>) src(%dma_wait3A_834 : memref<16xi32, #tpu.memory_space<vmem_shared>>) dst(%dma_wait3A_833 : memref<16xi32, #tpu.memory_space<vmem>>)
        tpu.yield
      }) : () -> ()
      %add3A_827 = arith.constant 1 : i32
      %add3A_828 = arith.addi %while3A_818, %add3A_827 : i32
      scf.yield %add3A_828 : i32
    }
    %get3A_720 = arith.constant 240 : index
    %get3A_721 = tpu.vector_load %arg14[%get3A_720] {strides = array<i32>} : memref<256xi32, #tpu.memory_space<vmem>>, vector<16xi32>,
    %reduce_max3A_722 = arith.constant true
    %reduce_max3A_723 = vector.broadcast %reduce_max3A_722 : i1 to vector<16xi1>
    %reduce_max3A_724 = arith.constant -2147483648 : i32
    %reduce_max3A_725 = vector.broadcast %reduce_max3A_724 : i32 to vector<16xi32>
    %reduce_max3A_726 = arith.xori %get3A_721, %reduce_max3A_725 : vector<16xi32>
    %reduce_max3A_727 = tpu.scan <max>, %reduce_max3A_726 masked %reduce_max3A_723 : vector<16xi32>, vector<16xi1> -> vector<16xi32>
    %reduce_max3A_728 = arith.xori %reduce_max3A_727, %reduce_max3A_725 : vector<16xi32>
    %reduce_max3A_729 = vector.extract %reduce_max3A_728[15] : i32 from vector<16xi32>
    %add3A_730 = arith.constant 15 : i32
    %add3A_731 = arith.addi %reduce_max3A_729, %add3A_730 : i32
    %jit3A_732 = arith.constant 16 : i32
    %div3A_733 = arith.divsi %add3A_731, %jit3A_732 : i32
    %sign3A_734 = arith.constant 0 : i32
    %sign3A_735 = arith.cmpi sgt, %add3A_731, %sign3A_734 : i32
    %sign3A_736 = arith.extui %sign3A_735 : i1 to i32
    %sign3A_737 = arith.constant 0 : i32
    %sign3A_738 = arith.cmpi slt, %add3A_731, %sign3A_737 : i32
    %sign3A_739 = arith.extui %sign3A_738 : i1 to i32
    %sign3A_740 = arith.subi %sign3A_736, %sign3A_739 : i32
    %sign3A_741 = arith.constant 0 : i32
    %sign3A_742 = arith.cmpi sgt, %jit3A_732, %sign3A_741 : i32
    %sign3A_743 = arith.extui %sign3A_742 : i1 to i32
    %sign3A_744 = arith.constant 0 : i32
    %sign3A_745 = arith.cmpi slt, %jit3A_732, %sign3A_744 : i32
    %sign3A_746 = arith.extui %sign3A_745 : i1 to i32
    %sign3A_747 = arith.subi %sign3A_743, %sign3A_746 : i32
    %ne3A_748 = arith.cmpi ne, %sign3A_740, %sign3A_747 : i32
    %rem3A_749 = arith.remsi %add3A_731, %jit3A_732 : i32
    %ne3A_750 = arith.constant 0 : i32
    %ne3A_751 = arith.cmpi ne, %rem3A_749, %ne3A_750 : i32
    %and3A_752 = arith.andi %ne3A_748, %ne3A_751 : i1
    %sub3A_753 = arith.constant 1 : i32
    %sub3A_754 = arith.subi %div3A_733, %sub3A_753 : i32
    %select_n3A_755 = arith.select %and3A_752, %sub3A_754, %div3A_733 : i32
    %while3A_756 = arith.constant 0 : i32
    %while3A_757 = arith.subi %select_n3A_755, %while3A_756 : i32
    %while3A_758 = arith.addi %while3A_756, %while3A_757 : i32
    %while3A_759 = arith.constant 1 : i32
    %while3A_760 = arith.divsi %while3A_757, %while3A_759 : i32
    %while3A_761 = arith.muli %while3A_760, %while3A_759 : i32
    %while3A_762 = arith.addi %while3A_756, %while3A_761 : i32
    %while3A_763 = arith.constant 1 : i32
    %while3A_764 = scf.for %while3A_817 = %while3A_756 to %while3A_762 step %while3A_763 iter_args(%while3A_818 = %while3A_719) -> (i32)  : i32 {
      %mul3A_819 = arith.constant 16 : i32
      %mul3A_820 = arith.muli %while3A_817, %mul3A_819 : i32
      %add3A_821 = arith.constant 15360 : i32
      %add3A_822 = arith.addi %add3A_821, %mul3A_820 : i32
      %mul3A_823 = arith.constant 16 : i32
      %mul3A_824 = arith.muli %while3A_818, %mul3A_823 : i32
      "tpu.region"() ({
        %run_scoped3A = tpu.sem_alloc : memref<!tpu.dma_semaphore, #tpu.memory_space<semaphore_mem>>
        %dma_start3A = tpu.memref_slice %arg12[%mul3A_824] : memref<16640xi32, #tpu.memory_space<vmem>> -> memref<16xi32, #tpu.memory_space<vmem>>
        %dma_start3A_829 = tpu.memref_slice %arg17[%add3A_822] : memref<16384xi32, #tpu.memory_space<vmem_shared>> -> memref<16xi32, #tpu.memory_space<vmem_shared>>
        %dma_start3A_830 = tpu.memref_slice %arg12[%mul3A_824] : memref<16640xi32, #tpu.memory_space<vmem>> -> memref<16xi32, #tpu.memory_space<vmem>>
        %dma_start3A_831 = tpu.memref_slice %arg17[%add3A_822] : memref<16384xi32, #tpu.memory_space<vmem_shared>> -> memref<16xi32, #tpu.memory_space<vmem_shared>>
        tpu.enqueue_dma source(%dma_start3A_831 : memref<16xi32, #tpu.memory_space<vmem_shared>>) target(%dma_start3A_830 : memref<16xi32, #tpu.memory_space<vmem>>) target_semaphore(%run_scoped3A : memref<!tpu.dma_semaphore, #tpu.memory_space<semaphore_mem>>)
        %dma_wait3A = tpu.memref_slice %arg12[%mul3A_824] : memref<16640xi32, #tpu.memory_space<vmem>> -> memref<16xi32, #tpu.memory_space<vmem>>
        %dma_wait3A_832 = tpu.memref_slice %arg17[%add3A_822] : memref<16384xi32, #tpu.memory_space<vmem_shared>> -> memref<16xi32, #tpu.memory_space<vmem_shared>>
        %dma_wait3A_833 = tpu.memref_slice %arg12[%mul3A_824] : memref<16640xi32, #tpu.memory_space<vmem>> -> memref<16xi32, #tpu.memory_space<vmem>>
        %dma_wait3A_834 = tpu.memref_slice %arg17[%add3A_822] : memref<16384xi32, #tpu.memory_space<vmem_shared>> -> memref<16xi32, #tpu.memory_space<vmem_shared>>
        tpu.wait_dma2 semaphore(%run_scoped3A : memref<!tpu.dma_semaphore, #tpu.memory_space<semaphore_mem>>) src(%dma_wait3A_834 : memref<16xi32, #tpu.memory_space<vmem_shared>>) dst(%dma_wait3A_833 : memref<16xi32, #tpu.memory_space<vmem>>)
        tpu.yield
      }) : () -> ()
      %mul3A_825 = arith.constant 16 : i32
      %mul3A_826 = arith.muli %while3A_818, %mul3A_825 : i32
      "tpu.region"() ({
        %run_scoped3A = tpu.sem_alloc : memref<!tpu.dma_semaphore, #tpu.memory_space<semaphore_mem>>
        %dma_start3A = tpu.memref_slice %arg13[%mul3A_826] : memref<16640xi32, #tpu.memory_space<vmem>> -> memref<16xi32, #tpu.memory_space<vmem>>
        %dma_start3A_829 = tpu.memref_slice %arg18[%add3A_822] : memref<16384xi32, #tpu.memory_space<vmem_shared>> -> memref<16xi32, #tpu.memory_space<vmem_shared>>
        %dma_start3A_830 = tpu.memref_slice %arg13[%mul3A_826] : memref<16640xi32, #tpu.memory_space<vmem>> -> memref<16xi32, #tpu.memory_space<vmem>>
        %dma_start3A_831 = tpu.memref_slice %arg18[%add3A_822] : memref<16384xi32, #tpu.memory_space<vmem_shared>> -> memref<16xi32, #tpu.memory_space<vmem_shared>>
        tpu.enqueue_dma source(%dma_start3A_831 : memref<16xi32, #tpu.memory_space<vmem_shared>>) target(%dma_start3A_830 : memref<16xi32, #tpu.memory_space<vmem>>) target_semaphore(%run_scoped3A : memref<!tpu.dma_semaphore, #tpu.memory_space<semaphore_mem>>)
        %dma_wait3A = tpu.memref_slice %arg13[%mul3A_826] : memref<16640xi32, #tpu.memory_space<vmem>> -> memref<16xi32, #tpu.memory_space<vmem>>
        %dma_wait3A_832 = tpu.memref_slice %arg18[%add3A_822] : memref<16384xi32, #tpu.memory_space<vmem_shared>> -> memref<16xi32, #tpu.memory_space<vmem_shared>>
        %dma_wait3A_833 = tpu.memref_slice %arg13[%mul3A_826] : memref<16640xi32, #tpu.memory_space<vmem>> -> memref<16xi32, #tpu.memory_space<vmem>>
        %dma_wait3A_834 = tpu.memref_slice %arg18[%add3A_822] : memref<16384xi32, #tpu.memory_space<vmem_shared>> -> memref<16xi32, #tpu.memory_space<vmem_shared>>
        tpu.wait_dma2 semaphore(%run_scoped3A : memref<!tpu.dma_semaphore, #tpu.memory_space<semaphore_mem>>) src(%dma_wait3A_834 : memref<16xi32, #tpu.memory_space<vmem_shared>>) dst(%dma_wait3A_833 : memref<16xi32, #tpu.memory_space<vmem>>)
        tpu.yield
      }) : () -> ()
      %add3A_827 = arith.constant 1 : i32
      %add3A_828 = arith.addi %while3A_818, %add3A_827 : i32
      scf.yield %add3A_828 : i32
    }
    %while3A_765 = arith.constant 1 : i32
    %while3A_766 = scf.for %while3A_817 = %while3A_762 to %while3A_758 step %while3A_765 iter_args(%while3A_818 = %while3A_764) -> (i32)  : i32 {
      %mul3A_819 = arith.constant 16 : i32
      %mul3A_820 = arith.muli %while3A_817, %mul3A_819 : i32
      %add3A_821 = arith.constant 15360 : i32
      %add3A_822 = arith.addi %add3A_821, %mul3A_820 : i32
      %mul3A_823 = arith.constant 16 : i32
      %mul3A_824 = arith.muli %while3A_818, %mul3A_823 : i32
      "tpu.region"() ({
        %run_scoped3A = tpu.sem_alloc : memref<!tpu.dma_semaphore, #tpu.memory_space<semaphore_mem>>
        %dma_start3A = tpu.memref_slice %arg12[%mul3A_824] : memref<16640xi32, #tpu.memory_space<vmem>> -> memref<16xi32, #tpu.memory_space<vmem>>
        %dma_start3A_829 = tpu.memref_slice %arg17[%add3A_822] : memref<16384xi32, #tpu.memory_space<vmem_shared>> -> memref<16xi32, #tpu.memory_space<vmem_shared>>
        %dma_start3A_830 = tpu.memref_slice %arg12[%mul3A_824] : memref<16640xi32, #tpu.memory_space<vmem>> -> memref<16xi32, #tpu.memory_space<vmem>>
        %dma_start3A_831 = tpu.memref_slice %arg17[%add3A_822] : memref<16384xi32, #tpu.memory_space<vmem_shared>> -> memref<16xi32, #tpu.memory_space<vmem_shared>>
        tpu.enqueue_dma source(%dma_start3A_831 : memref<16xi32, #tpu.memory_space<vmem_shared>>) target(%dma_start3A_830 : memref<16xi32, #tpu.memory_space<vmem>>) target_semaphore(%run_scoped3A : memref<!tpu.dma_semaphore, #tpu.memory_space<semaphore_mem>>)
        %dma_wait3A = tpu.memref_slice %arg12[%mul3A_824] : memref<16640xi32, #tpu.memory_space<vmem>> -> memref<16xi32, #tpu.memory_space<vmem>>
        %dma_wait3A_832 = tpu.memref_slice %arg17[%add3A_822] : memref<16384xi32, #tpu.memory_space<vmem_shared>> -> memref<16xi32, #tpu.memory_space<vmem_shared>>
        %dma_wait3A_833 = tpu.memref_slice %arg12[%mul3A_824] : memref<16640xi32, #tpu.memory_space<vmem>> -> memref<16xi32, #tpu.memory_space<vmem>>
        %dma_wait3A_834 = tpu.memref_slice %arg17[%add3A_822] : memref<16384xi32, #tpu.memory_space<vmem_shared>> -> memref<16xi32, #tpu.memory_space<vmem_shared>>
        tpu.wait_dma2 semaphore(%run_scoped3A : memref<!tpu.dma_semaphore, #tpu.memory_space<semaphore_mem>>) src(%dma_wait3A_834 : memref<16xi32, #tpu.memory_space<vmem_shared>>) dst(%dma_wait3A_833 : memref<16xi32, #tpu.memory_space<vmem>>)
        tpu.yield
      }) : () -> ()
      %mul3A_825 = arith.constant 16 : i32
      %mul3A_826 = arith.muli %while3A_818, %mul3A_825 : i32
      "tpu.region"() ({
        %run_scoped3A = tpu.sem_alloc : memref<!tpu.dma_semaphore, #tpu.memory_space<semaphore_mem>>
        %dma_start3A = tpu.memref_slice %arg13[%mul3A_826] : memref<16640xi32, #tpu.memory_space<vmem>> -> memref<16xi32, #tpu.memory_space<vmem>>
        %dma_start3A_829 = tpu.memref_slice %arg18[%add3A_822] : memref<16384xi32, #tpu.memory_space<vmem_shared>> -> memref<16xi32, #tpu.memory_space<vmem_shared>>
        %dma_start3A_830 = tpu.memref_slice %arg13[%mul3A_826] : memref<16640xi32, #tpu.memory_space<vmem>> -> memref<16xi32, #tpu.memory_space<vmem>>
        %dma_start3A_831 = tpu.memref_slice %arg18[%add3A_822] : memref<16384xi32, #tpu.memory_space<vmem_shared>> -> memref<16xi32, #tpu.memory_space<vmem_shared>>
        tpu.enqueue_dma source(%dma_start3A_831 : memref<16xi32, #tpu.memory_space<vmem_shared>>) target(%dma_start3A_830 : memref<16xi32, #tpu.memory_space<vmem>>) target_semaphore(%run_scoped3A : memref<!tpu.dma_semaphore, #tpu.memory_space<semaphore_mem>>)
        %dma_wait3A = tpu.memref_slice %arg13[%mul3A_826] : memref<16640xi32, #tpu.memory_space<vmem>> -> memref<16xi32, #tpu.memory_space<vmem>>
        %dma_wait3A_832 = tpu.memref_slice %arg18[%add3A_822] : memref<16384xi32, #tpu.memory_space<vmem_shared>> -> memref<16xi32, #tpu.memory_space<vmem_shared>>
        %dma_wait3A_833 = tpu.memref_slice %arg13[%mul3A_826] : memref<16640xi32, #tpu.memory_space<vmem>> -> memref<16xi32, #tpu.memory_space<vmem>>
        %dma_wait3A_834 = tpu.memref_slice %arg18[%add3A_822] : memref<16384xi32, #tpu.memory_space<vmem_shared>> -> memref<16xi32, #tpu.memory_space<vmem_shared>>
        tpu.wait_dma2 semaphore(%run_scoped3A : memref<!tpu.dma_semaphore, #tpu.memory_space<semaphore_mem>>) src(%dma_wait3A_834 : memref<16xi32, #tpu.memory_space<vmem_shared>>) dst(%dma_wait3A_833 : memref<16xi32, #tpu.memory_space<vmem>>)
        tpu.yield
      }) : () -> ()
      %add3A_827 = arith.constant 1 : i32
      %add3A_828 = arith.addi %while3A_818, %add3A_827 : i32
      scf.yield %add3A_828 : i32
    }
    %while3A_767 = arith.constant 0 : i32
    %while3A_768 = arith.constant 0 : i32
    %while3A_769 = arith.subi %scan3A_14, %while3A_767 : i32
    %while3A_770 = arith.addi %while3A_767, %while3A_769 : i32
    %while3A_771 = arith.constant 1 : i32
    %while3A_772 = arith.divsi %while3A_769, %while3A_771 : i32
    %while3A_773 = arith.muli %while3A_772, %while3A_771 : i32
    %while3A_774 = arith.addi %while3A_767, %while3A_773 : i32
    %while3A_775 = arith.constant 1 : i32
    %while3A_776 = scf.for %while3A_817 = %while3A_767 to %while3A_774 step %while3A_775 iter_args(%while3A_818 = %while3A_768) -> (i32)  : i32 {
      %jit3A_819 = arith.constant 16 : i32
      %div3A_820 = arith.divsi %while3A_817, %jit3A_819 : i32
      %sign3A_821 = arith.constant 0 : i32
      %sign3A_822 = arith.cmpi sgt, %while3A_817, %sign3A_821 : i32
      %sign3A_823 = arith.extui %sign3A_822 : i1 to i32
      %sign3A_824 = arith.constant 0 : i32
      %sign3A_825 = arith.cmpi slt, %while3A_817, %sign3A_824 : i32
      %sign3A_826 = arith.extui %sign3A_825 : i1 to i32
      %sign3A_827 = arith.subi %sign3A_823, %sign3A_826 : i32
      %sign3A_828 = arith.constant 0 : i32
      %sign3A_829 = arith.cmpi sgt, %jit3A_819, %sign3A_828 : i32
      %sign3A_830 = arith.extui %sign3A_829 : i1 to i32
      %sign3A_831 = arith.constant 0 : i32
      %sign3A_832 = arith.cmpi slt, %jit3A_819, %sign3A_831 : i32
      %sign3A_833 = arith.extui %sign3A_832 : i1 to i32
      %sign3A_834 = arith.subi %sign3A_830, %sign3A_833 : i32
      %ne3A_835 = arith.cmpi ne, %sign3A_827, %sign3A_834 : i32
      %rem3A_836 = arith.remsi %while3A_817, %jit3A_819 : i32
      %ne3A_837 = arith.constant 0 : i32
      %ne3A_838 = arith.cmpi ne, %rem3A_836, %ne3A_837 : i32
      %and3A_839 = arith.andi %ne3A_835, %ne3A_838 : i1
      %sub3A_840 = arith.constant 1 : i32
      %sub3A_841 = arith.subi %div3A_820, %sub3A_840 : i32
      %select_n3A_842 = arith.select %and3A_839, %sub3A_841, %div3A_820 : i32
      %jit3A_843 = arith.constant 16 : i32
      %eq3A = arith.constant 0 : i32
      %eq3A_844 = arith.cmpi eq, %jit3A_843, %eq3A : i32
      %jit3A_845 = arith.constant 1 : i32
      %select_n3A_846 = arith.select %eq3A_844, %jit3A_845, %jit3A_843 : i32
      %rem3A_847 = arith.remsi %while3A_817, %select_n3A_846 : i32
      %ne3A_848 = arith.constant 0 : i32
      %ne3A_849 = arith.cmpi ne, %rem3A_847, %ne3A_848 : i32
      %lt3A = arith.constant 0 : i32
      %lt3A_850 = arith.cmpi slt, %rem3A_847, %lt3A : i32
      %lt3A_851 = arith.constant 0 : i32
      %lt3A_852 = arith.cmpi slt, %select_n3A_846, %lt3A_851 : i32
      %ne3A_853 = arith.xori %lt3A_850, %lt3A_852 : i1
      %and3A_854 = arith.andi %ne3A_853, %ne3A_849 : i1
      %add3A_855 = arith.addi %rem3A_847, %select_n3A_846 : i32
      %select_n3A_856 = arith.select %and3A_854, %add3A_855, %rem3A_847 : i32
      %eq3A_857 = vector.broadcast %select_n3A_856 : i32 to vector<16xi32>
      %eq3A_858 = arith.cmpi eq, %iota3A, %eq3A_857 : vector<16xi32>
      %mul3A_859 = arith.constant 16 : i32
      %mul3A_860 = arith.muli %select_n3A_842, %mul3A_859 : i32
      %get3A_861 = arith.index_cast %mul3A_860 : i32 to index
      %get3A_862 = tpu.vector_load %arg8[%get3A_861] {strides = array<i32>} : memref<1024xi32, #tpu.memory_space<vmem>>, vector<16xi32>,
      %jit3A_863 = arith.constant 0 : i32
      %broadcast_in_dim3A_864 = vector.broadcast %jit3A_863 : i32 to vector<16xi32>
      %select_n3A_865 = arith.select %eq3A_858, %get3A_862, %broadcast_in_dim3A_864 : vector<16xi1>, vector<16xi32>
      %reduce_sum3A = arith.constant true
      %reduce_sum3A_866 = vector.broadcast %reduce_sum3A : i1 to vector<16xi1>
      %reduce_sum3A_867 = tpu.scan <sum>, %select_n3A_865 masked %reduce_sum3A_866 : vector<16xi32>, vector<16xi1> -> vector<16xi32>
      %reduce_sum3A_868 = vector.extract %reduce_sum3A_867[15] : i32 from vector<16xi32>
      %mul3A_869 = arith.constant 16 : i32
      %mul3A_870 = arith.muli %select_n3A_842, %mul3A_869 : i32
      %get3A_871 = arith.index_cast %mul3A_870 : i32 to index
      %get3A_872 = tpu.vector_load %arg9[%get3A_871] {strides = array<i32>} : memref<1024xi32, #tpu.memory_space<vmem>>, vector<16xi32>,
      %jit3A_873 = arith.constant 0 : i32
      %broadcast_in_dim3A_874 = vector.broadcast %jit3A_873 : i32 to vector<16xi32>
      %select_n3A_875 = arith.select %eq3A_858, %get3A_872, %broadcast_in_dim3A_874 : vector<16xi1>, vector<16xi32>
      %reduce_sum3A_876 = arith.constant true
      %reduce_sum3A_877 = vector.broadcast %reduce_sum3A_876 : i1 to vector<16xi1>
      %reduce_sum3A_878 = tpu.scan <sum>, %select_n3A_875 masked %reduce_sum3A_877 : vector<16xi32>, vector<16xi1> -> vector<16xi32>
      %reduce_sum3A_879 = vector.extract %reduce_sum3A_878[15] : i32 from vector<16xi32>
      %while3A_880 = arith.constant 0 : i32
      %while3A_881 = arith.subi %while3A_766, %while3A_880 : i32
      %while3A_882 = arith.addi %while3A_880, %while3A_881 : i32
      %while3A_883 = arith.constant 1 : i32
      %while3A_884 = arith.divsi %while3A_881, %while3A_883 : i32
      %while3A_885 = arith.muli %while3A_884, %while3A_883 : i32
      %while3A_886 = arith.addi %while3A_880, %while3A_885 : i32
      %while3A_887 = arith.constant 1 : i32
      %while3A_888 = scf.for %while3A_901 = %while3A_880 to %while3A_886 step %while3A_887 iter_args(%while3A_902 = %broadcast_in_dim3A_1) -> (vector<16xi32>)  : i32 {
        %mul3A_903 = arith.constant 16 : i32
        %mul3A_904 = arith.muli %while3A_901, %mul3A_903 : i32
        %get3A_905 = arith.index_cast %mul3A_904 : i32 to index
        %get3A_906 = tpu.vector_load %arg12[%get3A_905] {strides = array<i32>} : memref<16640xi32, #tpu.memory_space<vmem>>, vector<16xi32>,
        %mul3A_907 = arith.constant 16 : i32
        %mul3A_908 = arith.muli %while3A_901, %mul3A_907 : i32
        %get3A_909 = arith.index_cast %mul3A_908 : i32 to index
        %get3A_910 = tpu.vector_load %arg13[%get3A_909] {strides = array<i32>} : memref<16640xi32, #tpu.memory_space<vmem>>, vector<16xi32>,
        %gt3A = vector.broadcast %reduce_sum3A_868 : i32 to vector<16xi32>
        %gt3A_911 = arith.cmpi sgt, %get3A_906, %gt3A : vector<16xi32>
        %eq3A_912 = vector.broadcast %reduce_sum3A_868 : i32 to vector<16xi32>
        %eq3A_913 = arith.cmpi eq, %get3A_906, %eq3A_912 : vector<16xi32>
        %lt3A_914 = vector.broadcast %reduce_sum3A_879 : i32 to vector<16xi32>
        %lt3A_915 = arith.cmpi slt, %get3A_910, %lt3A_914 : vector<16xi32>
        %and3A_916 = arith.andi %eq3A_913, %lt3A_915 : vector<16xi1>
        %or3A = arith.ori %gt3A_911, %and3A_916 : vector<16xi1>
        %jit3A_917 = arith.constant 1 : i32
        %jit3A_918 = arith.constant 0 : i32
        %broadcast_in_dim3A_919 = vector.broadcast %jit3A_917 : i32 to vector<16xi32>
        %broadcast_in_dim3A_920 = vector.broadcast %jit3A_918 : i32 to vector<16xi32>
        %select_n3A_921 = arith.select %or3A, %broadcast_in_dim3A_919, %broadcast_in_dim3A_920 : vector<16xi1>, vector<16xi32>
        %add3A_922 = arith.addi %while3A_902, %select_n3A_921 : vector<16xi32>
        scf.yield %add3A_922 : vector<16xi32>
      }
      %while3A_889 = arith.constant 1 : i32
      %while3A_890 = scf.for %while3A_901 = %while3A_886 to %while3A_882 step %while3A_889 iter_args(%while3A_902 = %while3A_888) -> (vector<16xi32>)  : i32 {
        %mul3A_903 = arith.constant 16 : i32
        %mul3A_904 = arith.muli %while3A_901, %mul3A_903 : i32
        %get3A_905 = arith.index_cast %mul3A_904 : i32 to index
        %get3A_906 = tpu.vector_load %arg12[%get3A_905] {strides = array<i32>} : memref<16640xi32, #tpu.memory_space<vmem>>, vector<16xi32>,
        %mul3A_907 = arith.constant 16 : i32
        %mul3A_908 = arith.muli %while3A_901, %mul3A_907 : i32
        %get3A_909 = arith.index_cast %mul3A_908 : i32 to index
        %get3A_910 = tpu.vector_load %arg13[%get3A_909] {strides = array<i32>} : memref<16640xi32, #tpu.memory_space<vmem>>, vector<16xi32>,
        %gt3A = vector.broadcast %reduce_sum3A_868 : i32 to vector<16xi32>
        %gt3A_911 = arith.cmpi sgt, %get3A_906, %gt3A : vector<16xi32>
        %eq3A_912 = vector.broadcast %reduce_sum3A_868 : i32 to vector<16xi32>
        %eq3A_913 = arith.cmpi eq, %get3A_906, %eq3A_912 : vector<16xi32>
        %lt3A_914 = vector.broadcast %reduce_sum3A_879 : i32 to vector<16xi32>
        %lt3A_915 = arith.cmpi slt, %get3A_910, %lt3A_914 : vector<16xi32>
        %and3A_916 = arith.andi %eq3A_913, %lt3A_915 : vector<16xi1>
        %or3A = arith.ori %gt3A_911, %and3A_916 : vector<16xi1>
        %jit3A_917 = arith.constant 1 : i32
        %jit3A_918 = arith.constant 0 : i32
        %broadcast_in_dim3A_919 = vector.broadcast %jit3A_917 : i32 to vector<16xi32>
        %broadcast_in_dim3A_920 = vector.broadcast %jit3A_918 : i32 to vector<16xi32>
        %select_n3A_921 = arith.select %or3A, %broadcast_in_dim3A_919, %broadcast_in_dim3A_920 : vector<16xi1>, vector<16xi32>
        %add3A_922 = arith.addi %while3A_902, %select_n3A_921 : vector<16xi32>
        scf.yield %add3A_922 : vector<16xi32>
      }
      %reduce_sum3A_891 = arith.constant true
      %reduce_sum3A_892 = vector.broadcast %reduce_sum3A_891 : i1 to vector<16xi1>
      %reduce_sum3A_893 = tpu.scan <sum>, %while3A_890 masked %reduce_sum3A_892 : vector<16xi32>, vector<16xi1> -> vector<16xi32>
      %reduce_sum3A_894 = vector.extract %reduce_sum3A_893[15] : i32 from vector<16xi32>
      %min3A = arith.constant 256 : i32
      %min3A_895 = arith.minsi %reduce_sum3A_894, %min3A : i32
      %add3A_896 = vector.broadcast %while3A_817 : i32 to vector<16xi32>
      %add3A_897 = arith.addi %broadcast_in_dim3A_1, %add3A_896 : vector<16xi32>
      %add3A_898 = vector.broadcast %min3A_895 : i32 to vector<16xi32>
      %add3A_899 = arith.addi %broadcast_in_dim3A_1, %add3A_898 : vector<16xi32>
      tpu.vector_store_idx %arg10[%add3A_897], %add3A_899 masked %eq3A_858 : memref<1024xi32, #tpu.memory_space<vmem>>[vector<16xi32>], vector<16xi32>, vector<16xi1>
      %while3A_900 = arith.constant 0 : i32
      scf.yield %while3A_900 : i32
    }
    %while3A_777 = arith.constant 1 : i32
    %while3A_778 = scf.for %while3A_817 = %while3A_774 to %while3A_770 step %while3A_777 iter_args(%while3A_818 = %while3A_776) -> (i32)  : i32 {
      %jit3A_819 = arith.constant 16 : i32
      %div3A_820 = arith.divsi %while3A_817, %jit3A_819 : i32
      %sign3A_821 = arith.constant 0 : i32
      %sign3A_822 = arith.cmpi sgt, %while3A_817, %sign3A_821 : i32
      %sign3A_823 = arith.extui %sign3A_822 : i1 to i32
      %sign3A_824 = arith.constant 0 : i32
      %sign3A_825 = arith.cmpi slt, %while3A_817, %sign3A_824 : i32
      %sign3A_826 = arith.extui %sign3A_825 : i1 to i32
      %sign3A_827 = arith.subi %sign3A_823, %sign3A_826 : i32
      %sign3A_828 = arith.constant 0 : i32
      %sign3A_829 = arith.cmpi sgt, %jit3A_819, %sign3A_828 : i32
      %sign3A_830 = arith.extui %sign3A_829 : i1 to i32
      %sign3A_831 = arith.constant 0 : i32
      %sign3A_832 = arith.cmpi slt, %jit3A_819, %sign3A_831 : i32
      %sign3A_833 = arith.extui %sign3A_832 : i1 to i32
      %sign3A_834 = arith.subi %sign3A_830, %sign3A_833 : i32
      %ne3A_835 = arith.cmpi ne, %sign3A_827, %sign3A_834 : i32
      %rem3A_836 = arith.remsi %while3A_817, %jit3A_819 : i32
      %ne3A_837 = arith.constant 0 : i32
      %ne3A_838 = arith.cmpi ne, %rem3A_836, %ne3A_837 : i32
      %and3A_839 = arith.andi %ne3A_835, %ne3A_838 : i1
      %sub3A_840 = arith.constant 1 : i32
      %sub3A_841 = arith.subi %div3A_820, %sub3A_840 : i32
      %select_n3A_842 = arith.select %and3A_839, %sub3A_841, %div3A_820 : i32
      %jit3A_843 = arith.constant 16 : i32
      %eq3A = arith.constant 0 : i32
      %eq3A_844 = arith.cmpi eq, %jit3A_843, %eq3A : i32
      %jit3A_845 = arith.constant 1 : i32
      %select_n3A_846 = arith.select %eq3A_844, %jit3A_845, %jit3A_843 : i32
      %rem3A_847 = arith.remsi %while3A_817, %select_n3A_846 : i32
      %ne3A_848 = arith.constant 0 : i32
      %ne3A_849 = arith.cmpi ne, %rem3A_847, %ne3A_848 : i32
      %lt3A = arith.constant 0 : i32
      %lt3A_850 = arith.cmpi slt, %rem3A_847, %lt3A : i32
      %lt3A_851 = arith.constant 0 : i32
      %lt3A_852 = arith.cmpi slt, %select_n3A_846, %lt3A_851 : i32
      %ne3A_853 = arith.xori %lt3A_850, %lt3A_852 : i1
      %and3A_854 = arith.andi %ne3A_853, %ne3A_849 : i1
      %add3A_855 = arith.addi %rem3A_847, %select_n3A_846 : i32
      %select_n3A_856 = arith.select %and3A_854, %add3A_855, %rem3A_847 : i32
      %eq3A_857 = vector.broadcast %select_n3A_856 : i32 to vector<16xi32>
      %eq3A_858 = arith.cmpi eq, %iota3A, %eq3A_857 : vector<16xi32>
      %mul3A_859 = arith.constant 16 : i32
      %mul3A_860 = arith.muli %select_n3A_842, %mul3A_859 : i32
      %get3A_861 = arith.index_cast %mul3A_860 : i32 to index
      %get3A_862 = tpu.vector_load %arg8[%get3A_861] {strides = array<i32>} : memref<1024xi32, #tpu.memory_space<vmem>>, vector<16xi32>,
      %jit3A_863 = arith.constant 0 : i32
      %broadcast_in_dim3A_864 = vector.broadcast %jit3A_863 : i32 to vector<16xi32>
      %select_n3A_865 = arith.select %eq3A_858, %get3A_862, %broadcast_in_dim3A_864 : vector<16xi1>, vector<16xi32>
      %reduce_sum3A = arith.constant true
      %reduce_sum3A_866 = vector.broadcast %reduce_sum3A : i1 to vector<16xi1>
      %reduce_sum3A_867 = tpu.scan <sum>, %select_n3A_865 masked %reduce_sum3A_866 : vector<16xi32>, vector<16xi1> -> vector<16xi32>
      %reduce_sum3A_868 = vector.extract %reduce_sum3A_867[15] : i32 from vector<16xi32>
      %mul3A_869 = arith.constant 16 : i32
      %mul3A_870 = arith.muli %select_n3A_842, %mul3A_869 : i32
      %get3A_871 = arith.index_cast %mul3A_870 : i32 to index
      %get3A_872 = tpu.vector_load %arg9[%get3A_871] {strides = array<i32>} : memref<1024xi32, #tpu.memory_space<vmem>>, vector<16xi32>,
      %jit3A_873 = arith.constant 0 : i32
      %broadcast_in_dim3A_874 = vector.broadcast %jit3A_873 : i32 to vector<16xi32>
      %select_n3A_875 = arith.select %eq3A_858, %get3A_872, %broadcast_in_dim3A_874 : vector<16xi1>, vector<16xi32>
      %reduce_sum3A_876 = arith.constant true
      %reduce_sum3A_877 = vector.broadcast %reduce_sum3A_876 : i1 to vector<16xi1>
      %reduce_sum3A_878 = tpu.scan <sum>, %select_n3A_875 masked %reduce_sum3A_877 : vector<16xi32>, vector<16xi1> -> vector<16xi32>
      %reduce_sum3A_879 = vector.extract %reduce_sum3A_878[15] : i32 from vector<16xi32>
      %while3A_880 = arith.constant 0 : i32
      %while3A_881 = arith.subi %while3A_766, %while3A_880 : i32
      %while3A_882 = arith.addi %while3A_880, %while3A_881 : i32
      %while3A_883 = arith.constant 1 : i32
      %while3A_884 = arith.divsi %while3A_881, %while3A_883 : i32
      %while3A_885 = arith.muli %while3A_884, %while3A_883 : i32
      %while3A_886 = arith.addi %while3A_880, %while3A_885 : i32
      %while3A_887 = arith.constant 1 : i32
      %while3A_888 = scf.for %while3A_901 = %while3A_880 to %while3A_886 step %while3A_887 iter_args(%while3A_902 = %broadcast_in_dim3A_1) -> (vector<16xi32>)  : i32 {
        %mul3A_903 = arith.constant 16 : i32
        %mul3A_904 = arith.muli %while3A_901, %mul3A_903 : i32
        %get3A_905 = arith.index_cast %mul3A_904 : i32 to index
        %get3A_906 = tpu.vector_load %arg12[%get3A_905] {strides = array<i32>} : memref<16640xi32, #tpu.memory_space<vmem>>, vector<16xi32>,
        %mul3A_907 = arith.constant 16 : i32
        %mul3A_908 = arith.muli %while3A_901, %mul3A_907 : i32
        %get3A_909 = arith.index_cast %mul3A_908 : i32 to index
        %get3A_910 = tpu.vector_load %arg13[%get3A_909] {strides = array<i32>} : memref<16640xi32, #tpu.memory_space<vmem>>, vector<16xi32>,
        %gt3A = vector.broadcast %reduce_sum3A_868 : i32 to vector<16xi32>
        %gt3A_911 = arith.cmpi sgt, %get3A_906, %gt3A : vector<16xi32>
        %eq3A_912 = vector.broadcast %reduce_sum3A_868 : i32 to vector<16xi32>
        %eq3A_913 = arith.cmpi eq, %get3A_906, %eq3A_912 : vector<16xi32>
        %lt3A_914 = vector.broadcast %reduce_sum3A_879 : i32 to vector<16xi32>
        %lt3A_915 = arith.cmpi slt, %get3A_910, %lt3A_914 : vector<16xi32>
        %and3A_916 = arith.andi %eq3A_913, %lt3A_915 : vector<16xi1>
        %or3A = arith.ori %gt3A_911, %and3A_916 : vector<16xi1>
        %jit3A_917 = arith.constant 1 : i32
        %jit3A_918 = arith.constant 0 : i32
        %broadcast_in_dim3A_919 = vector.broadcast %jit3A_917 : i32 to vector<16xi32>
        %broadcast_in_dim3A_920 = vector.broadcast %jit3A_918 : i32 to vector<16xi32>
        %select_n3A_921 = arith.select %or3A, %broadcast_in_dim3A_919, %broadcast_in_dim3A_920 : vector<16xi1>, vector<16xi32>
        %add3A_922 = arith.addi %while3A_902, %select_n3A_921 : vector<16xi32>
        scf.yield %add3A_922 : vector<16xi32>
      }
      %while3A_889 = arith.constant 1 : i32
      %while3A_890 = scf.for %while3A_901 = %while3A_886 to %while3A_882 step %while3A_889 iter_args(%while3A_902 = %while3A_888) -> (vector<16xi32>)  : i32 {
        %mul3A_903 = arith.constant 16 : i32
        %mul3A_904 = arith.muli %while3A_901, %mul3A_903 : i32
        %get3A_905 = arith.index_cast %mul3A_904 : i32 to index
        %get3A_906 = tpu.vector_load %arg12[%get3A_905] {strides = array<i32>} : memref<16640xi32, #tpu.memory_space<vmem>>, vector<16xi32>,
        %mul3A_907 = arith.constant 16 : i32
        %mul3A_908 = arith.muli %while3A_901, %mul3A_907 : i32
        %get3A_909 = arith.index_cast %mul3A_908 : i32 to index
        %get3A_910 = tpu.vector_load %arg13[%get3A_909] {strides = array<i32>} : memref<16640xi32, #tpu.memory_space<vmem>>, vector<16xi32>,
        %gt3A = vector.broadcast %reduce_sum3A_868 : i32 to vector<16xi32>
        %gt3A_911 = arith.cmpi sgt, %get3A_906, %gt3A : vector<16xi32>
        %eq3A_912 = vector.broadcast %reduce_sum3A_868 : i32 to vector<16xi32>
        %eq3A_913 = arith.cmpi eq, %get3A_906, %eq3A_912 : vector<16xi32>
        %lt3A_914 = vector.broadcast %reduce_sum3A_879 : i32 to vector<16xi32>
        %lt3A_915 = arith.cmpi slt, %get3A_910, %lt3A_914 : vector<16xi32>
        %and3A_916 = arith.andi %eq3A_913, %lt3A_915 : vector<16xi1>
        %or3A = arith.ori %gt3A_911, %and3A_916 : vector<16xi1>
        %jit3A_917 = arith.constant 1 : i32
        %jit3A_918 = arith.constant 0 : i32
        %broadcast_in_dim3A_919 = vector.broadcast %jit3A_917 : i32 to vector<16xi32>
        %broadcast_in_dim3A_920 = vector.broadcast %jit3A_918 : i32 to vector<16xi32>
        %select_n3A_921 = arith.select %or3A, %broadcast_in_dim3A_919, %broadcast_in_dim3A_920 : vector<16xi1>, vector<16xi32>
        %add3A_922 = arith.addi %while3A_902, %select_n3A_921 : vector<16xi32>
        scf.yield %add3A_922 : vector<16xi32>
      }
      %reduce_sum3A_891 = arith.constant true
      %reduce_sum3A_892 = vector.broadcast %reduce_sum3A_891 : i1 to vector<16xi1>
      %reduce_sum3A_893 = tpu.scan <sum>, %while3A_890 masked %reduce_sum3A_892 : vector<16xi32>, vector<16xi1> -> vector<16xi32>
      %reduce_sum3A_894 = vector.extract %reduce_sum3A_893[15] : i32 from vector<16xi32>
      %min3A = arith.constant 256 : i32
      %min3A_895 = arith.minsi %reduce_sum3A_894, %min3A : i32
      %add3A_896 = vector.broadcast %while3A_817 : i32 to vector<16xi32>
      %add3A_897 = arith.addi %broadcast_in_dim3A_1, %add3A_896 : vector<16xi32>
      %add3A_898 = vector.broadcast %min3A_895 : i32 to vector<16xi32>
      %add3A_899 = arith.addi %broadcast_in_dim3A_1, %add3A_898 : vector<16xi32>
      tpu.vector_store_idx %arg10[%add3A_897], %add3A_899 masked %eq3A_858 : memref<1024xi32, #tpu.memory_space<vmem>>[vector<16xi32>], vector<16xi32>, vector<16xi1>
      %while3A_900 = arith.constant 0 : i32
      scf.yield %while3A_900 : i32
    }
    %add3A_779 = arith.constant 15 : i32
    %add3A_780 = arith.addi %scan3A_14, %add3A_779 : i32
    %jit3A_781 = arith.constant 16 : i32
    %div3A_782 = arith.divsi %add3A_780, %jit3A_781 : i32
    %sign3A_783 = arith.constant 0 : i32
    %sign3A_784 = arith.cmpi sgt, %add3A_780, %sign3A_783 : i32
    %sign3A_785 = arith.extui %sign3A_784 : i1 to i32
    %sign3A_786 = arith.constant 0 : i32
    %sign3A_787 = arith.cmpi slt, %add3A_780, %sign3A_786 : i32
    %sign3A_788 = arith.extui %sign3A_787 : i1 to i32
    %sign3A_789 = arith.subi %sign3A_785, %sign3A_788 : i32
    %sign3A_790 = arith.constant 0 : i32
    %sign3A_791 = arith.cmpi sgt, %jit3A_781, %sign3A_790 : i32
    %sign3A_792 = arith.extui %sign3A_791 : i1 to i32
    %sign3A_793 = arith.constant 0 : i32
    %sign3A_794 = arith.cmpi slt, %jit3A_781, %sign3A_793 : i32
    %sign3A_795 = arith.extui %sign3A_794 : i1 to i32
    %sign3A_796 = arith.subi %sign3A_792, %sign3A_795 : i32
    %ne3A_797 = arith.cmpi ne, %sign3A_789, %sign3A_796 : i32
    %rem3A_798 = arith.remsi %add3A_780, %jit3A_781 : i32
    %ne3A_799 = arith.constant 0 : i32
    %ne3A_800 = arith.cmpi ne, %rem3A_798, %ne3A_799 : i32
    %and3A_801 = arith.andi %ne3A_797, %ne3A_800 : i1
    %sub3A_802 = arith.constant 1 : i32
    %sub3A_803 = arith.subi %div3A_782, %sub3A_802 : i32
    %select_n3A_804 = arith.select %and3A_801, %sub3A_803, %div3A_782 : i32
    %while3A_805 = arith.constant 0 : i32
    %while3A_806 = arith.constant 0 : i32
    %while3A_807 = arith.subi %select_n3A_804, %while3A_805 : i32
    %while3A_808 = arith.addi %while3A_805, %while3A_807 : i32
    %while3A_809 = arith.constant 1 : i32
    %while3A_810 = arith.divsi %while3A_807, %while3A_809 : i32
    %while3A_811 = arith.muli %while3A_810, %while3A_809 : i32
    %while3A_812 = arith.addi %while3A_805, %while3A_811 : i32
    %while3A_813 = arith.constant 1 : i32
    %while3A_814 = scf.for %while3A_817 = %while3A_805 to %while3A_812 step %while3A_813 iter_args(%while3A_818 = %while3A_806) -> (i32)  : i32 {
      %mul3A_819 = arith.constant 16 : i32
      %mul3A_820 = arith.muli %while3A_817, %mul3A_819 : i32
      %get3A_821 = arith.index_cast %mul3A_820 : i32 to index
      %get3A_822 = tpu.vector_load %arg9[%get3A_821] {strides = array<i32>} : memref<1024xi32, #tpu.memory_space<vmem>>, vector<16xi32>,
      %swap3A_823 = arith.constant 0 : index
      %swap3A_824 = tpu.vector_load %arg15[%swap3A_823] {strides = array<i32>} : memref<16xi32, #tpu.memory_space<vmem>>, vector<16xi32>,
      tpu.vector_store %arg15[%swap3A_823], %get3A_822 {strides = array<i32>} : memref<16xi32, #tpu.memory_space<vmem>>, vector<16xi32>,
      %mul3A_825 = arith.constant 16 : i32
      %mul3A_826 = arith.muli %while3A_817, %mul3A_825 : i32
      %get3A_827 = arith.index_cast %mul3A_826 : i32 to index
      %get3A_828 = tpu.vector_load %arg10[%get3A_827] {strides = array<i32>} : memref<1024xi32, #tpu.memory_space<vmem>>, vector<16xi32>,
      %swap3A_829 = arith.constant 0 : index
      %swap3A_830 = tpu.vector_load %arg16[%swap3A_829] {strides = array<i32>} : memref<16xi32, #tpu.memory_space<vmem>>, vector<16xi32>,
      tpu.vector_store %arg16[%swap3A_829], %get3A_828 {strides = array<i32>} : memref<16xi32, #tpu.memory_space<vmem>>, vector<16xi32>,
      %dma_start3A = arith.constant 0 : i32
      %dma_start3A_831 = arith.constant 0 : i32
      %dma_start3A_832 = tpu.memref_slice %arg2[%dma_start3A, %dma_start3A_831] : memref<16384x128xf32, #tpu.memory_space<hbm>> -> memref<16384x128xf32, #tpu.memory_space<hbm>>
      tpu.enqueue_indirect_dma source(%dma_start3A_832 : memref<16384x128xf32, #tpu.memory_space<hbm>>) target(%arg20 : memref<16x128xf32, #tpu.memory_space<vmem>>) offsets(%arg15 : memref<16xi32, #tpu.memory_space<vmem>>) semaphore(%arg21 : memref<!tpu.dma_semaphore, #tpu.memory_space<semaphore_mem>>)
      %dma_wait3A = arith.constant 0 : i32
      %dma_wait3A_833 = arith.constant 0 : i32
      %dma_wait3A_834 = tpu.memref_slice %arg2[%dma_wait3A, %dma_wait3A_833] : memref<16384x128xf32, #tpu.memory_space<hbm>> -> memref<16384x128xf32, #tpu.memory_space<hbm>>
      tpu.wait_indirect_dma semaphore(%arg21 : memref<!tpu.dma_semaphore, #tpu.memory_space<semaphore_mem>>) src(%dma_wait3A_834 : memref<16384x128xf32, #tpu.memory_space<hbm>>) dst(%arg20 : memref<16x128xf32, #tpu.memory_space<vmem>>)
      %dma_start3A_835 = arith.constant 0 : i32
      %dma_start3A_836 = arith.constant 0 : i32
      %dma_start3A_837 = tpu.memref_slice %arg5[%dma_start3A_835, %dma_start3A_836] : memref<272x128xf32, #tpu.memory_space<hbm>> -> memref<272x128xf32, #tpu.memory_space<hbm>>
      tpu.enqueue_indirect_dma source(%arg20 : memref<16x128xf32, #tpu.memory_space<vmem>>) target(%dma_start3A_837 : memref<272x128xf32, #tpu.memory_space<hbm>>) offsets(%arg16 : memref<16xi32, #tpu.memory_space<vmem>>) semaphore(%arg21 : memref<!tpu.dma_semaphore, #tpu.memory_space<semaphore_mem>>)
      %dma_wait3A_838 = arith.constant 0 : i32
      %dma_wait3A_839 = arith.constant 0 : i32
      %dma_wait3A_840 = tpu.memref_slice %arg5[%dma_wait3A_838, %dma_wait3A_839] : memref<272x128xf32, #tpu.memory_space<hbm>> -> memref<272x128xf32, #tpu.memory_space<hbm>>
      tpu.wait_indirect_dma semaphore(%arg21 : memref<!tpu.dma_semaphore, #tpu.memory_space<semaphore_mem>>) src(%arg20 : memref<16x128xf32, #tpu.memory_space<vmem>>) dst(%dma_wait3A_840 : memref<272x128xf32, #tpu.memory_space<hbm>>)
      %while3A_841 = arith.constant 0 : i32
      scf.yield %while3A_841 : i32
    }
    %while3A_815 = arith.constant 1 : i32
    %while3A_816 = scf.for %while3A_817 = %while3A_812 to %while3A_808 step %while3A_815 iter_args(%while3A_818 = %while3A_814) -> (i32)  : i32 {
      %mul3A_819 = arith.constant 16 : i32
      %mul3A_820 = arith.muli %while3A_817, %mul3A_819 : i32
      %get3A_821 = arith.index_cast %mul3A_820 : i32 to index
      %get3A_822 = tpu.vector_load %arg9[%get3A_821] {strides = array<i32>} : memref<1024xi32, #tpu.memory_space<vmem>>, vector<16xi32>,
      %swap3A_823 = arith.constant 0 : index
      %swap3A_824 = tpu.vector_load %arg15[%swap3A_823] {strides = array<i32>} : memref<16xi32, #tpu.memory_space<vmem>>, vector<16xi32>,
      tpu.vector_store %arg15[%swap3A_823], %get3A_822 {strides = array<i32>} : memref<16xi32, #tpu.memory_space<vmem>>, vector<16xi32>,
      %mul3A_825 = arith.constant 16 : i32
      %mul3A_826 = arith.muli %while3A_817, %mul3A_825 : i32
      %get3A_827 = arith.index_cast %mul3A_826 : i32 to index
      %get3A_828 = tpu.vector_load %arg10[%get3A_827] {strides = array<i32>} : memref<1024xi32, #tpu.memory_space<vmem>>, vector<16xi32>,
      %swap3A_829 = arith.constant 0 : index
      %swap3A_830 = tpu.vector_load %arg16[%swap3A_829] {strides = array<i32>} : memref<16xi32, #tpu.memory_space<vmem>>, vector<16xi32>,
      tpu.vector_store %arg16[%swap3A_829], %get3A_828 {strides = array<i32>} : memref<16xi32, #tpu.memory_space<vmem>>, vector<16xi32>,
      %dma_start3A = arith.constant 0 : i32
      %dma_start3A_831 = arith.constant 0 : i32
      %dma_start3A_832 = tpu.memref_slice %arg2[%dma_start3A, %dma_start3A_831] : memref<16384x128xf32, #tpu.memory_space<hbm>> -> memref<16384x128xf32, #tpu.memory_space<hbm>>
      tpu.enqueue_indirect_dma source(%dma_start3A_832 : memref<16384x128xf32, #tpu.memory_space<hbm>>) target(%arg20 : memref<16x128xf32, #tpu.memory_space<vmem>>) offsets(%arg15 : memref<16xi32, #tpu.memory_space<vmem>>) semaphore(%arg21 : memref<!tpu.dma_semaphore, #tpu.memory_space<semaphore_mem>>)
      %dma_wait3A = arith.constant 0 : i32
      %dma_wait3A_833 = arith.constant 0 : i32
      %dma_wait3A_834 = tpu.memref_slice %arg2[%dma_wait3A, %dma_wait3A_833] : memref<16384x128xf32, #tpu.memory_space<hbm>> -> memref<16384x128xf32, #tpu.memory_space<hbm>>
      tpu.wait_indirect_dma semaphore(%arg21 : memref<!tpu.dma_semaphore, #tpu.memory_space<semaphore_mem>>) src(%dma_wait3A_834 : memref<16384x128xf32, #tpu.memory_space<hbm>>) dst(%arg20 : memref<16x128xf32, #tpu.memory_space<vmem>>)
      %dma_start3A_835 = arith.constant 0 : i32
      %dma_start3A_836 = arith.constant 0 : i32
      %dma_start3A_837 = tpu.memref_slice %arg5[%dma_start3A_835, %dma_start3A_836] : memref<272x128xf32, #tpu.memory_space<hbm>> -> memref<272x128xf32, #tpu.memory_space<hbm>>
      tpu.enqueue_indirect_dma source(%arg20 : memref<16x128xf32, #tpu.memory_space<vmem>>) target(%dma_start3A_837 : memref<272x128xf32, #tpu.memory_space<hbm>>) offsets(%arg16 : memref<16xi32, #tpu.memory_space<vmem>>) semaphore(%arg21 : memref<!tpu.dma_semaphore, #tpu.memory_space<semaphore_mem>>)
      %dma_wait3A_838 = arith.constant 0 : i32
      %dma_wait3A_839 = arith.constant 0 : i32
      %dma_wait3A_840 = tpu.memref_slice %arg5[%dma_wait3A_838, %dma_wait3A_839] : memref<272x128xf32, #tpu.memory_space<hbm>> -> memref<272x128xf32, #tpu.memory_space<hbm>>
      tpu.wait_indirect_dma semaphore(%arg21 : memref<!tpu.dma_semaphore, #tpu.memory_space<semaphore_mem>>) src(%arg20 : memref<16x128xf32, #tpu.memory_space<vmem>>) dst(%dma_wait3A_840 : memref<272x128xf32, #tpu.memory_space<hbm>>)
      %while3A_841 = arith.constant 0 : i32
      scf.yield %while3A_841 : i32
    }
    return
  }
}

module attributes {stable_mosaic.version = 14 : i64} {
  func.func @_mlp_keys_body(%arg0: i32, %arg1: memref<8x6x4096xf32, #tpu.memory_space<vmem>>, %arg2: memref<6x256xf32, #tpu.memory_space<vmem>>, %arg3: memref<256x1xf32, #tpu.memory_space<vmem>>, %arg4: memref<256x256xf32, #tpu.memory_space<vmem>>, %arg5: memref<256x1xf32, #tpu.memory_space<vmem>>, %arg6: memref<256x1xf32, #tpu.memory_space<vmem>>, %arg7: memref<4x4096xi32, #tpu.memory_space<vmem>>, %arg8: memref<1x128xi32, #tpu.memory_space<vmem>>, %arg9: memref<4096x128xf32, #tpu.memory_space<vmem>>, %arg10: memref<4x4096xf32, #tpu.memory_space<vmem>>) attributes {dimension_semantics = [#tpu.dimension_semantics<arbitrary>], iteration_bounds = array<i64: 4>, scalar_prefetch = 0 : i64, scratch_operands = 1 : i64, tpu.core_type = #tpu.core_type<tc>, window_params = [{transform_indices = @transform_0, window_bounds = array<i64: 8, 6, 4096>}, {pipeline_mode = #tpu.pipeline_mode<synchronous>, transform_indices = @transform_1, window_bounds = array<i64: 6, 256>}, {pipeline_mode = #tpu.pipeline_mode<synchronous>, transform_indices = @transform_2, window_bounds = array<i64: 256, 1>}, {pipeline_mode = #tpu.pipeline_mode<synchronous>, transform_indices = @transform_3, window_bounds = array<i64: 256, 256>}, {pipeline_mode = #tpu.pipeline_mode<synchronous>, transform_indices = @transform_4, window_bounds = array<i64: 256, 1>}, {pipeline_mode = #tpu.pipeline_mode<synchronous>, transform_indices = @transform_5, window_bounds = array<i64: 256, 1>}, {pipeline_mode = #tpu.pipeline_mode<synchronous>, transform_indices = @transform_6, window_bounds = array<i64: 4, 4096>}, {pipeline_mode = #tpu.pipeline_mode<synchronous>, transform_indices = @transform_7, window_bounds = array<i64: 1, 128>}, {transform_indices = @transform_8, window_bounds = array<i64: 4096, 128>}]} {
    %get3A = arith.constant 0 : index
    %get3A_0 = arith.constant 0 : index
    %get3A_1 = vector.load %arg2[%get3A, %get3A_0] : memref<6x256xf32, #tpu.memory_space<vmem>>, vector<6x256xf32>
    %get3A_2 = arith.constant 0 : index
    %get3A_3 = arith.constant 0 : index
    %get3A_4 = vector.load %arg3[%get3A_2, %get3A_3] : memref<256x1xf32, #tpu.memory_space<vmem>>, vector<256x1xf32>
    %get3A_5 = arith.constant 0 : index
    %get3A_6 = arith.constant 0 : index
    %get3A_7 = vector.load %arg4[%get3A_5, %get3A_6] : memref<256x256xf32, #tpu.memory_space<vmem>>, vector<256x256xf32>
    %get3A_8 = arith.constant 0 : index
    %get3A_9 = arith.constant 0 : index
    %get3A_10 = vector.load %arg5[%get3A_8, %get3A_9] : memref<256x1xf32, #tpu.memory_space<vmem>>, vector<256x1xf32>
    %get3A_11 = arith.constant 0 : index
    %get3A_12 = arith.constant 0 : index
    %get3A_13 = vector.load %arg6[%get3A_11, %get3A_12] : memref<256x1xf32, #tpu.memory_space<vmem>>, vector<256x1xf32>
    %broadcast_in_dim3A = arith.constant 0.000000e+00 : f32
    %broadcast_in_dim3A_14 = vector.broadcast %broadcast_in_dim3A : f32 to vector<1x4096xf32>
    %get3A_15 = arith.constant 0 : index
    %get3A_16 = arith.constant 0 : index
    %get3A_17 = arith.constant 0 : index
    %get3A_18 = vector.load %arg1[%get3A_15, %get3A_16, %get3A_17] : memref<8x6x4096xf32, #tpu.memory_space<vmem>>, vector<1x6x4096xf32>
    %get3A_19 = vector.shape_cast %get3A_18 : vector<1x6x4096xf32> to vector<6x4096xf32>
    %dot_general3A = arith.constant dense<0.000000e+00> : vector<256x4096xf32>
    %dot_general3A_20 = tpu.matmul %get3A_1, %get3A_19, %dot_general3A {dimension_numbers = #tpu.dot_dimension_numbers<[0], [0], [1], [1], [0, 1, 1, 1], [], []>, transpose_lhs_hint = false} : vector<6x256xf32>, vector<6x4096xf32>, vector<256x4096xf32> -> vector<256x4096xf32>
    %add3A = vector.broadcast %get3A_4 : vector<256x1xf32> to vector<256x4096xf32>
    %add3A_21 = arith.addf %dot_general3A_20, %add3A : vector<256x4096xf32>
    %max3A = arith.constant 0.000000e+00 : f32
    %max3A_22 = vector.broadcast %max3A : f32 to vector<256x4096xf32>
    %max3A_23 = arith.maximumf %add3A_21, %max3A_22 : vector<256x4096xf32>
    %dot_general3A_24 = arith.constant dense<0.000000e+00> : vector<256x4096xf32>
    %dot_general3A_25 = tpu.matmul %get3A_7, %max3A_23, %dot_general3A_24 {dimension_numbers = #tpu.dot_dimension_numbers<[0], [0], [1], [1], [0, 1, 1, 1], [], []>, transpose_lhs_hint = false} : vector<256x256xf32>, vector<256x4096xf32>, vector<256x4096xf32> -> vector<256x4096xf32>
    %add3A_26 = vector.broadcast %get3A_10 : vector<256x1xf32> to vector<256x4096xf32>
    %add3A_27 = arith.addf %dot_general3A_25, %add3A_26 : vector<256x4096xf32>
    %max3A_28 = arith.constant 0.000000e+00 : f32
    %max3A_29 = vector.broadcast %max3A_28 : f32 to vector<256x4096xf32>
    %max3A_30 = arith.maximumf %add3A_27, %max3A_29 : vector<256x4096xf32>
    %dot_general3A_31 = arith.constant dense<0.000000e+00> : vector<1x4096xf32>
    %dot_general3A_32 = tpu.matmul %get3A_13, %max3A_30, %dot_general3A_31 {dimension_numbers = #tpu.dot_dimension_numbers<[0], [0], [1], [1], [0, 1, 1, 1], [], []>, transpose_lhs_hint = false} : vector<256x1xf32>, vector<256x4096xf32>, vector<1x4096xf32> -> vector<1x4096xf32>
    %add3A_33 = arith.addf %broadcast_in_dim3A_14, %dot_general3A_32 : vector<1x4096xf32>
    %get3A_34 = arith.constant 1 : index
    %get3A_35 = arith.constant 0 : index
    %get3A_36 = arith.constant 0 : index
    %get3A_37 = vector.load %arg1[%get3A_34, %get3A_35, %get3A_36] : memref<8x6x4096xf32, #tpu.memory_space<vmem>>, vector<1x6x4096xf32>
    %get3A_38 = vector.shape_cast %get3A_37 : vector<1x6x4096xf32> to vector<6x4096xf32>
    %dot_general3A_39 = arith.constant dense<0.000000e+00> : vector<256x4096xf32>
    %dot_general3A_40 = tpu.matmul %get3A_1, %get3A_38, %dot_general3A_39 {dimension_numbers = #tpu.dot_dimension_numbers<[0], [0], [1], [1], [0, 1, 1, 1], [], []>, transpose_lhs_hint = false} : vector<6x256xf32>, vector<6x4096xf32>, vector<256x4096xf32> -> vector<256x4096xf32>
    %add3A_41 = vector.broadcast %get3A_4 : vector<256x1xf32> to vector<256x4096xf32>
    %add3A_42 = arith.addf %dot_general3A_40, %add3A_41 : vector<256x4096xf32>
    %max3A_43 = arith.constant 0.000000e+00 : f32
    %max3A_44 = vector.broadcast %max3A_43 : f32 to vector<256x4096xf32>
    %max3A_45 = arith.maximumf %add3A_42, %max3A_44 : vector<256x4096xf32>
    %dot_general3A_46 = arith.constant dense<0.000000e+00> : vector<256x4096xf32>
    %dot_general3A_47 = tpu.matmul %get3A_7, %max3A_45, %dot_general3A_46 {dimension_numbers = #tpu.dot_dimension_numbers<[0], [0], [1], [1], [0, 1, 1, 1], [], []>, transpose_lhs_hint = false} : vector<256x256xf32>, vector<256x4096xf32>, vector<256x4096xf32> -> vector<256x4096xf32>
    %add3A_48 = vector.broadcast %get3A_10 : vector<256x1xf32> to vector<256x4096xf32>
    %add3A_49 = arith.addf %dot_general3A_47, %add3A_48 : vector<256x4096xf32>
    %max3A_50 = arith.constant 0.000000e+00 : f32
    %max3A_51 = vector.broadcast %max3A_50 : f32 to vector<256x4096xf32>
    %max3A_52 = arith.maximumf %add3A_49, %max3A_51 : vector<256x4096xf32>
    %dot_general3A_53 = arith.constant dense<0.000000e+00> : vector<1x4096xf32>
    %dot_general3A_54 = tpu.matmul %get3A_13, %max3A_52, %dot_general3A_53 {dimension_numbers = #tpu.dot_dimension_numbers<[0], [0], [1], [1], [0, 1, 1, 1], [], []>, transpose_lhs_hint = false} : vector<256x1xf32>, vector<256x4096xf32>, vector<1x4096xf32> -> vector<1x4096xf32>
    %add3A_55 = arith.addf %add3A_33, %dot_general3A_54 : vector<1x4096xf32>
    %get3A_56 = arith.constant 2 : index
    %get3A_57 = arith.constant 0 : index
    %get3A_58 = arith.constant 0 : index
    %get3A_59 = vector.load %arg1[%get3A_56, %get3A_57, %get3A_58] : memref<8x6x4096xf32, #tpu.memory_space<vmem>>, vector<1x6x4096xf32>
    %get3A_60 = vector.shape_cast %get3A_59 : vector<1x6x4096xf32> to vector<6x4096xf32>
    %dot_general3A_61 = arith.constant dense<0.000000e+00> : vector<256x4096xf32>
    %dot_general3A_62 = tpu.matmul %get3A_1, %get3A_60, %dot_general3A_61 {dimension_numbers = #tpu.dot_dimension_numbers<[0], [0], [1], [1], [0, 1, 1, 1], [], []>, transpose_lhs_hint = false} : vector<6x256xf32>, vector<6x4096xf32>, vector<256x4096xf32> -> vector<256x4096xf32>
    %add3A_63 = vector.broadcast %get3A_4 : vector<256x1xf32> to vector<256x4096xf32>
    %add3A_64 = arith.addf %dot_general3A_62, %add3A_63 : vector<256x4096xf32>
    %max3A_65 = arith.constant 0.000000e+00 : f32
    %max3A_66 = vector.broadcast %max3A_65 : f32 to vector<256x4096xf32>
    %max3A_67 = arith.maximumf %add3A_64, %max3A_66 : vector<256x4096xf32>
    %dot_general3A_68 = arith.constant dense<0.000000e+00> : vector<256x4096xf32>
    %dot_general3A_69 = tpu.matmul %get3A_7, %max3A_67, %dot_general3A_68 {dimension_numbers = #tpu.dot_dimension_numbers<[0], [0], [1], [1], [0, 1, 1, 1], [], []>, transpose_lhs_hint = false} : vector<256x256xf32>, vector<256x4096xf32>, vector<256x4096xf32> -> vector<256x4096xf32>
    %add3A_70 = vector.broadcast %get3A_10 : vector<256x1xf32> to vector<256x4096xf32>
    %add3A_71 = arith.addf %dot_general3A_69, %add3A_70 : vector<256x4096xf32>
    %max3A_72 = arith.constant 0.000000e+00 : f32
    %max3A_73 = vector.broadcast %max3A_72 : f32 to vector<256x4096xf32>
    %max3A_74 = arith.maximumf %add3A_71, %max3A_73 : vector<256x4096xf32>
    %dot_general3A_75 = arith.constant dense<0.000000e+00> : vector<1x4096xf32>
    %dot_general3A_76 = tpu.matmul %get3A_13, %max3A_74, %dot_general3A_75 {dimension_numbers = #tpu.dot_dimension_numbers<[0], [0], [1], [1], [0, 1, 1, 1], [], []>, transpose_lhs_hint = false} : vector<256x1xf32>, vector<256x4096xf32>, vector<1x4096xf32> -> vector<1x4096xf32>
    %add3A_77 = arith.addf %add3A_55, %dot_general3A_76 : vector<1x4096xf32>
    %get3A_78 = arith.constant 3 : index
    %get3A_79 = arith.constant 0 : index
    %get3A_80 = arith.constant 0 : index
    %get3A_81 = vector.load %arg1[%get3A_78, %get3A_79, %get3A_80] : memref<8x6x4096xf32, #tpu.memory_space<vmem>>, vector<1x6x4096xf32>
    %get3A_82 = vector.shape_cast %get3A_81 : vector<1x6x4096xf32> to vector<6x4096xf32>
    %dot_general3A_83 = arith.constant dense<0.000000e+00> : vector<256x4096xf32>
    %dot_general3A_84 = tpu.matmul %get3A_1, %get3A_82, %dot_general3A_83 {dimension_numbers = #tpu.dot_dimension_numbers<[0], [0], [1], [1], [0, 1, 1, 1], [], []>, transpose_lhs_hint = false} : vector<6x256xf32>, vector<6x4096xf32>, vector<256x4096xf32> -> vector<256x4096xf32>
    %add3A_85 = vector.broadcast %get3A_4 : vector<256x1xf32> to vector<256x4096xf32>
    %add3A_86 = arith.addf %dot_general3A_84, %add3A_85 : vector<256x4096xf32>
    %max3A_87 = arith.constant 0.000000e+00 : f32
    %max3A_88 = vector.broadcast %max3A_87 : f32 to vector<256x4096xf32>
    %max3A_89 = arith.maximumf %add3A_86, %max3A_88 : vector<256x4096xf32>
    %dot_general3A_90 = arith.constant dense<0.000000e+00> : vector<256x4096xf32>
    %dot_general3A_91 = tpu.matmul %get3A_7, %max3A_89, %dot_general3A_90 {dimension_numbers = #tpu.dot_dimension_numbers<[0], [0], [1], [1], [0, 1, 1, 1], [], []>, transpose_lhs_hint = false} : vector<256x256xf32>, vector<256x4096xf32>, vector<256x4096xf32> -> vector<256x4096xf32>
    %add3A_92 = vector.broadcast %get3A_10 : vector<256x1xf32> to vector<256x4096xf32>
    %add3A_93 = arith.addf %dot_general3A_91, %add3A_92 : vector<256x4096xf32>
    %max3A_94 = arith.constant 0.000000e+00 : f32
    %max3A_95 = vector.broadcast %max3A_94 : f32 to vector<256x4096xf32>
    %max3A_96 = arith.maximumf %add3A_93, %max3A_95 : vector<256x4096xf32>
    %dot_general3A_97 = arith.constant dense<0.000000e+00> : vector<1x4096xf32>
    %dot_general3A_98 = tpu.matmul %get3A_13, %max3A_96, %dot_general3A_97 {dimension_numbers = #tpu.dot_dimension_numbers<[0], [0], [1], [1], [0, 1, 1, 1], [], []>, transpose_lhs_hint = false} : vector<256x1xf32>, vector<256x4096xf32>, vector<1x4096xf32> -> vector<1x4096xf32>
    %add3A_99 = arith.addf %add3A_77, %dot_general3A_98 : vector<1x4096xf32>
    %get3A_100 = arith.constant 4 : index
    %get3A_101 = arith.constant 0 : index
    %get3A_102 = arith.constant 0 : index
    %get3A_103 = vector.load %arg1[%get3A_100, %get3A_101, %get3A_102] : memref<8x6x4096xf32, #tpu.memory_space<vmem>>, vector<1x6x4096xf32>
    %get3A_104 = vector.shape_cast %get3A_103 : vector<1x6x4096xf32> to vector<6x4096xf32>
    %dot_general3A_105 = arith.constant dense<0.000000e+00> : vector<256x4096xf32>
    %dot_general3A_106 = tpu.matmul %get3A_1, %get3A_104, %dot_general3A_105 {dimension_numbers = #tpu.dot_dimension_numbers<[0], [0], [1], [1], [0, 1, 1, 1], [], []>, transpose_lhs_hint = false} : vector<6x256xf32>, vector<6x4096xf32>, vector<256x4096xf32> -> vector<256x4096xf32>
    %add3A_107 = vector.broadcast %get3A_4 : vector<256x1xf32> to vector<256x4096xf32>
    %add3A_108 = arith.addf %dot_general3A_106, %add3A_107 : vector<256x4096xf32>
    %max3A_109 = arith.constant 0.000000e+00 : f32
    %max3A_110 = vector.broadcast %max3A_109 : f32 to vector<256x4096xf32>
    %max3A_111 = arith.maximumf %add3A_108, %max3A_110 : vector<256x4096xf32>
    %dot_general3A_112 = arith.constant dense<0.000000e+00> : vector<256x4096xf32>
    %dot_general3A_113 = tpu.matmul %get3A_7, %max3A_111, %dot_general3A_112 {dimension_numbers = #tpu.dot_dimension_numbers<[0], [0], [1], [1], [0, 1, 1, 1], [], []>, transpose_lhs_hint = false} : vector<256x256xf32>, vector<256x4096xf32>, vector<256x4096xf32> -> vector<256x4096xf32>
    %add3A_114 = vector.broadcast %get3A_10 : vector<256x1xf32> to vector<256x4096xf32>
    %add3A_115 = arith.addf %dot_general3A_113, %add3A_114 : vector<256x4096xf32>
    %max3A_116 = arith.constant 0.000000e+00 : f32
    %max3A_117 = vector.broadcast %max3A_116 : f32 to vector<256x4096xf32>
    %max3A_118 = arith.maximumf %add3A_115, %max3A_117 : vector<256x4096xf32>
    %dot_general3A_119 = arith.constant dense<0.000000e+00> : vector<1x4096xf32>
    %dot_general3A_120 = tpu.matmul %get3A_13, %max3A_118, %dot_general3A_119 {dimension_numbers = #tpu.dot_dimension_numbers<[0], [0], [1], [1], [0, 1, 1, 1], [], []>, transpose_lhs_hint = false} : vector<256x1xf32>, vector<256x4096xf32>, vector<1x4096xf32> -> vector<1x4096xf32>
    %add3A_121 = arith.addf %add3A_99, %dot_general3A_120 : vector<1x4096xf32>
    %get3A_122 = arith.constant 5 : index
    %get3A_123 = arith.constant 0 : index
    %get3A_124 = arith.constant 0 : index
    %get3A_125 = vector.load %arg1[%get3A_122, %get3A_123, %get3A_124] : memref<8x6x4096xf32, #tpu.memory_space<vmem>>, vector<1x6x4096xf32>
    %get3A_126 = vector.shape_cast %get3A_125 : vector<1x6x4096xf32> to vector<6x4096xf32>
    %dot_general3A_127 = arith.constant dense<0.000000e+00> : vector<256x4096xf32>
    %dot_general3A_128 = tpu.matmul %get3A_1, %get3A_126, %dot_general3A_127 {dimension_numbers = #tpu.dot_dimension_numbers<[0], [0], [1], [1], [0, 1, 1, 1], [], []>, transpose_lhs_hint = false} : vector<6x256xf32>, vector<6x4096xf32>, vector<256x4096xf32> -> vector<256x4096xf32>
    %add3A_129 = vector.broadcast %get3A_4 : vector<256x1xf32> to vector<256x4096xf32>
    %add3A_130 = arith.addf %dot_general3A_128, %add3A_129 : vector<256x4096xf32>
    %max3A_131 = arith.constant 0.000000e+00 : f32
    %max3A_132 = vector.broadcast %max3A_131 : f32 to vector<256x4096xf32>
    %max3A_133 = arith.maximumf %add3A_130, %max3A_132 : vector<256x4096xf32>
    %dot_general3A_134 = arith.constant dense<0.000000e+00> : vector<256x4096xf32>
    %dot_general3A_135 = tpu.matmul %get3A_7, %max3A_133, %dot_general3A_134 {dimension_numbers = #tpu.dot_dimension_numbers<[0], [0], [1], [1], [0, 1, 1, 1], [], []>, transpose_lhs_hint = false} : vector<256x256xf32>, vector<256x4096xf32>, vector<256x4096xf32> -> vector<256x4096xf32>
    %add3A_136 = vector.broadcast %get3A_10 : vector<256x1xf32> to vector<256x4096xf32>
    %add3A_137 = arith.addf %dot_general3A_135, %add3A_136 : vector<256x4096xf32>
    %max3A_138 = arith.constant 0.000000e+00 : f32
    %max3A_139 = vector.broadcast %max3A_138 : f32 to vector<256x4096xf32>
    %max3A_140 = arith.maximumf %add3A_137, %max3A_139 : vector<256x4096xf32>
    %dot_general3A_141 = arith.constant dense<0.000000e+00> : vector<1x4096xf32>
    %dot_general3A_142 = tpu.matmul %get3A_13, %max3A_140, %dot_general3A_141 {dimension_numbers = #tpu.dot_dimension_numbers<[0], [0], [1], [1], [0, 1, 1, 1], [], []>, transpose_lhs_hint = false} : vector<256x1xf32>, vector<256x4096xf32>, vector<1x4096xf32> -> vector<1x4096xf32>
    %add3A_143 = arith.addf %add3A_121, %dot_general3A_142 : vector<1x4096xf32>
    %get3A_144 = arith.constant 6 : index
    %get3A_145 = arith.constant 0 : index
    %get3A_146 = arith.constant 0 : index
    %get3A_147 = vector.load %arg1[%get3A_144, %get3A_145, %get3A_146] : memref<8x6x4096xf32, #tpu.memory_space<vmem>>, vector<1x6x4096xf32>
    %get3A_148 = vector.shape_cast %get3A_147 : vector<1x6x4096xf32> to vector<6x4096xf32>
    %dot_general3A_149 = arith.constant dense<0.000000e+00> : vector<256x4096xf32>
    %dot_general3A_150 = tpu.matmul %get3A_1, %get3A_148, %dot_general3A_149 {dimension_numbers = #tpu.dot_dimension_numbers<[0], [0], [1], [1], [0, 1, 1, 1], [], []>, transpose_lhs_hint = false} : vector<6x256xf32>, vector<6x4096xf32>, vector<256x4096xf32> -> vector<256x4096xf32>
    %add3A_151 = vector.broadcast %get3A_4 : vector<256x1xf32> to vector<256x4096xf32>
    %add3A_152 = arith.addf %dot_general3A_150, %add3A_151 : vector<256x4096xf32>
    %max3A_153 = arith.constant 0.000000e+00 : f32
    %max3A_154 = vector.broadcast %max3A_153 : f32 to vector<256x4096xf32>
    %max3A_155 = arith.maximumf %add3A_152, %max3A_154 : vector<256x4096xf32>
    %dot_general3A_156 = arith.constant dense<0.000000e+00> : vector<256x4096xf32>
    %dot_general3A_157 = tpu.matmul %get3A_7, %max3A_155, %dot_general3A_156 {dimension_numbers = #tpu.dot_dimension_numbers<[0], [0], [1], [1], [0, 1, 1, 1], [], []>, transpose_lhs_hint = false} : vector<256x256xf32>, vector<256x4096xf32>, vector<256x4096xf32> -> vector<256x4096xf32>
    %add3A_158 = vector.broadcast %get3A_10 : vector<256x1xf32> to vector<256x4096xf32>
    %add3A_159 = arith.addf %dot_general3A_157, %add3A_158 : vector<256x4096xf32>
    %max3A_160 = arith.constant 0.000000e+00 : f32
    %max3A_161 = vector.broadcast %max3A_160 : f32 to vector<256x4096xf32>
    %max3A_162 = arith.maximumf %add3A_159, %max3A_161 : vector<256x4096xf32>
    %dot_general3A_163 = arith.constant dense<0.000000e+00> : vector<1x4096xf32>
    %dot_general3A_164 = tpu.matmul %get3A_13, %max3A_162, %dot_general3A_163 {dimension_numbers = #tpu.dot_dimension_numbers<[0], [0], [1], [1], [0, 1, 1, 1], [], []>, transpose_lhs_hint = false} : vector<256x1xf32>, vector<256x4096xf32>, vector<1x4096xf32> -> vector<1x4096xf32>
    %add3A_165 = arith.addf %add3A_143, %dot_general3A_164 : vector<1x4096xf32>
    %get3A_166 = arith.constant 7 : index
    %get3A_167 = arith.constant 0 : index
    %get3A_168 = arith.constant 0 : index
    %get3A_169 = vector.load %arg1[%get3A_166, %get3A_167, %get3A_168] : memref<8x6x4096xf32, #tpu.memory_space<vmem>>, vector<1x6x4096xf32>
    %get3A_170 = vector.shape_cast %get3A_169 : vector<1x6x4096xf32> to vector<6x4096xf32>
    %dot_general3A_171 = arith.constant dense<0.000000e+00> : vector<256x4096xf32>
    %dot_general3A_172 = tpu.matmul %get3A_1, %get3A_170, %dot_general3A_171 {dimension_numbers = #tpu.dot_dimension_numbers<[0], [0], [1], [1], [0, 1, 1, 1], [], []>, transpose_lhs_hint = false} : vector<6x256xf32>, vector<6x4096xf32>, vector<256x4096xf32> -> vector<256x4096xf32>
    %add3A_173 = vector.broadcast %get3A_4 : vector<256x1xf32> to vector<256x4096xf32>
    %add3A_174 = arith.addf %dot_general3A_172, %add3A_173 : vector<256x4096xf32>
    %max3A_175 = arith.constant 0.000000e+00 : f32
    %max3A_176 = vector.broadcast %max3A_175 : f32 to vector<256x4096xf32>
    %max3A_177 = arith.maximumf %add3A_174, %max3A_176 : vector<256x4096xf32>
    %dot_general3A_178 = arith.constant dense<0.000000e+00> : vector<256x4096xf32>
    %dot_general3A_179 = tpu.matmul %get3A_7, %max3A_177, %dot_general3A_178 {dimension_numbers = #tpu.dot_dimension_numbers<[0], [0], [1], [1], [0, 1, 1, 1], [], []>, transpose_lhs_hint = false} : vector<256x256xf32>, vector<256x4096xf32>, vector<256x4096xf32> -> vector<256x4096xf32>
    %add3A_180 = vector.broadcast %get3A_10 : vector<256x1xf32> to vector<256x4096xf32>
    %add3A_181 = arith.addf %dot_general3A_179, %add3A_180 : vector<256x4096xf32>
    %max3A_182 = arith.constant 0.000000e+00 : f32
    %max3A_183 = vector.broadcast %max3A_182 : f32 to vector<256x4096xf32>
    %max3A_184 = arith.maximumf %add3A_181, %max3A_183 : vector<256x4096xf32>
    %dot_general3A_185 = arith.constant dense<0.000000e+00> : vector<1x4096xf32>
    %dot_general3A_186 = tpu.matmul %get3A_13, %max3A_184, %dot_general3A_185 {dimension_numbers = #tpu.dot_dimension_numbers<[0], [0], [1], [1], [0, 1, 1, 1], [], []>, transpose_lhs_hint = false} : vector<256x1xf32>, vector<256x4096xf32>, vector<1x4096xf32> -> vector<1x4096xf32>
    %add3A_187 = arith.addf %add3A_165, %dot_general3A_186 : vector<1x4096xf32>
    %get3A_188 = arith.constant 0 : index
    %get3A_189 = arith.constant 0 : index
    %get3A_190 = arith.constant 0 : index
    %get3A_191 = vector.load %arg1[%get3A_188, %get3A_189, %get3A_190] : memref<8x6x4096xf32, #tpu.memory_space<vmem>>, vector<8x6x4096xf32>
    %reshape3A = vector.shape_cast %get3A_191 : vector<8x6x4096xf32> to vector<48x4096xf32>
    %transpose3A = tpu.transpose %reshape3A, [1, 0] : vector<48x4096xf32> -> vector<4096x48xf32>
    %broadcast_in_dim3A_192 = arith.constant 0.000000e+00 : f32
    %broadcast_in_dim3A_193 = vector.broadcast %broadcast_in_dim3A_192 : f32 to vector<4096x80xf32>
    %concatenate3A = tpu.concatenate %transpose3A, %broadcast_in_dim3A_193 in 1 : vector<4096x48xf32>, vector<4096x80xf32> -> vector<4096x128xf32>
    %swap3A = arith.constant 0 : index
    %swap3A_194 = arith.constant 0 : index
    %swap3A_195 = vector.load %arg9[%swap3A, %swap3A_194] : memref<4096x128xf32, #tpu.memory_space<vmem>>, vector<4096x128xf32>
    tpu.vector_store %arg9[%swap3A, %swap3A_194], %concatenate3A {strides = array<i32>} : memref<4096x128xf32, #tpu.memory_space<vmem>>, vector<4096x128xf32>,
    %swap3A_196 = arith.index_cast %arg0 : i32 to index
    %swap3A_197 = arith.constant 0 : index
    %swap3A_198 = vector.load %arg10[%swap3A_196, %swap3A_197] : memref<4x4096xf32, #tpu.memory_space<vmem>>, vector<1x4096xf32>
    tpu.vector_store %arg10[%swap3A_196, %swap3A_197], %add3A_187 {strides = array<i32>} : memref<4x4096xf32, #tpu.memory_space<vmem>>, vector<1x4096xf32>,
    %eq3A = arith.constant 3 : i32
    %eq3A_199 = arith.cmpi eq, %arg0, %eq3A : i32
    %convert_element_type3A = arith.extui %eq3A_199 : i1 to i32
    %cond3A = arith.constant 0 : i32
    %cond3A_200 = arith.cmpi ne, %convert_element_type3A, %cond3A : i32
    scf.if %cond3A_200 {
      %get3A_201 = arith.constant 0 : index
      %get3A_202 = arith.constant 0 : index
      %get3A_203 = vector.load %arg10[%get3A_201, %get3A_202] : memref<4x4096xf32, #tpu.memory_space<vmem>>, vector<4x4096xf32>
      %bitcast_convert_type3A = tpu.bitcast %get3A_203 : vector<4x4096xf32> -> vector<4x4096xi32>
      %ge3A = arith.constant 0 : i32
      %ge3A_204 = vector.broadcast %ge3A : i32 to vector<4x4096xi32>
      %ge3A_205 = arith.cmpi sge, %bitcast_convert_type3A, %ge3A_204 : vector<4x4096xi32>
      %xor3A = arith.constant 2147483647 : i32
      %xor3A_206 = vector.broadcast %xor3A : i32 to vector<4x4096xi32>
      %xor3A_207 = arith.xori %bitcast_convert_type3A, %xor3A_206 : vector<4x4096xi32>
      %select_n3A = arith.select %ge3A_205, %bitcast_convert_type3A, %xor3A_207 : vector<4x4096xi1>, vector<4x4096xi32>
      %swap3A_208 = arith.constant 0 : index
      %swap3A_209 = arith.constant 0 : index
      %swap3A_210 = vector.load %arg7[%swap3A_208, %swap3A_209] : memref<4x4096xi32, #tpu.memory_space<vmem>>, vector<4x4096xi32>
      tpu.vector_store %arg7[%swap3A_208, %swap3A_209], %select_n3A {strides = array<i32>} : memref<4x4096xi32, #tpu.memory_space<vmem>>, vector<4x4096xi32>,
      %ge3A_211 = arith.constant 0 : i32
      %ge3A_212 = vector.broadcast %ge3A_211 : i32 to vector<4x4096xi32>
      %ge3A_213 = arith.cmpi sge, %select_n3A, %ge3A_212 : vector<4x4096xi32>
      %jit3A = arith.constant 1.000000e+00 : f32
      %jit3A_214 = arith.constant 0.000000e+00 : f32
      %broadcast_in_dim3A_215 = vector.broadcast %jit3A : f32 to vector<4x4096xf32>
      %broadcast_in_dim3A_216 = vector.broadcast %jit3A_214 : f32 to vector<4x4096xf32>
      %select_n3A_217 = arith.select %ge3A_213, %broadcast_in_dim3A_215, %broadcast_in_dim3A_216 : vector<4x4096xi1>, vector<4x4096xf32>
      %reduce_sum3A = vector.shape_cast %select_n3A_217 : vector<4x4096xf32> to vector<1x4x4096xf32>
      %reduce_sum3A_218 = arith.constant dense<0.000000e+00> : vector<1xf32>
      %reduce_sum3A_219 = vector.multi_reduction <add>, %reduce_sum3A, %reduce_sum3A_218 [1, 2] : vector<1x4x4096xf32> to vector<1xf32>
      %reduce_sum3A_220 = vector.shape_cast %reduce_sum3A_219 : vector<1xf32> to vector<1x1x1xf32>
      %reduce_sum3A_221 = vector.extract %reduce_sum3A_220[0, 0, 0] : f32 from vector<1x1x1xf32>
      %ge3A_222 = arith.constant 2.560000e+02 : f32
      %ge3A_223 = arith.cmpf oge, %reduce_sum3A_221, %ge3A_222 : f32
      %jit3A_224 = arith.constant 0 : i32
      %jit3A_225 = arith.constant -2147483648 : i32
      %select_n3A_226 = arith.select %ge3A_223, %jit3A_224, %jit3A_225 : i32
      %scan3A = arith.constant 0 : i32
      %scan3A_227 = arith.constant 31 : i32
      %scan3A_228 = arith.addi %scan3A, %scan3A_227 : i32
      %scan3A_229 = arith.constant 1 : i32
      %scan3A_230 = scf.for %scan3A_236 = %scan3A to %scan3A_228 step %scan3A_229 iter_args(%scan3A_237 = %select_n3A_226) -> (i32)  : i32 {
        %sub3A = arith.constant 30 : i32
        %sub3A_238 = arith.subi %sub3A, %scan3A_236 : i32
        %shift_left3A = arith.constant 1 : i32
        %shift_left3A_239 = arith.shli %shift_left3A, %sub3A_238 : i32
        %add3A_240 = arith.addi %scan3A_237, %shift_left3A_239 : i32
        %ge3A_241 = vector.broadcast %add3A_240 : i32 to vector<4x4096xi32>
        %ge3A_242 = arith.cmpi sge, %select_n3A, %ge3A_241 : vector<4x4096xi32>
        %jit3A_243 = arith.constant 1.000000e+00 : f32
        %jit3A_244 = arith.constant 0.000000e+00 : f32
        %broadcast_in_dim3A_245 = vector.broadcast %jit3A_243 : f32 to vector<4x4096xf32>
        %broadcast_in_dim3A_246 = vector.broadcast %jit3A_244 : f32 to vector<4x4096xf32>
        %select_n3A_247 = arith.select %ge3A_242, %broadcast_in_dim3A_245, %broadcast_in_dim3A_246 : vector<4x4096xi1>, vector<4x4096xf32>
        %reduce_sum3A_248 = vector.shape_cast %select_n3A_247 : vector<4x4096xf32> to vector<1x4x4096xf32>
        %reduce_sum3A_249 = arith.constant dense<0.000000e+00> : vector<1xf32>
        %reduce_sum3A_250 = vector.multi_reduction <add>, %reduce_sum3A_248, %reduce_sum3A_249 [1, 2] : vector<1x4x4096xf32> to vector<1xf32>
        %reduce_sum3A_251 = vector.shape_cast %reduce_sum3A_250 : vector<1xf32> to vector<1x1x1xf32>
        %reduce_sum3A_252 = vector.extract %reduce_sum3A_251[0, 0, 0] : f32 from vector<1x1x1xf32>
        %ge3A_253 = arith.constant 2.560000e+02 : f32
        %ge3A_254 = arith.cmpf oge, %reduce_sum3A_252, %ge3A_253 : f32
        %select_n3A_255 = arith.select %ge3A_254, %add3A_240, %scan3A_237 : i32
        scf.yield %select_n3A_255 : i32
      }
      %scan3A_231 = arith.constant 31 : i32
      %broadcast_in_dim3A_232 = vector.broadcast %scan3A_230 : i32 to vector<1x128xi32>
      %swap3A_233 = arith.constant 0 : index
      %swap3A_234 = arith.constant 0 : index
      %swap3A_235 = vector.load %arg8[%swap3A_233, %swap3A_234] : memref<1x128xi32, #tpu.memory_space<vmem>>, vector<1x128xi32>
      tpu.vector_store %arg8[%swap3A_233, %swap3A_234], %broadcast_in_dim3A_232 {strides = array<i32>} : memref<1x128xi32, #tpu.memory_space<vmem>>, vector<1x128xi32>,
    } else {
    }
    return
  }
  func.func @transform_0(%arg0: i32) -> (i32, i32, i32) {
    %c0_i32 = arith.constant 0 : i32
    %c0_i32_0 = arith.constant 0 : i32
    %c0_i32_1 = arith.constant 0 : i32
    return %c0_i32, %c0_i32_0, %arg0 : i32, i32, i32
  }
  func.func @transform_1(%arg0: i32) -> (i32, i32) {
    %c0_i32 = arith.constant 0 : i32
    %c0_i32_0 = arith.constant 0 : i32
    %c0_i32_1 = arith.constant 0 : i32
    return %c0_i32, %c0_i32_0 : i32, i32
  }
  func.func @transform_2(%arg0: i32) -> (i32, i32) {
    %c0_i32 = arith.constant 0 : i32
    %c0_i32_0 = arith.constant 0 : i32
    %c0_i32_1 = arith.constant 0 : i32
    return %c0_i32, %c0_i32_0 : i32, i32
  }
  func.func @transform_3(%arg0: i32) -> (i32, i32) {
    %c0_i32 = arith.constant 0 : i32
    %c0_i32_0 = arith.constant 0 : i32
    %c0_i32_1 = arith.constant 0 : i32
    return %c0_i32, %c0_i32_0 : i32, i32
  }
  func.func @transform_4(%arg0: i32) -> (i32, i32) {
    %c0_i32 = arith.constant 0 : i32
    %c0_i32_0 = arith.constant 0 : i32
    %c0_i32_1 = arith.constant 0 : i32
    return %c0_i32, %c0_i32_0 : i32, i32
  }
  func.func @transform_5(%arg0: i32) -> (i32, i32) {
    %c0_i32 = arith.constant 0 : i32
    %c0_i32_0 = arith.constant 0 : i32
    %c0_i32_1 = arith.constant 0 : i32
    return %c0_i32, %c0_i32_0 : i32, i32
  }
  func.func @transform_6(%arg0: i32) -> (i32, i32) {
    %c0_i32 = arith.constant 0 : i32
    %c0_i32_0 = arith.constant 0 : i32
    %c0_i32_1 = arith.constant 0 : i32
    return %c0_i32, %c0_i32_0 : i32, i32
  }
  func.func @transform_7(%arg0: i32) -> (i32, i32) {
    %c0_i32 = arith.constant 0 : i32
    %c0_i32_0 = arith.constant 0 : i32
    %c0_i32_1 = arith.constant 0 : i32
    return %c0_i32, %c0_i32_0 : i32, i32
  }
  func.func @transform_8(%arg0: i32) -> (i32, i32) {
    %c0_i32 = arith.constant 0 : i32
    %c0_i32_0 = arith.constant 0 : i32
    return %arg0, %c0_i32 : i32, i32
  }
}

</mosaic_0001>

<sc_bundles>
// kernel: kernel.4.cloned.1.call-start
scs
__scs_entry_jumppad:
0x0: {  	(pc) =	sbr.rel $0x88, $3  }
0x1: {  	(tag) =	ssettag $0x0;
	lr =	simm.s32 $0x1  }
0x2: {  	[smem:$0x3F9B] =	sst lr;
	_ =	strace $0xD0000000  }
0x3: {  	_ = 	snop  }
0x4: {  	_ = 	snop  }
0x5: {  	_ = 	snop  }
0x6: {  	_ = 	snop  }
0x7: {  	_ = 	snop  }
__scs_overlays_trampoline_lowered:
0x8: {  	[smem:$0x3FAA] =	sst s0  }
0x9: {  	[smem:$0x3FAB] =	sst s1  }
0xa: {  	[smem:$0x3FAC] =	sst s2  }
0xb: {  	[smem:$0x3FAD] =	sst s3  }
0xc: {  	[smem:$0x3FAE] =	sst s4  }
0xd: {  	[smem:$0x3FAF] =	sst s5  }
0xe: {  	[smem:$0x3FB0] =	sst s6  }
0xf: {  	[smem:$0x3FB1] =	sst s7  }
0x10: {  	[smem:$0x3FB2] =	sst s8  }
0x11: {  	[smem:$0x3FB3] =	sst s9;
	s0 =	simm.s32 @!p0 $0x0  }
0x12: {  	s1 =	sld [smem:$0x3F99];
	s0 =	simm.s32 @p0 $0x1  }
0x13: {  	[smem:$0x3FB4] =	sst s0;
	s0 =	simm.s32 @!p1 $0x0  }
0x14: {  	s2 =	sld [smem:$0x3F98];
	s0 =	simm.s32 @p1 $0x1  }
0x15: {  	[smem:$0x3FB5] =	sst s0;
	s0 =	simm.s32 @!p2 $0x0  }
0x16: {  	s3 =	sld [smem:$0x3FDB];
	s0 =	simm.s32 @p2 $0x1  }
0x17: {  	s4 =	simm.s32 $0x1BF5;
	[smem:$0x3FB7] =	sst s0  }
0x18: {  	s0 =	sld [smem:$0x3F9A];
	_ =	swait.ge [sflag:s4], $0x0  }
0x19: {  	s7 =	sld [smem:$0x3F9B]  }
0x1a: {  	s8 =	sadd.s32 $0xFFFFE003, lr  }
0x1b: {  	s9 =	sadd.s32 $0xFFFFFEF7, lr;
	s5 =	simm.s32 $0xFFFFFFFF;
	p2 =	slt.u32 s8, $0xFFFFF086  }
0x1c: {  	p1 =	slt.u32 s9, $0xF7A;
	s5 =	simm.s32 @!p2 $0x0  }
0x1d: {  	s5 =	simm.s32 @p1 $0x1;
	p0 =	seq.s32 s7, s2  }
0x1e: {  	s7 =	smul.u32 @!p0 $0xF7A, s2;
	p2 =	seq.s32 @!p0 s5, $0x0  }
0x1f: {  	s9 =	smul.u32 $0xF7A, s1;
	s8 =	simm.s32 @!p0 $0x1BF5;
	p2 =	por !p2, p0  }
0x20: {  	[sflag:s8] =	ssyncset.s32 @!p0 $0xFFFFF086;
	s6 =	sadd.s32 @!p0 s3, s7;
	s7 =	simm.s32 @!p0 $0x108  }
0x21: {  	s3 =	sadd.s32 s3, s9;
	s6 =	sadd.s32 @!p0 $0x88, s6;
	s7 =	simm.s32 @p2 $0x1082  }
0x22: {  	[simem:s7], [sflag:s8] =	dma.local @!p0 [hbm:s6], $0xF7A  }
0x23: {  	s9 =	sor.u32 $0xD0000000, s2;
	s6 =	simm.s32 $0x108;
	_ =	swait.ge @!p0 [sflag:s8], $0x0  }
0x24: {  	s3 =	sadd.s32 $0x88, s3;
	s6 =	simm.s32 @!p1 $0x1082;
	[sflag:s4] =	ssyncset.s32 $0xFFFFF086  }
0x25: {  	[simem:s6], [sflag:s4] =	dma.local [hbm:s3], $0xF7A  }
0x26: {  	[smem:$0x3F9B] =	sst s1;
	(tag) =	ssettag s2;
	_ =	strace s9  }
0x27: {  	s1 =	sld [smem:$0x3FAB]  }
0x28: {  	s2 =	sld [smem:$0x3FAC]  }
0x29: {  	s4 =	sld [smem:$0x3FAE]  }
0x2a: {  	p0 =	seq.s32 s5, $0x0;
	s5 =	sld [smem:$0x3FAF]  }
0x2b: {  	s6 =	sld [smem:$0x3FB0]  }
0x2c: {  	s7 =	sld [smem:$0x3FB1]  }
0x2d: {  	s3 =	simm.s32 $0x108;
	s8 =	sld [smem:$0x3FB2]  }
0x2e: {  	s3 =	simm.s32 @!p0 $0x1082;
	s9 =	sld [smem:$0x3FB3]  }
0x2f: {  	lr =	sadd.s32 s0, s3;
	s0 =	sld [smem:$0x3FAA]  }
0x30: {  	s3 =	sld [smem:$0x3FAD]  }
0x31: {  	[smem:$0x3FB6] =	sst s10  }
0x32: {  	s10 =	sld [smem:$0x3FB4];
	_ =	sdelay $0x3  }
0x33: {  	p0 =	seq.s32 s10, $0x1;
	s10 =	sld [smem:$0x3FB6];
	_ =	sdelay $0x3  }
0x34: {  	[smem:$0x3FB6] =	sst s10  }
0x35: {  	s10 =	sld [smem:$0x3FB5];
	_ =	sdelay $0x3  }
0x36: {  	p1 =	seq.s32 s10, $0x1;
	s10 =	sld [smem:$0x3FB6];
	_ =	sdelay $0x3  }
0x37: {  	[smem:$0x3FB6] =	sst s10  }
0x38: {  	s10 =	sld [smem:$0x3FB7]  }
0x39: {  	_ = 	snop;
	(pc) =	sbr.ind lr, $3  }
0x3a: {  	_ = 	snop  }
0x3b: {  	_ = 	snop  }
0x3c: {  	p2 =	seq.s32 s10, $0x1;
	s10 =	sld [smem:$0x3FB6]  }
0x3d: {  	_ =	shalt  }
0x3e: {  	_ =	shalt  }
0x3f: {  	_ =	shalt  }
0x40: {  	_ =	shalt  }
0x41: {  	_ =	shalt  }
0x42: {  	_ =	shalt  }
0x43: {  	_ =	shalt  }
0x44: {  	_ =	shalt  }
0x45: {  	_ =	shalt  }
0x46: {  	_ =	shalt  }
0x47: {  	_ =	shalt  }
0x48: {  	_ =	shalt  }
0x49: {  	_ =	shalt  }
0x4a: {  	_ =	shalt  }
0x4b: {  	_ =	shalt  }
0x4c: {  	_ =	shalt  }
0x4d: {  	_ =	shalt  }
0x4e: {  	_ =	shalt  }
0x4f: {  	_ =	shalt  }
0x50: {  	_ =	shalt  }
0x51: {  	_ =	shalt  }
0x52: {  	_ =	shalt  }
0x53: {  	_ =	shalt  }
0x54: {  	_ =	shalt  }
0x55: {  	_ =	shalt  }
0x56: {  	_ =	shalt  }
0x57: {  	_ =	shalt  }
0x58: {  	_ =	shalt  }
0x59: {  	_ =	shalt  }
0x5a: {  	_ =	shalt  }
0x5b: {  	_ =	shalt  }
0x5c: {  	_ =	shalt  }
0x5d: {  	_ =	shalt  }
0x5e: {  	_ =	shalt  }
0x5f: {  	_ =	shalt  }
0x60: {  	_ =	shalt  }
0x61: {  	_ =	shalt  }
0x62: {  	_ =	shalt  }
0x63: {  	_ =	shalt  }
0x64: {  	_ =	shalt  }
0x65: {  	_ =	shalt  }
0x66: {  	_ =	shalt  }
0x67: {  	_ =	shalt  }
0x68: {  	_ =	shalt  }
0x69: {  	_ =	shalt  }
0x6a: {  	_ =	shalt  }
0x6b: {  	_ =	shalt  }
0x6c: {  	_ =	shalt  }
0x6d: {  	_ =	shalt  }
0x6e: {  	_ =	shalt  }
0x6f: {  	_ =	shalt  }
0x70: {  	_ =	shalt  }
0x71: {  	_ =	shalt  }
0x72: {  	_ =	shalt  }
0x73: {  	_ =	shalt  }
0x74: {  	_ =	shalt  }
0x75: {  	_ =	shalt  }
0x76: {  	_ =	shalt  }
0x77: {  	_ =	shalt  }
0x78: {  	_ =	shalt  }
0x79: {  	_ =	shalt  }
0x7a: {  	_ =	shalt  }
0x7b: {  	_ =	shalt  }
0x7c: {  	_ =	shalt  }
0x7d: {  	_ =	shalt  }
0x7e: {  	_ =	shalt  }
0x7f: {  	_ =	shalt  }
0x80: {  	_ =	shalt  }
0x81: {  	_ =	shalt  }
0x82: {  	_ =	shalt  }
0x83: {  	_ =	shalt  }
0x84: {  	_ =	shalt  }
0x85: {  	_ =	shalt  }
0x86: {  	_ =	shalt  }
0x87: {  	_ =	shalt  }
.Lfunc_end0:
.L_simem_size_0:
called_computation_lowered:
.L_overlay_start_0:
0x88: {  	s0 =	sld [smem:$0x3FD9]  }
0x89: {  	s1 =	sld [smem:$0x3FFE];
	_ =	sdelay $0x3  }
0x8a: {  	s0 =	sadd.s32 s1, s0  }
0x8b: {  	[smem:$0x3FC2] =	sst s0  }
0x8c: {  	_ = 	snop  }
0x8d: {  	s0 =	sld [smem:$0x3FD0];
	(tm) =	ssettm $0x1  }
0x8e: {  	s16 =	sld [smem:$0x3FFB];
	_ =	sdelay $0x3  }
0x8f: {  	_ =	strace s16  }
0x90: {  	s1 =	sld [smem:$0x3FFC];
	_ =	sdelay $0x3  }
0x91: {  	_ =	strace s1  }
0x92: {  	s1 =	sld [smem:$0x3FFD];
	_ =	sdelay $0x3  }
0x93: {  	_ =	strace s1  }
0x94: {  	_ =	strace $0x8FFFFFFF  }
0x95: {  	s17 =	sld [smem:$0x3FDB];
	_ =	sdelay $0x1  }
0x96: {  	s2 =	simm.s32 $_scs_section_size  }
0x97: {  	s3 =	simm.s32 $_size__tile_overlayer_lowered;
	s4 =	simm.s32 $_tile_overlayer_lowered  }
0x98: {  	s20 =	simm.s32 $0x1BFF;
	s19 =	sshll.u32 s4, $0x1;
	s1 =	sadd.s32 s2, s17  }
0x99: {  	s5 =	simm.s32 $0x0;
	s18 =	sshll.u32 s3, $0x1;
	s3 =	sadd.s32 s19, s1  }
0x9a: {  	[timem:s5], [sflag:s20] =	dma.local [hbm:s3], s18  }
0x9b: {  	_ =	swait.ge [sflag:s20], s18  }
0x9c: {  	s2 =	ssub.s32 $0x0, s18;
	[sflag:s20] =	ssyncset.done $0x0  }
0x9d: {  	[sflag:s20] =	ssyncadd.s32 s2;
	_ =	sdelay $0x1  }
0x9e: {  	s21 =	simm.s32 $0x1B8B  }
0x9f: {  	_ =	swait.ge [sflag:s21], $0x1  }
0xa0: {  	[sflag:s21] =	ssyncset.done $0x0  }
0xa1: {  	s23 =	simm.s32 $0x1B8E;
	s22 =	sld [smem:$0x3FFE];
	[sflag:s21] =	ssyncadd.s32 $0xFFFFFFFF  }
0xa2: {  	s24 =	simm.s32 $execute0_lowered;
	[smem:$0x3FD2] =	sst s23  }
0xa3: {  	s3 =	sshll.u32 s24, $0x1;
	_ =	strace $0x80000046;
	[dreg:$0x1] =	wrdreg $0xFFFFFFFF  }
0xa4: {  	s25 =	simm.s32 $_size_execute0_lowered;
	s1 =	sadd.s32 s1, s3;
	[dreg:$0x0] =	wrdreg $0x0  }
0xa5: {  	s3 =	sshll.u32 s25, $0x1;
	[dreg:$0x2] =	wrdreg s1  }
0xa6: {  	[dreg:$0x3] =	wrdreg s3  }
0xa7: {  	[dreg:$0x4] =	wrdreg $0xC0  }
0xa8: {  	_ =	task [dreg:s5], $0x5FFFF  }
0xa9: {  	[dreg:$0x1] =	wrdreg $0xFFFFFFFF  }
0xaa: {  	[dreg:$0x0] =	wrdreg $0x60  }
0xab: {  	[dreg:$0x2] =	wrdreg s22  }
0xac: {  	[dreg:$0x3] =	wrdreg s0  }
0xad: {  	[dreg:$0x4] =	wrdreg $0x9D000  }
0xae: {  	[dreg:$0x5] =	wrdreg $0x95000  }
0xaf: {  	[dreg:$0x6] =	wrdreg $0x99000  }
0xb0: {  	[dreg:$0x7] =	wrdreg $0x9  }
0xb1: {  	_ =	task.clear_ibuf [dreg:s5], $0x8FFFF;
	_ =	strace $0x90000046  }
0xb2: {  	s26 =	simm.s32 $0x9;
	_ =	strace $0x80000048  }
0xb3: {  	_ =	swait.ge [sflag:s26], $0x1  }
0xb4: {  	[sflag:s26] =	ssyncadd.s32 $0xFFFFFFFF  }
0xb5: {  	_ =	strace $0x90000048  }
0xb6: {  	_ =	sfence  }
0xb7: {  	s28 =	sld [smem:$0x0];
	_ =	sdelay $0x1  }
0xb8: {  	s29 =	srdreg.scid  }
0xb9: {  	s30 =	sshll.u32 s29, $0xD;
	s31 =	sshrl.u32 s29, $0x2  }
0xba: {  	s2 =	sand.u32 $0x4000, s30;
	s1 =	sand.u32 $0x1, s29;
	s0 =	sadd.s32 s31, s28  }
0xbb: {  	s1 =	sor.u32 s2, s1;
	s0 =	sshll.u32 s0, $0x11  }
0xbc: {  	s0 =	sor.u32 s0, s1  }
0xbd: {  	s0 =	sadd.s32 $0x8F2B, s0  }
0xbe: {  	[sflag:s0] =	ssyncadd.remote.s32 $0x1  }
0xbf: {  	_ =	sfence.sel $0xFFFF  }
0xc0: {  	[dreg:$0x0] =	wrdreg $0xFFFFFFFF;
	(pc) =	sbr.abs _section_cstart, $3  }
0xc1: {  	[dreg:$0x1] =	wrdreg $0xFFFFFFFF  }
0xc2: {  	_ =	task.clear_ibuf [dreg:s5], $0x2FFFF;
	_ =	strace $0x9FFFFFFF  }
0xc3: {  	(tm) =	ssettm $0x7FFFFFFF  }
tec
execute0_lowered:
.L_overlay_start_1:
0x0: {  	(tag) =	ssettag $0x1  }
0x1: {  	s3 =	rddreg [dreg:$0x0]  }
0x2: {  	s2 =	rddreg [dreg:$0x1]  }
0x3: {  	s7 =	rddreg [dreg:$0x2]  }
0x4: {  	s5 =	rddreg [dreg:$0x3]  }
0x5: {  	s6 =	rddreg [dreg:$0x4];
	s1 =	stileid.u32  }
0x6: {  	s0 =	rddreg [dreg:$0x5];
	s4 =	simm.s32 $0x0;
	s8 =	sshll.u32 s1, $0x7  }
0x7: {  	[smem:$0x7FF] =	sst s4;
	s8 =	sadd.s32 s8, s3  }
0x8: {  	s31 =	simm.s32 $0x2;
	_ =	strace $0x80000047;
	s8 =	sadd.s32 $0x40E00, s8  }
0x9: {  	[tilespmem:s4], [sflag:$0x2] =	stream.linear.gather [hbm4b:s8+s4], $0x400, $0x38;
	[tilespmem:$0xA510] =	vst v63  }
0xa: {  	_ =	swait.ge [sflag:s31], $0x400  }
0xb: {  	[sflag:s31] =	ssyncset.done $0x0  }
0xc: {  	s9 =	simm.s32 $0x400;
	[sflag:s31] =	ssyncadd.s32 $0xFFFFFC00  }
0xd: {  	[tilespmem:s9], [sflag:$0x2] =	stream.linear.gather [hbm4b:s2+s4], $0x10, $0x38;
	[tilespmem:$0xA510] =	vst v63  }
0xe: {  	_ =	swait.ge [sflag:s31], $0x10  }
0xf: {  	[sflag:s31] =	ssyncset.done $0x0  }
0x10: {  	s8 =	simm.s32 $0x0;
	[sflag:s31] =	ssyncadd.s32 $0xFFFFFFF0  }
0x11: {  	v1 =	vimm.s32 $0x80000000;
	v2 =	vimm.s32 $0x0;
	v3 =	vimm.s32 $0x100;
	s2 =	sadd.s32 $0xE00, s3;
	s3 =	sadd.s32 $0x41600, s3;
	s4 =	simm.s32 $0x40;
	v0 =	vld [tilespmem:$0x400]  }
.LBB2_1:
0x12: {  	p0 =	sne.s32 s4, $0xFC0;
	[tilespmem:s8+$0xC80] =	vst v3;
	s9 =	smov.u32 s4;
	s4 =	sadd.s32 $0x40, s4  }
.Ltmp0:
0x13: {  	[tilespmem:s8+$0x480] =	vst v1;
	(pc) =	sbr.rel @p0 .LBB2_1-.Ltmp0, $2  }
0x14: {  	[tilespmem:s8+$0x880] =	vst v2;
	_ =	sdelay $0x2  }
0x15: {  	s8 =	sshra.s32 s9, $0x2  }
0x16: {  	[tilespmem:s8+$0xC80] =	vst v3  }
0x17: {  	[tilespmem:s8+$0x480] =	vst v1  }
0x18: {  	[tilespmem:s8+$0x880] =	vst v2;
	s4 =	simm.s32 $0x0  }
0x19: {  	v3 =	vld [tilespmem:s4+$0x0];
	_ =	sdelay $0x4  }
0x1a: {  	v2 =	vimm.s32 $0x0;
	vm0 =	vge.s32 v3, v0  }
0x1b: {  	v1 =	vsel vm0, $0x1, v2  }
0x1c: {  	(xrf0) =	vadd.scan.msk.s32 $0xffff, v1;
	_ =	sdelay $0x1  }
0x1d: {  	s10 =	simm.s32 $0x0  }
0x1e: {  	v1 =	vmov s10  }
0x1f: {  	v1 =	vadd.s32 $0xFFFFFFFF, v1  }
0x20: {  	v1 =	vbroadcast v1, $0x0  }
0x21: {  	v4, _, _ =	vpop (xrf0)  }
0x22: {  	v5 =	vadd.s32 v4, v1;
	(v2sf) =	vpush v4, $0xF;
	_ =	sdelay $0x3  }
0x23: {  	s8 =	sshll.u32 s1, $0xA;
	s4 =	simm.s32 $0x480;
	v1 =	vlaneseq.u32  }
0x24: {  	s9 =	simm.s32 $0x880;
	[tilespmem:v5+s4+$0x0] =	vst.idx.msk vm0, v3;
	v3 =	vor.u32 s8, v1  }
0x25: {  	s13 =	simm.s32 $0x10;
	s12 =	simm.s32 $0x80;
	s11 =	smov.u32 s8;
	[tilespmem:v5+s9+$0x0] =	vst.idx.msk vm0, v3  }
.LBB2_3:
0x26: {  	p0 =	sne.s32 s12, $0xFC0;
	v3 =	vld [tilespmem:s13+$0x0];
	_ =	sdelay $0x4  }
0x27: {  	vm0 =	vge.s32 v3, v0  }
0x28: {  	v4 =	vsel vm0, $0x1, v2  }
0x29: {  	(xrf0) =	vadd.scan.msk.s32 $0xffff, v4  }
0x2a: {  	s13 =	spop (v2sf)  }
0x2b: {  	s10 =	sadd.s32 s10, s13  }
0x2c: {  	v4 =	vmov s10  }
0x2d: {  	v4 =	vadd.s32 $0xFFFFFFFF, v4  }
0x2e: {  	v4 =	vbroadcast v4, $0x0  }
0x2f: {  	v5, _, _ =	vpop (xrf0)  }
0x30: {  	v4 =	vadd.s32 v5, v4;
	(v2sf) =	vpush v5, $0xF;
	_ =	sdelay $0x1  }
.Ltmp1:
0x31: {  	(pc) =	sbr.rel @p0 .LBB2_3-.Ltmp1, $4  }
0x32: {  	_ = 	snop  }
0x33: {  	s11 =	sadd.s32 $0x10, s11  }
0x34: {  	v5 =	vor.u32 s11, v1;
	[tilespmem:v4+s4+$0x0] =	vst.idx.msk vm0, v3  }
0x35: {  	s13 =	sshra.s32 s12, $0x2;
	s12 =	sadd.s32 $0x40, s12;
	[tilespmem:v4+s9+$0x0] =	vst.idx.msk vm0, v5  }
0x36: {  	v3 =	vld [tilespmem:s13+$0x0];
	_ =	sdelay $0x4  }
0x37: {  	vm0 =	vge.s32 v3, v0  }
0x38: {  	v0 =	vsel vm0, $0x1, v2  }
0x39: {  	(xrf0) =	vadd.scan.msk.s32 $0xffff, v0;
	_ =	sdelay $0x5  }
0x3a: {  	v0, _, _ =	vpop (xrf0)  }
0x3b: {  	(v2sf) =	vpush v0, $0xF;
	_ =	sdelay $0x4  }
0x3c: {  	s12 =	spop (v2sf)  }
0x3d: {  	s10 =	sadd.s32 s10, s12  }
0x3e: {  	v61 =	vmov s10  }
0x3f: {  	v2 =	vadd.s32 $0xFFFFFFFF, v61  }
0x40: {  	v2 =	vbroadcast v2, $0x0;
	_ =	sdelay $0x1  }
0x41: {  	v0 =	vadd.s32 v0, v2;
	_ =	sdelay $0x3  }
0x42: {  	s11 =	sadd.s32 $0x10, s11;
	s19 =	spop (v2sf)  }
0x43: {  	v1 =	vor.u32 s11, v1;
	[tilespmem:v0+s4+$0x0] =	vst.idx.msk vm0, v3;
	s4 =	sadd.s32 s10, s19  }
0x44: {  	s20 =	sshll.u32 s1, $0x4;
	[tilespmem:v0+s9+$0x0] =	vst.idx.msk vm0, v1;
	v62 =	vmov s4  }
0x45: {  	s21 =	simm.s32 $0x1080;
	s9 =	sadd.s32 s20, s7;
	[tilespmem:$0x1080] =	vst v62  }
0x46: {  	[spmem:s9] =	stream.linear.scatter [tilespmem:s21], [sflag:$0x2], $0x10, $0x38;
	[tilespmem:$0xA510] =	vst v63  }
0x47: {  	s9 =	simm.s32 $0x2  }
0x48: {  	_ =	swait.ge [sflag:s9], $0x10  }
0x49: {  	[sflag:s9] =	ssyncset.done $0x0  }
0x4a: {  	s22 =	sadd.s32 s8, s5;
	s23 =	simm.s32 $0x480;
	[sflag:s9] =	ssyncadd.s32 $0xFFFFFFF0  }
0x4b: {  	[spmem:s22] =	stream.linear.scatter [tilespmem:s23], [sflag:$0x2], $0x400, $0x38;
	[tilespmem:$0xA510] =	vst v63  }
0x4c: {  	_ =	swait.ge [sflag:s9], $0x400  }
0x4d: {  	[sflag:s9] =	ssyncset.done $0x0  }
0x4e: {  	s24 =	sadd.s32 s8, s6;
	s25 =	simm.s32 $0x880;
	[sflag:s9] =	ssyncadd.s32 $0xFFFFFC00  }
0x4f: {  	[spmem:s24] =	stream.linear.scatter [tilespmem:s25], [sflag:$0x2], $0x400, $0x38;
	[tilespmem:$0xA510] =	vst v63  }
0x50: {  	_ =	swait.ge [sflag:s9], $0x400  }
0x51: {  	[sflag:s9] =	ssyncset.done $0x0  }
0x52: {  	[sflag:s9] =	ssyncadd.s32 $0xFFFFFC00  }
0x53: {  	s26 =	simm.s32 $0x9300;
	[bflag:$0x0] =	sbarrier.arrive $0xFFFF  }
0x54: {  	[tilespmem:s26], [sflag:$0x2] =	stream.linear.gather [spmem:s7], $0x100, $0x38;
	[tilespmem:$0xA510] =	vst v63  }
0x55: {  	_ =	swait.ge [sflag:s9], $0x100  }
0x56: {  	[sflag:s9] =	ssyncset.done $0x0  }
0x57: {  	[sflag:s9] =	ssyncadd.s32 $0xFFFFFF00  }
0x58: {  	v63 =	vld [tilespmem:$0x9300];
	_ =	sdelay $0x4  }
0x59: {  	v0 =	vxor.u32 $0x80000000, v63  }
0x5a: {  	(xrf0) =	vmax.scan.msk.u32 $0xffff, v0;
	_ =	sdelay $0x5  }
0x5b: {  	v0, _, _ =	vpop (xrf0)  }
0x5c: {  	(v2sf) =	vpush v0, $0xF;
	_ =	sdelay $0xe  }
0x5d: {  	s28 =	spop (v2sf)  }
0x5e: {  	s7 =	sadd.s32 $0x8000000F, s28  }
0x5f: {  	s29 =	sand.u32 $0xF, s7  }
0x60: {  	s30 =	sshra.s32 s7, $0x1F;
	p0 =	slt.s32 s7, $0x1;
	p1 =	sne.s32 s29, $0x0  }
0x61: {  	s31 =	sshrl.u32 s30, $0x1C;
	p0 =	por !p0, !p1  }
0x62: {  	s8 =	simm.s32 $0x1;
	s7 =	sadd.s32 s31, s7;
	p0 =	por !p0, !p0  }
0x63: {  	s7 =	sshra.s32 s7, $0x4;
	s8 =	simm.s32 @!p0 $0x0  }
0x64: {  	s7 =	ssub.s32 s7, s8  }
0x65: {  	p0 =	slt.s32 s7, $0x1  }
.Ltmp2:
0x66: {  	_ = 	snop;
	(pc) =	sbr.rel @p0 .LBB2_5-.Ltmp2, $2  }
0x67: {  	_ =	sdelay $0x2  }
0x68: {  	s8 =	simm.s32 $0x1  }
0x69: {  	s10 =	simm.s32 $0x1100  }
0x6a: {  	[tilespmem:s10], [sflag:$0x2] =	stream.linear.gather [spmem:s5], $0x10, $0x38;
	[tilespmem:$0xA510] =	vst v63  }
0x6b: {  	p0 =	sne.s32 s7, $0x1;
	_ =	swait.ge [sflag:s9], $0x10  }
.Ltmp3:
0x6c: {  	[sflag:s9] =	ssyncset.done $0x0;
	(pc) =	sbr.rel @!p0 .LBB2_8-.Ltmp3, $4  }
0x6d: {  	s11 =	simm.s32 $0x5200;
	[sflag:s9] =	ssyncadd.s32 $0xFFFFFFF0  }
0x6e: {  	[tilespmem:s11], [sflag:$0x2] =	stream.linear.gather [spmem:s6], $0x10, $0x38;
	[tilespmem:$0xA510] =	vst v63  }
0x6f: {  	s12 =	sadd.s32 $0xFFFFFFFF, s7;
	_ =	swait.ge [sflag:s9], $0x10  }
0x70: {  	s13 =	sadd.s32 $0x10, s5;
	s14 =	sadd.s32 $0x10, s6;
	[sflag:s9] =	ssyncset.done $0x0  }
.LBB2_7:
0x71: {  	[sflag:s9] =	ssyncadd.s32 $0xFFFFFFF0;
	s11 =	sadd.s32 $0x10, s11;
	s10 =	sadd.s32 $0x10, s10  }
0x72: {  	[tilespmem:s10], [sflag:$0x2] =	stream.linear.gather [spmem:s13], $0x10, $0x38;
	[tilespmem:$0xA510] =	vst v63  }
0x73: {  	p0 =	sne.s32 s12, $0x1;
	s12 =	sadd.s32 $0xFFFFFFFF, s12;
	_ =	swait.ge [sflag:s9], $0x10  }
.Ltmp4:
0x74: {  	[sflag:s9] =	ssyncset.done $0x0;
	(pc) =	sbr.rel @p0 .LBB2_7-.Ltmp4, $4  }
0x75: {  	[sflag:s9] =	ssyncadd.s32 $0xFFFFFFF0  }
0x76: {  	[tilespmem:s11], [sflag:$0x2] =	stream.linear.gather [spmem:s14], $0x10, $0x38;
	[tilespmem:$0xA510] =	vst v63  }
0x77: {  	_ =	swait.ge [sflag:s9], $0x10  }
0x78: {  	s13 =	sadd.s32 $0x10, s13;
	s14 =	sadd.s32 $0x10, s14;
	[sflag:s9] =	ssyncset.done $0x0  }
.LBB2_8:
.Ltmp5:
0x79: {  	(pc) =	sbr.rel .LBB2_9-.Ltmp5, $2  }
0x7a: {  	_ =	sdelay $0x2  }
0x7b: {  	[sflag:s9] =	ssyncadd.s32 $0xFFFFFFF0  }
.LBB2_5:
0x7c: {  	s7 =	simm.s32 $0x0  }
.LBB2_9:
0x7d: {  	v0 =	vld [tilespmem:$0x9310];
	_ =	sdelay $0x4  }
0x7e: {  	v0 =	vxor.u32 $0x80000000, v0  }
0x7f: {  	(xrf0) =	vmax.scan.msk.u32 $0xffff, v0;
	_ =	sdelay $0x5  }
0x80: {  	v0, _, _ =	vpop (xrf0)  }
0x81: {  	(v2sf) =	vpush v0, $0xF;
	_ =	sdelay $0xe  }
0x82: {  	s9 =	spop (v2sf)  }
0x83: {  	s9 =	sadd.s32 $0x8000000F, s9  }
0x84: {  	s10 =	sand.u32 $0xF, s9  }
0x85: {  	s31 =	sshra.s32 s9, $0x1F;
	p1 =	slt.s32 s9, $0x1;
	p0 =	sne.s32 s10, $0x0  }
0x86: {  	s10 =	sshrl.u32 s31, $0x1C;
	p0 =	por !p1, !p0  }
0x87: {  	s9 =	sadd.s32 s10, s9;
	p0 =	por !p0, !p0  }
0x88: {  	s13 =	sshra.s32 s9, $0x4;
	s8 =	simm.s32 @!p0 $0x0  }
0x89: {  	s12 =	ssub.s32 s13, s8  }
0x8a: {  	p1 =	slt.s32 s12, $0x1  }
.Ltmp6:
0x8b: {  	_ = 	snop;
	(pc) =	sbr.rel @p1 .LBB2_13-.Ltmp6, $2  }
0x8c: {  	_ =	sdelay $0x2  }
0x8d: {  	s8 =	simm.s32 $0xFFFFFFFF  }
0x8e: {  	s9 =	sshll.u32 s7, $0x6  }
0x8f: {  	s14 =	simm.s32 $0xFFFFFFFF;
	s11 =	sshra.s32 s9, $0x2  }
0x90: {  	s15 =	sadd.s32 $0x400, s5;
	s10 =	simm.s32 $0x2;
	s9 =	sadd.s32 $0x1100, s11  }
0x91: {  	[tilespmem:s9], [sflag:$0x2] =	stream.linear.gather [spmem:s15], $0x10, $0x38;
	[tilespmem:$0xA510] =	vst v63  }
0x92: {  	s14 =	simm.s32 @!p0 $0x0;
	p0 =	sne.s32 s12, $0x1;
	_ =	swait.ge [sflag:s10], $0x10  }
.Ltmp7:
0x93: {  	s30 =	sadd.s32 s7, s13;
	[sflag:s10] =	ssyncset.done $0x0;
	(pc) =	sbr.rel @!p0 .LBB2_12-.Ltmp7, $4  }
0x94: {  	s31 =	sadd.s32 $0x400, s6;
	s11 =	sadd.s32 $0x5200, s11;
	[sflag:s10] =	ssyncadd.s32 $0xFFFFFFF0  }
0x95: {  	[tilespmem:s11], [sflag:$0x2] =	stream.linear.gather [spmem:s31], $0x10, $0x38;
	[tilespmem:$0xA510] =	vst v63  }
0x96: {  	s12 =	sadd.s32 $0xFFFFFFFF, s12;
	s13 =	sadd.s32 $0x10, s31;
	_ =	swait.ge [sflag:s10], $0x10  }
0x97: {  	s7 =	sadd.s32 s14, s30;
	s14 =	sadd.s32 $0x10, s15;
	[sflag:s10] =	ssyncset.done $0x0  }
.LBB2_11:
0x98: {  	[sflag:s10] =	ssyncadd.s32 $0xFFFFFFF0;
	s9 =	sadd.s32 $0x10, s9;
	s11 =	sadd.s32 $0x10, s11  }
0x99: {  	[tilespmem:s9], [sflag:$0x2] =	stream.linear.gather [spmem:s14], $0x10, $0x38;
	[tilespmem:$0xA510] =	vst v63  }
0x9a: {  	p0 =	sne.s32 s12, $0x1;
	s12 =	sadd.s32 $0xFFFFFFFF, s12;
	_ =	swait.ge [sflag:s10], $0x10  }
.Ltmp8:
0x9b: {  	[sflag:s10] =	ssyncset.done $0x0;
	(pc) =	sbr.rel @p0 .LBB2_11-.Ltmp8, $4  }
0x9c: {  	[sflag:s10] =	ssyncadd.s32 $0xFFFFFFF0  }
0x9d: {  	[tilespmem:s11], [sflag:$0x2] =	stream.linear.gather [spmem:s13], $0x10, $0x38;
	[tilespmem:$0xA510] =	vst v63  }
0x9e: {  	_ =	swait.ge [sflag:s10], $0x10  }
0x9f: {  	s14 =	sadd.s32 $0x10, s14;
	s13 =	sadd.s32 $0x10, s13;
	[sflag:s10] =	ssyncset.done $0x0  }
.LBB2_12:
0xa0: {  	[sflag:s10] =	ssyncadd.s32 $0xFFFFFFF0  }
.LBB2_13:
0xa1: {  	v0 =	vld [tilespmem:$0x9320];
	_ =	sdelay $0x4  }
0xa2: {  	v0 =	vxor.u32 $0x80000000, v0  }
0xa3: {  	(xrf0) =	vmax.scan.msk.u32 $0xffff, v0;
	_ =	sdelay $0x5  }
0xa4: {  	v0, _, _ =	vpop (xrf0)  }
0xa5: {  	(v2sf) =	vpush v0, $0xF;
	_ =	sdelay $0xe  }
0xa6: {  	s9 =	spop (v2sf)  }
0xa7: {  	s9 =	sadd.s32 $0x8000000F, s9  }
0xa8: {  	s10 =	sand.u32 $0xF, s9  }
0xa9: {  	s11 =	sshra.s32 s9, $0x1F;
	p0 =	slt.s32 s9, $0x1;
	p1 =	sne.s32 s10, $0x0  }
0xaa: {  	s31 =	sshrl.u32 s11, $0x1C;
	p0 =	por !p0, !p1  }
0xab: {  	s10 =	simm.s32 $0x1;
	s9 =	sadd.s32 s31, s9;
	p0 =	por !p0, !p0  }
0xac: {  	s14 =	sshra.s32 s9, $0x4;
	s10 =	simm.s32 @!p0 $0x0  }
0xad: {  	s13 =	ssub.s32 s14, s10  }
0xae: {  	p1 =	slt.s32 s13, $0x1  }
.Ltmp9:
0xaf: {  	_ = 	snop;
	(pc) =	sbr.rel @p1 .LBB2_17-.Ltmp9, $2  }
0xb0: {  	_ =	sdelay $0x2  }
0xb1: {  	s9 =	simm.s32 $0x1  }
0xb2: {  	s10 =	sshll.u32 s7, $0x6  }
0xb3: {  	s12 =	sshra.s32 s10, $0x2  }
0xb4: {  	s15 =	sadd.s32 $0x800, s5;
	s11 =	simm.s32 $0x2;
	s10 =	sadd.s32 $0x1100, s12  }
0xb5: {  	[tilespmem:s10], [sflag:$0x2] =	stream.linear.gather [spmem:s15], $0x10, $0x38;
	[tilespmem:$0xA510] =	vst v63  }
0xb6: {  	s8 =	simm.s32 @!p0 $0x0;
	p0 =	sne.s32 s13, $0x1;
	_ =	swait.ge [sflag:s11], $0x10  }
.Ltmp10:
0xb7: {  	s30 =	sadd.s32 s14, s7;
	[sflag:s11] =	ssyncset.done $0x0;
	(pc) =	sbr.rel @!p0 .LBB2_16-.Ltmp10, $4  }
0xb8: {  	s31 =	sadd.s32 $0x800, s6;
	s12 =	sadd.s32 $0x5200, s12;
	[sflag:s11] =	ssyncadd.s32 $0xFFFFFFF0  }
0xb9: {  	[tilespmem:s12], [sflag:$0x2] =	stream.linear.gather [spmem:s31], $0x10, $0x38;
	[tilespmem:$0xA510] =	vst v63  }
0xba: {  	s7 =	sadd.s32 s8, s30;
	s8 =	sadd.s32 $0xFFFFFFFF, s13;
	_ =	swait.ge [sflag:s11], $0x10  }
0xbb: {  	s13 =	sadd.s32 $0x10, s31;
	s14 =	sadd.s32 $0x10, s15;
	[sflag:s11] =	ssyncset.done $0x0  }
.LBB2_15:
0xbc: {  	[sflag:s11] =	ssyncadd.s32 $0xFFFFFFF0;
	s10 =	sadd.s32 $0x10, s10;
	s12 =	sadd.s32 $0x10, s12  }
0xbd: {  	[tilespmem:s10], [sflag:$0x2] =	stream.linear.gather [spmem:s14], $0x10, $0x38;
	[tilespmem:$0xA510] =	vst v63  }
0xbe: {  	p0 =	sne.s32 s8, $0x1;
	s8 =	sadd.s32 $0xFFFFFFFF, s8;
	_ =	swait.ge [sflag:s11], $0x10  }
.Ltmp11:
0xbf: {  	[sflag:s11] =	ssyncset.done $0x0;
	(pc) =	sbr.rel @p0 .LBB2_15-.Ltmp11, $4  }
0xc0: {  	[sflag:s11] =	ssyncadd.s32 $0xFFFFFFF0  }
0xc1: {  	[tilespmem:s12], [sflag:$0x2] =	stream.linear.gather [spmem:s13], $0x10, $0x38;
	[tilespmem:$0xA510] =	vst v63  }
0xc2: {  	_ =	swait.ge [sflag:s11], $0x10  }
0xc3: {  	s14 =	sadd.s32 $0x10, s14;
	s13 =	sadd.s32 $0x10, s13;
	[sflag:s11] =	ssyncset.done $0x0  }
.LBB2_16:
0xc4: {  	[sflag:s11] =	ssyncadd.s32 $0xFFFFFFF0  }
.LBB2_17:
0xc5: {  	v0 =	vld [tilespmem:$0x9330];
	_ =	sdelay $0x4  }
0xc6: {  	v0 =	vxor.u32 $0x80000000, v0  }
0xc7: {  	(xrf0) =	vmax.scan.msk.u32 $0xffff, v0;
	_ =	sdelay $0x5  }
0xc8: {  	v0, _, _ =	vpop (xrf0)  }
0xc9: {  	(v2sf) =	vpush v0, $0xF;
	_ =	sdelay $0xe  }
0xca: {  	s8 =	spop (v2sf)  }
0xcb: {  	s8 =	sadd.s32 $0x8000000F, s8  }
0xcc: {  	s10 =	sand.u32 $0xF, s8  }
0xcd: {  	s31 =	sshra.s32 s8, $0x1F;
	p1 =	slt.s32 s8, $0x1;
	p0 =	sne.s32 s10, $0x0  }
0xce: {  	s10 =	sshrl.u32 s31, $0x1C;
	p0 =	por !p1, !p0  }
0xcf: {  	s8 =	sadd.s32 s10, s8;
	p0 =	por !p0, !p0  }
0xd0: {  	s13 =	sshra.s32 s8, $0x4;
	s9 =	simm.s32 @!p0 $0x0  }
0xd1: {  	s12 =	ssub.s32 s13, s9  }
0xd2: {  	p1 =	slt.s32 s12, $0x1  }
.Ltmp12:
0xd3: {  	_ = 	snop;
	(pc) =	sbr.rel @p1 .LBB2_21-.Ltmp12, $2  }
0xd4: {  	_ =	sdelay $0x2  }
0xd5: {  	s8 =	simm.s32 $0xFFFFFFFF  }
0xd6: {  	s9 =	sshll.u32 s7, $0x6  }
0xd7: {  	s14 =	simm.s32 $0xFFFFFFFF;
	s11 =	sshra.s32 s9, $0x2  }
0xd8: {  	s15 =	sadd.s32 $0xC00, s5;
	s10 =	simm.s32 $0x2;
	s9 =	sadd.s32 $0x1100, s11  }
0xd9: {  	[tilespmem:s9], [sflag:$0x2] =	stream.linear.gather [spmem:s15], $0x10, $0x38;
	[tilespmem:$0xA510] =	vst v63  }
0xda: {  	s14 =	simm.s32 @!p0 $0x0;
	p0 =	sne.s32 s12, $0x1;
	_ =	swait.ge [sflag:s10], $0x10  }
.Ltmp13:
0xdb: {  	s30 =	sadd.s32 s13, s7;
	[sflag:s10] =	ssyncset.done $0x0;
	(pc) =	sbr.rel @!p0 .LBB2_20-.Ltmp13, $4  }
0xdc: {  	s31 =	sadd.s32 $0xC00, s6;
	s11 =	sadd.s32 $0x5200, s11;
	[sflag:s10] =	ssyncadd.s32 $0xFFFFFFF0  }
0xdd: {  	[tilespmem:s11], [sflag:$0x2] =	stream.linear.gather [spmem:s31], $0x10, $0x38;
	[tilespmem:$0xA510] =	vst v63  }
0xde: {  	s12 =	sadd.s32 $0xFFFFFFFF, s12;
	s13 =	sadd.s32 $0x10, s31;
	_ =	swait.ge [sflag:s10], $0x10  }
0xdf: {  	s7 =	sadd.s32 s14, s30;
	s14 =	sadd.s32 $0x10, s15;
	[sflag:s10] =	ssyncset.done $0x0  }
.LBB2_19:
0xe0: {  	[sflag:s10] =	ssyncadd.s32 $0xFFFFFFF0;
	s9 =	sadd.s32 $0x10, s9;
	s11 =	sadd.s32 $0x10, s11  }
0xe1: {  	[tilespmem:s9], [sflag:$0x2] =	stream.linear.gather [spmem:s14], $0x10, $0x38;
	[tilespmem:$0xA510] =	vst v63  }
0xe2: {  	p0 =	sne.s32 s12, $0x1;
	s12 =	sadd.s32 $0xFFFFFFFF, s12;
	_ =	swait.ge [sflag:s10], $0x10  }
.Ltmp14:
0xe3: {  	[sflag:s10] =	ssyncset.done $0x0;
	(pc) =	sbr.rel @p0 .LBB2_19-.Ltmp14, $4  }
0xe4: {  	[sflag:s10] =	ssyncadd.s32 $0xFFFFFFF0  }
0xe5: {  	[tilespmem:s11], [sflag:$0x2] =	stream.linear.gather [spmem:s13], $0x10, $0x38;
	[tilespmem:$0xA510] =	vst v63  }
0xe6: {  	_ =	swait.ge [sflag:s10], $0x10  }
0xe7: {  	s14 =	sadd.s32 $0x10, s14;
	s13 =	sadd.s32 $0x10, s13;
	[sflag:s10] =	ssyncset.done $0x0  }
.LBB2_20:
0xe8: {  	[sflag:s10] =	ssyncadd.s32 $0xFFFFFFF0  }
.LBB2_21:
0xe9: {  	v0 =	vld [tilespmem:$0x9340];
	_ =	sdelay $0x4  }
0xea: {  	v0 =	vxor.u32 $0x80000000, v0  }
0xeb: {  	(xrf0) =	vmax.scan.msk.u32 $0xffff, v0;
	_ =	sdelay $0x5  }
0xec: {  	v0, _, _ =	vpop (xrf0)  }
0xed: {  	(v2sf) =	vpush v0, $0xF;
	_ =	sdelay $0xe  }
0xee: {  	s9 =	spop (v2sf)  }
0xef: {  	s9 =	sadd.s32 $0x8000000F, s9  }
0xf0: {  	s10 =	sand.u32 $0xF, s9  }
0xf1: {  	s11 =	sshra.s32 s9, $0x1F;
	p0 =	slt.s32 s9, $0x1;
	p1 =	sne.s32 s10, $0x0  }
0xf2: {  	s31 =	sshrl.u32 s11, $0x1C;
	p0 =	por !p0, !p1  }
0xf3: {  	s10 =	simm.s32 $0x1;
	s9 =	sadd.s32 s31, s9;
	p0 =	por !p0, !p0  }
0xf4: {  	s14 =	sshra.s32 s9, $0x4;
	s10 =	simm.s32 @!p0 $0x0  }
0xf5: {  	s13 =	ssub.s32 s14, s10  }
0xf6: {  	p1 =	slt.s32 s13, $0x1  }
.Ltmp15:
0xf7: {  	_ = 	snop;
	(pc) =	sbr.rel @p1 .LBB2_25-.Ltmp15, $2  }
0xf8: {  	_ =	sdelay $0x2  }
0xf9: {  	s9 =	simm.s32 $0x1  }
0xfa: {  	s10 =	sshll.u32 s7, $0x6  }
0xfb: {  	s12 =	sshra.s32 s10, $0x2  }
0xfc: {  	s15 =	sadd.s32 $0x1000, s5;
	s11 =	simm.s32 $0x2;
	s10 =	sadd.s32 $0x1100, s12  }
0xfd: {  	[tilespmem:s10], [sflag:$0x2] =	stream.linear.gather [spmem:s15], $0x10, $0x38;
	[tilespmem:$0xA510] =	vst v63  }
0xfe: {  	s8 =	simm.s32 @!p0 $0x0;
	p0 =	sne.s32 s13, $0x1;
	_ =	swait.ge [sflag:s11], $0x10  }
.Ltmp16:
0xff: {  	s30 =	sadd.s32 s14, s7;
	[sflag:s11] =	ssyncset.done $0x0;
	(pc) =	sbr.rel @!p0 .LBB2_24-.Ltmp16, $4  }
0x100: {  	s31 =	sadd.s32 $0x1000, s6;
	s12 =	sadd.s32 $0x5200, s12;
	[sflag:s11] =	ssyncadd.s32 $0xFFFFFFF0  }
0x101: {  	[tilespmem:s12], [sflag:$0x2] =	stream.linear.gather [spmem:s31], $0x10, $0x38;
	[tilespmem:$0xA510] =	vst v63  }
0x102: {  	s7 =	sadd.s32 s8, s30;
	s8 =	sadd.s32 $0xFFFFFFFF, s13;
	_ =	swait.ge [sflag:s11], $0x10  }
0x103: {  	s13 =	sadd.s32 $0x10, s31;
	s14 =	sadd.s32 $0x10, s15;
	[sflag:s11] =	ssyncset.done $0x0  }
.LBB2_23:
0x104: {  	[sflag:s11] =	ssyncadd.s32 $0xFFFFFFF0;
	s10 =	sadd.s32 $0x10, s10;
	s12 =	sadd.s32 $0x10, s12  }
0x105: {  	[tilespmem:s10], [sflag:$0x2] =	stream.linear.gather [spmem:s14], $0x10, $0x38;
	[tilespmem:$0xA510] =	vst v63  }
0x106: {  	p0 =	sne.s32 s8, $0x1;
	s8 =	sadd.s32 $0xFFFFFFFF, s8;
	_ =	swait.ge [sflag:s11], $0x10  }
.Ltmp17:
0x107: {  	[sflag:s11] =	ssyncset.done $0x0;
	(pc) =	sbr.rel @p0 .LBB2_23-.Ltmp17, $4  }
0x108: {  	[sflag:s11] =	ssyncadd.s32 $0xFFFFFFF0  }
0x109: {  	[tilespmem:s12], [sflag:$0x2] =	stream.linear.gather [spmem:s13], $0x10, $0x38;
	[tilespmem:$0xA510] =	vst v63  }
0x10a: {  	_ =	swait.ge [sflag:s11], $0x10  }
0x10b: {  	s14 =	sadd.s32 $0x10, s14;
	s13 =	sadd.s32 $0x10, s13;
	[sflag:s11] =	ssyncset.done $0x0  }
.LBB2_24:
0x10c: {  	[sflag:s11] =	ssyncadd.s32 $0xFFFFFFF0  }
.LBB2_25:
0x10d: {  	v0 =	vld [tilespmem:$0x9350];
	_ =	sdelay $0x4  }
0x10e: {  	v0 =	vxor.u32 $0x80000000, v0  }
0x10f: {  	(xrf0) =	vmax.scan.msk.u32 $0xffff, v0;
	_ =	sdelay $0x5  }
0x110: {  	v0, _, _ =	vpop (xrf0)  }
0x111: {  	(v2sf) =	vpush v0, $0xF;
	_ =	sdelay $0xe  }
0x112: {  	s8 =	spop (v2sf)  }
0x113: {  	s8 =	sadd.s32 $0x8000000F, s8  }
0x114: {  	s10 =	sand.u32 $0xF, s8  }
0x115: {  	s31 =	sshra.s32 s8, $0x1F;
	p1 =	slt.s32 s8, $0x1;
	p0 =	sne.s32 s10, $0x0  }
0x116: {  	s10 =	sshrl.u32 s31, $0x1C;
	p0 =	por !p1, !p0  }
0x117: {  	s8 =	sadd.s32 s10, s8;
	p0 =	por !p0, !p0  }
0x118: {  	s13 =	sshra.s32 s8, $0x4;
	s9 =	simm.s32 @!p0 $0x0  }
0x119: {  	s12 =	ssub.s32 s13, s9  }
0x11a: {  	p1 =	slt.s32 s12, $0x1  }
.Ltmp18:
0x11b: {  	_ = 	snop;
	(pc) =	sbr.rel @p1 .LBB2_29-.Ltmp18, $2  }
0x11c: {  	_ =	sdelay $0x2  }
0x11d: {  	s8 =	simm.s32 $0xFFFFFFFF  }
0x11e: {  	s9 =	sshll.u32 s7, $0x6  }
0x11f: {  	s14 =	simm.s32 $0xFFFFFFFF;
	s11 =	sshra.s32 s9, $0x2  }
0x120: {  	s15 =	sadd.s32 $0x1400, s5;
	s10 =	simm.s32 $0x2;
	s9 =	sadd.s32 $0x1100, s11  }
0x121: {  	[tilespmem:s9], [sflag:$0x2] =	stream.linear.gather [spmem:s15], $0x10, $0x38;
	[tilespmem:$0xA510] =	vst v63  }
0x122: {  	s14 =	simm.s32 @!p0 $0x0;
	p0 =	sne.s32 s12, $0x1;
	_ =	swait.ge [sflag:s10], $0x10  }
.Ltmp19:
0x123: {  	s30 =	sadd.s32 s13, s7;
	[sflag:s10] =	ssyncset.done $0x0;
	(pc) =	sbr.rel @!p0 .LBB2_28-.Ltmp19, $4  }
0x124: {  	s31 =	sadd.s32 $0x1400, s6;
	s11 =	sadd.s32 $0x5200, s11;
	[sflag:s10] =	ssyncadd.s32 $0xFFFFFFF0  }
0x125: {  	[tilespmem:s11], [sflag:$0x2] =	stream.linear.gather [spmem:s31], $0x10, $0x38;
	[tilespmem:$0xA510] =	vst v63  }
0x126: {  	s12 =	sadd.s32 $0xFFFFFFFF, s12;
	s13 =	sadd.s32 $0x10, s31;
	_ =	swait.ge [sflag:s10], $0x10  }
0x127: {  	s7 =	sadd.s32 s14, s30;
	s14 =	sadd.s32 $0x10, s15;
	[sflag:s10] =	ssyncset.done $0x0  }
.LBB2_27:
0x128: {  	[sflag:s10] =	ssyncadd.s32 $0xFFFFFFF0;
	s9 =	sadd.s32 $0x10, s9;
	s11 =	sadd.s32 $0x10, s11  }
0x129: {  	[tilespmem:s9], [sflag:$0x2] =	stream.linear.gather [spmem:s14], $0x10, $0x38;
	[tilespmem:$0xA510] =	vst v63  }
0x12a: {  	p0 =	sne.s32 s12, $0x1;
	s12 =	sadd.s32 $0xFFFFFFFF, s12;
	_ =	swait.ge [sflag:s10], $0x10  }
.Ltmp20:
0x12b: {  	[sflag:s10] =	ssyncset.done $0x0;
	(pc) =	sbr.rel @p0 .LBB2_27-.Ltmp20, $4  }
0x12c: {  	[sflag:s10] =	ssyncadd.s32 $0xFFFFFFF0  }
0x12d: {  	[tilespmem:s11], [sflag:$0x2] =	stream.linear.gather [spmem:s13], $0x10, $0x38;
	[tilespmem:$0xA510] =	vst v63  }
0x12e: {  	_ =	swait.ge [sflag:s10], $0x10  }
0x12f: {  	s14 =	sadd.s32 $0x10, s14;
	s13 =	sadd.s32 $0x10, s13;
	[sflag:s10] =	ssyncset.done $0x0  }
.LBB2_28:
0x130: {  	[sflag:s10] =	ssyncadd.s32 $0xFFFFFFF0  }
.LBB2_29:
0x131: {  	v0 =	vld [tilespmem:$0x9360];
	_ =	sdelay $0x4  }
0x132: {  	v0 =	vxor.u32 $0x80000000, v0  }
0x133: {  	(xrf0) =	vmax.scan.msk.u32 $0xffff, v0;
	_ =	sdelay $0x5  }
0x134: {  	v0, _, _ =	vpop (xrf0)  }
0x135: {  	(v2sf) =	vpush v0, $0xF;
	_ =	sdelay $0xe  }
0x136: {  	s9 =	spop (v2sf)  }
0x137: {  	s9 =	sadd.s32 $0x8000000F, s9  }
0x138: {  	s10 =	sand.u32 $0xF, s9  }
0x139: {  	s11 =	sshra.s32 s9, $0x1F;
	p0 =	slt.s32 s9, $0x1;
	p1 =	sne.s32 s10, $0x0  }
0x13a: {  	s31 =	sshrl.u32 s11, $0x1C;
	p0 =	por !p0, !p1  }
0x13b: {  	s10 =	simm.s32 $0x1;
	s9 =	sadd.s32 s31, s9;
	p0 =	por !p0, !p0  }
0x13c: {  	s14 =	sshra.s32 s9, $0x4;
	s10 =	simm.s32 @!p0 $0x0  }
0x13d: {  	s13 =	ssub.s32 s14, s10  }
0x13e: {  	p1 =	slt.s32 s13, $0x1  }
.Ltmp21:
0x13f: {  	_ = 	snop;
	(pc) =	sbr.rel @p1 .LBB2_33-.Ltmp21, $2  }
0x140: {  	_ =	sdelay $0x2  }
0x141: {  	s9 =	simm.s32 $0x1  }
0x142: {  	s10 =	sshll.u32 s7, $0x6  }
0x143: {  	s12 =	sshra.s32 s10, $0x2  }
0x144: {  	s15 =	sadd.s32 $0x1800, s5;
	s11 =	simm.s32 $0x2;
	s10 =	sadd.s32 $0x1100, s12  }
0x145: {  	[tilespmem:s10], [sflag:$0x2] =	stream.linear.gather [spmem:s15], $0x10, $0x38;
	[tilespmem:$0xA510] =	vst v63  }
0x146: {  	s8 =	simm.s32 @!p0 $0x0;
	p0 =	sne.s32 s13, $0x1;
	_ =	swait.ge [sflag:s11], $0x10  }
.Ltmp22:
0x147: {  	s30 =	sadd.s32 s14, s7;
	[sflag:s11] =	ssyncset.done $0x0;
	(pc) =	sbr.rel @!p0 .LBB2_32-.Ltmp22, $4  }
0x148: {  	s31 =	sadd.s32 $0x1800, s6;
	s12 =	sadd.s32 $0x5200, s12;
	[sflag:s11] =	ssyncadd.s32 $0xFFFFFFF0  }
0x149: {  	[tilespmem:s12], [sflag:$0x2] =	stream.linear.gather [spmem:s31], $0x10, $0x38;
	[tilespmem:$0xA510] =	vst v63  }
0x14a: {  	s7 =	sadd.s32 s8, s30;
	s8 =	sadd.s32 $0xFFFFFFFF, s13;
	_ =	swait.ge [sflag:s11], $0x10  }
0x14b: {  	s13 =	sadd.s32 $0x10, s31;
	s14 =	sadd.s32 $0x10, s15;
	[sflag:s11] =	ssyncset.done $0x0  }
.LBB2_31:
0x14c: {  	[sflag:s11] =	ssyncadd.s32 $0xFFFFFFF0;
	s10 =	sadd.s32 $0x10, s10;
	s12 =	sadd.s32 $0x10, s12  }
0x14d: {  	[tilespmem:s10], [sflag:$0x2] =	stream.linear.gather [spmem:s14], $0x10, $0x38;
	[tilespmem:$0xA510] =	vst v63  }
0x14e: {  	p0 =	sne.s32 s8, $0x1;
	s8 =	sadd.s32 $0xFFFFFFFF, s8;
	_ =	swait.ge [sflag:s11], $0x10  }
.Ltmp23:
0x14f: {  	[sflag:s11] =	ssyncset.done $0x0;
	(pc) =	sbr.rel @p0 .LBB2_31-.Ltmp23, $4  }
0x150: {  	[sflag:s11] =	ssyncadd.s32 $0xFFFFFFF0  }
0x151: {  	[tilespmem:s12], [sflag:$0x2] =	stream.linear.gather [spmem:s13], $0x10, $0x38;
	[tilespmem:$0xA510] =	vst v63  }
0x152: {  	_ =	swait.ge [sflag:s11], $0x10  }
0x153: {  	s14 =	sadd.s32 $0x10, s14;
	s13 =	sadd.s32 $0x10, s13;
	[sflag:s11] =	ssyncset.done $0x0  }
.LBB2_32:
0x154: {  	[sflag:s11] =	ssyncadd.s32 $0xFFFFFFF0  }
.LBB2_33:
0x155: {  	v0 =	vld [tilespmem:$0x9370];
	_ =	sdelay $0x4  }
0x156: {  	v0 =	vxor.u32 $0x80000000, v0  }
0x157: {  	(xrf0) =	vmax.scan.msk.u32 $0xffff, v0;
	_ =	sdelay $0x5  }
0x158: {  	v0, _, _ =	vpop (xrf0)  }
0x159: {  	(v2sf) =	vpush v0, $0xF;
	_ =	sdelay $0xe  }
0x15a: {  	s8 =	spop (v2sf)  }
0x15b: {  	s8 =	sadd.s32 $0x8000000F, s8  }
0x15c: {  	s10 =	sand.u32 $0xF, s8  }
0x15d: {  	s31 =	sshra.s32 s8, $0x1F;
	p1 =	slt.s32 s8, $0x1;
	p0 =	sne.s32 s10, $0x0  }
0x15e: {  	s10 =	sshrl.u32 s31, $0x1C;
	p0 =	por !p1, !p0  }
0x15f: {  	s8 =	sadd.s32 s10, s8;
	p0 =	por !p0, !p0  }
0x160: {  	s13 =	sshra.s32 s8, $0x4;
	s9 =	simm.s32 @!p0 $0x0  }
0x161: {  	s12 =	ssub.s32 s13, s9  }
0x162: {  	p1 =	slt.s32 s12, $0x1  }
.Ltmp24:
0x163: {  	_ = 	snop;
	(pc) =	sbr.rel @p1 .LBB2_37-.Ltmp24, $2  }
0x164: {  	_ =	sdelay $0x2  }
0x165: {  	s8 =	simm.s32 $0xFFFFFFFF  }
0x166: {  	s9 =	sshll.u32 s7, $0x6  }
0x167: {  	s14 =	simm.s32 $0xFFFFFFFF;
	s11 =	sshra.s32 s9, $0x2  }
0x168: {  	s15 =	sadd.s32 $0x1C00, s5;
	s10 =	simm.s32 $0x2;
	s9 =	sadd.s32 $0x1100, s11  }
0x169: {  	[tilespmem:s9], [sflag:$0x2] =	stream.linear.gather [spmem:s15], $0x10, $0x38;
	[tilespmem:$0xA510] =	vst v63  }
0x16a: {  	s14 =	simm.s32 @!p0 $0x0;
	p0 =	sne.s32 s12, $0x1;
	_ =	swait.ge [sflag:s10], $0x10  }
.Ltmp25:
0x16b: {  	s30 =	sadd.s32 s13, s7;
	[sflag:s10] =	ssyncset.done $0x0;
	(pc) =	sbr.rel @!p0 .LBB2_36-.Ltmp25, $4  }
0x16c: {  	s31 =	sadd.s32 $0x1C00, s6;
	s11 =	sadd.s32 $0x5200, s11;
	[sflag:s10] =	ssyncadd.s32 $0xFFFFFFF0  }
0x16d: {  	[tilespmem:s11], [sflag:$0x2] =	stream.linear.gather [spmem:s31], $0x10, $0x38;
	[tilespmem:$0xA510] =	vst v63  }
0x16e: {  	s12 =	sadd.s32 $0xFFFFFFFF, s12;
	s13 =	sadd.s32 $0x10, s31;
	_ =	swait.ge [sflag:s10], $0x10  }
0x16f: {  	s7 =	sadd.s32 s14, s30;
	s14 =	sadd.s32 $0x10, s15;
	[sflag:s10] =	ssyncset.done $0x0  }
.LBB2_35:
0x170: {  	[sflag:s10] =	ssyncadd.s32 $0xFFFFFFF0;
	s9 =	sadd.s32 $0x10, s9;
	s11 =	sadd.s32 $0x10, s11  }
0x171: {  	[tilespmem:s9], [sflag:$0x2] =	stream.linear.gather [spmem:s14], $0x10, $0x38;
	[tilespmem:$0xA510] =	vst v63  }
0x172: {  	p0 =	sne.s32 s12, $0x1;
	s12 =	sadd.s32 $0xFFFFFFFF, s12;
	_ =	swait.ge [sflag:s10], $0x10  }
.Ltmp26:
0x173: {  	[sflag:s10] =	ssyncset.done $0x0;
	(pc) =	sbr.rel @p0 .LBB2_35-.Ltmp26, $4  }
0x174: {  	[sflag:s10] =	ssyncadd.s32 $0xFFFFFFF0  }
0x175: {  	[tilespmem:s11], [sflag:$0x2] =	stream.linear.gather [spmem:s13], $0x10, $0x38;
	[tilespmem:$0xA510] =	vst v63  }
0x176: {  	_ =	swait.ge [sflag:s10], $0x10  }
0x177: {  	s14 =	sadd.s32 $0x10, s14;
	s13 =	sadd.s32 $0x10, s13;
	[sflag:s10] =	ssyncset.done $0x0  }
.LBB2_36:
0x178: {  	[sflag:s10] =	ssyncadd.s32 $0xFFFFFFF0  }
.LBB2_37:
0x179: {  	v0 =	vld [tilespmem:$0x9380];
	_ =	sdelay $0x4  }
0x17a: {  	v0 =	vxor.u32 $0x80000000, v0  }
0x17b: {  	(xrf0) =	vmax.scan.msk.u32 $0xffff, v0;
	_ =	sdelay $0x5  }
0x17c: {  	v0, _, _ =	vpop (xrf0)  }
0x17d: {  	(v2sf) =	vpush v0, $0xF;
	_ =	sdelay $0xe  }
0x17e: {  	s9 =	spop (v2sf)  }
0x17f: {  	s9 =	sadd.s32 $0x8000000F, s9  }
0x180: {  	s10 =	sand.u32 $0xF, s9  }
0x181: {  	s11 =	sshra.s32 s9, $0x1F;
	p0 =	slt.s32 s9, $0x1;
	p1 =	sne.s32 s10, $0x0  }
0x182: {  	s31 =	sshrl.u32 s11, $0x1C;
	p0 =	por !p0, !p1  }
0x183: {  	s10 =	simm.s32 $0x1;
	s9 =	sadd.s32 s31, s9;
	p0 =	por !p0, !p0  }
0x184: {  	s14 =	sshra.s32 s9, $0x4;
	s10 =	simm.s32 @!p0 $0x0  }
0x185: {  	s13 =	ssub.s32 s14, s10  }
0x186: {  	p1 =	slt.s32 s13, $0x1  }
.Ltmp27:
0x187: {  	_ = 	snop;
	(pc) =	sbr.rel @p1 .LBB2_41-.Ltmp27, $2  }
0x188: {  	_ =	sdelay $0x2  }
0x189: {  	s9 =	simm.s32 $0x1  }
0x18a: {  	s10 =	sshll.u32 s7, $0x6  }
0x18b: {  	s12 =	sshra.s32 s10, $0x2  }
0x18c: {  	s15 =	sadd.s32 $0x2000, s5;
	s11 =	simm.s32 $0x2;
	s10 =	sadd.s32 $0x1100, s12  }
0x18d: {  	[tilespmem:s10], [sflag:$0x2] =	stream.linear.gather [spmem:s15], $0x10, $0x38;
	[tilespmem:$0xA510] =	vst v63  }
0x18e: {  	s8 =	simm.s32 @!p0 $0x0;
	p0 =	sne.s32 s13, $0x1;
	_ =	swait.ge [sflag:s11], $0x10  }
.Ltmp28:
0x18f: {  	s30 =	sadd.s32 s14, s7;
	[sflag:s11] =	ssyncset.done $0x0;
	(pc) =	sbr.rel @!p0 .LBB2_40-.Ltmp28, $4  }
0x190: {  	s31 =	sadd.s32 $0x2000, s6;
	s12 =	sadd.s32 $0x5200, s12;
	[sflag:s11] =	ssyncadd.s32 $0xFFFFFFF0  }
0x191: {  	[tilespmem:s12], [sflag:$0x2] =	stream.linear.gather [spmem:s31], $0x10, $0x38;
	[tilespmem:$0xA510] =	vst v63  }
0x192: {  	s7 =	sadd.s32 s8, s30;
	s8 =	sadd.s32 $0xFFFFFFFF, s13;
	_ =	swait.ge [sflag:s11], $0x10  }
0x193: {  	s13 =	sadd.s32 $0x10, s31;
	s14 =	sadd.s32 $0x10, s15;
	[sflag:s11] =	ssyncset.done $0x0  }
.LBB2_39:
0x194: {  	[sflag:s11] =	ssyncadd.s32 $0xFFFFFFF0;
	s10 =	sadd.s32 $0x10, s10;
	s12 =	sadd.s32 $0x10, s12  }
0x195: {  	[tilespmem:s10], [sflag:$0x2] =	stream.linear.gather [spmem:s14], $0x10, $0x38;
	[tilespmem:$0xA510] =	vst v63  }
0x196: {  	p0 =	sne.s32 s8, $0x1;
	s8 =	sadd.s32 $0xFFFFFFFF, s8;
	_ =	swait.ge [sflag:s11], $0x10  }
.Ltmp29:
0x197: {  	[sflag:s11] =	ssyncset.done $0x0;
	(pc) =	sbr.rel @p0 .LBB2_39-.Ltmp29, $4  }
0x198: {  	[sflag:s11] =	ssyncadd.s32 $0xFFFFFFF0  }
0x199: {  	[tilespmem:s12], [sflag:$0x2] =	stream.linear.gather [spmem:s13], $0x10, $0x38;
	[tilespmem:$0xA510] =	vst v63  }
0x19a: {  	_ =	swait.ge [sflag:s11], $0x10  }
0x19b: {  	s14 =	sadd.s32 $0x10, s14;
	s13 =	sadd.s32 $0x10, s13;
	[sflag:s11] =	ssyncset.done $0x0  }
.LBB2_40:
0x19c: {  	[sflag:s11] =	ssyncadd.s32 $0xFFFFFFF0  }
.LBB2_41:
0x19d: {  	v0 =	vld [tilespmem:$0x9390];
	_ =	sdelay $0x4  }
0x19e: {  	v0 =	vxor.u32 $0x80000000, v0  }
0x19f: {  	(xrf0) =	vmax.scan.msk.u32 $0xffff, v0;
	_ =	sdelay $0x5  }
0x1a0: {  	v0, _, _ =	vpop (xrf0)  }
0x1a1: {  	(v2sf) =	vpush v0, $0xF;
	_ =	sdelay $0xe  }
0x1a2: {  	s8 =	spop (v2sf)  }
0x1a3: {  	s8 =	sadd.s32 $0x8000000F, s8  }
0x1a4: {  	s10 =	sand.u32 $0xF, s8  }
0x1a5: {  	s31 =	sshra.s32 s8, $0x1F;
	p1 =	slt.s32 s8, $0x1;
	p0 =	sne.s32 s10, $0x0  }
0x1a6: {  	s10 =	sshrl.u32 s31, $0x1C;
	p0 =	por !p1, !p0  }
0x1a7: {  	s8 =	sadd.s32 s10, s8;
	p0 =	por !p0, !p0  }
0x1a8: {  	s13 =	sshra.s32 s8, $0x4;
	s9 =	simm.s32 @!p0 $0x0  }
0x1a9: {  	s12 =	ssub.s32 s13, s9  }
0x1aa: {  	p1 =	slt.s32 s12, $0x1  }
.Ltmp30:
0x1ab: {  	_ = 	snop;
	(pc) =	sbr.rel @p1 .LBB2_45-.Ltmp30, $2  }
0x1ac: {  	_ =	sdelay $0x2  }
0x1ad: {  	s8 =	simm.s32 $0xFFFFFFFF  }
0x1ae: {  	s9 =	sshll.u32 s7, $0x6  }
0x1af: {  	s14 =	simm.s32 $0xFFFFFFFF;
	s11 =	sshra.s32 s9, $0x2  }
0x1b0: {  	s15 =	sadd.s32 $0x2400, s5;
	s10 =	simm.s32 $0x2;
	s9 =	sadd.s32 $0x1100, s11  }
0x1b1: {  	[tilespmem:s9], [sflag:$0x2] =	stream.linear.gather [spmem:s15], $0x10, $0x38;
	[tilespmem:$0xA510] =	vst v63  }
0x1b2: {  	s14 =	simm.s32 @!p0 $0x0;
	p0 =	sne.s32 s12, $0x1;
	_ =	swait.ge [sflag:s10], $0x10  }
.Ltmp31:
0x1b3: {  	s30 =	sadd.s32 s13, s7;
	[sflag:s10] =	ssyncset.done $0x0;
	(pc) =	sbr.rel @!p0 .LBB2_44-.Ltmp31, $4  }
0x1b4: {  	s31 =	sadd.s32 $0x2400, s6;
	s11 =	sadd.s32 $0x5200, s11;
	[sflag:s10] =	ssyncadd.s32 $0xFFFFFFF0  }
0x1b5: {  	[tilespmem:s11], [sflag:$0x2] =	stream.linear.gather [spmem:s31], $0x10, $0x38;
	[tilespmem:$0xA510] =	vst v63  }
0x1b6: {  	s12 =	sadd.s32 $0xFFFFFFFF, s12;
	s13 =	sadd.s32 $0x10, s31;
	_ =	swait.ge [sflag:s10], $0x10  }
0x1b7: {  	s7 =	sadd.s32 s14, s30;
	s14 =	sadd.s32 $0x10, s15;
	[sflag:s10] =	ssyncset.done $0x0  }
.LBB2_43:
0x1b8: {  	[sflag:s10] =	ssyncadd.s32 $0xFFFFFFF0;
	s9 =	sadd.s32 $0x10, s9;
	s11 =	sadd.s32 $0x10, s11  }
0x1b9: {  	[tilespmem:s9], [sflag:$0x2] =	stream.linear.gather [spmem:s14], $0x10, $0x38;
	[tilespmem:$0xA510] =	vst v63  }
0x1ba: {  	p0 =	sne.s32 s12, $0x1;
	s12 =	sadd.s32 $0xFFFFFFFF, s12;
	_ =	swait.ge [sflag:s10], $0x10  }
.Ltmp32:
0x1bb: {  	[sflag:s10] =	ssyncset.done $0x0;
	(pc) =	sbr.rel @p0 .LBB2_43-.Ltmp32, $4  }
0x1bc: {  	[sflag:s10] =	ssyncadd.s32 $0xFFFFFFF0  }
0x1bd: {  	[tilespmem:s11], [sflag:$0x2] =	stream.linear.gather [spmem:s13], $0x10, $0x38;
	[tilespmem:$0xA510] =	vst v63  }
0x1be: {  	_ =	swait.ge [sflag:s10], $0x10  }
0x1bf: {  	s14 =	sadd.s32 $0x10, s14;
	s13 =	sadd.s32 $0x10, s13;
	[sflag:s10] =	ssyncset.done $0x0  }
.LBB2_44:
0x1c0: {  	[sflag:s10] =	ssyncadd.s32 $0xFFFFFFF0  }
.LBB2_45:
0x1c1: {  	v0 =	vld [tilespmem:$0x93A0];
	_ =	sdelay $0x4  }
0x1c2: {  	v0 =	vxor.u32 $0x80000000, v0  }
0x1c3: {  	(xrf0) =	vmax.scan.msk.u32 $0xffff, v0;
	_ =	sdelay $0x5  }
0x1c4: {  	v0, _, _ =	vpop (xrf0)  }
0x1c5: {  	(v2sf) =	vpush v0, $0xF;
	_ =	sdelay $0xe  }
0x1c6: {  	s9 =	spop (v2sf)  }
0x1c7: {  	s9 =	sadd.s32 $0x8000000F, s9  }
0x1c8: {  	s10 =	sand.u32 $0xF, s9  }
0x1c9: {  	s11 =	sshra.s32 s9, $0x1F;
	p0 =	slt.s32 s9, $0x1;
	p1 =	sne.s32 s10, $0x0  }
0x1ca: {  	s31 =	sshrl.u32 s11, $0x1C;
	p0 =	por !p0, !p1  }
0x1cb: {  	s10 =	simm.s32 $0x1;
	s9 =	sadd.s32 s31, s9;
	p0 =	por !p0, !p0  }
0x1cc: {  	s14 =	sshra.s32 s9, $0x4;
	s10 =	simm.s32 @!p0 $0x0  }
0x1cd: {  	s13 =	ssub.s32 s14, s10  }
0x1ce: {  	p1 =	slt.s32 s13, $0x1  }
.Ltmp33:
0x1cf: {  	_ = 	snop;
	(pc) =	sbr.rel @p1 .LBB2_49-.Ltmp33, $2  }
0x1d0: {  	_ =	sdelay $0x2  }
0x1d1: {  	s9 =	simm.s32 $0x1  }
0x1d2: {  	s10 =	sshll.u32 s7, $0x6  }
0x1d3: {  	s12 =	sshra.s32 s10, $0x2  }
0x1d4: {  	s15 =	sadd.s32 $0x2800, s5;
	s11 =	simm.s32 $0x2;
	s10 =	sadd.s32 $0x1100, s12  }
0x1d5: {  	[tilespmem:s10], [sflag:$0x2] =	stream.linear.gather [spmem:s15], $0x10, $0x38;
	[tilespmem:$0xA510] =	vst v63  }
0x1d6: {  	s8 =	simm.s32 @!p0 $0x0;
	p0 =	sne.s32 s13, $0x1;
	_ =	swait.ge [sflag:s11], $0x10  }
.Ltmp34:
0x1d7: {  	s30 =	sadd.s32 s14, s7;
	[sflag:s11] =	ssyncset.done $0x0;
	(pc) =	sbr.rel @!p0 .LBB2_48-.Ltmp34, $4  }
0x1d8: {  	s31 =	sadd.s32 $0x2800, s6;
	s12 =	sadd.s32 $0x5200, s12;
	[sflag:s11] =	ssyncadd.s32 $0xFFFFFFF0  }
0x1d9: {  	[tilespmem:s12], [sflag:$0x2] =	stream.linear.gather [spmem:s31], $0x10, $0x38;
	[tilespmem:$0xA510] =	vst v63  }
0x1da: {  	s7 =	sadd.s32 s8, s30;
	s8 =	sadd.s32 $0xFFFFFFFF, s13;
	_ =	swait.ge [sflag:s11], $0x10  }
0x1db: {  	s13 =	sadd.s32 $0x10, s31;
	s14 =	sadd.s32 $0x10, s15;
	[sflag:s11] =	ssyncset.done $0x0  }
.LBB2_47:
0x1dc: {  	[sflag:s11] =	ssyncadd.s32 $0xFFFFFFF0;
	s10 =	sadd.s32 $0x10, s10;
	s12 =	sadd.s32 $0x10, s12  }
0x1dd: {  	[tilespmem:s10], [sflag:$0x2] =	stream.linear.gather [spmem:s14], $0x10, $0x38;
	[tilespmem:$0xA510] =	vst v63  }
0x1de: {  	p0 =	sne.s32 s8, $0x1;
	s8 =	sadd.s32 $0xFFFFFFFF, s8;
	_ =	swait.ge [sflag:s11], $0x10  }
.Ltmp35:
0x1df: {  	[sflag:s11] =	ssyncset.done $0x0;
	(pc) =	sbr.rel @p0 .LBB2_47-.Ltmp35, $4  }
0x1e0: {  	[sflag:s11] =	ssyncadd.s32 $0xFFFFFFF0  }
0x1e1: {  	[tilespmem:s12], [sflag:$0x2] =	stream.linear.gather [spmem:s13], $0x10, $0x38;
	[tilespmem:$0xA510] =	vst v63  }
0x1e2: {  	_ =	swait.ge [sflag:s11], $0x10  }
0x1e3: {  	s14 =	sadd.s32 $0x10, s14;
	s13 =	sadd.s32 $0x10, s13;
	[sflag:s11] =	ssyncset.done $0x0  }
.LBB2_48:
0x1e4: {  	[sflag:s11] =	ssyncadd.s32 $0xFFFFFFF0  }
.LBB2_49:
0x1e5: {  	v0 =	vld [tilespmem:$0x93B0];
	_ =	sdelay $0x4  }
0x1e6: {  	v0 =	vxor.u32 $0x80000000, v0  }
0x1e7: {  	(xrf0) =	vmax.scan.msk.u32 $0xffff, v0;
	_ =	sdelay $0x5  }
0x1e8: {  	v0, _, _ =	vpop (xrf0)  }
0x1e9: {  	(v2sf) =	vpush v0, $0xF;
	_ =	sdelay $0xe  }
0x1ea: {  	s8 =	spop (v2sf)  }
0x1eb: {  	s8 =	sadd.s32 $0x8000000F, s8  }
0x1ec: {  	s10 =	sand.u32 $0xF, s8  }
0x1ed: {  	s31 =	sshra.s32 s8, $0x1F;
	p1 =	slt.s32 s8, $0x1;
	p0 =	sne.s32 s10, $0x0  }
0x1ee: {  	s10 =	sshrl.u32 s31, $0x1C;
	p0 =	por !p1, !p0  }
0x1ef: {  	s8 =	sadd.s32 s10, s8;
	p0 =	por !p0, !p0  }
0x1f0: {  	s13 =	sshra.s32 s8, $0x4;
	s9 =	simm.s32 @!p0 $0x0  }
0x1f1: {  	s12 =	ssub.s32 s13, s9  }
0x1f2: {  	p1 =	slt.s32 s12, $0x1  }
.Ltmp36:
0x1f3: {  	_ = 	snop;
	(pc) =	sbr.rel @p1 .LBB2_53-.Ltmp36, $2  }
0x1f4: {  	_ =	sdelay $0x2  }
0x1f5: {  	s8 =	simm.s32 $0xFFFFFFFF  }
0x1f6: {  	s9 =	sshll.u32 s7, $0x6  }
0x1f7: {  	s14 =	simm.s32 $0xFFFFFFFF;
	s11 =	sshra.s32 s9, $0x2  }
0x1f8: {  	s15 =	sadd.s32 $0x2C00, s5;
	s10 =	simm.s32 $0x2;
	s9 =	sadd.s32 $0x1100, s11  }
0x1f9: {  	[tilespmem:s9], [sflag:$0x2] =	stream.linear.gather [spmem:s15], $0x10, $0x38;
	[tilespmem:$0xA510] =	vst v63  }
0x1fa: {  	s14 =	simm.s32 @!p0 $0x0;
	p0 =	sne.s32 s12, $0x1;
	_ =	swait.ge [sflag:s10], $0x10  }
.Ltmp37:
0x1fb: {  	s30 =	sadd.s32 s13, s7;
	[sflag:s10] =	ssyncset.done $0x0;
	(pc) =	sbr.rel @!p0 .LBB2_52-.Ltmp37, $4  }
0x1fc: {  	s31 =	sadd.s32 $0x2C00, s6;
	s11 =	sadd.s32 $0x5200, s11;
	[sflag:s10] =	ssyncadd.s32 $0xFFFFFFF0  }
0x1fd: {  	[tilespmem:s11], [sflag:$0x2] =	stream.linear.gather [spmem:s31], $0x10, $0x38;
	[tilespmem:$0xA510] =	vst v63  }
0x1fe: {  	s12 =	sadd.s32 $0xFFFFFFFF, s12;
	s13 =	sadd.s32 $0x10, s31;
	_ =	swait.ge [sflag:s10], $0x10  }
0x1ff: {  	s7 =	sadd.s32 s14, s30;
	s14 =	sadd.s32 $0x10, s15;
	[sflag:s10] =	ssyncset.done $0x0  }
.LBB2_51:
0x200: {  	[sflag:s10] =	ssyncadd.s32 $0xFFFFFFF0;
	s9 =	sadd.s32 $0x10, s9;
	s11 =	sadd.s32 $0x10, s11  }
0x201: {  	[tilespmem:s9], [sflag:$0x2] =	stream.linear.gather [spmem:s14], $0x10, $0x38;
	[tilespmem:$0xA510] =	vst v63  }
0x202: {  	p0 =	sne.s32 s12, $0x1;
	s12 =	sadd.s32 $0xFFFFFFFF, s12;
	_ =	swait.ge [sflag:s10], $0x10  }
.Ltmp38:
0x203: {  	[sflag:s10] =	ssyncset.done $0x0;
	(pc) =	sbr.rel @p0 .LBB2_51-.Ltmp38, $4  }
0x204: {  	[sflag:s10] =	ssyncadd.s32 $0xFFFFFFF0  }
0x205: {  	[tilespmem:s11], [sflag:$0x2] =	stream.linear.gather [spmem:s13], $0x10, $0x38;
	[tilespmem:$0xA510] =	vst v63  }
0x206: {  	_ =	swait.ge [sflag:s10], $0x10  }
0x207: {  	s14 =	sadd.s32 $0x10, s14;
	s13 =	sadd.s32 $0x10, s13;
	[sflag:s10] =	ssyncset.done $0x0  }
.LBB2_52:
0x208: {  	[sflag:s10] =	ssyncadd.s32 $0xFFFFFFF0  }
.LBB2_53:
0x209: {  	v0 =	vld [tilespmem:$0x93C0];
	_ =	sdelay $0x4  }
0x20a: {  	v0 =	vxor.u32 $0x80000000, v0  }
0x20b: {  	(xrf0) =	vmax.scan.msk.u32 $0xffff, v0;
	_ =	sdelay $0x5  }
0x20c: {  	v0, _, _ =	vpop (xrf0)  }
0x20d: {  	(v2sf) =	vpush v0, $0xF;
	_ =	sdelay $0xe  }
0x20e: {  	s9 =	spop (v2sf)  }
0x20f: {  	s9 =	sadd.s32 $0x8000000F, s9  }
0x210: {  	s10 =	sand.u32 $0xF, s9  }
0x211: {  	s11 =	sshra.s32 s9, $0x1F;
	p0 =	slt.s32 s9, $0x1;
	p1 =	sne.s32 s10, $0x0  }
0x212: {  	s31 =	sshrl.u32 s11, $0x1C;
	p0 =	por !p0, !p1  }
0x213: {  	s10 =	simm.s32 $0x1;
	s9 =	sadd.s32 s31, s9;
	p0 =	por !p0, !p0  }
0x214: {  	s14 =	sshra.s32 s9, $0x4;
	s10 =	simm.s32 @!p0 $0x0  }
0x215: {  	s13 =	ssub.s32 s14, s10  }
0x216: {  	p1 =	slt.s32 s13, $0x1  }
.Ltmp39:
0x217: {  	_ = 	snop;
	(pc) =	sbr.rel @p1 .LBB2_57-.Ltmp39, $2  }
0x218: {  	_ =	sdelay $0x2  }
0x219: {  	s9 =	simm.s32 $0x1  }
0x21a: {  	s10 =	sshll.u32 s7, $0x6  }
0x21b: {  	s12 =	sshra.s32 s10, $0x2  }
0x21c: {  	s15 =	sadd.s32 $0x3000, s5;
	s11 =	simm.s32 $0x2;
	s10 =	sadd.s32 $0x1100, s12  }
0x21d: {  	[tilespmem:s10], [sflag:$0x2] =	stream.linear.gather [spmem:s15], $0x10, $0x38;
	[tilespmem:$0xA510] =	vst v63  }
0x21e: {  	s8 =	simm.s32 @!p0 $0x0;
	p0 =	sne.s32 s13, $0x1;
	_ =	swait.ge [sflag:s11], $0x10  }
.Ltmp40:
0x21f: {  	s30 =	sadd.s32 s14, s7;
	[sflag:s11] =	ssyncset.done $0x0;
	(pc) =	sbr.rel @!p0 .LBB2_56-.Ltmp40, $4  }
0x220: {  	s31 =	sadd.s32 $0x3000, s6;
	s12 =	sadd.s32 $0x5200, s12;
	[sflag:s11] =	ssyncadd.s32 $0xFFFFFFF0  }
0x221: {  	[tilespmem:s12], [sflag:$0x2] =	stream.linear.gather [spmem:s31], $0x10, $0x38;
	[tilespmem:$0xA510] =	vst v63  }
0x222: {  	s7 =	sadd.s32 s8, s30;
	s8 =	sadd.s32 $0xFFFFFFFF, s13;
	_ =	swait.ge [sflag:s11], $0x10  }
0x223: {  	s13 =	sadd.s32 $0x10, s31;
	s14 =	sadd.s32 $0x10, s15;
	[sflag:s11] =	ssyncset.done $0x0  }
.LBB2_55:
0x224: {  	[sflag:s11] =	ssyncadd.s32 $0xFFFFFFF0;
	s10 =	sadd.s32 $0x10, s10;
	s12 =	sadd.s32 $0x10, s12  }
0x225: {  	[tilespmem:s10], [sflag:$0x2] =	stream.linear.gather [spmem:s14], $0x10, $0x38;
	[tilespmem:$0xA510] =	vst v63  }
0x226: {  	p0 =	sne.s32 s8, $0x1;
	s8 =	sadd.s32 $0xFFFFFFFF, s8;
	_ =	swait.ge [sflag:s11], $0x10  }
.Ltmp41:
0x227: {  	[sflag:s11] =	ssyncset.done $0x0;
	(pc) =	sbr.rel @p0 .LBB2_55-.Ltmp41, $4  }
0x228: {  	[sflag:s11] =	ssyncadd.s32 $0xFFFFFFF0  }
0x229: {  	[tilespmem:s12], [sflag:$0x2] =	stream.linear.gather [spmem:s13], $0x10, $0x38;
	[tilespmem:$0xA510] =	vst v63  }
0x22a: {  	_ =	swait.ge [sflag:s11], $0x10  }
0x22b: {  	s14 =	sadd.s32 $0x10, s14;
	s13 =	sadd.s32 $0x10, s13;
	[sflag:s11] =	ssyncset.done $0x0  }
.LBB2_56:
0x22c: {  	[sflag:s11] =	ssyncadd.s32 $0xFFFFFFF0  }
.LBB2_57:
0x22d: {  	v0 =	vld [tilespmem:$0x93D0];
	_ =	sdelay $0x4  }
0x22e: {  	v0 =	vxor.u32 $0x80000000, v0  }
0x22f: {  	(xrf0) =	vmax.scan.msk.u32 $0xffff, v0;
	_ =	sdelay $0x5  }
0x230: {  	v0, _, _ =	vpop (xrf0)  }
0x231: {  	(v2sf) =	vpush v0, $0xF;
	_ =	sdelay $0xe  }
0x232: {  	s8 =	spop (v2sf)  }
0x233: {  	s8 =	sadd.s32 $0x8000000F, s8  }
0x234: {  	s10 =	sand.u32 $0xF, s8  }
0x235: {  	s31 =	sshra.s32 s8, $0x1F;
	p1 =	slt.s32 s8, $0x1;
	p0 =	sne.s32 s10, $0x0  }
0x236: {  	s10 =	sshrl.u32 s31, $0x1C;
	p0 =	por !p1, !p0  }
0x237: {  	s8 =	sadd.s32 s10, s8;
	p0 =	por !p0, !p0  }
0x238: {  	s13 =	sshra.s32 s8, $0x4;
	s9 =	simm.s32 @!p0 $0x0  }
0x239: {  	s12 =	ssub.s32 s13, s9  }
0x23a: {  	p1 =	slt.s32 s12, $0x1  }
.Ltmp42:
0x23b: {  	_ = 	snop;
	(pc) =	sbr.rel @p1 .LBB2_61-.Ltmp42, $2  }
0x23c: {  	_ =	sdelay $0x2  }
0x23d: {  	s8 =	simm.s32 $0xFFFFFFFF  }
0x23e: {  	s9 =	sshll.u32 s7, $0x6  }
0x23f: {  	s14 =	simm.s32 $0xFFFFFFFF;
	s11 =	sshra.s32 s9, $0x2  }
0x240: {  	s15 =	sadd.s32 $0x3400, s5;
	s10 =	simm.s32 $0x2;
	s9 =	sadd.s32 $0x1100, s11  }
0x241: {  	[tilespmem:s9], [sflag:$0x2] =	stream.linear.gather [spmem:s15], $0x10, $0x38;
	[tilespmem:$0xA510] =	vst v63  }
0x242: {  	s14 =	simm.s32 @!p0 $0x0;
	p0 =	sne.s32 s12, $0x1;
	_ =	swait.ge [sflag:s10], $0x10  }
.Ltmp43:
0x243: {  	s30 =	sadd.s32 s13, s7;
	[sflag:s10] =	ssyncset.done $0x0;
	(pc) =	sbr.rel @!p0 .LBB2_60-.Ltmp43, $4  }
0x244: {  	s31 =	sadd.s32 $0x3400, s6;
	s11 =	sadd.s32 $0x5200, s11;
	[sflag:s10] =	ssyncadd.s32 $0xFFFFFFF0  }
0x245: {  	[tilespmem:s11], [sflag:$0x2] =	stream.linear.gather [spmem:s31], $0x10, $0x38;
	[tilespmem:$0xA510] =	vst v63  }
0x246: {  	s12 =	sadd.s32 $0xFFFFFFFF, s12;
	s13 =	sadd.s32 $0x10, s31;
	_ =	swait.ge [sflag:s10], $0x10  }
0x247: {  	s7 =	sadd.s32 s14, s30;
	s14 =	sadd.s32 $0x10, s15;
	[sflag:s10] =	ssyncset.done $0x0  }
.LBB2_59:
0x248: {  	[sflag:s10] =	ssyncadd.s32 $0xFFFFFFF0;
	s9 =	sadd.s32 $0x10, s9;
	s11 =	sadd.s32 $0x10, s11  }
0x249: {  	[tilespmem:s9], [sflag:$0x2] =	stream.linear.gather [spmem:s14], $0x10, $0x38;
	[tilespmem:$0xA510] =	vst v63  }
0x24a: {  	p0 =	sne.s32 s12, $0x1;
	s12 =	sadd.s32 $0xFFFFFFFF, s12;
	_ =	swait.ge [sflag:s10], $0x10  }
.Ltmp44:
0x24b: {  	[sflag:s10] =	ssyncset.done $0x0;
	(pc) =	sbr.rel @p0 .LBB2_59-.Ltmp44, $4  }
0x24c: {  	[sflag:s10] =	ssyncadd.s32 $0xFFFFFFF0  }
0x24d: {  	[tilespmem:s11], [sflag:$0x2] =	stream.linear.gather [spmem:s13], $0x10, $0x38;
	[tilespmem:$0xA510] =	vst v63  }
0x24e: {  	_ =	swait.ge [sflag:s10], $0x10  }
0x24f: {  	s14 =	sadd.s32 $0x10, s14;
	s13 =	sadd.s32 $0x10, s13;
	[sflag:s10] =	ssyncset.done $0x0  }
.LBB2_60:
0x250: {  	[sflag:s10] =	ssyncadd.s32 $0xFFFFFFF0  }
.LBB2_61:
0x251: {  	v0 =	vld [tilespmem:$0x93E0];
	_ =	sdelay $0x4  }
0x252: {  	v0 =	vxor.u32 $0x80000000, v0  }
0x253: {  	(xrf0) =	vmax.scan.msk.u32 $0xffff, v0;
	_ =	sdelay $0x5  }
0x254: {  	v0, _, _ =	vpop (xrf0)  }
0x255: {  	(v2sf) =	vpush v0, $0xF;
	_ =	sdelay $0xe  }
0x256: {  	s9 =	spop (v2sf)  }
0x257: {  	s9 =	sadd.s32 $0x8000000F, s9  }
0x258: {  	s10 =	sand.u32 $0xF, s9  }
0x259: {  	s11 =	sshra.s32 s9, $0x1F;
	p0 =	slt.s32 s9, $0x1;
	p1 =	sne.s32 s10, $0x0  }
0x25a: {  	s31 =	sshrl.u32 s11, $0x1C;
	p0 =	por !p0, !p1  }
0x25b: {  	s10 =	simm.s32 $0x1;
	s9 =	sadd.s32 s31, s9;
	p0 =	por !p0, !p0  }
0x25c: {  	s14 =	sshra.s32 s9, $0x4;
	s10 =	simm.s32 @!p0 $0x0  }
0x25d: {  	s13 =	ssub.s32 s14, s10  }
0x25e: {  	p1 =	slt.s32 s13, $0x1  }
.Ltmp45:
0x25f: {  	_ = 	snop;
	(pc) =	sbr.rel @p1 .LBB2_65-.Ltmp45, $2  }
0x260: {  	_ =	sdelay $0x2  }
0x261: {  	s9 =	simm.s32 $0x1  }
0x262: {  	s10 =	sshll.u32 s7, $0x6  }
0x263: {  	s12 =	sshra.s32 s10, $0x2  }
0x264: {  	s15 =	sadd.s32 $0x3800, s5;
	s11 =	simm.s32 $0x2;
	s10 =	sadd.s32 $0x1100, s12  }
0x265: {  	[tilespmem:s10], [sflag:$0x2] =	stream.linear.gather [spmem:s15], $0x10, $0x38;
	[tilespmem:$0xA510] =	vst v63  }
0x266: {  	s8 =	simm.s32 @!p0 $0x0;
	p0 =	sne.s32 s13, $0x1;
	_ =	swait.ge [sflag:s11], $0x10  }
.Ltmp46:
0x267: {  	s30 =	sadd.s32 s14, s7;
	[sflag:s11] =	ssyncset.done $0x0;
	(pc) =	sbr.rel @!p0 .LBB2_64-.Ltmp46, $4  }
0x268: {  	s31 =	sadd.s32 $0x3800, s6;
	s12 =	sadd.s32 $0x5200, s12;
	[sflag:s11] =	ssyncadd.s32 $0xFFFFFFF0  }
0x269: {  	[tilespmem:s12], [sflag:$0x2] =	stream.linear.gather [spmem:s31], $0x10, $0x38;
	[tilespmem:$0xA510] =	vst v63  }
0x26a: {  	s7 =	sadd.s32 s8, s30;
	s8 =	sadd.s32 $0xFFFFFFFF, s13;
	_ =	swait.ge [sflag:s11], $0x10  }
0x26b: {  	s13 =	sadd.s32 $0x10, s31;
	s14 =	sadd.s32 $0x10, s15;
	[sflag:s11] =	ssyncset.done $0x0  }
.LBB2_63:
0x26c: {  	[sflag:s11] =	ssyncadd.s32 $0xFFFFFFF0;
	s10 =	sadd.s32 $0x10, s10;
	s12 =	sadd.s32 $0x10, s12  }
0x26d: {  	[tilespmem:s10], [sflag:$0x2] =	stream.linear.gather [spmem:s14], $0x10, $0x38;
	[tilespmem:$0xA510] =	vst v63  }
0x26e: {  	p0 =	sne.s32 s8, $0x1;
	s8 =	sadd.s32 $0xFFFFFFFF, s8;
	_ =	swait.ge [sflag:s11], $0x10  }
.Ltmp47:
0x26f: {  	[sflag:s11] =	ssyncset.done $0x0;
	(pc) =	sbr.rel @p0 .LBB2_63-.Ltmp47, $4  }
0x270: {  	[sflag:s11] =	ssyncadd.s32 $0xFFFFFFF0  }
0x271: {  	[tilespmem:s12], [sflag:$0x2] =	stream.linear.gather [spmem:s13], $0x10, $0x38;
	[tilespmem:$0xA510] =	vst v63  }
0x272: {  	_ =	swait.ge [sflag:s11], $0x10  }
0x273: {  	s14 =	sadd.s32 $0x10, s14;
	s13 =	sadd.s32 $0x10, s13;
	[sflag:s11] =	ssyncset.done $0x0  }
.LBB2_64:
0x274: {  	[sflag:s11] =	ssyncadd.s32 $0xFFFFFFF0  }
.LBB2_65:
0x275: {  	v0 =	vld [tilespmem:$0x93F0];
	_ =	sdelay $0x4  }
0x276: {  	v0 =	vxor.u32 $0x80000000, v0  }
0x277: {  	(xrf0) =	vmax.scan.msk.u32 $0xffff, v0;
	_ =	sdelay $0x5  }
0x278: {  	v0, _, _ =	vpop (xrf0)  }
0x279: {  	(v2sf) =	vpush v0, $0xF;
	_ =	sdelay $0xe  }
0x27a: {  	s8 =	spop (v2sf)  }
0x27b: {  	s8 =	sadd.s32 $0x8000000F, s8  }
0x27c: {  	s10 =	sand.u32 $0xF, s8  }
0x27d: {  	s31 =	sshra.s32 s8, $0x1F;
	p1 =	slt.s32 s8, $0x1;
	p0 =	sne.s32 s10, $0x0  }
0x27e: {  	s10 =	sshrl.u32 s31, $0x1C;
	p0 =	por !p1, !p0  }
0x27f: {  	s8 =	sadd.s32 s10, s8;
	p0 =	por !p0, !p0  }
0x280: {  	s12 =	sshra.s32 s8, $0x4;
	s9 =	simm.s32 @!p0 $0x0  }
0x281: {  	s10 =	ssub.s32 s12, s9  }
0x282: {  	p1 =	slt.s32 s10, $0x1  }
.Ltmp48:
0x283: {  	_ = 	snop;
	(pc) =	sbr.rel @p1 .LBB2_69-.Ltmp48, $1  }
0x284: {  	_ =	sdelay $0x3  }
0x285: {  	s8 =	sshll.u32 s7, $0x6  }
0x286: {  	s13 =	simm.s32 $0xFFFFFFFF;
	s9 =	sshra.s32 s8, $0x2  }
0x287: {  	s31 =	sadd.s32 $0x3C00, s5;
	s5 =	simm.s32 $0x2;
	s8 =	sadd.s32 $0x1100, s9  }
0x288: {  	[tilespmem:s8], [sflag:$0x2] =	stream.linear.gather [spmem:s31], $0x10, $0x38;
	[tilespmem:$0xA510] =	vst v63  }
0x289: {  	s13 =	simm.s32 @!p0 $0x0;
	p0 =	seq.s32 s10, $0x1;
	_ =	swait.ge [sflag:s5], $0x10  }
.Ltmp49:
0x28a: {  	s11 =	sadd.s32 $0x3C00, s6;
	[sflag:s5] =	ssyncset.done $0x0;
	(pc) =	sbr.rel @p0 .LBB2_68-.Ltmp49, $4  }
0x28b: {  	s30 =	sadd.s32 s12, s7;
	s9 =	sadd.s32 $0x5200, s9;
	[sflag:s5] =	ssyncadd.s32 $0xFFFFFFF0  }
0x28c: {  	[tilespmem:s9], [sflag:$0x2] =	stream.linear.gather [spmem:s11], $0x10, $0x38;
	[tilespmem:$0xA510] =	vst v63  }
0x28d: {  	s6 =	sadd.s32 $0xFFFFFFFF, s10;
	s10 =	sadd.s32 $0x10, s11;
	_ =	swait.ge [sflag:s5], $0x10  }
0x28e: {  	s7 =	sadd.s32 s13, s30;
	s11 =	sadd.s32 $0x10, s31;
	[sflag:s5] =	ssyncset.done $0x0  }
.LBB2_67:
0x28f: {  	[sflag:s5] =	ssyncadd.s32 $0xFFFFFFF0;
	s8 =	sadd.s32 $0x10, s8;
	s9 =	sadd.s32 $0x10, s9  }
0x290: {  	[tilespmem:s8], [sflag:$0x2] =	stream.linear.gather [spmem:s11], $0x10, $0x38;
	[tilespmem:$0xA510] =	vst v63  }
0x291: {  	p0 =	seq.s32 s6, $0x1;
	s6 =	sadd.s32 $0xFFFFFFFF, s6;
	_ =	swait.ge [sflag:s5], $0x10  }
.Ltmp50:
0x292: {  	[sflag:s5] =	ssyncset.done $0x0;
	(pc) =	sbr.rel @!p0 .LBB2_67-.Ltmp50, $4  }
0x293: {  	[sflag:s5] =	ssyncadd.s32 $0xFFFFFFF0  }
0x294: {  	[tilespmem:s9], [sflag:$0x2] =	stream.linear.gather [spmem:s10], $0x10, $0x38;
	[tilespmem:$0xA510] =	vst v63  }
0x295: {  	_ =	swait.ge [sflag:s5], $0x10  }
0x296: {  	s11 =	sadd.s32 $0x10, s11;
	s10 =	sadd.s32 $0x10, s10;
	[sflag:s5] =	ssyncset.done $0x0  }
.LBB2_68:
0x297: {  	[sflag:s5] =	ssyncadd.s32 $0xFFFFFFF0  }
.LBB2_69:
0x298: {  	p0 =	sgt.s32 s4, $0x0  }
.Ltmp51:
0x299: {  	_ = 	snop;
	(pc) =	sbr.rel @!p0 .LBB2_76-.Ltmp51, $1  }
0x29a: {  	_ =	sdelay $0x3  }
.Ltmp52:
0x29b: {  	(pc) =	sbr.rel .LBB2_71-.Ltmp52, $2  }
0x29c: {  	_ =	sdelay $0x2  }
0x29d: {  	s5 =	simm.s32 $0x0;
	p0 =	slt.s32 s7, $0x1;
	v0 =	vlaneseq.u32;
	v1 =	vimm.s32 $0x0;
	s6 =	simm.s32 $0xC80  }
.LBB2_74:
0x29e: {  	vm1 =	veq.s32 v6, v3;
	vm2 =	vlt.s32 v5, v4  }
0x29f: {  	vm3 =	vgt.s32 v6, v3;
	vm1 =	vmand vm1, vm2  }
0x2a0: {  	vm1 =	vmor vm3, vm1  }
0x2a1: {  	v3 =	vsel vm1, $0x1, v1  }
0x2a2: {  	v2 =	vadd.s32 v3, v2  }
.LBB2_75:
0x2a3: {  	(xrf0) =	vadd.scan.msk.s32 $0xffff, v2;
	_ =	sdelay $0x5  }
0x2a4: {  	v2, _, _ =	vpop (xrf0)  }
0x2a5: {  	(v2sf) =	vpush v2, $0xF;
	_ =	sdelay $0xe  }
0x2a6: {  	s8 =	spop (v2sf)  }
0x2a7: {  	v2 =	vmov s5;
	s5 =	sadd.s32 $0x1, s5;
	p1 =	slt.s32 s8, $0x100  }
0x2a8: {  	s8 =	simm.s32 @!p1 $0x100;
	p1 =	sne.s32 s5, s4  }
.Ltmp53:
0x2a9: {  	_ = 	snop;
	(pc) =	sbr.rel @!p1 .LBB2_76-.Ltmp53, $3  }
0x2aa: {  	_ =	sdelay $0x1  }
0x2ab: {  	v3 =	vmov s8  }
0x2ac: {  	[tilespmem:v2+s6+$0x0] =	vst.idx.msk vm0, v3  }
.LBB2_71:
.Ltmp54:
0x2ad: {  	(pc) =	sbr.rel @p0 .LBB2_75-.Ltmp54, $4  }
0x2ae: {  	_ = 	snop  }
0x2af: {  	s8 =	sand.u32 $0xF, s5  }
0x2b0: {  	v2 =	vmov s8  }
0x2b1: {  	vm0 =	veq.s32 v2, v0;
	v2 =	vimm.s32 $0x0  }
0x2b2: {  	s8 =	sand.u32 $0x7FFFFFF0, s5  }
0x2b3: {  	v2 =	vld [tilespmem:s8+$0x880]  }
0x2b4: {  	v3 =	vld [tilespmem:s8+$0x480];
	_ =	sdelay $0x3  }
0x2b5: {  	v2 =	vnsel vm0, $0x0, v2  }
0x2b6: {  	(xrf0) =	vadd.scan.msk.s32 $0xffff, v2;
	v2 =	vnsel vm0, $0x0, v3  }
0x2b7: {  	(xrf0) =	vadd.scan.msk.s32 $0xffff, v2;
	_ =	sdelay $0x1  }
0x2b8: {  	s9 =	simm.s32 $0x1100  }
0x2b9: {  	p1 =	sne.s32 s7, $0x1;
	s8 =	simm.s32 $0x5200;
	v6 =	vld [tilespmem:s9+$0x0]  }
.Ltmp55:
0x2ba: {  	v5 =	vld [tilespmem:s8+$0x0];
	(pc) =	sbr.rel @!p1 .LBB2_74-.Ltmp55, $4  }
0x2bb: {  	v4, _, _ =	vpop (xrf0)  }
0x2bc: {  	v3, _, _ =	vpop (xrf0)  }
0x2bd: {  	v4 =	vbroadcast v4, $0xF;
	v3 =	vbroadcast v3, $0xF  }
0x2be: {  	s10 =	simm.s32 $0x1110;
	s9 =	sadd.s32 $0xFFFFFFFF, s7;
	v2 =	vimm.s32 $0x0  }
.LBB2_73:
0x2bf: {  	v7 =	vld [tilespmem:s10+$0x0];
	vm1 =	veq.s32 v6, v3;
	vm2 =	vlt.s32 v5, v4;
	s8 =	sadd.s32 $0x10, s8;
	p1 =	sne.s32 s9, $0x1  }
.Ltmp56:
0x2c0: {  	s9 =	sadd.s32 $0xFFFFFFFF, s9;
	vm3 =	vgt.s32 v6, v3;
	v5 =	vld [tilespmem:s8+$0x0];
	vm1 =	vmand vm1, vm2;
	(pc) =	sbr.rel @p1 .LBB2_73-.Ltmp56, $4  }
0x2c1: {  	vm1 =	vmor vm3, vm1  }
0x2c2: {  	v8 =	vsel vm1, $0x1, v1  }
0x2c3: {  	v2 =	vadd.s32 v8, v2  }
0x2c4: {  	s10 =	sadd.s32 $0x10, s10;
	v6 =	vmov v7  }
.Ltmp57:
0x2c5: {  	_ = 	snop;
	(pc) =	sbr.rel .LBB2_74-.Ltmp57, $1  }
0x2c6: {  	_ =	sdelay $0x3  }
.LBB2_76:
0x2c7: {  	s4 =	sadd.s32 $0xF, s4  }
0x2c8: {  	s5 =	sand.u32 $0xF, s4  }
0x2c9: {  	s6 =	sshra.s32 s4, $0x1F;
	p0 =	slt.s32 s4, $0x1;
	p1 =	sne.s32 s5, $0x0  }
0x2ca: {  	s31 =	sshrl.u32 s6, $0x1C;
	p0 =	por !p0, !p1  }
0x2cb: {  	s5 =	simm.s32 $0x1;
	s4 =	sadd.s32 s31, s4;
	p0 =	por !p0, !p0  }
0x2cc: {  	s4 =	sshra.s32 s4, $0x4;
	s5 =	simm.s32 @!p0 $0x0  }
0x2cd: {  	s11 =	ssub.s32 s4, s5  }
0x2ce: {  	p0 =	slt.s32 s11, $0x1  }
.Ltmp58:
0x2cf: {  	_ = 	snop;
	(pc) =	sbr.rel @p0 .LBB2_80-.Ltmp58, $2  }
0x2d0: {  	_ =	sdelay $0x2  }
0x2d1: {  	s4 =	simm.s32 $0x1  }
0x2d2: {  	s5 =	simm.s32 $0x880  }
0x2d3: {  	v0 =	vld [tilespmem:s5+$0x0];
	_ =	sdelay $0x4  }
0x2d4: {  	s6 =	simm.s32 $0xC80;
	[tilespmem:$0x9400] =	vst v0  }
0x2d5: {  	v0 =	vld [tilespmem:s6+$0x0];
	_ =	sdelay $0x4  }
0x2d6: {  	s7 =	simm.s32 $0x10;
	s8 =	simm.s32 $0x9400;
	s9 =	simm.s32 $0x9D10;
	[tilespmem:$0x9480] =	vst v0  }
0x2d7: {  	[tilespmem:s9], [sflag:$0x1] =	stream.indirect.gather [hbm4b:s2+s7], $0x80, s8, s7, $0xb8;
	[tilespmem:$0xA510] =	vst v63  }
0x2d8: {  	p0 =	sne.s32 s11, $0x1;
	_ =	swait.ge [sflag:s4], $0x800  }
.Ltmp59:
0x2d9: {  	[sflag:s4] =	ssyncset.done $0x0;
	(pc) =	sbr.rel @!p0 .LBB2_79-.Ltmp59, $4  }
0x2da: {  	s10 =	simm.s32 $0x9480;
	[sflag:s4] =	ssyncadd.s32 $0xFFFFF800  }
0x2db: {  	[hbm4b:s3+s7] =	stream.indirect.scatter [tilespmem:s9], [sflag:$0x1], $0x80, s10, s7, $0xb8;
	[tilespmem:$0xA510] =	vst v63  }
0x2dc: {  	_ =	swait.ge [sflag:s4], $0x800  }
0x2dd: {  	s11 =	sadd.s32 $0xFFFFFFFF, s11;
	[sflag:s4] =	ssyncset.done $0x0  }
.LBB2_78:
0x2de: {  	[sflag:s4] =	ssyncadd.s32 $0xFFFFF800;
	s5 =	sadd.s32 $0x10, s5;
	s6 =	sadd.s32 $0x10, s6  }
0x2df: {  	p0 =	sne.s32 s11, $0x1;
	s11 =	sadd.s32 $0xFFFFFFFF, s11;
	v0 =	vld [tilespmem:s5+$0x0];
	_ =	sdelay $0x4  }
0x2e0: {  	[tilespmem:$0x9400] =	vst v0  }
0x2e1: {  	v0 =	vld [tilespmem:s6+$0x0];
	_ =	sdelay $0x4  }
0x2e2: {  	[tilespmem:$0x9480] =	vst v0  }
0x2e3: {  	[tilespmem:s9], [sflag:$0x1] =	stream.indirect.gather [hbm4b:s2+s7], $0x80, s8, s7, $0xb8;
	[tilespmem:$0xA510] =	vst v63  }
0x2e4: {  	_ =	swait.ge [sflag:s4], $0x800  }
.Ltmp60:
0x2e5: {  	[sflag:s4] =	ssyncset.done $0x0;
	(pc) =	sbr.rel @p0 .LBB2_78-.Ltmp60, $4  }
0x2e6: {  	[sflag:s4] =	ssyncadd.s32 $0xFFFFF800  }
0x2e7: {  	[hbm4b:s3+s7] =	stream.indirect.scatter [tilespmem:s9], [sflag:$0x1], $0x80, s10, s7, $0xb8;
	[tilespmem:$0xA510] =	vst v63  }
0x2e8: {  	_ =	swait.ge [sflag:s4], $0x800  }
0x2e9: {  	[sflag:s4] =	ssyncset.done $0x0  }
.LBB2_79:
0x2ea: {  	[sflag:s4] =	ssyncadd.s32 $0xFFFFF800  }
.LBB2_80:
0x2eb: {  	_ =	sfence.sel $0x180000  }
0x2ec: {  	[bflag:$0x0] =	sbarrier.arrive $0xFFFF  }
0x2ed: {  	p0 =	sne.s32 s1, $0x0;
	_ =	strace $0x90000047  }
0x2ee: {  	s0 =	sadd.s32 @!p0 $0x100000, s0;
	[bflag:$0x2] =	sbarrier.arrive $0xFFFF  }
0x2ef: {  	[sflag:s0] =	ssyncadd.tile.s32 @!p0 $0x1;
	_ =	shalt  }
.Lfunc_end2:
_tile_overlayer_lowered:
.L_overlay_start_2:
0x2f0: {  	(tag) =	ssettag $0x2  }
0x2f1: {  	s0 =	rddreg [dreg:$0x0];
	s2 =	stileid.u32  }
0x2f2: {  	s1 =	rddreg [dreg:$0x1];
	p0 =	sne.s32 s2, $0x0  }
0x2f3: {  	s3 =	rddreg [dreg:$0x2];
	[bflag:$0x3] =	sbarrier.arrive $0xFFFF;
	s2 =	simm.s32 @!p0 $0x1C02  }
0x2f4: {  	[timem:s3], [sflag:s2] =	dma.local @!p0 [hbm:s0], s1  }
0x2f5: {  	s0 =	simm.s32 @!p0 $0x2  }
0x2f6: {  	_ =	swait.ge @!p0 [sflag:s0], s1  }
0x2f7: {  	s1 =	ssub.s32 @!p0 $0x0, s1;
	[sflag:s0] =	ssyncset.done @!p0 $0x0  }
0x2f8: {  	[sflag:s0] =	ssyncadd.s32 @!p0 s1  }
0x2f9: {  	[bflag:$0x3] =	sbarrier.arrive $0xFFFF  }
0x2fa: {  	_ =	shalt  }

</sc_bundles>
